<compile_context>
chip_gen: v7x
topology: tpu7x:2x2x1
jax: 0.10.2.dev20260603
libtpu: 0.0.44.dev20260713+nightly
codegen_flags: <defaults>
</compile_context>

<pallas_src>
import functools

import jax
import jax.numpy as jnp
from jax import lax
from jax.experimental import pallas as pl
from jax.experimental.pallas import tpu as pltpu
from jax.experimental.pallas import tpu_sc as plsc

NUM_ENTITIES = 1000000
NUM_RELATIONS = 1000
EMBED_DIM = 64
BATCH = 16384
_HALF = NUM_ENTITIES // 2

_NC = 2
_NS = 16
_NW = _NC * _NS
_BPW = BATCH // _NW
_L = 16
_CH = 16
_NCH = _BPW // _CH


def _tec_body(heads_hbm, relations_hbm, tails_hbm, entity_hbm, relation_hbm,
              out_hbm, h_idx, r_idx, t_idx, h_bank, h_rem, t_bank, t_rem,
              rel_v, h_rows, t_rows, out_v, sem0, sem1):
    wid = lax.axis_index("s") * _NC + lax.axis_index("c")
    base = wid * _BPW

    pltpu.sync_copy(heads_hbm.at[pl.ds(base, _BPW)], h_idx)
    pltpu.sync_copy(relations_hbm.at[pl.ds(base, _BPW)], r_idx)
    pltpu.sync_copy(tails_hbm.at[pl.ds(base, _BPW)], t_idx)
    pltpu.sync_copy(relation_hbm, rel_v)

    sems = (sem0, sem1)

    def _split(k, carry):
        sl = pl.ds(k * _L, _L)
        hv = h_idx[sl]
        hb = jnp.where(hv >= _HALF, 1, 0)
        h_bank[sl] = hb
        h_rem[sl] = hv - hb * _HALF
        tv = t_idx[sl]
        tb = jnp.where(tv >= _HALF, 1, 0)
        t_bank[sl] = tb
        t_rem[sl] = tv - tb * _HALF
        return carry

    lax.fori_loop(0, _BPW // _L, _split, 0)

    def _fire(c, buf):
        hb = h_bank[pl.ds(c * _CH, _CH)]
        hr = h_rem[pl.ds(c * _CH, _CH)]
        tb = t_bank[pl.ds(c * _CH, _CH)]
        tr = t_rem[pl.ds(c * _CH, _CH)]
        for j in range(_CH):
            dst = buf * _CH + j
            pltpu.make_async_copy(
                entity_hbm.at[hb[j], pl.ds(hr[j], 1), :],
                h_rows.at[pl.ds(dst, 1), :],
                sems[buf]).start()
            pltpu.make_async_copy(
                entity_hbm.at[tb[j], pl.ds(tr[j], 1), :],
                t_rows.at[pl.ds(dst, 1), :],
                sems[buf]).start()

    def _drain(c, buf):
        half = pl.ds(buf * _CH, _CH)
        pltpu.make_async_copy(
            entity_hbm.at[0, pl.ds(0, _CH), :], h_rows.at[half, :],
            sems[buf]).wait()
        pltpu.make_async_copy(
            entity_hbm.at[0, pl.ds(0, _CH), :], t_rows.at[half, :],
            sems[buf]).wait()

    lanes = lax.iota(jnp.int32, _L)

    def _sqrt16(x):
        i = plsc.bitcast(x, jnp.int32)
        i = jnp.int32(0x5F3759DF) - lax.shift_right_logical(i, 1)
        y = plsc.bitcast(i, jnp.float32)
        xh = x * jnp.float32(0.5)
        for _ in range(3):
            y = y * (jnp.float32(1.5) - xh * y * y)
        return jnp.where(x > 0, x * y, jnp.float32(0.0))

    def _compute(c, buf):
        rows16 = jnp.int32(buf * _CH) + lanes
        rvec16 = r_idx[pl.ds(c * _CH, _CH)]
        rrow16 = lax.shift_right_logical(rvec16, 1)
        roff16 = lax.shift_left(jnp.bitwise_and(rvec16, 1), 6)
        acc = jnp.zeros((_L,), jnp.float32)
        for d in range(EMBED_DIM):
            col = jnp.full((_L,), d, jnp.int32)
            hv = plsc.load_gather(h_rows, [rows16, col])
            rv = plsc.load_gather(rel_v, [rrow16, roff16 + d])
            tv = plsc.load_gather(t_rows, [rows16, col])
            dv = (hv + rv) - tv
            acc = acc + dv * dv
        out_v[pl.ds(c * _CH, _CH)] = _sqrt16(acc)

    _fire(0, 0)

    def step(cc, carry):
        c0 = cc * 2
        c1 = c0 + 1
        _fire(c1, 1)
        _drain(c0, 0)
        _compute(c0, 0)

        @pl.when(c1 + 1 < _NCH)
        def _():
            _fire(c1 + 1, 0)

        _drain(c1, 1)
        _compute(c1, 1)
        return carry

    lax.fori_loop(0, _NCH // 2, step, 0)

    pltpu.sync_copy(out_v, out_hbm.at[pl.ds(base, _BPW)])


@jax.jit
def _transe_sc(heads, relations, tails, entity_table, relation_table):
    mesh = plsc.VectorSubcoreMesh(core_axis_name="c", subcore_axis_name="s")
    kfn = functools.partial(
        pl.kernel,
        mesh=mesh,
        compiler_params=pltpu.CompilerParams(
            needs_layout_passes=False, use_tc_tiling_on_sc=True),
        out_type=jax.ShapeDtypeStruct((BATCH,), jnp.float32),
        scratch_types=[
            pltpu.VMEM((_BPW,), jnp.int32),
            pltpu.VMEM((_BPW,), jnp.int32),
            pltpu.VMEM((_BPW,), jnp.int32),
            pltpu.VMEM((_BPW,), jnp.int32),
            pltpu.VMEM((_BPW,), jnp.int32),
            pltpu.VMEM((_BPW,), jnp.int32),
            pltpu.VMEM((_BPW,), jnp.int32),
            pltpu.VMEM((NUM_RELATIONS // 2, 2 * EMBED_DIM), jnp.float32),
            pltpu.VMEM((2 * _CH, EMBED_DIM), jnp.float32),
            pltpu.VMEM((2 * _CH, EMBED_DIM), jnp.float32),
            pltpu.VMEM((_BPW,), jnp.float32),
            pltpu.SemaphoreType.DMA,
            pltpu.SemaphoreType.DMA,
        ],
    )(_tec_body)
    return kfn(heads, relations, tails, entity_table, relation_table)


def kernel(heads, relations, tails, entity_table, relation_table):
    heads = jnp.asarray(heads, jnp.int32)
    relations = jnp.asarray(relations, jnp.int32)
    tails = jnp.asarray(tails, jnp.int32)
    ent3 = entity_table.reshape(2, _HALF, EMBED_DIM)
    rel_p = relation_table.reshape(NUM_RELATIONS // 2, 2 * EMBED_DIM)
    return _transe_sc(heads, relations, tails, ent3, rel_p)

# --- scband reference (transcript-rebuilt; emitter-appended) ---
"""Pipeline reference for scband-trans-e-12816182411736 (READ-ONLY COPY).

The authoritative reference and input builder live on the scoring server;
editing this copy changes nothing except your own understanding.
"""

import jax, jax.numpy as jnp
import numpy as np

NUM_ENTITIES = 1000000
NUM_RELATIONS = 1000
EMBED_DIM = 64
BATCH = 16384

def _xavier_uniform(key, shape):
    fan_in, fan_out = shape[0], shape[1]
    limit = float(np.sqrt(6.0 / (fan_in + fan_out)))
    return jax.random.uniform(key, shape, dtype=jnp.float32, minval=-limit, maxval=limit)

def setup_inputs(seed: int = 0) -> dict:
    key = jax.random.key(seed)
    k1, k2, k3, k4, k5 = jax.random.split(key, 5)
    heads = jax.random.randint(k1, (BATCH,), 0, NUM_ENTITIES, dtype=jnp.int64) if jax.config.jax_enable_x64 else jax.random.randint(k1, (BATCH,), 0, NUM_ENTITIES, dtype=jnp.int32)
    relations = jax.random.randint(k2, (BATCH,), 0, NUM_RELATIONS, dtype=jnp.int32)
    tails = jax.random.randint(k3, (BATCH,), 0, NUM_ENTITIES, dtype=jnp.int32)
    entity_table = _xavier_uniform(k4, (NUM_ENTITIES, EMBED_DIM))
    relation_table = _xavier_uniform(k5, (NUM_RELATIONS, EMBED_DIM))
    return {
        "heads": heads,
        "relations": relations,
        "tails": tails,
        "entity_table": entity_table,
        "relation_table": relation_table,
    }

def reference(heads, relations, tails, entity_table, relation_table):
    # h = entity_embeddings(heads); r = relation_embeddings(relations); t = entity_embeddings(tails)
    h = jnp.take(entity_table, heads, axis=0)
    r = jnp.take(relation_table, relations, axis=0)
    t = jnp.take(entity_table, tails, axis=0)
    # score = torch.norm(h + r - t, p=2, dim=1)
    diff = h + r - t
    score = jnp.sqrt(jnp.sum(diff * diff, axis=1))
    return score

if __name__ == "__main__":
    import jax
    _d = setup_inputs()
    print(jax.jit(kernel)(*tuple(_d.values())))

</pallas_src>

<mosaic_0001>
#map = affine_map<(d0, d1) -> (0)>
#map1 = affine_map<(d0, d1) -> (0, 0, 0)>
#map2 = affine_map<(d0, d1) -> (0, 0)>
module attributes {stable_mosaic.version = 14 : i64} {
  func.func @_tec_body(%arg0: i32, %arg1: i32, %arg2: memref<16384xi32, #tpu.memory_space<hbm>>, %arg3: memref<16384xi32, #tpu.memory_space<hbm>>, %arg4: memref<16384xi32, #tpu.memory_space<hbm>>, %arg5: memref<2x500000x64xf32, #tpu.memory_space<hbm>>, %arg6: memref<500x128xf32, #tpu.memory_space<hbm>>, %arg7: memref<16384xf32, #tpu.memory_space<hbm>>, %arg8: memref<512xi32, #tpu.memory_space<vmem>>, %arg9: memref<512xi32, #tpu.memory_space<vmem>>, %arg10: memref<512xi32, #tpu.memory_space<vmem>>, %arg11: memref<512xi32, #tpu.memory_space<vmem>>, %arg12: memref<512xi32, #tpu.memory_space<vmem>>, %arg13: memref<512xi32, #tpu.memory_space<vmem>>, %arg14: memref<512xi32, #tpu.memory_space<vmem>>, %arg15: memref<500x128xf32, #tpu.memory_space<vmem>>, %arg16: memref<32x64xf32, #tpu.memory_space<vmem>>, %arg17: memref<32x64xf32, #tpu.memory_space<vmem>>, %arg18: memref<512xf32, #tpu.memory_space<vmem>>, %arg19: memref<!tpu.dma_semaphore, #tpu.memory_space<semaphore_mem>>, %arg20: memref<!tpu.dma_semaphore, #tpu.memory_space<semaphore_mem>>) attributes {dimension_semantics = [#tpu.dimension_semantics<core_parallel>, #tpu.dimension_semantics<subcore_parallel>], iteration_bounds = array<i64: 2, 16>, scalar_prefetch = 0 : i64, scratch_operands = 13 : i64, tpu.core_type = #tpu.core_type<sc_vector_subcore>, window_params = [{transform_indices = #map}, {transform_indices = #map}, {transform_indices = #map}, {transform_indices = #map1}, {transform_indices = #map2}, {transform_indices = #map}]} {
    %mul3A = arith.constant 2 : i32
    %mul3A_0 = arith.muli %arg1, %mul3A : i32
    %add3A = arith.addi %mul3A_0, %arg0 : i32
    %mul3A_1 = arith.constant 512 : i32
    %mul3A_2 = arith.muli %add3A, %mul3A_1 : i32
    "tpu.region"() ({
      %run_scoped3A = tpu.sem_alloc : memref<!tpu.dma_semaphore, #tpu.memory_space<semaphore_mem>>
      %dma_start3A_530 = tpu.memref_slice %arg2[%mul3A_2] : memref<16384xi32, #tpu.memory_space<hbm>> -> memref<512xi32, #tpu.memory_space<hbm>>
      %dma_start3A_531 = tpu.memref_slice %arg2[%mul3A_2] : memref<16384xi32, #tpu.memory_space<hbm>> -> memref<512xi32, #tpu.memory_space<hbm>>
      tpu.enqueue_dma source(%dma_start3A_531 : memref<512xi32, #tpu.memory_space<hbm>>) target(%arg8 : memref<512xi32, #tpu.memory_space<vmem>>) target_semaphore(%run_scoped3A : memref<!tpu.dma_semaphore, #tpu.memory_space<semaphore_mem>>)
      %dma_wait3A = tpu.memref_slice %arg2[%mul3A_2] : memref<16384xi32, #tpu.memory_space<hbm>> -> memref<512xi32, #tpu.memory_space<hbm>>
      %dma_wait3A_532 = tpu.memref_slice %arg2[%mul3A_2] : memref<16384xi32, #tpu.memory_space<hbm>> -> memref<512xi32, #tpu.memory_space<hbm>>
      tpu.wait_dma2 semaphore(%run_scoped3A : memref<!tpu.dma_semaphore, #tpu.memory_space<semaphore_mem>>) src(%dma_wait3A_532 : memref<512xi32, #tpu.memory_space<hbm>>) dst(%arg8 : memref<512xi32, #tpu.memory_space<vmem>>)
      tpu.yield
    }) : () -> ()
    "tpu.region"() ({
      %run_scoped3A = tpu.sem_alloc : memref<!tpu.dma_semaphore, #tpu.memory_space<semaphore_mem>>
      %dma_start3A_530 = tpu.memref_slice %arg3[%mul3A_2] : memref<16384xi32, #tpu.memory_space<hbm>> -> memref<512xi32, #tpu.memory_space<hbm>>
      %dma_start3A_531 = tpu.memref_slice %arg3[%mul3A_2] : memref<16384xi32, #tpu.memory_space<hbm>> -> memref<512xi32, #tpu.memory_space<hbm>>
      tpu.enqueue_dma source(%dma_start3A_531 : memref<512xi32, #tpu.memory_space<hbm>>) target(%arg9 : memref<512xi32, #tpu.memory_space<vmem>>) target_semaphore(%run_scoped3A : memref<!tpu.dma_semaphore, #tpu.memory_space<semaphore_mem>>)
      %dma_wait3A = tpu.memref_slice %arg3[%mul3A_2] : memref<16384xi32, #tpu.memory_space<hbm>> -> memref<512xi32, #tpu.memory_space<hbm>>
      %dma_wait3A_532 = tpu.memref_slice %arg3[%mul3A_2] : memref<16384xi32, #tpu.memory_space<hbm>> -> memref<512xi32, #tpu.memory_space<hbm>>
      tpu.wait_dma2 semaphore(%run_scoped3A : memref<!tpu.dma_semaphore, #tpu.memory_space<semaphore_mem>>) src(%dma_wait3A_532 : memref<512xi32, #tpu.memory_space<hbm>>) dst(%arg9 : memref<512xi32, #tpu.memory_space<vmem>>)
      tpu.yield
    }) : () -> ()
    "tpu.region"() ({
      %run_scoped3A = tpu.sem_alloc : memref<!tpu.dma_semaphore, #tpu.memory_space<semaphore_mem>>
      %dma_start3A_530 = tpu.memref_slice %arg4[%mul3A_2] : memref<16384xi32, #tpu.memory_space<hbm>> -> memref<512xi32, #tpu.memory_space<hbm>>
      %dma_start3A_531 = tpu.memref_slice %arg4[%mul3A_2] : memref<16384xi32, #tpu.memory_space<hbm>> -> memref<512xi32, #tpu.memory_space<hbm>>
      tpu.enqueue_dma source(%dma_start3A_531 : memref<512xi32, #tpu.memory_space<hbm>>) target(%arg10 : memref<512xi32, #tpu.memory_space<vmem>>) target_semaphore(%run_scoped3A : memref<!tpu.dma_semaphore, #tpu.memory_space<semaphore_mem>>)
      %dma_wait3A = tpu.memref_slice %arg4[%mul3A_2] : memref<16384xi32, #tpu.memory_space<hbm>> -> memref<512xi32, #tpu.memory_space<hbm>>
      %dma_wait3A_532 = tpu.memref_slice %arg4[%mul3A_2] : memref<16384xi32, #tpu.memory_space<hbm>> -> memref<512xi32, #tpu.memory_space<hbm>>
      tpu.wait_dma2 semaphore(%run_scoped3A : memref<!tpu.dma_semaphore, #tpu.memory_space<semaphore_mem>>) src(%dma_wait3A_532 : memref<512xi32, #tpu.memory_space<hbm>>) dst(%arg10 : memref<512xi32, #tpu.memory_space<vmem>>)
      tpu.yield
    }) : () -> ()
    "tpu.region"() ({
      %run_scoped3A = tpu.sem_alloc : memref<!tpu.dma_semaphore, #tpu.memory_space<semaphore_mem>>
      tpu.enqueue_dma source(%arg6 : memref<500x128xf32, #tpu.memory_space<hbm>>) target(%arg15 : memref<500x128xf32, #tpu.memory_space<vmem>>) target_semaphore(%run_scoped3A : memref<!tpu.dma_semaphore, #tpu.memory_space<semaphore_mem>>)
      tpu.wait_dma2 semaphore(%run_scoped3A : memref<!tpu.dma_semaphore, #tpu.memory_space<semaphore_mem>>) src(%arg6 : memref<500x128xf32, #tpu.memory_space<hbm>>) dst(%arg15 : memref<500x128xf32, #tpu.memory_space<vmem>>)
      tpu.yield
    }) : () -> ()
    %scan3A = arith.constant 0 : i32
    %scan3A_3 = arith.constant 0 : i32
    %scan3A_4 = arith.constant 32 : i32
    %scan3A_5 = arith.addi %scan3A_3, %scan3A_4 : i32
    %scan3A_6 = arith.constant 1 : i32
    scf.for %scan3A_530 = %scan3A_3 to %scan3A_5 step %scan3A_6  : i32 {
      %mul3A_531 = arith.constant 16 : i32
      %mul3A_532 = arith.muli %scan3A_530, %mul3A_531 : i32
      %get3A_533 = arith.index_cast %mul3A_532 : i32 to index
      %get3A_534 = tpu.vector_load %arg8[%get3A_533] {strides = array<i32>} : memref<512xi32, #tpu.memory_space<vmem>>, vector<16xi32>,
      %ge3A = arith.constant 500000 : i32
      %ge3A_535 = vector.broadcast %ge3A : i32 to vector<16xi32>
      %ge3A_536 = arith.cmpi sge, %get3A_534, %ge3A_535 : vector<16xi32>
      %jit3A = arith.constant 1 : i32
      %jit3A_537 = arith.constant 0 : i32
      %broadcast_in_dim3A = vector.broadcast %jit3A : i32 to vector<16xi32>
      %broadcast_in_dim3A_538 = vector.broadcast %jit3A_537 : i32 to vector<16xi32>
      %select_n3A = arith.select %ge3A_536, %broadcast_in_dim3A, %broadcast_in_dim3A_538 : vector<16xi1>, vector<16xi32>
      %swap3A = arith.index_cast %mul3A_532 : i32 to index
      %swap3A_539 = tpu.vector_load %arg11[%swap3A] {strides = array<i32>} : memref<512xi32, #tpu.memory_space<vmem>>, vector<16xi32>,
      tpu.vector_store %arg11[%swap3A], %select_n3A {strides = array<i32>} : memref<512xi32, #tpu.memory_space<vmem>>, vector<16xi32>,
      %mul3A_540 = arith.constant 500000 : i32
      %mul3A_541 = vector.broadcast %mul3A_540 : i32 to vector<16xi32>
      %mul3A_542 = arith.muli %select_n3A, %mul3A_541 : vector<16xi32>
      %sub3A = arith.subi %get3A_534, %mul3A_542 : vector<16xi32>
      %swap3A_543 = arith.index_cast %mul3A_532 : i32 to index
      %swap3A_544 = tpu.vector_load %arg12[%swap3A_543] {strides = array<i32>} : memref<512xi32, #tpu.memory_space<vmem>>, vector<16xi32>,
      tpu.vector_store %arg12[%swap3A_543], %sub3A {strides = array<i32>} : memref<512xi32, #tpu.memory_space<vmem>>, vector<16xi32>,
      %get3A_545 = arith.index_cast %mul3A_532 : i32 to index
      %get3A_546 = tpu.vector_load %arg10[%get3A_545] {strides = array<i32>} : memref<512xi32, #tpu.memory_space<vmem>>, vector<16xi32>,
      %ge3A_547 = arith.constant 500000 : i32
      %ge3A_548 = vector.broadcast %ge3A_547 : i32 to vector<16xi32>
      %ge3A_549 = arith.cmpi sge, %get3A_546, %ge3A_548 : vector<16xi32>
      %jit3A_550 = arith.constant 1 : i32
      %jit3A_551 = arith.constant 0 : i32
      %broadcast_in_dim3A_552 = vector.broadcast %jit3A_550 : i32 to vector<16xi32>
      %broadcast_in_dim3A_553 = vector.broadcast %jit3A_551 : i32 to vector<16xi32>
      %select_n3A_554 = arith.select %ge3A_549, %broadcast_in_dim3A_552, %broadcast_in_dim3A_553 : vector<16xi1>, vector<16xi32>
      %swap3A_555 = arith.index_cast %mul3A_532 : i32 to index
      %swap3A_556 = tpu.vector_load %arg13[%swap3A_555] {strides = array<i32>} : memref<512xi32, #tpu.memory_space<vmem>>, vector<16xi32>,
      tpu.vector_store %arg13[%swap3A_555], %select_n3A_554 {strides = array<i32>} : memref<512xi32, #tpu.memory_space<vmem>>, vector<16xi32>,
      %mul3A_557 = arith.constant 500000 : i32
      %mul3A_558 = vector.broadcast %mul3A_557 : i32 to vector<16xi32>
      %mul3A_559 = arith.muli %select_n3A_554, %mul3A_558 : vector<16xi32>
      %sub3A_560 = arith.subi %get3A_546, %mul3A_559 : vector<16xi32>
      %swap3A_561 = arith.index_cast %mul3A_532 : i32 to index
      %swap3A_562 = tpu.vector_load %arg14[%swap3A_561] {strides = array<i32>} : memref<512xi32, #tpu.memory_space<vmem>>, vector<16xi32>,
      tpu.vector_store %arg14[%swap3A_561], %sub3A_560 {strides = array<i32>} : memref<512xi32, #tpu.memory_space<vmem>>, vector<16xi32>,
    }
    %scan3A_7 = arith.constant 32 : i32
    %iota3A = tpu.iota {dimensions = array<i32: 0>} : vector<16xi32>
    %get3A = arith.constant 0 : index
    %get3A_8 = tpu.vector_load %arg11[%get3A] {strides = array<i32>} : memref<512xi32, #tpu.memory_space<vmem>>, vector<16xi32>,
    %get3A_9 = arith.constant 0 : index
    %get3A_10 = tpu.vector_load %arg12[%get3A_9] {strides = array<i32>} : memref<512xi32, #tpu.memory_space<vmem>>, vector<16xi32>,
    %get3A_11 = arith.constant 0 : index
    %get3A_12 = tpu.vector_load %arg13[%get3A_11] {strides = array<i32>} : memref<512xi32, #tpu.memory_space<vmem>>, vector<16xi32>,
    %get3A_13 = arith.constant 0 : index
    %get3A_14 = tpu.vector_load %arg14[%get3A_13] {strides = array<i32>} : memref<512xi32, #tpu.memory_space<vmem>>, vector<16xi32>,
    %slice3A = vector.extract_strided_slice %get3A_8 {offsets = [0], sizes = [1], strides = [1]} : vector<16xi32> to vector<1xi32>
    %squeeze3A = vector.extract %slice3A[0] : i32 from vector<1xi32>
    %slice3A_15 = vector.extract_strided_slice %get3A_10 {offsets = [0], sizes = [1], strides = [1]} : vector<16xi32> to vector<1xi32>
    %squeeze3A_16 = vector.extract %slice3A_15[0] : i32 from vector<1xi32>
    %dma_start3A = arith.constant 0 : i32
    %dma_start3A_17 = arith.constant 0 : i32
    %dma_start3A_18 = tpu.memref_slice %arg16[%dma_start3A, %dma_start3A_17] : memref<32x64xf32, #tpu.memory_space<vmem>> -> memref<1x64xf32, #tpu.memory_space<vmem>>
    %dma_start3A_19 = arith.constant 0 : i32
    %dma_start3A_20 = tpu.memref_slice %arg5[%squeeze3A, %squeeze3A_16, %dma_start3A_19] : memref<2x500000x64xf32, #tpu.memory_space<hbm>> -> memref<1x1x64xf32, #tpu.memory_space<hbm>>
    %dma_start3A_21 = tpu.memref_squeeze %dma_start3A_20 : memref<1x1x64xf32, #tpu.memory_space<hbm>> -> memref<1x64xf32, #tpu.memory_space<hbm>>
    %dma_start3A_22 = arith.constant 0 : i32
    %dma_start3A_23 = arith.constant 0 : i32
    %dma_start3A_24 = tpu.memref_slice %arg16[%dma_start3A_22, %dma_start3A_23] : memref<32x64xf32, #tpu.memory_space<vmem>> -> memref<1x64xf32, #tpu.memory_space<vmem>>
    %dma_start3A_25 = arith.constant 0 : i32
    %dma_start3A_26 = tpu.memref_slice %arg5[%squeeze3A, %squeeze3A_16, %dma_start3A_25] : memref<2x500000x64xf32, #tpu.memory_space<hbm>> -> memref<1x1x64xf32, #tpu.memory_space<hbm>>
    %dma_start3A_27 = tpu.memref_squeeze %dma_start3A_26 : memref<1x1x64xf32, #tpu.memory_space<hbm>> -> memref<1x64xf32, #tpu.memory_space<hbm>>
    tpu.enqueue_dma source(%dma_start3A_27 : memref<1x64xf32, #tpu.memory_space<hbm>>) target(%dma_start3A_24 : memref<1x64xf32, #tpu.memory_space<vmem>>) target_semaphore(%arg19 : memref<!tpu.dma_semaphore, #tpu.memory_space<semaphore_mem>>)
    %slice3A_28 = vector.extract_strided_slice %get3A_12 {offsets = [0], sizes = [1], strides = [1]} : vector<16xi32> to vector<1xi32>
    %squeeze3A_29 = vector.extract %slice3A_28[0] : i32 from vector<1xi32>
    %slice3A_30 = vector.extract_strided_slice %get3A_14 {offsets = [0], sizes = [1], strides = [1]} : vector<16xi32> to vector<1xi32>
    %squeeze3A_31 = vector.extract %slice3A_30[0] : i32 from vector<1xi32>
    %dma_start3A_32 = arith.constant 0 : i32
    %dma_start3A_33 = arith.constant 0 : i32
    %dma_start3A_34 = tpu.memref_slice %arg17[%dma_start3A_32, %dma_start3A_33] : memref<32x64xf32, #tpu.memory_space<vmem>> -> memref<1x64xf32, #tpu.memory_space<vmem>>
    %dma_start3A_35 = arith.constant 0 : i32
    %dma_start3A_36 = tpu.memref_slice %arg5[%squeeze3A_29, %squeeze3A_31, %dma_start3A_35] : memref<2x500000x64xf32, #tpu.memory_space<hbm>> -> memref<1x1x64xf32, #tpu.memory_space<hbm>>
    %dma_start3A_37 = tpu.memref_squeeze %dma_start3A_36 : memref<1x1x64xf32, #tpu.memory_space<hbm>> -> memref<1x64xf32, #tpu.memory_space<hbm>>
    %dma_start3A_38 = arith.constant 0 : i32
    %dma_start3A_39 = arith.constant 0 : i32
    %dma_start3A_40 = tpu.memref_slice %arg17[%dma_start3A_38, %dma_start3A_39] : memref<32x64xf32, #tpu.memory_space<vmem>> -> memref<1x64xf32, #tpu.memory_space<vmem>>
    %dma_start3A_41 = arith.constant 0 : i32
    %dma_start3A_42 = tpu.memref_slice %arg5[%squeeze3A_29, %squeeze3A_31, %dma_start3A_41] : memref<2x500000x64xf32, #tpu.memory_space<hbm>> -> memref<1x1x64xf32, #tpu.memory_space<hbm>>
    %dma_start3A_43 = tpu.memref_squeeze %dma_start3A_42 : memref<1x1x64xf32, #tpu.memory_space<hbm>> -> memref<1x64xf32, #tpu.memory_space<hbm>>
    tpu.enqueue_dma source(%dma_start3A_43 : memref<1x64xf32, #tpu.memory_space<hbm>>) target(%dma_start3A_40 : memref<1x64xf32, #tpu.memory_space<vmem>>) target_semaphore(%arg19 : memref<!tpu.dma_semaphore, #tpu.memory_space<semaphore_mem>>)
    %slice3A_44 = vector.extract_strided_slice %get3A_8 {offsets = [1], sizes = [1], strides = [1]} : vector<16xi32> to vector<1xi32>
    %squeeze3A_45 = vector.extract %slice3A_44[0] : i32 from vector<1xi32>
    %slice3A_46 = vector.extract_strided_slice %get3A_10 {offsets = [1], sizes = [1], strides = [1]} : vector<16xi32> to vector<1xi32>
    %squeeze3A_47 = vector.extract %slice3A_46[0] : i32 from vector<1xi32>
    %dma_start3A_48 = arith.constant 1 : i32
    %dma_start3A_49 = arith.constant 0 : i32
    %dma_start3A_50 = tpu.memref_slice %arg16[%dma_start3A_48, %dma_start3A_49] : memref<32x64xf32, #tpu.memory_space<vmem>> -> memref<1x64xf32, #tpu.memory_space<vmem>>
    %dma_start3A_51 = arith.constant 0 : i32
    %dma_start3A_52 = tpu.memref_slice %arg5[%squeeze3A_45, %squeeze3A_47, %dma_start3A_51] : memref<2x500000x64xf32, #tpu.memory_space<hbm>> -> memref<1x1x64xf32, #tpu.memory_space<hbm>>
    %dma_start3A_53 = tpu.memref_squeeze %dma_start3A_52 : memref<1x1x64xf32, #tpu.memory_space<hbm>> -> memref<1x64xf32, #tpu.memory_space<hbm>>
    %dma_start3A_54 = arith.constant 1 : i32
    %dma_start3A_55 = arith.constant 0 : i32
    %dma_start3A_56 = tpu.memref_slice %arg16[%dma_start3A_54, %dma_start3A_55] : memref<32x64xf32, #tpu.memory_space<vmem>> -> memref<1x64xf32, #tpu.memory_space<vmem>>
    %dma_start3A_57 = arith.constant 0 : i32
    %dma_start3A_58 = tpu.memref_slice %arg5[%squeeze3A_45, %squeeze3A_47, %dma_start3A_57] : memref<2x500000x64xf32, #tpu.memory_space<hbm>> -> memref<1x1x64xf32, #tpu.memory_space<hbm>>
    %dma_start3A_59 = tpu.memref_squeeze %dma_start3A_58 : memref<1x1x64xf32, #tpu.memory_space<hbm>> -> memref<1x64xf32, #tpu.memory_space<hbm>>
    tpu.enqueue_dma source(%dma_start3A_59 : memref<1x64xf32, #tpu.memory_space<hbm>>) target(%dma_start3A_56 : memref<1x64xf32, #tpu.memory_space<vmem>>) target_semaphore(%arg19 : memref<!tpu.dma_semaphore, #tpu.memory_space<semaphore_mem>>)
    %slice3A_60 = vector.extract_strided_slice %get3A_12 {offsets = [1], sizes = [1], strides = [1]} : vector<16xi32> to vector<1xi32>
    %squeeze3A_61 = vector.extract %slice3A_60[0] : i32 from vector<1xi32>
    %slice3A_62 = vector.extract_strided_slice %get3A_14 {offsets = [1], sizes = [1], strides = [1]} : vector<16xi32> to vector<1xi32>
    %squeeze3A_63 = vector.extract %slice3A_62[0] : i32 from vector<1xi32>
    %dma_start3A_64 = arith.constant 1 : i32
    %dma_start3A_65 = arith.constant 0 : i32
    %dma_start3A_66 = tpu.memref_slice %arg17[%dma_start3A_64, %dma_start3A_65] : memref<32x64xf32, #tpu.memory_space<vmem>> -> memref<1x64xf32, #tpu.memory_space<vmem>>
    %dma_start3A_67 = arith.constant 0 : i32
    %dma_start3A_68 = tpu.memref_slice %arg5[%squeeze3A_61, %squeeze3A_63, %dma_start3A_67] : memref<2x500000x64xf32, #tpu.memory_space<hbm>> -> memref<1x1x64xf32, #tpu.memory_space<hbm>>
    %dma_start3A_69 = tpu.memref_squeeze %dma_start3A_68 : memref<1x1x64xf32, #tpu.memory_space<hbm>> -> memref<1x64xf32, #tpu.memory_space<hbm>>
    %dma_start3A_70 = arith.constant 1 : i32
    %dma_start3A_71 = arith.constant 0 : i32
    %dma_start3A_72 = tpu.memref_slice %arg17[%dma_start3A_70, %dma_start3A_71] : memref<32x64xf32, #tpu.memory_space<vmem>> -> memref<1x64xf32, #tpu.memory_space<vmem>>
    %dma_start3A_73 = arith.constant 0 : i32
    %dma_start3A_74 = tpu.memref_slice %arg5[%squeeze3A_61, %squeeze3A_63, %dma_start3A_73] : memref<2x500000x64xf32, #tpu.memory_space<hbm>> -> memref<1x1x64xf32, #tpu.memory_space<hbm>>
    %dma_start3A_75 = tpu.memref_squeeze %dma_start3A_74 : memref<1x1x64xf32, #tpu.memory_space<hbm>> -> memref<1x64xf32, #tpu.memory_space<hbm>>
    tpu.enqueue_dma source(%dma_start3A_75 : memref<1x64xf32, #tpu.memory_space<hbm>>) target(%dma_start3A_72 : memref<1x64xf32, #tpu.memory_space<vmem>>) target_semaphore(%arg19 : memref<!tpu.dma_semaphore, #tpu.memory_space<semaphore_mem>>)
    %slice3A_76 = vector.extract_strided_slice %get3A_8 {offsets = [2], sizes = [1], strides = [1]} : vector<16xi32> to vector<1xi32>
    %squeeze3A_77 = vector.extract %slice3A_76[0] : i32 from vector<1xi32>
    %slice3A_78 = vector.extract_strided_slice %get3A_10 {offsets = [2], sizes = [1], strides = [1]} : vector<16xi32> to vector<1xi32>
    %squeeze3A_79 = vector.extract %slice3A_78[0] : i32 from vector<1xi32>
    %dma_start3A_80 = arith.constant 2 : i32
    %dma_start3A_81 = arith.constant 0 : i32
    %dma_start3A_82 = tpu.memref_slice %arg16[%dma_start3A_80, %dma_start3A_81] : memref<32x64xf32, #tpu.memory_space<vmem>> -> memref<1x64xf32, #tpu.memory_space<vmem>>
    %dma_start3A_83 = arith.constant 0 : i32
    %dma_start3A_84 = tpu.memref_slice %arg5[%squeeze3A_77, %squeeze3A_79, %dma_start3A_83] : memref<2x500000x64xf32, #tpu.memory_space<hbm>> -> memref<1x1x64xf32, #tpu.memory_space<hbm>>
    %dma_start3A_85 = tpu.memref_squeeze %dma_start3A_84 : memref<1x1x64xf32, #tpu.memory_space<hbm>> -> memref<1x64xf32, #tpu.memory_space<hbm>>
    %dma_start3A_86 = arith.constant 2 : i32
    %dma_start3A_87 = arith.constant 0 : i32
    %dma_start3A_88 = tpu.memref_slice %arg16[%dma_start3A_86, %dma_start3A_87] : memref<32x64xf32, #tpu.memory_space<vmem>> -> memref<1x64xf32, #tpu.memory_space<vmem>>
    %dma_start3A_89 = arith.constant 0 : i32
    %dma_start3A_90 = tpu.memref_slice %arg5[%squeeze3A_77, %squeeze3A_79, %dma_start3A_89] : memref<2x500000x64xf32, #tpu.memory_space<hbm>> -> memref<1x1x64xf32, #tpu.memory_space<hbm>>
    %dma_start3A_91 = tpu.memref_squeeze %dma_start3A_90 : memref<1x1x64xf32, #tpu.memory_space<hbm>> -> memref<1x64xf32, #tpu.memory_space<hbm>>
    tpu.enqueue_dma source(%dma_start3A_91 : memref<1x64xf32, #tpu.memory_space<hbm>>) target(%dma_start3A_88 : memref<1x64xf32, #tpu.memory_space<vmem>>) target_semaphore(%arg19 : memref<!tpu.dma_semaphore, #tpu.memory_space<semaphore_mem>>)
    %slice3A_92 = vector.extract_strided_slice %get3A_12 {offsets = [2], sizes = [1], strides = [1]} : vector<16xi32> to vector<1xi32>
    %squeeze3A_93 = vector.extract %slice3A_92[0] : i32 from vector<1xi32>
    %slice3A_94 = vector.extract_strided_slice %get3A_14 {offsets = [2], sizes = [1], strides = [1]} : vector<16xi32> to vector<1xi32>
    %squeeze3A_95 = vector.extract %slice3A_94[0] : i32 from vector<1xi32>
    %dma_start3A_96 = arith.constant 2 : i32
    %dma_start3A_97 = arith.constant 0 : i32
    %dma_start3A_98 = tpu.memref_slice %arg17[%dma_start3A_96, %dma_start3A_97] : memref<32x64xf32, #tpu.memory_space<vmem>> -> memref<1x64xf32, #tpu.memory_space<vmem>>
    %dma_start3A_99 = arith.constant 0 : i32
    %dma_start3A_100 = tpu.memref_slice %arg5[%squeeze3A_93, %squeeze3A_95, %dma_start3A_99] : memref<2x500000x64xf32, #tpu.memory_space<hbm>> -> memref<1x1x64xf32, #tpu.memory_space<hbm>>
    %dma_start3A_101 = tpu.memref_squeeze %dma_start3A_100 : memref<1x1x64xf32, #tpu.memory_space<hbm>> -> memref<1x64xf32, #tpu.memory_space<hbm>>
    %dma_start3A_102 = arith.constant 2 : i32
    %dma_start3A_103 = arith.constant 0 : i32
    %dma_start3A_104 = tpu.memref_slice %arg17[%dma_start3A_102, %dma_start3A_103] : memref<32x64xf32, #tpu.memory_space<vmem>> -> memref<1x64xf32, #tpu.memory_space<vmem>>
    %dma_start3A_105 = arith.constant 0 : i32
    %dma_start3A_106 = tpu.memref_slice %arg5[%squeeze3A_93, %squeeze3A_95, %dma_start3A_105] : memref<2x500000x64xf32, #tpu.memory_space<hbm>> -> memref<1x1x64xf32, #tpu.memory_space<hbm>>
    %dma_start3A_107 = tpu.memref_squeeze %dma_start3A_106 : memref<1x1x64xf32, #tpu.memory_space<hbm>> -> memref<1x64xf32, #tpu.memory_space<hbm>>
    tpu.enqueue_dma source(%dma_start3A_107 : memref<1x64xf32, #tpu.memory_space<hbm>>) target(%dma_start3A_104 : memref<1x64xf32, #tpu.memory_space<vmem>>) target_semaphore(%arg19 : memref<!tpu.dma_semaphore, #tpu.memory_space<semaphore_mem>>)
    %slice3A_108 = vector.extract_strided_slice %get3A_8 {offsets = [3], sizes = [1], strides = [1]} : vector<16xi32> to vector<1xi32>
    %squeeze3A_109 = vector.extract %slice3A_108[0] : i32 from vector<1xi32>
    %slice3A_110 = vector.extract_strided_slice %get3A_10 {offsets = [3], sizes = [1], strides = [1]} : vector<16xi32> to vector<1xi32>
    %squeeze3A_111 = vector.extract %slice3A_110[0] : i32 from vector<1xi32>
    %dma_start3A_112 = arith.constant 3 : i32
    %dma_start3A_113 = arith.constant 0 : i32
    %dma_start3A_114 = tpu.memref_slice %arg16[%dma_start3A_112, %dma_start3A_113] : memref<32x64xf32, #tpu.memory_space<vmem>> -> memref<1x64xf32, #tpu.memory_space<vmem>>
    %dma_start3A_115 = arith.constant 0 : i32
    %dma_start3A_116 = tpu.memref_slice %arg5[%squeeze3A_109, %squeeze3A_111, %dma_start3A_115] : memref<2x500000x64xf32, #tpu.memory_space<hbm>> -> memref<1x1x64xf32, #tpu.memory_space<hbm>>
    %dma_start3A_117 = tpu.memref_squeeze %dma_start3A_116 : memref<1x1x64xf32, #tpu.memory_space<hbm>> -> memref<1x64xf32, #tpu.memory_space<hbm>>
    %dma_start3A_118 = arith.constant 3 : i32
    %dma_start3A_119 = arith.constant 0 : i32
    %dma_start3A_120 = tpu.memref_slice %arg16[%dma_start3A_118, %dma_start3A_119] : memref<32x64xf32, #tpu.memory_space<vmem>> -> memref<1x64xf32, #tpu.memory_space<vmem>>
    %dma_start3A_121 = arith.constant 0 : i32
    %dma_start3A_122 = tpu.memref_slice %arg5[%squeeze3A_109, %squeeze3A_111, %dma_start3A_121] : memref<2x500000x64xf32, #tpu.memory_space<hbm>> -> memref<1x1x64xf32, #tpu.memory_space<hbm>>
    %dma_start3A_123 = tpu.memref_squeeze %dma_start3A_122 : memref<1x1x64xf32, #tpu.memory_space<hbm>> -> memref<1x64xf32, #tpu.memory_space<hbm>>
    tpu.enqueue_dma source(%dma_start3A_123 : memref<1x64xf32, #tpu.memory_space<hbm>>) target(%dma_start3A_120 : memref<1x64xf32, #tpu.memory_space<vmem>>) target_semaphore(%arg19 : memref<!tpu.dma_semaphore, #tpu.memory_space<semaphore_mem>>)
    %slice3A_124 = vector.extract_strided_slice %get3A_12 {offsets = [3], sizes = [1], strides = [1]} : vector<16xi32> to vector<1xi32>
    %squeeze3A_125 = vector.extract %slice3A_124[0] : i32 from vector<1xi32>
    %slice3A_126 = vector.extract_strided_slice %get3A_14 {offsets = [3], sizes = [1], strides = [1]} : vector<16xi32> to vector<1xi32>
    %squeeze3A_127 = vector.extract %slice3A_126[0] : i32 from vector<1xi32>
    %dma_start3A_128 = arith.constant 3 : i32
    %dma_start3A_129 = arith.constant 0 : i32
    %dma_start3A_130 = tpu.memref_slice %arg17[%dma_start3A_128, %dma_start3A_129] : memref<32x64xf32, #tpu.memory_space<vmem>> -> memref<1x64xf32, #tpu.memory_space<vmem>>
    %dma_start3A_131 = arith.constant 0 : i32
    %dma_start3A_132 = tpu.memref_slice %arg5[%squeeze3A_125, %squeeze3A_127, %dma_start3A_131] : memref<2x500000x64xf32, #tpu.memory_space<hbm>> -> memref<1x1x64xf32, #tpu.memory_space<hbm>>
    %dma_start3A_133 = tpu.memref_squeeze %dma_start3A_132 : memref<1x1x64xf32, #tpu.memory_space<hbm>> -> memref<1x64xf32, #tpu.memory_space<hbm>>
    %dma_start3A_134 = arith.constant 3 : i32
    %dma_start3A_135 = arith.constant 0 : i32
    %dma_start3A_136 = tpu.memref_slice %arg17[%dma_start3A_134, %dma_start3A_135] : memref<32x64xf32, #tpu.memory_space<vmem>> -> memref<1x64xf32, #tpu.memory_space<vmem>>
    %dma_start3A_137 = arith.constant 0 : i32
    %dma_start3A_138 = tpu.memref_slice %arg5[%squeeze3A_125, %squeeze3A_127, %dma_start3A_137] : memref<2x500000x64xf32, #tpu.memory_space<hbm>> -> memref<1x1x64xf32, #tpu.memory_space<hbm>>
    %dma_start3A_139 = tpu.memref_squeeze %dma_start3A_138 : memref<1x1x64xf32, #tpu.memory_space<hbm>> -> memref<1x64xf32, #tpu.memory_space<hbm>>
    tpu.enqueue_dma source(%dma_start3A_139 : memref<1x64xf32, #tpu.memory_space<hbm>>) target(%dma_start3A_136 : memref<1x64xf32, #tpu.memory_space<vmem>>) target_semaphore(%arg19 : memref<!tpu.dma_semaphore, #tpu.memory_space<semaphore_mem>>)
    %slice3A_140 = vector.extract_strided_slice %get3A_8 {offsets = [4], sizes = [1], strides = [1]} : vector<16xi32> to vector<1xi32>
    %squeeze3A_141 = vector.extract %slice3A_140[0] : i32 from vector<1xi32>
    %slice3A_142 = vector.extract_strided_slice %get3A_10 {offsets = [4], sizes = [1], strides = [1]} : vector<16xi32> to vector<1xi32>
    %squeeze3A_143 = vector.extract %slice3A_142[0] : i32 from vector<1xi32>
    %dma_start3A_144 = arith.constant 4 : i32
    %dma_start3A_145 = arith.constant 0 : i32
    %dma_start3A_146 = tpu.memref_slice %arg16[%dma_start3A_144, %dma_start3A_145] : memref<32x64xf32, #tpu.memory_space<vmem>> -> memref<1x64xf32, #tpu.memory_space<vmem>>
    %dma_start3A_147 = arith.constant 0 : i32
    %dma_start3A_148 = tpu.memref_slice %arg5[%squeeze3A_141, %squeeze3A_143, %dma_start3A_147] : memref<2x500000x64xf32, #tpu.memory_space<hbm>> -> memref<1x1x64xf32, #tpu.memory_space<hbm>>
    %dma_start3A_149 = tpu.memref_squeeze %dma_start3A_148 : memref<1x1x64xf32, #tpu.memory_space<hbm>> -> memref<1x64xf32, #tpu.memory_space<hbm>>
    %dma_start3A_150 = arith.constant 4 : i32
    %dma_start3A_151 = arith.constant 0 : i32
    %dma_start3A_152 = tpu.memref_slice %arg16[%dma_start3A_150, %dma_start3A_151] : memref<32x64xf32, #tpu.memory_space<vmem>> -> memref<1x64xf32, #tpu.memory_space<vmem>>
    %dma_start3A_153 = arith.constant 0 : i32
    %dma_start3A_154 = tpu.memref_slice %arg5[%squeeze3A_141, %squeeze3A_143, %dma_start3A_153] : memref<2x500000x64xf32, #tpu.memory_space<hbm>> -> memref<1x1x64xf32, #tpu.memory_space<hbm>>
    %dma_start3A_155 = tpu.memref_squeeze %dma_start3A_154 : memref<1x1x64xf32, #tpu.memory_space<hbm>> -> memref<1x64xf32, #tpu.memory_space<hbm>>
    tpu.enqueue_dma source(%dma_start3A_155 : memref<1x64xf32, #tpu.memory_space<hbm>>) target(%dma_start3A_152 : memref<1x64xf32, #tpu.memory_space<vmem>>) target_semaphore(%arg19 : memref<!tpu.dma_semaphore, #tpu.memory_space<semaphore_mem>>)
    %slice3A_156 = vector.extract_strided_slice %get3A_12 {offsets = [4], sizes = [1], strides = [1]} : vector<16xi32> to vector<1xi32>
    %squeeze3A_157 = vector.extract %slice3A_156[0] : i32 from vector<1xi32>
    %slice3A_158 = vector.extract_strided_slice %get3A_14 {offsets = [4], sizes = [1], strides = [1]} : vector<16xi32> to vector<1xi32>
    %squeeze3A_159 = vector.extract %slice3A_158[0] : i32 from vector<1xi32>
    %dma_start3A_160 = arith.constant 4 : i32
    %dma_start3A_161 = arith.constant 0 : i32
    %dma_start3A_162 = tpu.memref_slice %arg17[%dma_start3A_160, %dma_start3A_161] : memref<32x64xf32, #tpu.memory_space<vmem>> -> memref<1x64xf32, #tpu.memory_space<vmem>>
    %dma_start3A_163 = arith.constant 0 : i32
    %dma_start3A_164 = tpu.memref_slice %arg5[%squeeze3A_157, %squeeze3A_159, %dma_start3A_163] : memref<2x500000x64xf32, #tpu.memory_space<hbm>> -> memref<1x1x64xf32, #tpu.memory_space<hbm>>
    %dma_start3A_165 = tpu.memref_squeeze %dma_start3A_164 : memref<1x1x64xf32, #tpu.memory_space<hbm>> -> memref<1x64xf32, #tpu.memory_space<hbm>>
    %dma_start3A_166 = arith.constant 4 : i32
    %dma_start3A_167 = arith.constant 0 : i32
    %dma_start3A_168 = tpu.memref_slice %arg17[%dma_start3A_166, %dma_start3A_167] : memref<32x64xf32, #tpu.memory_space<vmem>> -> memref<1x64xf32, #tpu.memory_space<vmem>>
    %dma_start3A_169 = arith.constant 0 : i32
    %dma_start3A_170 = tpu.memref_slice %arg5[%squeeze3A_157, %squeeze3A_159, %dma_start3A_169] : memref<2x500000x64xf32, #tpu.memory_space<hbm>> -> memref<1x1x64xf32, #tpu.memory_space<hbm>>
    %dma_start3A_171 = tpu.memref_squeeze %dma_start3A_170 : memref<1x1x64xf32, #tpu.memory_space<hbm>> -> memref<1x64xf32, #tpu.memory_space<hbm>>
    tpu.enqueue_dma source(%dma_start3A_171 : memref<1x64xf32, #tpu.memory_space<hbm>>) target(%dma_start3A_168 : memref<1x64xf32, #tpu.memory_space<vmem>>) target_semaphore(%arg19 : memref<!tpu.dma_semaphore, #tpu.memory_space<semaphore_mem>>)
    %slice3A_172 = vector.extract_strided_slice %get3A_8 {offsets = [5], sizes = [1], strides = [1]} : vector<16xi32> to vector<1xi32>
    %squeeze3A_173 = vector.extract %slice3A_172[0] : i32 from vector<1xi32>
    %slice3A_174 = vector.extract_strided_slice %get3A_10 {offsets = [5], sizes = [1], strides = [1]} : vector<16xi32> to vector<1xi32>
    %squeeze3A_175 = vector.extract %slice3A_174[0] : i32 from vector<1xi32>
    %dma_start3A_176 = arith.constant 5 : i32
    %dma_start3A_177 = arith.constant 0 : i32
    %dma_start3A_178 = tpu.memref_slice %arg16[%dma_start3A_176, %dma_start3A_177] : memref<32x64xf32, #tpu.memory_space<vmem>> -> memref<1x64xf32, #tpu.memory_space<vmem>>
    %dma_start3A_179 = arith.constant 0 : i32
    %dma_start3A_180 = tpu.memref_slice %arg5[%squeeze3A_173, %squeeze3A_175, %dma_start3A_179] : memref<2x500000x64xf32, #tpu.memory_space<hbm>> -> memref<1x1x64xf32, #tpu.memory_space<hbm>>
    %dma_start3A_181 = tpu.memref_squeeze %dma_start3A_180 : memref<1x1x64xf32, #tpu.memory_space<hbm>> -> memref<1x64xf32, #tpu.memory_space<hbm>>
    %dma_start3A_182 = arith.constant 5 : i32
    %dma_start3A_183 = arith.constant 0 : i32
    %dma_start3A_184 = tpu.memref_slice %arg16[%dma_start3A_182, %dma_start3A_183] : memref<32x64xf32, #tpu.memory_space<vmem>> -> memref<1x64xf32, #tpu.memory_space<vmem>>
    %dma_start3A_185 = arith.constant 0 : i32
    %dma_start3A_186 = tpu.memref_slice %arg5[%squeeze3A_173, %squeeze3A_175, %dma_start3A_185] : memref<2x500000x64xf32, #tpu.memory_space<hbm>> -> memref<1x1x64xf32, #tpu.memory_space<hbm>>
    %dma_start3A_187 = tpu.memref_squeeze %dma_start3A_186 : memref<1x1x64xf32, #tpu.memory_space<hbm>> -> memref<1x64xf32, #tpu.memory_space<hbm>>
    tpu.enqueue_dma source(%dma_start3A_187 : memref<1x64xf32, #tpu.memory_space<hbm>>) target(%dma_start3A_184 : memref<1x64xf32, #tpu.memory_space<vmem>>) target_semaphore(%arg19 : memref<!tpu.dma_semaphore, #tpu.memory_space<semaphore_mem>>)
    %slice3A_188 = vector.extract_strided_slice %get3A_12 {offsets = [5], sizes = [1], strides = [1]} : vector<16xi32> to vector<1xi32>
    %squeeze3A_189 = vector.extract %slice3A_188[0] : i32 from vector<1xi32>
    %slice3A_190 = vector.extract_strided_slice %get3A_14 {offsets = [5], sizes = [1], strides = [1]} : vector<16xi32> to vector<1xi32>
    %squeeze3A_191 = vector.extract %slice3A_190[0] : i32 from vector<1xi32>
    %dma_start3A_192 = arith.constant 5 : i32
    %dma_start3A_193 = arith.constant 0 : i32
    %dma_start3A_194 = tpu.memref_slice %arg17[%dma_start3A_192, %dma_start3A_193] : memref<32x64xf32, #tpu.memory_space<vmem>> -> memref<1x64xf32, #tpu.memory_space<vmem>>
    %dma_start3A_195 = arith.constant 0 : i32
    %dma_start3A_196 = tpu.memref_slice %arg5[%squeeze3A_189, %squeeze3A_191, %dma_start3A_195] : memref<2x500000x64xf32, #tpu.memory_space<hbm>> -> memref<1x1x64xf32, #tpu.memory_space<hbm>>
    %dma_start3A_197 = tpu.memref_squeeze %dma_start3A_196 : memref<1x1x64xf32, #tpu.memory_space<hbm>> -> memref<1x64xf32, #tpu.memory_space<hbm>>
    %dma_start3A_198 = arith.constant 5 : i32
    %dma_start3A_199 = arith.constant 0 : i32
    %dma_start3A_200 = tpu.memref_slice %arg17[%dma_start3A_198, %dma_start3A_199] : memref<32x64xf32, #tpu.memory_space<vmem>> -> memref<1x64xf32, #tpu.memory_space<vmem>>
    %dma_start3A_201 = arith.constant 0 : i32
    %dma_start3A_202 = tpu.memref_slice %arg5[%squeeze3A_189, %squeeze3A_191, %dma_start3A_201] : memref<2x500000x64xf32, #tpu.memory_space<hbm>> -> memref<1x1x64xf32, #tpu.memory_space<hbm>>
    %dma_start3A_203 = tpu.memref_squeeze %dma_start3A_202 : memref<1x1x64xf32, #tpu.memory_space<hbm>> -> memref<1x64xf32, #tpu.memory_space<hbm>>
    tpu.enqueue_dma source(%dma_start3A_203 : memref<1x64xf32, #tpu.memory_space<hbm>>) target(%dma_start3A_200 : memref<1x64xf32, #tpu.memory_space<vmem>>) target_semaphore(%arg19 : memref<!tpu.dma_semaphore, #tpu.memory_space<semaphore_mem>>)
    %slice3A_204 = vector.extract_strided_slice %get3A_8 {offsets = [6], sizes = [1], strides = [1]} : vector<16xi32> to vector<1xi32>
    %squeeze3A_205 = vector.extract %slice3A_204[0] : i32 from vector<1xi32>
    %slice3A_206 = vector.extract_strided_slice %get3A_10 {offsets = [6], sizes = [1], strides = [1]} : vector<16xi32> to vector<1xi32>
    %squeeze3A_207 = vector.extract %slice3A_206[0] : i32 from vector<1xi32>
    %dma_start3A_208 = arith.constant 6 : i32
    %dma_start3A_209 = arith.constant 0 : i32
    %dma_start3A_210 = tpu.memref_slice %arg16[%dma_start3A_208, %dma_start3A_209] : memref<32x64xf32, #tpu.memory_space<vmem>> -> memref<1x64xf32, #tpu.memory_space<vmem>>
    %dma_start3A_211 = arith.constant 0 : i32
    %dma_start3A_212 = tpu.memref_slice %arg5[%squeeze3A_205, %squeeze3A_207, %dma_start3A_211] : memref<2x500000x64xf32, #tpu.memory_space<hbm>> -> memref<1x1x64xf32, #tpu.memory_space<hbm>>
    %dma_start3A_213 = tpu.memref_squeeze %dma_start3A_212 : memref<1x1x64xf32, #tpu.memory_space<hbm>> -> memref<1x64xf32, #tpu.memory_space<hbm>>
    %dma_start3A_214 = arith.constant 6 : i32
    %dma_start3A_215 = arith.constant 0 : i32
    %dma_start3A_216 = tpu.memref_slice %arg16[%dma_start3A_214, %dma_start3A_215] : memref<32x64xf32, #tpu.memory_space<vmem>> -> memref<1x64xf32, #tpu.memory_space<vmem>>
    %dma_start3A_217 = arith.constant 0 : i32
    %dma_start3A_218 = tpu.memref_slice %arg5[%squeeze3A_205, %squeeze3A_207, %dma_start3A_217] : memref<2x500000x64xf32, #tpu.memory_space<hbm>> -> memref<1x1x64xf32, #tpu.memory_space<hbm>>
    %dma_start3A_219 = tpu.memref_squeeze %dma_start3A_218 : memref<1x1x64xf32, #tpu.memory_space<hbm>> -> memref<1x64xf32, #tpu.memory_space<hbm>>
    tpu.enqueue_dma source(%dma_start3A_219 : memref<1x64xf32, #tpu.memory_space<hbm>>) target(%dma_start3A_216 : memref<1x64xf32, #tpu.memory_space<vmem>>) target_semaphore(%arg19 : memref<!tpu.dma_semaphore, #tpu.memory_space<semaphore_mem>>)
    %slice3A_220 = vector.extract_strided_slice %get3A_12 {offsets = [6], sizes = [1], strides = [1]} : vector<16xi32> to vector<1xi32>
    %squeeze3A_221 = vector.extract %slice3A_220[0] : i32 from vector<1xi32>
    %slice3A_222 = vector.extract_strided_slice %get3A_14 {offsets = [6], sizes = [1], strides = [1]} : vector<16xi32> to vector<1xi32>
    %squeeze3A_223 = vector.extract %slice3A_222[0] : i32 from vector<1xi32>
    %dma_start3A_224 = arith.constant 6 : i32
    %dma_start3A_225 = arith.constant 0 : i32
    %dma_start3A_226 = tpu.memref_slice %arg17[%dma_start3A_224, %dma_start3A_225] : memref<32x64xf32, #tpu.memory_space<vmem>> -> memref<1x64xf32, #tpu.memory_space<vmem>>
    %dma_start3A_227 = arith.constant 0 : i32
    %dma_start3A_228 = tpu.memref_slice %arg5[%squeeze3A_221, %squeeze3A_223, %dma_start3A_227] : memref<2x500000x64xf32, #tpu.memory_space<hbm>> -> memref<1x1x64xf32, #tpu.memory_space<hbm>>
    %dma_start3A_229 = tpu.memref_squeeze %dma_start3A_228 : memref<1x1x64xf32, #tpu.memory_space<hbm>> -> memref<1x64xf32, #tpu.memory_space<hbm>>
    %dma_start3A_230 = arith.constant 6 : i32
    %dma_start3A_231 = arith.constant 0 : i32
    %dma_start3A_232 = tpu.memref_slice %arg17[%dma_start3A_230, %dma_start3A_231] : memref<32x64xf32, #tpu.memory_space<vmem>> -> memref<1x64xf32, #tpu.memory_space<vmem>>
    %dma_start3A_233 = arith.constant 0 : i32
    %dma_start3A_234 = tpu.memref_slice %arg5[%squeeze3A_221, %squeeze3A_223, %dma_start3A_233] : memref<2x500000x64xf32, #tpu.memory_space<hbm>> -> memref<1x1x64xf32, #tpu.memory_space<hbm>>
    %dma_start3A_235 = tpu.memref_squeeze %dma_start3A_234 : memref<1x1x64xf32, #tpu.memory_space<hbm>> -> memref<1x64xf32, #tpu.memory_space<hbm>>
    tpu.enqueue_dma source(%dma_start3A_235 : memref<1x64xf32, #tpu.memory_space<hbm>>) target(%dma_start3A_232 : memref<1x64xf32, #tpu.memory_space<vmem>>) target_semaphore(%arg19 : memref<!tpu.dma_semaphore, #tpu.memory_space<semaphore_mem>>)
    %slice3A_236 = vector.extract_strided_slice %get3A_8 {offsets = [7], sizes = [1], strides = [1]} : vector<16xi32> to vector<1xi32>
    %squeeze3A_237 = vector.extract %slice3A_236[0] : i32 from vector<1xi32>
    %slice3A_238 = vector.extract_strided_slice %get3A_10 {offsets = [7], sizes = [1], strides = [1]} : vector<16xi32> to vector<1xi32>
    %squeeze3A_239 = vector.extract %slice3A_238[0] : i32 from vector<1xi32>
    %dma_start3A_240 = arith.constant 7 : i32
    %dma_start3A_241 = arith.constant 0 : i32
    %dma_start3A_242 = tpu.memref_slice %arg16[%dma_start3A_240, %dma_start3A_241] : memref<32x64xf32, #tpu.memory_space<vmem>> -> memref<1x64xf32, #tpu.memory_space<vmem>>
    %dma_start3A_243 = arith.constant 0 : i32
    %dma_start3A_244 = tpu.memref_slice %arg5[%squeeze3A_237, %squeeze3A_239, %dma_start3A_243] : memref<2x500000x64xf32, #tpu.memory_space<hbm>> -> memref<1x1x64xf32, #tpu.memory_space<hbm>>
    %dma_start3A_245 = tpu.memref_squeeze %dma_start3A_244 : memref<1x1x64xf32, #tpu.memory_space<hbm>> -> memref<1x64xf32, #tpu.memory_space<hbm>>
    %dma_start3A_246 = arith.constant 7 : i32
    %dma_start3A_247 = arith.constant 0 : i32
    %dma_start3A_248 = tpu.memref_slice %arg16[%dma_start3A_246, %dma_start3A_247] : memref<32x64xf32, #tpu.memory_space<vmem>> -> memref<1x64xf32, #tpu.memory_space<vmem>>
    %dma_start3A_249 = arith.constant 0 : i32
    %dma_start3A_250 = tpu.memref_slice %arg5[%squeeze3A_237, %squeeze3A_239, %dma_start3A_249] : memref<2x500000x64xf32, #tpu.memory_space<hbm>> -> memref<1x1x64xf32, #tpu.memory_space<hbm>>
    %dma_start3A_251 = tpu.memref_squeeze %dma_start3A_250 : memref<1x1x64xf32, #tpu.memory_space<hbm>> -> memref<1x64xf32, #tpu.memory_space<hbm>>
    tpu.enqueue_dma source(%dma_start3A_251 : memref<1x64xf32, #tpu.memory_space<hbm>>) target(%dma_start3A_248 : memref<1x64xf32, #tpu.memory_space<vmem>>) target_semaphore(%arg19 : memref<!tpu.dma_semaphore, #tpu.memory_space<semaphore_mem>>)
    %slice3A_252 = vector.extract_strided_slice %get3A_12 {offsets = [7], sizes = [1], strides = [1]} : vector<16xi32> to vector<1xi32>
    %squeeze3A_253 = vector.extract %slice3A_252[0] : i32 from vector<1xi32>
    %slice3A_254 = vector.extract_strided_slice %get3A_14 {offsets = [7], sizes = [1], strides = [1]} : vector<16xi32> to vector<1xi32>
    %squeeze3A_255 = vector.extract %slice3A_254[0] : i32 from vector<1xi32>
    %dma_start3A_256 = arith.constant 7 : i32
    %dma_start3A_257 = arith.constant 0 : i32
    %dma_start3A_258 = tpu.memref_slice %arg17[%dma_start3A_256, %dma_start3A_257] : memref<32x64xf32, #tpu.memory_space<vmem>> -> memref<1x64xf32, #tpu.memory_space<vmem>>
    %dma_start3A_259 = arith.constant 0 : i32
    %dma_start3A_260 = tpu.memref_slice %arg5[%squeeze3A_253, %squeeze3A_255, %dma_start3A_259] : memref<2x500000x64xf32, #tpu.memory_space<hbm>> -> memref<1x1x64xf32, #tpu.memory_space<hbm>>
    %dma_start3A_261 = tpu.memref_squeeze %dma_start3A_260 : memref<1x1x64xf32, #tpu.memory_space<hbm>> -> memref<1x64xf32, #tpu.memory_space<hbm>>
    %dma_start3A_262 = arith.constant 7 : i32
    %dma_start3A_263 = arith.constant 0 : i32
    %dma_start3A_264 = tpu.memref_slice %arg17[%dma_start3A_262, %dma_start3A_263] : memref<32x64xf32, #tpu.memory_space<vmem>> -> memref<1x64xf32, #tpu.memory_space<vmem>>
    %dma_start3A_265 = arith.constant 0 : i32
    %dma_start3A_266 = tpu.memref_slice %arg5[%squeeze3A_253, %squeeze3A_255, %dma_start3A_265] : memref<2x500000x64xf32, #tpu.memory_space<hbm>> -> memref<1x1x64xf32, #tpu.memory_space<hbm>>
    %dma_start3A_267 = tpu.memref_squeeze %dma_start3A_266 : memref<1x1x64xf32, #tpu.memory_space<hbm>> -> memref<1x64xf32, #tpu.memory_space<hbm>>
    tpu.enqueue_dma source(%dma_start3A_267 : memref<1x64xf32, #tpu.memory_space<hbm>>) target(%dma_start3A_264 : memref<1x64xf32, #tpu.memory_space<vmem>>) target_semaphore(%arg19 : memref<!tpu.dma_semaphore, #tpu.memory_space<semaphore_mem>>)
    %slice3A_268 = vector.extract_strided_slice %get3A_8 {offsets = [8], sizes = [1], strides = [1]} : vector<16xi32> to vector<1xi32>
    %squeeze3A_269 = vector.extract %slice3A_268[0] : i32 from vector<1xi32>
    %slice3A_270 = vector.extract_strided_slice %get3A_10 {offsets = [8], sizes = [1], strides = [1]} : vector<16xi32> to vector<1xi32>
    %squeeze3A_271 = vector.extract %slice3A_270[0] : i32 from vector<1xi32>
    %dma_start3A_272 = arith.constant 8 : i32
    %dma_start3A_273 = arith.constant 0 : i32
    %dma_start3A_274 = tpu.memref_slice %arg16[%dma_start3A_272, %dma_start3A_273] : memref<32x64xf32, #tpu.memory_space<vmem>> -> memref<1x64xf32, #tpu.memory_space<vmem>>
    %dma_start3A_275 = arith.constant 0 : i32
    %dma_start3A_276 = tpu.memref_slice %arg5[%squeeze3A_269, %squeeze3A_271, %dma_start3A_275] : memref<2x500000x64xf32, #tpu.memory_space<hbm>> -> memref<1x1x64xf32, #tpu.memory_space<hbm>>
    %dma_start3A_277 = tpu.memref_squeeze %dma_start3A_276 : memref<1x1x64xf32, #tpu.memory_space<hbm>> -> memref<1x64xf32, #tpu.memory_space<hbm>>
    %dma_start3A_278 = arith.constant 8 : i32
    %dma_start3A_279 = arith.constant 0 : i32
    %dma_start3A_280 = tpu.memref_slice %arg16[%dma_start3A_278, %dma_start3A_279] : memref<32x64xf32, #tpu.memory_space<vmem>> -> memref<1x64xf32, #tpu.memory_space<vmem>>
    %dma_start3A_281 = arith.constant 0 : i32
    %dma_start3A_282 = tpu.memref_slice %arg5[%squeeze3A_269, %squeeze3A_271, %dma_start3A_281] : memref<2x500000x64xf32, #tpu.memory_space<hbm>> -> memref<1x1x64xf32, #tpu.memory_space<hbm>>
    %dma_start3A_283 = tpu.memref_squeeze %dma_start3A_282 : memref<1x1x64xf32, #tpu.memory_space<hbm>> -> memref<1x64xf32, #tpu.memory_space<hbm>>
    tpu.enqueue_dma source(%dma_start3A_283 : memref<1x64xf32, #tpu.memory_space<hbm>>) target(%dma_start3A_280 : memref<1x64xf32, #tpu.memory_space<vmem>>) target_semaphore(%arg19 : memref<!tpu.dma_semaphore, #tpu.memory_space<semaphore_mem>>)
    %slice3A_284 = vector.extract_strided_slice %get3A_12 {offsets = [8], sizes = [1], strides = [1]} : vector<16xi32> to vector<1xi32>
    %squeeze3A_285 = vector.extract %slice3A_284[0] : i32 from vector<1xi32>
    %slice3A_286 = vector.extract_strided_slice %get3A_14 {offsets = [8], sizes = [1], strides = [1]} : vector<16xi32> to vector<1xi32>
    %squeeze3A_287 = vector.extract %slice3A_286[0] : i32 from vector<1xi32>
    %dma_start3A_288 = arith.constant 8 : i32
    %dma_start3A_289 = arith.constant 0 : i32
    %dma_start3A_290 = tpu.memref_slice %arg17[%dma_start3A_288, %dma_start3A_289] : memref<32x64xf32, #tpu.memory_space<vmem>> -> memref<1x64xf32, #tpu.memory_space<vmem>>
    %dma_start3A_291 = arith.constant 0 : i32
    %dma_start3A_292 = tpu.memref_slice %arg5[%squeeze3A_285, %squeeze3A_287, %dma_start3A_291] : memref<2x500000x64xf32, #tpu.memory_space<hbm>> -> memref<1x1x64xf32, #tpu.memory_space<hbm>>
    %dma_start3A_293 = tpu.memref_squeeze %dma_start3A_292 : memref<1x1x64xf32, #tpu.memory_space<hbm>> -> memref<1x64xf32, #tpu.memory_space<hbm>>
    %dma_start3A_294 = arith.constant 8 : i32
    %dma_start3A_295 = arith.constant 0 : i32
    %dma_start3A_296 = tpu.memref_slice %arg17[%dma_start3A_294, %dma_start3A_295] : memref<32x64xf32, #tpu.memory_space<vmem>> -> memref<1x64xf32, #tpu.memory_space<vmem>>
    %dma_start3A_297 = arith.constant 0 : i32
    %dma_start3A_298 = tpu.memref_slice %arg5[%squeeze3A_285, %squeeze3A_287, %dma_start3A_297] : memref<2x500000x64xf32, #tpu.memory_space<hbm>> -> memref<1x1x64xf32, #tpu.memory_space<hbm>>
    %dma_start3A_299 = tpu.memref_squeeze %dma_start3A_298 : memref<1x1x64xf32, #tpu.memory_space<hbm>> -> memref<1x64xf32, #tpu.memory_space<hbm>>
    tpu.enqueue_dma source(%dma_start3A_299 : memref<1x64xf32, #tpu.memory_space<hbm>>) target(%dma_start3A_296 : memref<1x64xf32, #tpu.memory_space<vmem>>) target_semaphore(%arg19 : memref<!tpu.dma_semaphore, #tpu.memory_space<semaphore_mem>>)
    %slice3A_300 = vector.extract_strided_slice %get3A_8 {offsets = [9], sizes = [1], strides = [1]} : vector<16xi32> to vector<1xi32>
    %squeeze3A_301 = vector.extract %slice3A_300[0] : i32 from vector<1xi32>
    %slice3A_302 = vector.extract_strided_slice %get3A_10 {offsets = [9], sizes = [1], strides = [1]} : vector<16xi32> to vector<1xi32>
    %squeeze3A_303 = vector.extract %slice3A_302[0] : i32 from vector<1xi32>
    %dma_start3A_304 = arith.constant 9 : i32
    %dma_start3A_305 = arith.constant 0 : i32
    %dma_start3A_306 = tpu.memref_slice %arg16[%dma_start3A_304, %dma_start3A_305] : memref<32x64xf32, #tpu.memory_space<vmem>> -> memref<1x64xf32, #tpu.memory_space<vmem>>
    %dma_start3A_307 = arith.constant 0 : i32
    %dma_start3A_308 = tpu.memref_slice %arg5[%squeeze3A_301, %squeeze3A_303, %dma_start3A_307] : memref<2x500000x64xf32, #tpu.memory_space<hbm>> -> memref<1x1x64xf32, #tpu.memory_space<hbm>>
    %dma_start3A_309 = tpu.memref_squeeze %dma_start3A_308 : memref<1x1x64xf32, #tpu.memory_space<hbm>> -> memref<1x64xf32, #tpu.memory_space<hbm>>
    %dma_start3A_310 = arith.constant 9 : i32
    %dma_start3A_311 = arith.constant 0 : i32
    %dma_start3A_312 = tpu.memref_slice %arg16[%dma_start3A_310, %dma_start3A_311] : memref<32x64xf32, #tpu.memory_space<vmem>> -> memref<1x64xf32, #tpu.memory_space<vmem>>
    %dma_start3A_313 = arith.constant 0 : i32
    %dma_start3A_314 = tpu.memref_slice %arg5[%squeeze3A_301, %squeeze3A_303, %dma_start3A_313] : memref<2x500000x64xf32, #tpu.memory_space<hbm>> -> memref<1x1x64xf32, #tpu.memory_space<hbm>>
    %dma_start3A_315 = tpu.memref_squeeze %dma_start3A_314 : memref<1x1x64xf32, #tpu.memory_space<hbm>> -> memref<1x64xf32, #tpu.memory_space<hbm>>
    tpu.enqueue_dma source(%dma_start3A_315 : memref<1x64xf32, #tpu.memory_space<hbm>>) target(%dma_start3A_312 : memref<1x64xf32, #tpu.memory_space<vmem>>) target_semaphore(%arg19 : memref<!tpu.dma_semaphore, #tpu.memory_space<semaphore_mem>>)
    %slice3A_316 = vector.extract_strided_slice %get3A_12 {offsets = [9], sizes = [1], strides = [1]} : vector<16xi32> to vector<1xi32>
    %squeeze3A_317 = vector.extract %slice3A_316[0] : i32 from vector<1xi32>
    %slice3A_318 = vector.extract_strided_slice %get3A_14 {offsets = [9], sizes = [1], strides = [1]} : vector<16xi32> to vector<1xi32>
    %squeeze3A_319 = vector.extract %slice3A_318[0] : i32 from vector<1xi32>
    %dma_start3A_320 = arith.constant 9 : i32
    %dma_start3A_321 = arith.constant 0 : i32
    %dma_start3A_322 = tpu.memref_slice %arg17[%dma_start3A_320, %dma_start3A_321] : memref<32x64xf32, #tpu.memory_space<vmem>> -> memref<1x64xf32, #tpu.memory_space<vmem>>
    %dma_start3A_323 = arith.constant 0 : i32
    %dma_start3A_324 = tpu.memref_slice %arg5[%squeeze3A_317, %squeeze3A_319, %dma_start3A_323] : memref<2x500000x64xf32, #tpu.memory_space<hbm>> -> memref<1x1x64xf32, #tpu.memory_space<hbm>>
    %dma_start3A_325 = tpu.memref_squeeze %dma_start3A_324 : memref<1x1x64xf32, #tpu.memory_space<hbm>> -> memref<1x64xf32, #tpu.memory_space<hbm>>
    %dma_start3A_326 = arith.constant 9 : i32
    %dma_start3A_327 = arith.constant 0 : i32
    %dma_start3A_328 = tpu.memref_slice %arg17[%dma_start3A_326, %dma_start3A_327] : memref<32x64xf32, #tpu.memory_space<vmem>> -> memref<1x64xf32, #tpu.memory_space<vmem>>
    %dma_start3A_329 = arith.constant 0 : i32
    %dma_start3A_330 = tpu.memref_slice %arg5[%squeeze3A_317, %squeeze3A_319, %dma_start3A_329] : memref<2x500000x64xf32, #tpu.memory_space<hbm>> -> memref<1x1x64xf32, #tpu.memory_space<hbm>>
    %dma_start3A_331 = tpu.memref_squeeze %dma_start3A_330 : memref<1x1x64xf32, #tpu.memory_space<hbm>> -> memref<1x64xf32, #tpu.memory_space<hbm>>
    tpu.enqueue_dma source(%dma_start3A_331 : memref<1x64xf32, #tpu.memory_space<hbm>>) target(%dma_start3A_328 : memref<1x64xf32, #tpu.memory_space<vmem>>) target_semaphore(%arg19 : memref<!tpu.dma_semaphore, #tpu.memory_space<semaphore_mem>>)
    %slice3A_332 = vector.extract_strided_slice %get3A_8 {offsets = [10], sizes = [1], strides = [1]} : vector<16xi32> to vector<1xi32>
    %squeeze3A_333 = vector.extract %slice3A_332[0] : i32 from vector<1xi32>
    %slice3A_334 = vector.extract_strided_slice %get3A_10 {offsets = [10], sizes = [1], strides = [1]} : vector<16xi32> to vector<1xi32>
    %squeeze3A_335 = vector.extract %slice3A_334[0] : i32 from vector<1xi32>
    %dma_start3A_336 = arith.constant 10 : i32
    %dma_start3A_337 = arith.constant 0 : i32
    %dma_start3A_338 = tpu.memref_slice %arg16[%dma_start3A_336, %dma_start3A_337] : memref<32x64xf32, #tpu.memory_space<vmem>> -> memref<1x64xf32, #tpu.memory_space<vmem>>
    %dma_start3A_339 = arith.constant 0 : i32
    %dma_start3A_340 = tpu.memref_slice %arg5[%squeeze3A_333, %squeeze3A_335, %dma_start3A_339] : memref<2x500000x64xf32, #tpu.memory_space<hbm>> -> memref<1x1x64xf32, #tpu.memory_space<hbm>>
    %dma_start3A_341 = tpu.memref_squeeze %dma_start3A_340 : memref<1x1x64xf32, #tpu.memory_space<hbm>> -> memref<1x64xf32, #tpu.memory_space<hbm>>
    %dma_start3A_342 = arith.constant 10 : i32
    %dma_start3A_343 = arith.constant 0 : i32
    %dma_start3A_344 = tpu.memref_slice %arg16[%dma_start3A_342, %dma_start3A_343] : memref<32x64xf32, #tpu.memory_space<vmem>> -> memref<1x64xf32, #tpu.memory_space<vmem>>
    %dma_start3A_345 = arith.constant 0 : i32
    %dma_start3A_346 = tpu.memref_slice %arg5[%squeeze3A_333, %squeeze3A_335, %dma_start3A_345] : memref<2x500000x64xf32, #tpu.memory_space<hbm>> -> memref<1x1x64xf32, #tpu.memory_space<hbm>>
    %dma_start3A_347 = tpu.memref_squeeze %dma_start3A_346 : memref<1x1x64xf32, #tpu.memory_space<hbm>> -> memref<1x64xf32, #tpu.memory_space<hbm>>
    tpu.enqueue_dma source(%dma_start3A_347 : memref<1x64xf32, #tpu.memory_space<hbm>>) target(%dma_start3A_344 : memref<1x64xf32, #tpu.memory_space<vmem>>) target_semaphore(%arg19 : memref<!tpu.dma_semaphore, #tpu.memory_space<semaphore_mem>>)
    %slice3A_348 = vector.extract_strided_slice %get3A_12 {offsets = [10], sizes = [1], strides = [1]} : vector<16xi32> to vector<1xi32>
    %squeeze3A_349 = vector.extract %slice3A_348[0] : i32 from vector<1xi32>
    %slice3A_350 = vector.extract_strided_slice %get3A_14 {offsets = [10], sizes = [1], strides = [1]} : vector<16xi32> to vector<1xi32>
    %squeeze3A_351 = vector.extract %slice3A_350[0] : i32 from vector<1xi32>
    %dma_start3A_352 = arith.constant 10 : i32
    %dma_start3A_353 = arith.constant 0 : i32
    %dma_start3A_354 = tpu.memref_slice %arg17[%dma_start3A_352, %dma_start3A_353] : memref<32x64xf32, #tpu.memory_space<vmem>> -> memref<1x64xf32, #tpu.memory_space<vmem>>
    %dma_start3A_355 = arith.constant 0 : i32
    %dma_start3A_356 = tpu.memref_slice %arg5[%squeeze3A_349, %squeeze3A_351, %dma_start3A_355] : memref<2x500000x64xf32, #tpu.memory_space<hbm>> -> memref<1x1x64xf32, #tpu.memory_space<hbm>>
    %dma_start3A_357 = tpu.memref_squeeze %dma_start3A_356 : memref<1x1x64xf32, #tpu.memory_space<hbm>> -> memref<1x64xf32, #tpu.memory_space<hbm>>
    %dma_start3A_358 = arith.constant 10 : i32
    %dma_start3A_359 = arith.constant 0 : i32
    %dma_start3A_360 = tpu.memref_slice %arg17[%dma_start3A_358, %dma_start3A_359] : memref<32x64xf32, #tpu.memory_space<vmem>> -> memref<1x64xf32, #tpu.memory_space<vmem>>
    %dma_start3A_361 = arith.constant 0 : i32
    %dma_start3A_362 = tpu.memref_slice %arg5[%squeeze3A_349, %squeeze3A_351, %dma_start3A_361] : memref<2x500000x64xf32, #tpu.memory_space<hbm>> -> memref<1x1x64xf32, #tpu.memory_space<hbm>>
    %dma_start3A_363 = tpu.memref_squeeze %dma_start3A_362 : memref<1x1x64xf32, #tpu.memory_space<hbm>> -> memref<1x64xf32, #tpu.memory_space<hbm>>
    tpu.enqueue_dma source(%dma_start3A_363 : memref<1x64xf32, #tpu.memory_space<hbm>>) target(%dma_start3A_360 : memref<1x64xf32, #tpu.memory_space<vmem>>) target_semaphore(%arg19 : memref<!tpu.dma_semaphore, #tpu.memory_space<semaphore_mem>>)
    %slice3A_364 = vector.extract_strided_slice %get3A_8 {offsets = [11], sizes = [1], strides = [1]} : vector<16xi32> to vector<1xi32>
    %squeeze3A_365 = vector.extract %slice3A_364[0] : i32 from vector<1xi32>
    %slice3A_366 = vector.extract_strided_slice %get3A_10 {offsets = [11], sizes = [1], strides = [1]} : vector<16xi32> to vector<1xi32>
    %squeeze3A_367 = vector.extract %slice3A_366[0] : i32 from vector<1xi32>
    %dma_start3A_368 = arith.constant 11 : i32
    %dma_start3A_369 = arith.constant 0 : i32
    %dma_start3A_370 = tpu.memref_slice %arg16[%dma_start3A_368, %dma_start3A_369] : memref<32x64xf32, #tpu.memory_space<vmem>> -> memref<1x64xf32, #tpu.memory_space<vmem>>
    %dma_start3A_371 = arith.constant 0 : i32
    %dma_start3A_372 = tpu.memref_slice %arg5[%squeeze3A_365, %squeeze3A_367, %dma_start3A_371] : memref<2x500000x64xf32, #tpu.memory_space<hbm>> -> memref<1x1x64xf32, #tpu.memory_space<hbm>>
    %dma_start3A_373 = tpu.memref_squeeze %dma_start3A_372 : memref<1x1x64xf32, #tpu.memory_space<hbm>> -> memref<1x64xf32, #tpu.memory_space<hbm>>
    %dma_start3A_374 = arith.constant 11 : i32
    %dma_start3A_375 = arith.constant 0 : i32
    %dma_start3A_376 = tpu.memref_slice %arg16[%dma_start3A_374, %dma_start3A_375] : memref<32x64xf32, #tpu.memory_space<vmem>> -> memref<1x64xf32, #tpu.memory_space<vmem>>
    %dma_start3A_377 = arith.constant 0 : i32
    %dma_start3A_378 = tpu.memref_slice %arg5[%squeeze3A_365, %squeeze3A_367, %dma_start3A_377] : memref<2x500000x64xf32, #tpu.memory_space<hbm>> -> memref<1x1x64xf32, #tpu.memory_space<hbm>>
    %dma_start3A_379 = tpu.memref_squeeze %dma_start3A_378 : memref<1x1x64xf32, #tpu.memory_space<hbm>> -> memref<1x64xf32, #tpu.memory_space<hbm>>
    tpu.enqueue_dma source(%dma_start3A_379 : memref<1x64xf32, #tpu.memory_space<hbm>>) target(%dma_start3A_376 : memref<1x64xf32, #tpu.memory_space<vmem>>) target_semaphore(%arg19 : memref<!tpu.dma_semaphore, #tpu.memory_space<semaphore_mem>>)
    %slice3A_380 = vector.extract_strided_slice %get3A_12 {offsets = [11], sizes = [1], strides = [1]} : vector<16xi32> to vector<1xi32>
    %squeeze3A_381 = vector.extract %slice3A_380[0] : i32 from vector<1xi32>
    %slice3A_382 = vector.extract_strided_slice %get3A_14 {offsets = [11], sizes = [1], strides = [1]} : vector<16xi32> to vector<1xi32>
    %squeeze3A_383 = vector.extract %slice3A_382[0] : i32 from vector<1xi32>
    %dma_start3A_384 = arith.constant 11 : i32
    %dma_start3A_385 = arith.constant 0 : i32
    %dma_start3A_386 = tpu.memref_slice %arg17[%dma_start3A_384, %dma_start3A_385] : memref<32x64xf32, #tpu.memory_space<vmem>> -> memref<1x64xf32, #tpu.memory_space<vmem>>
    %dma_start3A_387 = arith.constant 0 : i32
    %dma_start3A_388 = tpu.memref_slice %arg5[%squeeze3A_381, %squeeze3A_383, %dma_start3A_387] : memref<2x500000x64xf32, #tpu.memory_space<hbm>> -> memref<1x1x64xf32, #tpu.memory_space<hbm>>
    %dma_start3A_389 = tpu.memref_squeeze %dma_start3A_388 : memref<1x1x64xf32, #tpu.memory_space<hbm>> -> memref<1x64xf32, #tpu.memory_space<hbm>>
    %dma_start3A_390 = arith.constant 11 : i32
    %dma_start3A_391 = arith.constant 0 : i32
    %dma_start3A_392 = tpu.memref_slice %arg17[%dma_start3A_390, %dma_start3A_391] : memref<32x64xf32, #tpu.memory_space<vmem>> -> memref<1x64xf32, #tpu.memory_space<vmem>>
    %dma_start3A_393 = arith.constant 0 : i32
    %dma_start3A_394 = tpu.memref_slice %arg5[%squeeze3A_381, %squeeze3A_383, %dma_start3A_393] : memref<2x500000x64xf32, #tpu.memory_space<hbm>> -> memref<1x1x64xf32, #tpu.memory_space<hbm>>
    %dma_start3A_395 = tpu.memref_squeeze %dma_start3A_394 : memref<1x1x64xf32, #tpu.memory_space<hbm>> -> memref<1x64xf32, #tpu.memory_space<hbm>>
    tpu.enqueue_dma source(%dma_start3A_395 : memref<1x64xf32, #tpu.memory_space<hbm>>) target(%dma_start3A_392 : memref<1x64xf32, #tpu.memory_space<vmem>>) target_semaphore(%arg19 : memref<!tpu.dma_semaphore, #tpu.memory_space<semaphore_mem>>)
    %slice3A_396 = vector.extract_strided_slice %get3A_8 {offsets = [12], sizes = [1], strides = [1]} : vector<16xi32> to vector<1xi32>
    %squeeze3A_397 = vector.extract %slice3A_396[0] : i32 from vector<1xi32>
    %slice3A_398 = vector.extract_strided_slice %get3A_10 {offsets = [12], sizes = [1], strides = [1]} : vector<16xi32> to vector<1xi32>
    %squeeze3A_399 = vector.extract %slice3A_398[0] : i32 from vector<1xi32>
    %dma_start3A_400 = arith.constant 12 : i32
    %dma_start3A_401 = arith.constant 0 : i32
    %dma_start3A_402 = tpu.memref_slice %arg16[%dma_start3A_400, %dma_start3A_401] : memref<32x64xf32, #tpu.memory_space<vmem>> -> memref<1x64xf32, #tpu.memory_space<vmem>>
    %dma_start3A_403 = arith.constant 0 : i32
    %dma_start3A_404 = tpu.memref_slice %arg5[%squeeze3A_397, %squeeze3A_399, %dma_start3A_403] : memref<2x500000x64xf32, #tpu.memory_space<hbm>> -> memref<1x1x64xf32, #tpu.memory_space<hbm>>
    %dma_start3A_405 = tpu.memref_squeeze %dma_start3A_404 : memref<1x1x64xf32, #tpu.memory_space<hbm>> -> memref<1x64xf32, #tpu.memory_space<hbm>>
    %dma_start3A_406 = arith.constant 12 : i32
    %dma_start3A_407 = arith.constant 0 : i32
    %dma_start3A_408 = tpu.memref_slice %arg16[%dma_start3A_406, %dma_start3A_407] : memref<32x64xf32, #tpu.memory_space<vmem>> -> memref<1x64xf32, #tpu.memory_space<vmem>>
    %dma_start3A_409 = arith.constant 0 : i32
    %dma_start3A_410 = tpu.memref_slice %arg5[%squeeze3A_397, %squeeze3A_399, %dma_start3A_409] : memref<2x500000x64xf32, #tpu.memory_space<hbm>> -> memref<1x1x64xf32, #tpu.memory_space<hbm>>
    %dma_start3A_411 = tpu.memref_squeeze %dma_start3A_410 : memref<1x1x64xf32, #tpu.memory_space<hbm>> -> memref<1x64xf32, #tpu.memory_space<hbm>>
    tpu.enqueue_dma source(%dma_start3A_411 : memref<1x64xf32, #tpu.memory_space<hbm>>) target(%dma_start3A_408 : memref<1x64xf32, #tpu.memory_space<vmem>>) target_semaphore(%arg19 : memref<!tpu.dma_semaphore, #tpu.memory_space<semaphore_mem>>)
    %slice3A_412 = vector.extract_strided_slice %get3A_12 {offsets = [12], sizes = [1], strides = [1]} : vector<16xi32> to vector<1xi32>
    %squeeze3A_413 = vector.extract %slice3A_412[0] : i32 from vector<1xi32>
    %slice3A_414 = vector.extract_strided_slice %get3A_14 {offsets = [12], sizes = [1], strides = [1]} : vector<16xi32> to vector<1xi32>
    %squeeze3A_415 = vector.extract %slice3A_414[0] : i32 from vector<1xi32>
    %dma_start3A_416 = arith.constant 12 : i32
    %dma_start3A_417 = arith.constant 0 : i32
    %dma_start3A_418 = tpu.memref_slice %arg17[%dma_start3A_416, %dma_start3A_417] : memref<32x64xf32, #tpu.memory_space<vmem>> -> memref<1x64xf32, #tpu.memory_space<vmem>>
    %dma_start3A_419 = arith.constant 0 : i32
    %dma_start3A_420 = tpu.memref_slice %arg5[%squeeze3A_413, %squeeze3A_415, %dma_start3A_419] : memref<2x500000x64xf32, #tpu.memory_space<hbm>> -> memref<1x1x64xf32, #tpu.memory_space<hbm>>
    %dma_start3A_421 = tpu.memref_squeeze %dma_start3A_420 : memref<1x1x64xf32, #tpu.memory_space<hbm>> -> memref<1x64xf32, #tpu.memory_space<hbm>>
    %dma_start3A_422 = arith.constant 12 : i32
    %dma_start3A_423 = arith.constant 0 : i32
    %dma_start3A_424 = tpu.memref_slice %arg17[%dma_start3A_422, %dma_start3A_423] : memref<32x64xf32, #tpu.memory_space<vmem>> -> memref<1x64xf32, #tpu.memory_space<vmem>>
    %dma_start3A_425 = arith.constant 0 : i32
    %dma_start3A_426 = tpu.memref_slice %arg5[%squeeze3A_413, %squeeze3A_415, %dma_start3A_425] : memref<2x500000x64xf32, #tpu.memory_space<hbm>> -> memref<1x1x64xf32, #tpu.memory_space<hbm>>
    %dma_start3A_427 = tpu.memref_squeeze %dma_start3A_426 : memref<1x1x64xf32, #tpu.memory_space<hbm>> -> memref<1x64xf32, #tpu.memory_space<hbm>>
    tpu.enqueue_dma source(%dma_start3A_427 : memref<1x64xf32, #tpu.memory_space<hbm>>) target(%dma_start3A_424 : memref<1x64xf32, #tpu.memory_space<vmem>>) target_semaphore(%arg19 : memref<!tpu.dma_semaphore, #tpu.memory_space<semaphore_mem>>)
    %slice3A_428 = vector.extract_strided_slice %get3A_8 {offsets = [13], sizes = [1], strides = [1]} : vector<16xi32> to vector<1xi32>
    %squeeze3A_429 = vector.extract %slice3A_428[0] : i32 from vector<1xi32>
    %slice3A_430 = vector.extract_strided_slice %get3A_10 {offsets = [13], sizes = [1], strides = [1]} : vector<16xi32> to vector<1xi32>
    %squeeze3A_431 = vector.extract %slice3A_430[0] : i32 from vector<1xi32>
    %dma_start3A_432 = arith.constant 13 : i32
    %dma_start3A_433 = arith.constant 0 : i32
    %dma_start3A_434 = tpu.memref_slice %arg16[%dma_start3A_432, %dma_start3A_433] : memref<32x64xf32, #tpu.memory_space<vmem>> -> memref<1x64xf32, #tpu.memory_space<vmem>>
    %dma_start3A_435 = arith.constant 0 : i32
    %dma_start3A_436 = tpu.memref_slice %arg5[%squeeze3A_429, %squeeze3A_431, %dma_start3A_435] : memref<2x500000x64xf32, #tpu.memory_space<hbm>> -> memref<1x1x64xf32, #tpu.memory_space<hbm>>
    %dma_start3A_437 = tpu.memref_squeeze %dma_start3A_436 : memref<1x1x64xf32, #tpu.memory_space<hbm>> -> memref<1x64xf32, #tpu.memory_space<hbm>>
    %dma_start3A_438 = arith.constant 13 : i32
    %dma_start3A_439 = arith.constant 0 : i32
    %dma_start3A_440 = tpu.memref_slice %arg16[%dma_start3A_438, %dma_start3A_439] : memref<32x64xf32, #tpu.memory_space<vmem>> -> memref<1x64xf32, #tpu.memory_space<vmem>>
    %dma_start3A_441 = arith.constant 0 : i32
    %dma_start3A_442 = tpu.memref_slice %arg5[%squeeze3A_429, %squeeze3A_431, %dma_start3A_441] : memref<2x500000x64xf32, #tpu.memory_space<hbm>> -> memref<1x1x64xf32, #tpu.memory_space<hbm>>
    %dma_start3A_443 = tpu.memref_squeeze %dma_start3A_442 : memref<1x1x64xf32, #tpu.memory_space<hbm>> -> memref<1x64xf32, #tpu.memory_space<hbm>>
    tpu.enqueue_dma source(%dma_start3A_443 : memref<1x64xf32, #tpu.memory_space<hbm>>) target(%dma_start3A_440 : memref<1x64xf32, #tpu.memory_space<vmem>>) target_semaphore(%arg19 : memref<!tpu.dma_semaphore, #tpu.memory_space<semaphore_mem>>)
    %slice3A_444 = vector.extract_strided_slice %get3A_12 {offsets = [13], sizes = [1], strides = [1]} : vector<16xi32> to vector<1xi32>
    %squeeze3A_445 = vector.extract %slice3A_444[0] : i32 from vector<1xi32>
    %slice3A_446 = vector.extract_strided_slice %get3A_14 {offsets = [13], sizes = [1], strides = [1]} : vector<16xi32> to vector<1xi32>
    %squeeze3A_447 = vector.extract %slice3A_446[0] : i32 from vector<1xi32>
    %dma_start3A_448 = arith.constant 13 : i32
    %dma_start3A_449 = arith.constant 0 : i32
    %dma_start3A_450 = tpu.memref_slice %arg17[%dma_start3A_448, %dma_start3A_449] : memref<32x64xf32, #tpu.memory_space<vmem>> -> memref<1x64xf32, #tpu.memory_space<vmem>>
    %dma_start3A_451 = arith.constant 0 : i32
    %dma_start3A_452 = tpu.memref_slice %arg5[%squeeze3A_445, %squeeze3A_447, %dma_start3A_451] : memref<2x500000x64xf32, #tpu.memory_space<hbm>> -> memref<1x1x64xf32, #tpu.memory_space<hbm>>
    %dma_start3A_453 = tpu.memref_squeeze %dma_start3A_452 : memref<1x1x64xf32, #tpu.memory_space<hbm>> -> memref<1x64xf32, #tpu.memory_space<hbm>>
    %dma_start3A_454 = arith.constant 13 : i32
    %dma_start3A_455 = arith.constant 0 : i32
    %dma_start3A_456 = tpu.memref_slice %arg17[%dma_start3A_454, %dma_start3A_455] : memref<32x64xf32, #tpu.memory_space<vmem>> -> memref<1x64xf32, #tpu.memory_space<vmem>>
    %dma_start3A_457 = arith.constant 0 : i32
    %dma_start3A_458 = tpu.memref_slice %arg5[%squeeze3A_445, %squeeze3A_447, %dma_start3A_457] : memref<2x500000x64xf32, #tpu.memory_space<hbm>> -> memref<1x1x64xf32, #tpu.memory_space<hbm>>
    %dma_start3A_459 = tpu.memref_squeeze %dma_start3A_458 : memref<1x1x64xf32, #tpu.memory_space<hbm>> -> memref<1x64xf32, #tpu.memory_space<hbm>>
    tpu.enqueue_dma source(%dma_start3A_459 : memref<1x64xf32, #tpu.memory_space<hbm>>) target(%dma_start3A_456 : memref<1x64xf32, #tpu.memory_space<vmem>>) target_semaphore(%arg19 : memref<!tpu.dma_semaphore, #tpu.memory_space<semaphore_mem>>)
    %slice3A_460 = vector.extract_strided_slice %get3A_8 {offsets = [14], sizes = [1], strides = [1]} : vector<16xi32> to vector<1xi32>
    %squeeze3A_461 = vector.extract %slice3A_460[0] : i32 from vector<1xi32>
    %slice3A_462 = vector.extract_strided_slice %get3A_10 {offsets = [14], sizes = [1], strides = [1]} : vector<16xi32> to vector<1xi32>
    %squeeze3A_463 = vector.extract %slice3A_462[0] : i32 from vector<1xi32>
    %dma_start3A_464 = arith.constant 14 : i32
    %dma_start3A_465 = arith.constant 0 : i32
    %dma_start3A_466 = tpu.memref_slice %arg16[%dma_start3A_464, %dma_start3A_465] : memref<32x64xf32, #tpu.memory_space<vmem>> -> memref<1x64xf32, #tpu.memory_space<vmem>>
    %dma_start3A_467 = arith.constant 0 : i32
    %dma_start3A_468 = tpu.memref_slice %arg5[%squeeze3A_461, %squeeze3A_463, %dma_start3A_467] : memref<2x500000x64xf32, #tpu.memory_space<hbm>> -> memref<1x1x64xf32, #tpu.memory_space<hbm>>
    %dma_start3A_469 = tpu.memref_squeeze %dma_start3A_468 : memref<1x1x64xf32, #tpu.memory_space<hbm>> -> memref<1x64xf32, #tpu.memory_space<hbm>>
    %dma_start3A_470 = arith.constant 14 : i32
    %dma_start3A_471 = arith.constant 0 : i32
    %dma_start3A_472 = tpu.memref_slice %arg16[%dma_start3A_470, %dma_start3A_471] : memref<32x64xf32, #tpu.memory_space<vmem>> -> memref<1x64xf32, #tpu.memory_space<vmem>>
    %dma_start3A_473 = arith.constant 0 : i32
    %dma_start3A_474 = tpu.memref_slice %arg5[%squeeze3A_461, %squeeze3A_463, %dma_start3A_473] : memref<2x500000x64xf32, #tpu.memory_space<hbm>> -> memref<1x1x64xf32, #tpu.memory_space<hbm>>
    %dma_start3A_475 = tpu.memref_squeeze %dma_start3A_474 : memref<1x1x64xf32, #tpu.memory_space<hbm>> -> memref<1x64xf32, #tpu.memory_space<hbm>>
    tpu.enqueue_dma source(%dma_start3A_475 : memref<1x64xf32, #tpu.memory_space<hbm>>) target(%dma_start3A_472 : memref<1x64xf32, #tpu.memory_space<vmem>>) target_semaphore(%arg19 : memref<!tpu.dma_semaphore, #tpu.memory_space<semaphore_mem>>)
    %slice3A_476 = vector.extract_strided_slice %get3A_12 {offsets = [14], sizes = [1], strides = [1]} : vector<16xi32> to vector<1xi32>
    %squeeze3A_477 = vector.extract %slice3A_476[0] : i32 from vector<1xi32>
    %slice3A_478 = vector.extract_strided_slice %get3A_14 {offsets = [14], sizes = [1], strides = [1]} : vector<16xi32> to vector<1xi32>
    %squeeze3A_479 = vector.extract %slice3A_478[0] : i32 from vector<1xi32>
    %dma_start3A_480 = arith.constant 14 : i32
    %dma_start3A_481 = arith.constant 0 : i32
    %dma_start3A_482 = tpu.memref_slice %arg17[%dma_start3A_480, %dma_start3A_481] : memref<32x64xf32, #tpu.memory_space<vmem>> -> memref<1x64xf32, #tpu.memory_space<vmem>>
    %dma_start3A_483 = arith.constant 0 : i32
    %dma_start3A_484 = tpu.memref_slice %arg5[%squeeze3A_477, %squeeze3A_479, %dma_start3A_483] : memref<2x500000x64xf32, #tpu.memory_space<hbm>> -> memref<1x1x64xf32, #tpu.memory_space<hbm>>
    %dma_start3A_485 = tpu.memref_squeeze %dma_start3A_484 : memref<1x1x64xf32, #tpu.memory_space<hbm>> -> memref<1x64xf32, #tpu.memory_space<hbm>>
    %dma_start3A_486 = arith.constant 14 : i32
    %dma_start3A_487 = arith.constant 0 : i32
    %dma_start3A_488 = tpu.memref_slice %arg17[%dma_start3A_486, %dma_start3A_487] : memref<32x64xf32, #tpu.memory_space<vmem>> -> memref<1x64xf32, #tpu.memory_space<vmem>>
    %dma_start3A_489 = arith.constant 0 : i32
    %dma_start3A_490 = tpu.memref_slice %arg5[%squeeze3A_477, %squeeze3A_479, %dma_start3A_489] : memref<2x500000x64xf32, #tpu.memory_space<hbm>> -> memref<1x1x64xf32, #tpu.memory_space<hbm>>
    %dma_start3A_491 = tpu.memref_squeeze %dma_start3A_490 : memref<1x1x64xf32, #tpu.memory_space<hbm>> -> memref<1x64xf32, #tpu.memory_space<hbm>>
    tpu.enqueue_dma source(%dma_start3A_491 : memref<1x64xf32, #tpu.memory_space<hbm>>) target(%dma_start3A_488 : memref<1x64xf32, #tpu.memory_space<vmem>>) target_semaphore(%arg19 : memref<!tpu.dma_semaphore, #tpu.memory_space<semaphore_mem>>)
    %slice3A_492 = vector.extract_strided_slice %get3A_8 {offsets = [15], sizes = [1], strides = [1]} : vector<16xi32> to vector<1xi32>
    %squeeze3A_493 = vector.extract %slice3A_492[0] : i32 from vector<1xi32>
    %slice3A_494 = vector.extract_strided_slice %get3A_10 {offsets = [15], sizes = [1], strides = [1]} : vector<16xi32> to vector<1xi32>
    %squeeze3A_495 = vector.extract %slice3A_494[0] : i32 from vector<1xi32>
    %dma_start3A_496 = arith.constant 15 : i32
    %dma_start3A_497 = arith.constant 0 : i32
    %dma_start3A_498 = tpu.memref_slice %arg16[%dma_start3A_496, %dma_start3A_497] : memref<32x64xf32, #tpu.memory_space<vmem>> -> memref<1x64xf32, #tpu.memory_space<vmem>>
    %dma_start3A_499 = arith.constant 0 : i32
    %dma_start3A_500 = tpu.memref_slice %arg5[%squeeze3A_493, %squeeze3A_495, %dma_start3A_499] : memref<2x500000x64xf32, #tpu.memory_space<hbm>> -> memref<1x1x64xf32, #tpu.memory_space<hbm>>
    %dma_start3A_501 = tpu.memref_squeeze %dma_start3A_500 : memref<1x1x64xf32, #tpu.memory_space<hbm>> -> memref<1x64xf32, #tpu.memory_space<hbm>>
    %dma_start3A_502 = arith.constant 15 : i32
    %dma_start3A_503 = arith.constant 0 : i32
    %dma_start3A_504 = tpu.memref_slice %arg16[%dma_start3A_502, %dma_start3A_503] : memref<32x64xf32, #tpu.memory_space<vmem>> -> memref<1x64xf32, #tpu.memory_space<vmem>>
    %dma_start3A_505 = arith.constant 0 : i32
    %dma_start3A_506 = tpu.memref_slice %arg5[%squeeze3A_493, %squeeze3A_495, %dma_start3A_505] : memref<2x500000x64xf32, #tpu.memory_space<hbm>> -> memref<1x1x64xf32, #tpu.memory_space<hbm>>
    %dma_start3A_507 = tpu.memref_squeeze %dma_start3A_506 : memref<1x1x64xf32, #tpu.memory_space<hbm>> -> memref<1x64xf32, #tpu.memory_space<hbm>>
    tpu.enqueue_dma source(%dma_start3A_507 : memref<1x64xf32, #tpu.memory_space<hbm>>) target(%dma_start3A_504 : memref<1x64xf32, #tpu.memory_space<vmem>>) target_semaphore(%arg19 : memref<!tpu.dma_semaphore, #tpu.memory_space<semaphore_mem>>)
    %slice3A_508 = vector.extract_strided_slice %get3A_12 {offsets = [15], sizes = [1], strides = [1]} : vector<16xi32> to vector<1xi32>
    %squeeze3A_509 = vector.extract %slice3A_508[0] : i32 from vector<1xi32>
    %slice3A_510 = vector.extract_strided_slice %get3A_14 {offsets = [15], sizes = [1], strides = [1]} : vector<16xi32> to vector<1xi32>
    %squeeze3A_511 = vector.extract %slice3A_510[0] : i32 from vector<1xi32>
    %dma_start3A_512 = arith.constant 15 : i32
    %dma_start3A_513 = arith.constant 0 : i32
    %dma_start3A_514 = tpu.memref_slice %arg17[%dma_start3A_512, %dma_start3A_513] : memref<32x64xf32, #tpu.memory_space<vmem>> -> memref<1x64xf32, #tpu.memory_space<vmem>>
    %dma_start3A_515 = arith.constant 0 : i32
    %dma_start3A_516 = tpu.memref_slice %arg5[%squeeze3A_509, %squeeze3A_511, %dma_start3A_515] : memref<2x500000x64xf32, #tpu.memory_space<hbm>> -> memref<1x1x64xf32, #tpu.memory_space<hbm>>
    %dma_start3A_517 = tpu.memref_squeeze %dma_start3A_516 : memref<1x1x64xf32, #tpu.memory_space<hbm>> -> memref<1x64xf32, #tpu.memory_space<hbm>>
    %dma_start3A_518 = arith.constant 15 : i32
    %dma_start3A_519 = arith.constant 0 : i32
    %dma_start3A_520 = tpu.memref_slice %arg17[%dma_start3A_518, %dma_start3A_519] : memref<32x64xf32, #tpu.memory_space<vmem>> -> memref<1x64xf32, #tpu.memory_space<vmem>>
    %dma_start3A_521 = arith.constant 0 : i32
    %dma_start3A_522 = tpu.memref_slice %arg5[%squeeze3A_509, %squeeze3A_511, %dma_start3A_521] : memref<2x500000x64xf32, #tpu.memory_space<hbm>> -> memref<1x1x64xf32, #tpu.memory_space<hbm>>
    %dma_start3A_523 = tpu.memref_squeeze %dma_start3A_522 : memref<1x1x64xf32, #tpu.memory_space<hbm>> -> memref<1x64xf32, #tpu.memory_space<hbm>>
    tpu.enqueue_dma source(%dma_start3A_523 : memref<1x64xf32, #tpu.memory_space<hbm>>) target(%dma_start3A_520 : memref<1x64xf32, #tpu.memory_space<vmem>>) target_semaphore(%arg19 : memref<!tpu.dma_semaphore, #tpu.memory_space<semaphore_mem>>)
    %scan3A_524 = arith.constant 0 : i32
    %scan3A_525 = arith.constant 0 : i32
    %scan3A_526 = arith.constant 16 : i32
    %scan3A_527 = arith.addi %scan3A_525, %scan3A_526 : i32
    %scan3A_528 = arith.constant 1 : i32
    scf.for %scan3A_530 = %scan3A_525 to %scan3A_527 step %scan3A_528  : i32 {
      %mul3A_531 = arith.constant 2 : i32
      %mul3A_532 = arith.muli %scan3A_530, %mul3A_531 : i32
      %add3A_533 = arith.constant 1 : i32
      %add3A_534 = arith.addi %mul3A_532, %add3A_533 : i32
      %mul3A_535 = arith.constant 16 : i32
      %mul3A_536 = arith.muli %add3A_534, %mul3A_535 : i32
      %get3A_537 = arith.index_cast %mul3A_536 : i32 to index
      %get3A_538 = tpu.vector_load %arg11[%get3A_537] {strides = array<i32>} : memref<512xi32, #tpu.memory_space<vmem>>, vector<16xi32>,
      %mul3A_539 = arith.constant 16 : i32
      %mul3A_540 = arith.muli %add3A_534, %mul3A_539 : i32
      %get3A_541 = arith.index_cast %mul3A_540 : i32 to index
      %get3A_542 = tpu.vector_load %arg12[%get3A_541] {strides = array<i32>} : memref<512xi32, #tpu.memory_space<vmem>>, vector<16xi32>,
      %mul3A_543 = arith.constant 16 : i32
      %mul3A_544 = arith.muli %add3A_534, %mul3A_543 : i32
      %get3A_545 = arith.index_cast %mul3A_544 : i32 to index
      %get3A_546 = tpu.vector_load %arg13[%get3A_545] {strides = array<i32>} : memref<512xi32, #tpu.memory_space<vmem>>, vector<16xi32>,
      %mul3A_547 = arith.constant 16 : i32
      %mul3A_548 = arith.muli %add3A_534, %mul3A_547 : i32
      %get3A_549 = arith.index_cast %mul3A_548 : i32 to index
      %get3A_550 = tpu.vector_load %arg14[%get3A_549] {strides = array<i32>} : memref<512xi32, #tpu.memory_space<vmem>>, vector<16xi32>,
      %slice3A_551 = vector.extract_strided_slice %get3A_538 {offsets = [0], sizes = [1], strides = [1]} : vector<16xi32> to vector<1xi32>
      %squeeze3A_552 = vector.extract %slice3A_551[0] : i32 from vector<1xi32>
      %slice3A_553 = vector.extract_strided_slice %get3A_542 {offsets = [0], sizes = [1], strides = [1]} : vector<16xi32> to vector<1xi32>
      %squeeze3A_554 = vector.extract %slice3A_553[0] : i32 from vector<1xi32>
      %dma_start3A_555 = arith.constant 16 : i32
      %dma_start3A_556 = arith.constant 0 : i32
      %dma_start3A_557 = tpu.memref_slice %arg16[%dma_start3A_555, %dma_start3A_556] : memref<32x64xf32, #tpu.memory_space<vmem>> -> memref<1x64xf32, #tpu.memory_space<vmem>>
      %dma_start3A_558 = arith.constant 0 : i32
      %dma_start3A_559 = tpu.memref_slice %arg5[%squeeze3A_552, %squeeze3A_554, %dma_start3A_558] : memref<2x500000x64xf32, #tpu.memory_space<hbm>> -> memref<1x1x64xf32, #tpu.memory_space<hbm>>
      %dma_start3A_560 = tpu.memref_squeeze %dma_start3A_559 : memref<1x1x64xf32, #tpu.memory_space<hbm>> -> memref<1x64xf32, #tpu.memory_space<hbm>>
      %dma_start3A_561 = arith.constant 16 : i32
      %dma_start3A_562 = arith.constant 0 : i32
      %dma_start3A_563 = tpu.memref_slice %arg16[%dma_start3A_561, %dma_start3A_562] : memref<32x64xf32, #tpu.memory_space<vmem>> -> memref<1x64xf32, #tpu.memory_space<vmem>>
      %dma_start3A_564 = arith.constant 0 : i32
      %dma_start3A_565 = tpu.memref_slice %arg5[%squeeze3A_552, %squeeze3A_554, %dma_start3A_564] : memref<2x500000x64xf32, #tpu.memory_space<hbm>> -> memref<1x1x64xf32, #tpu.memory_space<hbm>>
      %dma_start3A_566 = tpu.memref_squeeze %dma_start3A_565 : memref<1x1x64xf32, #tpu.memory_space<hbm>> -> memref<1x64xf32, #tpu.memory_space<hbm>>
      tpu.enqueue_dma source(%dma_start3A_566 : memref<1x64xf32, #tpu.memory_space<hbm>>) target(%dma_start3A_563 : memref<1x64xf32, #tpu.memory_space<vmem>>) target_semaphore(%arg20 : memref<!tpu.dma_semaphore, #tpu.memory_space<semaphore_mem>>)
      %slice3A_567 = vector.extract_strided_slice %get3A_546 {offsets = [0], sizes = [1], strides = [1]} : vector<16xi32> to vector<1xi32>
      %squeeze3A_568 = vector.extract %slice3A_567[0] : i32 from vector<1xi32>
      %slice3A_569 = vector.extract_strided_slice %get3A_550 {offsets = [0], sizes = [1], strides = [1]} : vector<16xi32> to vector<1xi32>
      %squeeze3A_570 = vector.extract %slice3A_569[0] : i32 from vector<1xi32>
      %dma_start3A_571 = arith.constant 16 : i32
      %dma_start3A_572 = arith.constant 0 : i32
      %dma_start3A_573 = tpu.memref_slice %arg17[%dma_start3A_571, %dma_start3A_572] : memref<32x64xf32, #tpu.memory_space<vmem>> -> memref<1x64xf32, #tpu.memory_space<vmem>>
      %dma_start3A_574 = arith.constant 0 : i32
      %dma_start3A_575 = tpu.memref_slice %arg5[%squeeze3A_568, %squeeze3A_570, %dma_start3A_574] : memref<2x500000x64xf32, #tpu.memory_space<hbm>> -> memref<1x1x64xf32, #tpu.memory_space<hbm>>
      %dma_start3A_576 = tpu.memref_squeeze %dma_start3A_575 : memref<1x1x64xf32, #tpu.memory_space<hbm>> -> memref<1x64xf32, #tpu.memory_space<hbm>>
      %dma_start3A_577 = arith.constant 16 : i32
      %dma_start3A_578 = arith.constant 0 : i32
      %dma_start3A_579 = tpu.memref_slice %arg17[%dma_start3A_577, %dma_start3A_578] : memref<32x64xf32, #tpu.memory_space<vmem>> -> memref<1x64xf32, #tpu.memory_space<vmem>>
      %dma_start3A_580 = arith.constant 0 : i32
      %dma_start3A_581 = tpu.memref_slice %arg5[%squeeze3A_568, %squeeze3A_570, %dma_start3A_580] : memref<2x500000x64xf32, #tpu.memory_space<hbm>> -> memref<1x1x64xf32, #tpu.memory_space<hbm>>
      %dma_start3A_582 = tpu.memref_squeeze %dma_start3A_581 : memref<1x1x64xf32, #tpu.memory_space<hbm>> -> memref<1x64xf32, #tpu.memory_space<hbm>>
      tpu.enqueue_dma source(%dma_start3A_582 : memref<1x64xf32, #tpu.memory_space<hbm>>) target(%dma_start3A_579 : memref<1x64xf32, #tpu.memory_space<vmem>>) target_semaphore(%arg20 : memref<!tpu.dma_semaphore, #tpu.memory_space<semaphore_mem>>)
      %slice3A_583 = vector.extract_strided_slice %get3A_538 {offsets = [1], sizes = [1], strides = [1]} : vector<16xi32> to vector<1xi32>
      %squeeze3A_584 = vector.extract %slice3A_583[0] : i32 from vector<1xi32>
      %slice3A_585 = vector.extract_strided_slice %get3A_542 {offsets = [1], sizes = [1], strides = [1]} : vector<16xi32> to vector<1xi32>
      %squeeze3A_586 = vector.extract %slice3A_585[0] : i32 from vector<1xi32>
      %dma_start3A_587 = arith.constant 17 : i32
      %dma_start3A_588 = arith.constant 0 : i32
      %dma_start3A_589 = tpu.memref_slice %arg16[%dma_start3A_587, %dma_start3A_588] : memref<32x64xf32, #tpu.memory_space<vmem>> -> memref<1x64xf32, #tpu.memory_space<vmem>>
      %dma_start3A_590 = arith.constant 0 : i32
      %dma_start3A_591 = tpu.memref_slice %arg5[%squeeze3A_584, %squeeze3A_586, %dma_start3A_590] : memref<2x500000x64xf32, #tpu.memory_space<hbm>> -> memref<1x1x64xf32, #tpu.memory_space<hbm>>
      %dma_start3A_592 = tpu.memref_squeeze %dma_start3A_591 : memref<1x1x64xf32, #tpu.memory_space<hbm>> -> memref<1x64xf32, #tpu.memory_space<hbm>>
      %dma_start3A_593 = arith.constant 17 : i32
      %dma_start3A_594 = arith.constant 0 : i32
      %dma_start3A_595 = tpu.memref_slice %arg16[%dma_start3A_593, %dma_start3A_594] : memref<32x64xf32, #tpu.memory_space<vmem>> -> memref<1x64xf32, #tpu.memory_space<vmem>>
      %dma_start3A_596 = arith.constant 0 : i32
      %dma_start3A_597 = tpu.memref_slice %arg5[%squeeze3A_584, %squeeze3A_586, %dma_start3A_596] : memref<2x500000x64xf32, #tpu.memory_space<hbm>> -> memref<1x1x64xf32, #tpu.memory_space<hbm>>
      %dma_start3A_598 = tpu.memref_squeeze %dma_start3A_597 : memref<1x1x64xf32, #tpu.memory_space<hbm>> -> memref<1x64xf32, #tpu.memory_space<hbm>>
      tpu.enqueue_dma source(%dma_start3A_598 : memref<1x64xf32, #tpu.memory_space<hbm>>) target(%dma_start3A_595 : memref<1x64xf32, #tpu.memory_space<vmem>>) target_semaphore(%arg20 : memref<!tpu.dma_semaphore, #tpu.memory_space<semaphore_mem>>)
      %slice3A_599 = vector.extract_strided_slice %get3A_546 {offsets = [1], sizes = [1], strides = [1]} : vector<16xi32> to vector<1xi32>
      %squeeze3A_600 = vector.extract %slice3A_599[0] : i32 from vector<1xi32>
      %slice3A_601 = vector.extract_strided_slice %get3A_550 {offsets = [1], sizes = [1], strides = [1]} : vector<16xi32> to vector<1xi32>
      %squeeze3A_602 = vector.extract %slice3A_601[0] : i32 from vector<1xi32>
      %dma_start3A_603 = arith.constant 17 : i32
      %dma_start3A_604 = arith.constant 0 : i32
      %dma_start3A_605 = tpu.memref_slice %arg17[%dma_start3A_603, %dma_start3A_604] : memref<32x64xf32, #tpu.memory_space<vmem>> -> memref<1x64xf32, #tpu.memory_space<vmem>>
      %dma_start3A_606 = arith.constant 0 : i32
      %dma_start3A_607 = tpu.memref_slice %arg5[%squeeze3A_600, %squeeze3A_602, %dma_start3A_606] : memref<2x500000x64xf32, #tpu.memory_space<hbm>> -> memref<1x1x64xf32, #tpu.memory_space<hbm>>
      %dma_start3A_608 = tpu.memref_squeeze %dma_start3A_607 : memref<1x1x64xf32, #tpu.memory_space<hbm>> -> memref<1x64xf32, #tpu.memory_space<hbm>>
      %dma_start3A_609 = arith.constant 17 : i32
      %dma_start3A_610 = arith.constant 0 : i32
      %dma_start3A_611 = tpu.memref_slice %arg17[%dma_start3A_609, %dma_start3A_610] : memref<32x64xf32, #tpu.memory_space<vmem>> -> memref<1x64xf32, #tpu.memory_space<vmem>>
      %dma_start3A_612 = arith.constant 0 : i32
      %dma_start3A_613 = tpu.memref_slice %arg5[%squeeze3A_600, %squeeze3A_602, %dma_start3A_612] : memref<2x500000x64xf32, #tpu.memory_space<hbm>> -> memref<1x1x64xf32, #tpu.memory_space<hbm>>
      %dma_start3A_614 = tpu.memref_squeeze %dma_start3A_613 : memref<1x1x64xf32, #tpu.memory_space<hbm>> -> memref<1x64xf32, #tpu.memory_space<hbm>>
      tpu.enqueue_dma source(%dma_start3A_614 : memref<1x64xf32, #tpu.memory_space<hbm>>) target(%dma_start3A_611 : memref<1x64xf32, #tpu.memory_space<vmem>>) target_semaphore(%arg20 : memref<!tpu.dma_semaphore, #tpu.memory_space<semaphore_mem>>)
      %slice3A_615 = vector.extract_strided_slice %get3A_538 {offsets = [2], sizes = [1], strides = [1]} : vector<16xi32> to vector<1xi32>
      %squeeze3A_616 = vector.extract %slice3A_615[0] : i32 from vector<1xi32>
      %slice3A_617 = vector.extract_strided_slice %get3A_542 {offsets = [2], sizes = [1], strides = [1]} : vector<16xi32> to vector<1xi32>
      %squeeze3A_618 = vector.extract %slice3A_617[0] : i32 from vector<1xi32>
      %dma_start3A_619 = arith.constant 18 : i32
      %dma_start3A_620 = arith.constant 0 : i32
      %dma_start3A_621 = tpu.memref_slice %arg16[%dma_start3A_619, %dma_start3A_620] : memref<32x64xf32, #tpu.memory_space<vmem>> -> memref<1x64xf32, #tpu.memory_space<vmem>>
      %dma_start3A_622 = arith.constant 0 : i32
      %dma_start3A_623 = tpu.memref_slice %arg5[%squeeze3A_616, %squeeze3A_618, %dma_start3A_622] : memref<2x500000x64xf32, #tpu.memory_space<hbm>> -> memref<1x1x64xf32, #tpu.memory_space<hbm>>
      %dma_start3A_624 = tpu.memref_squeeze %dma_start3A_623 : memref<1x1x64xf32, #tpu.memory_space<hbm>> -> memref<1x64xf32, #tpu.memory_space<hbm>>
      %dma_start3A_625 = arith.constant 18 : i32
      %dma_start3A_626 = arith.constant 0 : i32
      %dma_start3A_627 = tpu.memref_slice %arg16[%dma_start3A_625, %dma_start3A_626] : memref<32x64xf32, #tpu.memory_space<vmem>> -> memref<1x64xf32, #tpu.memory_space<vmem>>
      %dma_start3A_628 = arith.constant 0 : i32
      %dma_start3A_629 = tpu.memref_slice %arg5[%squeeze3A_616, %squeeze3A_618, %dma_start3A_628] : memref<2x500000x64xf32, #tpu.memory_space<hbm>> -> memref<1x1x64xf32, #tpu.memory_space<hbm>>
      %dma_start3A_630 = tpu.memref_squeeze %dma_start3A_629 : memref<1x1x64xf32, #tpu.memory_space<hbm>> -> memref<1x64xf32, #tpu.memory_space<hbm>>
      tpu.enqueue_dma source(%dma_start3A_630 : memref<1x64xf32, #tpu.memory_space<hbm>>) target(%dma_start3A_627 : memref<1x64xf32, #tpu.memory_space<vmem>>) target_semaphore(%arg20 : memref<!tpu.dma_semaphore, #tpu.memory_space<semaphore_mem>>)
      %slice3A_631 = vector.extract_strided_slice %get3A_546 {offsets = [2], sizes = [1], strides = [1]} : vector<16xi32> to vector<1xi32>
      %squeeze3A_632 = vector.extract %slice3A_631[0] : i32 from vector<1xi32>
      %slice3A_633 = vector.extract_strided_slice %get3A_550 {offsets = [2], sizes = [1], strides = [1]} : vector<16xi32> to vector<1xi32>
      %squeeze3A_634 = vector.extract %slice3A_633[0] : i32 from vector<1xi32>
      %dma_start3A_635 = arith.constant 18 : i32
      %dma_start3A_636 = arith.constant 0 : i32
      %dma_start3A_637 = tpu.memref_slice %arg17[%dma_start3A_635, %dma_start3A_636] : memref<32x64xf32, #tpu.memory_space<vmem>> -> memref<1x64xf32, #tpu.memory_space<vmem>>
      %dma_start3A_638 = arith.constant 0 : i32
      %dma_start3A_639 = tpu.memref_slice %arg5[%squeeze3A_632, %squeeze3A_634, %dma_start3A_638] : memref<2x500000x64xf32, #tpu.memory_space<hbm>> -> memref<1x1x64xf32, #tpu.memory_space<hbm>>
      %dma_start3A_640 = tpu.memref_squeeze %dma_start3A_639 : memref<1x1x64xf32, #tpu.memory_space<hbm>> -> memref<1x64xf32, #tpu.memory_space<hbm>>
      %dma_start3A_641 = arith.constant 18 : i32
      %dma_start3A_642 = arith.constant 0 : i32
      %dma_start3A_643 = tpu.memref_slice %arg17[%dma_start3A_641, %dma_start3A_642] : memref<32x64xf32, #tpu.memory_space<vmem>> -> memref<1x64xf32, #tpu.memory_space<vmem>>
      %dma_start3A_644 = arith.constant 0 : i32
      %dma_start3A_645 = tpu.memref_slice %arg5[%squeeze3A_632, %squeeze3A_634, %dma_start3A_644] : memref<2x500000x64xf32, #tpu.memory_space<hbm>> -> memref<1x1x64xf32, #tpu.memory_space<hbm>>
      %dma_start3A_646 = tpu.memref_squeeze %dma_start3A_645 : memref<1x1x64xf32, #tpu.memory_space<hbm>> -> memref<1x64xf32, #tpu.memory_space<hbm>>
      tpu.enqueue_dma source(%dma_start3A_646 : memref<1x64xf32, #tpu.memory_space<hbm>>) target(%dma_start3A_643 : memref<1x64xf32, #tpu.memory_space<vmem>>) target_semaphore(%arg20 : memref<!tpu.dma_semaphore, #tpu.memory_space<semaphore_mem>>)
      %slice3A_647 = vector.extract_strided_slice %get3A_538 {offsets = [3], sizes = [1], strides = [1]} : vector<16xi32> to vector<1xi32>
      %squeeze3A_648 = vector.extract %slice3A_647[0] : i32 from vector<1xi32>
      %slice3A_649 = vector.extract_strided_slice %get3A_542 {offsets = [3], sizes = [1], strides = [1]} : vector<16xi32> to vector<1xi32>
      %squeeze3A_650 = vector.extract %slice3A_649[0] : i32 from vector<1xi32>
      %dma_start3A_651 = arith.constant 19 : i32
      %dma_start3A_652 = arith.constant 0 : i32
      %dma_start3A_653 = tpu.memref_slice %arg16[%dma_start3A_651, %dma_start3A_652] : memref<32x64xf32, #tpu.memory_space<vmem>> -> memref<1x64xf32, #tpu.memory_space<vmem>>
      %dma_start3A_654 = arith.constant 0 : i32
      %dma_start3A_655 = tpu.memref_slice %arg5[%squeeze3A_648, %squeeze3A_650, %dma_start3A_654] : memref<2x500000x64xf32, #tpu.memory_space<hbm>> -> memref<1x1x64xf32, #tpu.memory_space<hbm>>
      %dma_start3A_656 = tpu.memref_squeeze %dma_start3A_655 : memref<1x1x64xf32, #tpu.memory_space<hbm>> -> memref<1x64xf32, #tpu.memory_space<hbm>>
      %dma_start3A_657 = arith.constant 19 : i32
      %dma_start3A_658 = arith.constant 0 : i32
      %dma_start3A_659 = tpu.memref_slice %arg16[%dma_start3A_657, %dma_start3A_658] : memref<32x64xf32, #tpu.memory_space<vmem>> -> memref<1x64xf32, #tpu.memory_space<vmem>>
      %dma_start3A_660 = arith.constant 0 : i32
      %dma_start3A_661 = tpu.memref_slice %arg5[%squeeze3A_648, %squeeze3A_650, %dma_start3A_660] : memref<2x500000x64xf32, #tpu.memory_space<hbm>> -> memref<1x1x64xf32, #tpu.memory_space<hbm>>
      %dma_start3A_662 = tpu.memref_squeeze %dma_start3A_661 : memref<1x1x64xf32, #tpu.memory_space<hbm>> -> memref<1x64xf32, #tpu.memory_space<hbm>>
      tpu.enqueue_dma source(%dma_start3A_662 : memref<1x64xf32, #tpu.memory_space<hbm>>) target(%dma_start3A_659 : memref<1x64xf32, #tpu.memory_space<vmem>>) target_semaphore(%arg20 : memref<!tpu.dma_semaphore, #tpu.memory_space<semaphore_mem>>)
      %slice3A_663 = vector.extract_strided_slice %get3A_546 {offsets = [3], sizes = [1], strides = [1]} : vector<16xi32> to vector<1xi32>
      %squeeze3A_664 = vector.extract %slice3A_663[0] : i32 from vector<1xi32>
      %slice3A_665 = vector.extract_strided_slice %get3A_550 {offsets = [3], sizes = [1], strides = [1]} : vector<16xi32> to vector<1xi32>
      %squeeze3A_666 = vector.extract %slice3A_665[0] : i32 from vector<1xi32>
      %dma_start3A_667 = arith.constant 19 : i32
      %dma_start3A_668 = arith.constant 0 : i32
      %dma_start3A_669 = tpu.memref_slice %arg17[%dma_start3A_667, %dma_start3A_668] : memref<32x64xf32, #tpu.memory_space<vmem>> -> memref<1x64xf32, #tpu.memory_space<vmem>>
      %dma_start3A_670 = arith.constant 0 : i32
      %dma_start3A_671 = tpu.memref_slice %arg5[%squeeze3A_664, %squeeze3A_666, %dma_start3A_670] : memref<2x500000x64xf32, #tpu.memory_space<hbm>> -> memref<1x1x64xf32, #tpu.memory_space<hbm>>
      %dma_start3A_672 = tpu.memref_squeeze %dma_start3A_671 : memref<1x1x64xf32, #tpu.memory_space<hbm>> -> memref<1x64xf32, #tpu.memory_space<hbm>>
      %dma_start3A_673 = arith.constant 19 : i32
      %dma_start3A_674 = arith.constant 0 : i32
      %dma_start3A_675 = tpu.memref_slice %arg17[%dma_start3A_673, %dma_start3A_674] : memref<32x64xf32, #tpu.memory_space<vmem>> -> memref<1x64xf32, #tpu.memory_space<vmem>>
      %dma_start3A_676 = arith.constant 0 : i32
      %dma_start3A_677 = tpu.memref_slice %arg5[%squeeze3A_664, %squeeze3A_666, %dma_start3A_676] : memref<2x500000x64xf32, #tpu.memory_space<hbm>> -> memref<1x1x64xf32, #tpu.memory_space<hbm>>
      %dma_start3A_678 = tpu.memref_squeeze %dma_start3A_677 : memref<1x1x64xf32, #tpu.memory_space<hbm>> -> memref<1x64xf32, #tpu.memory_space<hbm>>
      tpu.enqueue_dma source(%dma_start3A_678 : memref<1x64xf32, #tpu.memory_space<hbm>>) target(%dma_start3A_675 : memref<1x64xf32, #tpu.memory_space<vmem>>) target_semaphore(%arg20 : memref<!tpu.dma_semaphore, #tpu.memory_space<semaphore_mem>>)
      %slice3A_679 = vector.extract_strided_slice %get3A_538 {offsets = [4], sizes = [1], strides = [1]} : vector<16xi32> to vector<1xi32>
      %squeeze3A_680 = vector.extract %slice3A_679[0] : i32 from vector<1xi32>
      %slice3A_681 = vector.extract_strided_slice %get3A_542 {offsets = [4], sizes = [1], strides = [1]} : vector<16xi32> to vector<1xi32>
      %squeeze3A_682 = vector.extract %slice3A_681[0] : i32 from vector<1xi32>
      %dma_start3A_683 = arith.constant 20 : i32
      %dma_start3A_684 = arith.constant 0 : i32
      %dma_start3A_685 = tpu.memref_slice %arg16[%dma_start3A_683, %dma_start3A_684] : memref<32x64xf32, #tpu.memory_space<vmem>> -> memref<1x64xf32, #tpu.memory_space<vmem>>
      %dma_start3A_686 = arith.constant 0 : i32
      %dma_start3A_687 = tpu.memref_slice %arg5[%squeeze3A_680, %squeeze3A_682, %dma_start3A_686] : memref<2x500000x64xf32, #tpu.memory_space<hbm>> -> memref<1x1x64xf32, #tpu.memory_space<hbm>>
      %dma_start3A_688 = tpu.memref_squeeze %dma_start3A_687 : memref<1x1x64xf32, #tpu.memory_space<hbm>> -> memref<1x64xf32, #tpu.memory_space<hbm>>
      %dma_start3A_689 = arith.constant 20 : i32
      %dma_start3A_690 = arith.constant 0 : i32
      %dma_start3A_691 = tpu.memref_slice %arg16[%dma_start3A_689, %dma_start3A_690] : memref<32x64xf32, #tpu.memory_space<vmem>> -> memref<1x64xf32, #tpu.memory_space<vmem>>
      %dma_start3A_692 = arith.constant 0 : i32
      %dma_start3A_693 = tpu.memref_slice %arg5[%squeeze3A_680, %squeeze3A_682, %dma_start3A_692] : memref<2x500000x64xf32, #tpu.memory_space<hbm>> -> memref<1x1x64xf32, #tpu.memory_space<hbm>>
      %dma_start3A_694 = tpu.memref_squeeze %dma_start3A_693 : memref<1x1x64xf32, #tpu.memory_space<hbm>> -> memref<1x64xf32, #tpu.memory_space<hbm>>
      tpu.enqueue_dma source(%dma_start3A_694 : memref<1x64xf32, #tpu.memory_space<hbm>>) target(%dma_start3A_691 : memref<1x64xf32, #tpu.memory_space<vmem>>) target_semaphore(%arg20 : memref<!tpu.dma_semaphore, #tpu.memory_space<semaphore_mem>>)
      %slice3A_695 = vector.extract_strided_slice %get3A_546 {offsets = [4], sizes = [1], strides = [1]} : vector<16xi32> to vector<1xi32>
      %squeeze3A_696 = vector.extract %slice3A_695[0] : i32 from vector<1xi32>
      %slice3A_697 = vector.extract_strided_slice %get3A_550 {offsets = [4], sizes = [1], strides = [1]} : vector<16xi32> to vector<1xi32>
      %squeeze3A_698 = vector.extract %slice3A_697[0] : i32 from vector<1xi32>
      %dma_start3A_699 = arith.constant 20 : i32
      %dma_start3A_700 = arith.constant 0 : i32
      %dma_start3A_701 = tpu.memref_slice %arg17[%dma_start3A_699, %dma_start3A_700] : memref<32x64xf32, #tpu.memory_space<vmem>> -> memref<1x64xf32, #tpu.memory_space<vmem>>
      %dma_start3A_702 = arith.constant 0 : i32
      %dma_start3A_703 = tpu.memref_slice %arg5[%squeeze3A_696, %squeeze3A_698, %dma_start3A_702] : memref<2x500000x64xf32, #tpu.memory_space<hbm>> -> memref<1x1x64xf32, #tpu.memory_space<hbm>>
      %dma_start3A_704 = tpu.memref_squeeze %dma_start3A_703 : memref<1x1x64xf32, #tpu.memory_space<hbm>> -> memref<1x64xf32, #tpu.memory_space<hbm>>
      %dma_start3A_705 = arith.constant 20 : i32
      %dma_start3A_706 = arith.constant 0 : i32
      %dma_start3A_707 = tpu.memref_slice %arg17[%dma_start3A_705, %dma_start3A_706] : memref<32x64xf32, #tpu.memory_space<vmem>> -> memref<1x64xf32, #tpu.memory_space<vmem>>
      %dma_start3A_708 = arith.constant 0 : i32
      %dma_start3A_709 = tpu.memref_slice %arg5[%squeeze3A_696, %squeeze3A_698, %dma_start3A_708] : memref<2x500000x64xf32, #tpu.memory_space<hbm>> -> memref<1x1x64xf32, #tpu.memory_space<hbm>>
      %dma_start3A_710 = tpu.memref_squeeze %dma_start3A_709 : memref<1x1x64xf32, #tpu.memory_space<hbm>> -> memref<1x64xf32, #tpu.memory_space<hbm>>
      tpu.enqueue_dma source(%dma_start3A_710 : memref<1x64xf32, #tpu.memory_space<hbm>>) target(%dma_start3A_707 : memref<1x64xf32, #tpu.memory_space<vmem>>) target_semaphore(%arg20 : memref<!tpu.dma_semaphore, #tpu.memory_space<semaphore_mem>>)
      %slice3A_711 = vector.extract_strided_slice %get3A_538 {offsets = [5], sizes = [1], strides = [1]} : vector<16xi32> to vector<1xi32>
      %squeeze3A_712 = vector.extract %slice3A_711[0] : i32 from vector<1xi32>
      %slice3A_713 = vector.extract_strided_slice %get3A_542 {offsets = [5], sizes = [1], strides = [1]} : vector<16xi32> to vector<1xi32>
      %squeeze3A_714 = vector.extract %slice3A_713[0] : i32 from vector<1xi32>
      %dma_start3A_715 = arith.constant 21 : i32
      %dma_start3A_716 = arith.constant 0 : i32
      %dma_start3A_717 = tpu.memref_slice %arg16[%dma_start3A_715, %dma_start3A_716] : memref<32x64xf32, #tpu.memory_space<vmem>> -> memref<1x64xf32, #tpu.memory_space<vmem>>
      %dma_start3A_718 = arith.constant 0 : i32
      %dma_start3A_719 = tpu.memref_slice %arg5[%squeeze3A_712, %squeeze3A_714, %dma_start3A_718] : memref<2x500000x64xf32, #tpu.memory_space<hbm>> -> memref<1x1x64xf32, #tpu.memory_space<hbm>>
      %dma_start3A_720 = tpu.memref_squeeze %dma_start3A_719 : memref<1x1x64xf32, #tpu.memory_space<hbm>> -> memref<1x64xf32, #tpu.memory_space<hbm>>
      %dma_start3A_721 = arith.constant 21 : i32
      %dma_start3A_722 = arith.constant 0 : i32
      %dma_start3A_723 = tpu.memref_slice %arg16[%dma_start3A_721, %dma_start3A_722] : memref<32x64xf32, #tpu.memory_space<vmem>> -> memref<1x64xf32, #tpu.memory_space<vmem>>
      %dma_start3A_724 = arith.constant 0 : i32
      %dma_start3A_725 = tpu.memref_slice %arg5[%squeeze3A_712, %squeeze3A_714, %dma_start3A_724] : memref<2x500000x64xf32, #tpu.memory_space<hbm>> -> memref<1x1x64xf32, #tpu.memory_space<hbm>>
      %dma_start3A_726 = tpu.memref_squeeze %dma_start3A_725 : memref<1x1x64xf32, #tpu.memory_space<hbm>> -> memref<1x64xf32, #tpu.memory_space<hbm>>
      tpu.enqueue_dma source(%dma_start3A_726 : memref<1x64xf32, #tpu.memory_space<hbm>>) target(%dma_start3A_723 : memref<1x64xf32, #tpu.memory_space<vmem>>) target_semaphore(%arg20 : memref<!tpu.dma_semaphore, #tpu.memory_space<semaphore_mem>>)
      %slice3A_727 = vector.extract_strided_slice %get3A_546 {offsets = [5], sizes = [1], strides = [1]} : vector<16xi32> to vector<1xi32>
      %squeeze3A_728 = vector.extract %slice3A_727[0] : i32 from vector<1xi32>
      %slice3A_729 = vector.extract_strided_slice %get3A_550 {offsets = [5], sizes = [1], strides = [1]} : vector<16xi32> to vector<1xi32>
      %squeeze3A_730 = vector.extract %slice3A_729[0] : i32 from vector<1xi32>
      %dma_start3A_731 = arith.constant 21 : i32
      %dma_start3A_732 = arith.constant 0 : i32
      %dma_start3A_733 = tpu.memref_slice %arg17[%dma_start3A_731, %dma_start3A_732] : memref<32x64xf32, #tpu.memory_space<vmem>> -> memref<1x64xf32, #tpu.memory_space<vmem>>
      %dma_start3A_734 = arith.constant 0 : i32
      %dma_start3A_735 = tpu.memref_slice %arg5[%squeeze3A_728, %squeeze3A_730, %dma_start3A_734] : memref<2x500000x64xf32, #tpu.memory_space<hbm>> -> memref<1x1x64xf32, #tpu.memory_space<hbm>>
      %dma_start3A_736 = tpu.memref_squeeze %dma_start3A_735 : memref<1x1x64xf32, #tpu.memory_space<hbm>> -> memref<1x64xf32, #tpu.memory_space<hbm>>
      %dma_start3A_737 = arith.constant 21 : i32
      %dma_start3A_738 = arith.constant 0 : i32
      %dma_start3A_739 = tpu.memref_slice %arg17[%dma_start3A_737, %dma_start3A_738] : memref<32x64xf32, #tpu.memory_space<vmem>> -> memref<1x64xf32, #tpu.memory_space<vmem>>
      %dma_start3A_740 = arith.constant 0 : i32
      %dma_start3A_741 = tpu.memref_slice %arg5[%squeeze3A_728, %squeeze3A_730, %dma_start3A_740] : memref<2x500000x64xf32, #tpu.memory_space<hbm>> -> memref<1x1x64xf32, #tpu.memory_space<hbm>>
      %dma_start3A_742 = tpu.memref_squeeze %dma_start3A_741 : memref<1x1x64xf32, #tpu.memory_space<hbm>> -> memref<1x64xf32, #tpu.memory_space<hbm>>
      tpu.enqueue_dma source(%dma_start3A_742 : memref<1x64xf32, #tpu.memory_space<hbm>>) target(%dma_start3A_739 : memref<1x64xf32, #tpu.memory_space<vmem>>) target_semaphore(%arg20 : memref<!tpu.dma_semaphore, #tpu.memory_space<semaphore_mem>>)
      %slice3A_743 = vector.extract_strided_slice %get3A_538 {offsets = [6], sizes = [1], strides = [1]} : vector<16xi32> to vector<1xi32>
      %squeeze3A_744 = vector.extract %slice3A_743[0] : i32 from vector<1xi32>
      %slice3A_745 = vector.extract_strided_slice %get3A_542 {offsets = [6], sizes = [1], strides = [1]} : vector<16xi32> to vector<1xi32>
      %squeeze3A_746 = vector.extract %slice3A_745[0] : i32 from vector<1xi32>
      %dma_start3A_747 = arith.constant 22 : i32
      %dma_start3A_748 = arith.constant 0 : i32
      %dma_start3A_749 = tpu.memref_slice %arg16[%dma_start3A_747, %dma_start3A_748] : memref<32x64xf32, #tpu.memory_space<vmem>> -> memref<1x64xf32, #tpu.memory_space<vmem>>
      %dma_start3A_750 = arith.constant 0 : i32
      %dma_start3A_751 = tpu.memref_slice %arg5[%squeeze3A_744, %squeeze3A_746, %dma_start3A_750] : memref<2x500000x64xf32, #tpu.memory_space<hbm>> -> memref<1x1x64xf32, #tpu.memory_space<hbm>>
      %dma_start3A_752 = tpu.memref_squeeze %dma_start3A_751 : memref<1x1x64xf32, #tpu.memory_space<hbm>> -> memref<1x64xf32, #tpu.memory_space<hbm>>
      %dma_start3A_753 = arith.constant 22 : i32
      %dma_start3A_754 = arith.constant 0 : i32
      %dma_start3A_755 = tpu.memref_slice %arg16[%dma_start3A_753, %dma_start3A_754] : memref<32x64xf32, #tpu.memory_space<vmem>> -> memref<1x64xf32, #tpu.memory_space<vmem>>
      %dma_start3A_756 = arith.constant 0 : i32
      %dma_start3A_757 = tpu.memref_slice %arg5[%squeeze3A_744, %squeeze3A_746, %dma_start3A_756] : memref<2x500000x64xf32, #tpu.memory_space<hbm>> -> memref<1x1x64xf32, #tpu.memory_space<hbm>>
      %dma_start3A_758 = tpu.memref_squeeze %dma_start3A_757 : memref<1x1x64xf32, #tpu.memory_space<hbm>> -> memref<1x64xf32, #tpu.memory_space<hbm>>
      tpu.enqueue_dma source(%dma_start3A_758 : memref<1x64xf32, #tpu.memory_space<hbm>>) target(%dma_start3A_755 : memref<1x64xf32, #tpu.memory_space<vmem>>) target_semaphore(%arg20 : memref<!tpu.dma_semaphore, #tpu.memory_space<semaphore_mem>>)
      %slice3A_759 = vector.extract_strided_slice %get3A_546 {offsets = [6], sizes = [1], strides = [1]} : vector<16xi32> to vector<1xi32>
      %squeeze3A_760 = vector.extract %slice3A_759[0] : i32 from vector<1xi32>
      %slice3A_761 = vector.extract_strided_slice %get3A_550 {offsets = [6], sizes = [1], strides = [1]} : vector<16xi32> to vector<1xi32>
      %squeeze3A_762 = vector.extract %slice3A_761[0] : i32 from vector<1xi32>
      %dma_start3A_763 = arith.constant 22 : i32
      %dma_start3A_764 = arith.constant 0 : i32
      %dma_start3A_765 = tpu.memref_slice %arg17[%dma_start3A_763, %dma_start3A_764] : memref<32x64xf32, #tpu.memory_space<vmem>> -> memref<1x64xf32, #tpu.memory_space<vmem>>
      %dma_start3A_766 = arith.constant 0 : i32
      %dma_start3A_767 = tpu.memref_slice %arg5[%squeeze3A_760, %squeeze3A_762, %dma_start3A_766] : memref<2x500000x64xf32, #tpu.memory_space<hbm>> -> memref<1x1x64xf32, #tpu.memory_space<hbm>>
      %dma_start3A_768 = tpu.memref_squeeze %dma_start3A_767 : memref<1x1x64xf32, #tpu.memory_space<hbm>> -> memref<1x64xf32, #tpu.memory_space<hbm>>
      %dma_start3A_769 = arith.constant 22 : i32
      %dma_start3A_770 = arith.constant 0 : i32
      %dma_start3A_771 = tpu.memref_slice %arg17[%dma_start3A_769, %dma_start3A_770] : memref<32x64xf32, #tpu.memory_space<vmem>> -> memref<1x64xf32, #tpu.memory_space<vmem>>
      %dma_start3A_772 = arith.constant 0 : i32
      %dma_start3A_773 = tpu.memref_slice %arg5[%squeeze3A_760, %squeeze3A_762, %dma_start3A_772] : memref<2x500000x64xf32, #tpu.memory_space<hbm>> -> memref<1x1x64xf32, #tpu.memory_space<hbm>>
      %dma_start3A_774 = tpu.memref_squeeze %dma_start3A_773 : memref<1x1x64xf32, #tpu.memory_space<hbm>> -> memref<1x64xf32, #tpu.memory_space<hbm>>
      tpu.enqueue_dma source(%dma_start3A_774 : memref<1x64xf32, #tpu.memory_space<hbm>>) target(%dma_start3A_771 : memref<1x64xf32, #tpu.memory_space<vmem>>) target_semaphore(%arg20 : memref<!tpu.dma_semaphore, #tpu.memory_space<semaphore_mem>>)
      %slice3A_775 = vector.extract_strided_slice %get3A_538 {offsets = [7], sizes = [1], strides = [1]} : vector<16xi32> to vector<1xi32>
      %squeeze3A_776 = vector.extract %slice3A_775[0] : i32 from vector<1xi32>
      %slice3A_777 = vector.extract_strided_slice %get3A_542 {offsets = [7], sizes = [1], strides = [1]} : vector<16xi32> to vector<1xi32>
      %squeeze3A_778 = vector.extract %slice3A_777[0] : i32 from vector<1xi32>
      %dma_start3A_779 = arith.constant 23 : i32
      %dma_start3A_780 = arith.constant 0 : i32
      %dma_start3A_781 = tpu.memref_slice %arg16[%dma_start3A_779, %dma_start3A_780] : memref<32x64xf32, #tpu.memory_space<vmem>> -> memref<1x64xf32, #tpu.memory_space<vmem>>
      %dma_start3A_782 = arith.constant 0 : i32
      %dma_start3A_783 = tpu.memref_slice %arg5[%squeeze3A_776, %squeeze3A_778, %dma_start3A_782] : memref<2x500000x64xf32, #tpu.memory_space<hbm>> -> memref<1x1x64xf32, #tpu.memory_space<hbm>>
      %dma_start3A_784 = tpu.memref_squeeze %dma_start3A_783 : memref<1x1x64xf32, #tpu.memory_space<hbm>> -> memref<1x64xf32, #tpu.memory_space<hbm>>
      %dma_start3A_785 = arith.constant 23 : i32
      %dma_start3A_786 = arith.constant 0 : i32
      %dma_start3A_787 = tpu.memref_slice %arg16[%dma_start3A_785, %dma_start3A_786] : memref<32x64xf32, #tpu.memory_space<vmem>> -> memref<1x64xf32, #tpu.memory_space<vmem>>
      %dma_start3A_788 = arith.constant 0 : i32
      %dma_start3A_789 = tpu.memref_slice %arg5[%squeeze3A_776, %squeeze3A_778, %dma_start3A_788] : memref<2x500000x64xf32, #tpu.memory_space<hbm>> -> memref<1x1x64xf32, #tpu.memory_space<hbm>>
      %dma_start3A_790 = tpu.memref_squeeze %dma_start3A_789 : memref<1x1x64xf32, #tpu.memory_space<hbm>> -> memref<1x64xf32, #tpu.memory_space<hbm>>
      tpu.enqueue_dma source(%dma_start3A_790 : memref<1x64xf32, #tpu.memory_space<hbm>>) target(%dma_start3A_787 : memref<1x64xf32, #tpu.memory_space<vmem>>) target_semaphore(%arg20 : memref<!tpu.dma_semaphore, #tpu.memory_space<semaphore_mem>>)
      %slice3A_791 = vector.extract_strided_slice %get3A_546 {offsets = [7], sizes = [1], strides = [1]} : vector<16xi32> to vector<1xi32>
      %squeeze3A_792 = vector.extract %slice3A_791[0] : i32 from vector<1xi32>
      %slice3A_793 = vector.extract_strided_slice %get3A_550 {offsets = [7], sizes = [1], strides = [1]} : vector<16xi32> to vector<1xi32>
      %squeeze3A_794 = vector.extract %slice3A_793[0] : i32 from vector<1xi32>
      %dma_start3A_795 = arith.constant 23 : i32
      %dma_start3A_796 = arith.constant 0 : i32
      %dma_start3A_797 = tpu.memref_slice %arg17[%dma_start3A_795, %dma_start3A_796] : memref<32x64xf32, #tpu.memory_space<vmem>> -> memref<1x64xf32, #tpu.memory_space<vmem>>
      %dma_start3A_798 = arith.constant 0 : i32
      %dma_start3A_799 = tpu.memref_slice %arg5[%squeeze3A_792, %squeeze3A_794, %dma_start3A_798] : memref<2x500000x64xf32, #tpu.memory_space<hbm>> -> memref<1x1x64xf32, #tpu.memory_space<hbm>>
      %dma_start3A_800 = tpu.memref_squeeze %dma_start3A_799 : memref<1x1x64xf32, #tpu.memory_space<hbm>> -> memref<1x64xf32, #tpu.memory_space<hbm>>
      %dma_start3A_801 = arith.constant 23 : i32
      %dma_start3A_802 = arith.constant 0 : i32
      %dma_start3A_803 = tpu.memref_slice %arg17[%dma_start3A_801, %dma_start3A_802] : memref<32x64xf32, #tpu.memory_space<vmem>> -> memref<1x64xf32, #tpu.memory_space<vmem>>
      %dma_start3A_804 = arith.constant 0 : i32
      %dma_start3A_805 = tpu.memref_slice %arg5[%squeeze3A_792, %squeeze3A_794, %dma_start3A_804] : memref<2x500000x64xf32, #tpu.memory_space<hbm>> -> memref<1x1x64xf32, #tpu.memory_space<hbm>>
      %dma_start3A_806 = tpu.memref_squeeze %dma_start3A_805 : memref<1x1x64xf32, #tpu.memory_space<hbm>> -> memref<1x64xf32, #tpu.memory_space<hbm>>
      tpu.enqueue_dma source(%dma_start3A_806 : memref<1x64xf32, #tpu.memory_space<hbm>>) target(%dma_start3A_803 : memref<1x64xf32, #tpu.memory_space<vmem>>) target_semaphore(%arg20 : memref<!tpu.dma_semaphore, #tpu.memory_space<semaphore_mem>>)
      %slice3A_807 = vector.extract_strided_slice %get3A_538 {offsets = [8], sizes = [1], strides = [1]} : vector<16xi32> to vector<1xi32>
      %squeeze3A_808 = vector.extract %slice3A_807[0] : i32 from vector<1xi32>
      %slice3A_809 = vector.extract_strided_slice %get3A_542 {offsets = [8], sizes = [1], strides = [1]} : vector<16xi32> to vector<1xi32>
      %squeeze3A_810 = vector.extract %slice3A_809[0] : i32 from vector<1xi32>
      %dma_start3A_811 = arith.constant 24 : i32
      %dma_start3A_812 = arith.constant 0 : i32
      %dma_start3A_813 = tpu.memref_slice %arg16[%dma_start3A_811, %dma_start3A_812] : memref<32x64xf32, #tpu.memory_space<vmem>> -> memref<1x64xf32, #tpu.memory_space<vmem>>
      %dma_start3A_814 = arith.constant 0 : i32
      %dma_start3A_815 = tpu.memref_slice %arg5[%squeeze3A_808, %squeeze3A_810, %dma_start3A_814] : memref<2x500000x64xf32, #tpu.memory_space<hbm>> -> memref<1x1x64xf32, #tpu.memory_space<hbm>>
      %dma_start3A_816 = tpu.memref_squeeze %dma_start3A_815 : memref<1x1x64xf32, #tpu.memory_space<hbm>> -> memref<1x64xf32, #tpu.memory_space<hbm>>
      %dma_start3A_817 = arith.constant 24 : i32
      %dma_start3A_818 = arith.constant 0 : i32
      %dma_start3A_819 = tpu.memref_slice %arg16[%dma_start3A_817, %dma_start3A_818] : memref<32x64xf32, #tpu.memory_space<vmem>> -> memref<1x64xf32, #tpu.memory_space<vmem>>
      %dma_start3A_820 = arith.constant 0 : i32
      %dma_start3A_821 = tpu.memref_slice %arg5[%squeeze3A_808, %squeeze3A_810, %dma_start3A_820] : memref<2x500000x64xf32, #tpu.memory_space<hbm>> -> memref<1x1x64xf32, #tpu.memory_space<hbm>>
      %dma_start3A_822 = tpu.memref_squeeze %dma_start3A_821 : memref<1x1x64xf32, #tpu.memory_space<hbm>> -> memref<1x64xf32, #tpu.memory_space<hbm>>
      tpu.enqueue_dma source(%dma_start3A_822 : memref<1x64xf32, #tpu.memory_space<hbm>>) target(%dma_start3A_819 : memref<1x64xf32, #tpu.memory_space<vmem>>) target_semaphore(%arg20 : memref<!tpu.dma_semaphore, #tpu.memory_space<semaphore_mem>>)
      %slice3A_823 = vector.extract_strided_slice %get3A_546 {offsets = [8], sizes = [1], strides = [1]} : vector<16xi32> to vector<1xi32>
      %squeeze3A_824 = vector.extract %slice3A_823[0] : i32 from vector<1xi32>
      %slice3A_825 = vector.extract_strided_slice %get3A_550 {offsets = [8], sizes = [1], strides = [1]} : vector<16xi32> to vector<1xi32>
      %squeeze3A_826 = vector.extract %slice3A_825[0] : i32 from vector<1xi32>
      %dma_start3A_827 = arith.constant 24 : i32
      %dma_start3A_828 = arith.constant 0 : i32
      %dma_start3A_829 = tpu.memref_slice %arg17[%dma_start3A_827, %dma_start3A_828] : memref<32x64xf32, #tpu.memory_space<vmem>> -> memref<1x64xf32, #tpu.memory_space<vmem>>
      %dma_start3A_830 = arith.constant 0 : i32
      %dma_start3A_831 = tpu.memref_slice %arg5[%squeeze3A_824, %squeeze3A_826, %dma_start3A_830] : memref<2x500000x64xf32, #tpu.memory_space<hbm>> -> memref<1x1x64xf32, #tpu.memory_space<hbm>>
      %dma_start3A_832 = tpu.memref_squeeze %dma_start3A_831 : memref<1x1x64xf32, #tpu.memory_space<hbm>> -> memref<1x64xf32, #tpu.memory_space<hbm>>
      %dma_start3A_833 = arith.constant 24 : i32
      %dma_start3A_834 = arith.constant 0 : i32
      %dma_start3A_835 = tpu.memref_slice %arg17[%dma_start3A_833, %dma_start3A_834] : memref<32x64xf32, #tpu.memory_space<vmem>> -> memref<1x64xf32, #tpu.memory_space<vmem>>
      %dma_start3A_836 = arith.constant 0 : i32
      %dma_start3A_837 = tpu.memref_slice %arg5[%squeeze3A_824, %squeeze3A_826, %dma_start3A_836] : memref<2x500000x64xf32, #tpu.memory_space<hbm>> -> memref<1x1x64xf32, #tpu.memory_space<hbm>>
      %dma_start3A_838 = tpu.memref_squeeze %dma_start3A_837 : memref<1x1x64xf32, #tpu.memory_space<hbm>> -> memref<1x64xf32, #tpu.memory_space<hbm>>
      tpu.enqueue_dma source(%dma_start3A_838 : memref<1x64xf32, #tpu.memory_space<hbm>>) target(%dma_start3A_835 : memref<1x64xf32, #tpu.memory_space<vmem>>) target_semaphore(%arg20 : memref<!tpu.dma_semaphore, #tpu.memory_space<semaphore_mem>>)
      %slice3A_839 = vector.extract_strided_slice %get3A_538 {offsets = [9], sizes = [1], strides = [1]} : vector<16xi32> to vector<1xi32>
      %squeeze3A_840 = vector.extract %slice3A_839[0] : i32 from vector<1xi32>
      %slice3A_841 = vector.extract_strided_slice %get3A_542 {offsets = [9], sizes = [1], strides = [1]} : vector<16xi32> to vector<1xi32>
      %squeeze3A_842 = vector.extract %slice3A_841[0] : i32 from vector<1xi32>
      %dma_start3A_843 = arith.constant 25 : i32
      %dma_start3A_844 = arith.constant 0 : i32
      %dma_start3A_845 = tpu.memref_slice %arg16[%dma_start3A_843, %dma_start3A_844] : memref<32x64xf32, #tpu.memory_space<vmem>> -> memref<1x64xf32, #tpu.memory_space<vmem>>
      %dma_start3A_846 = arith.constant 0 : i32
      %dma_start3A_847 = tpu.memref_slice %arg5[%squeeze3A_840, %squeeze3A_842, %dma_start3A_846] : memref<2x500000x64xf32, #tpu.memory_space<hbm>> -> memref<1x1x64xf32, #tpu.memory_space<hbm>>
      %dma_start3A_848 = tpu.memref_squeeze %dma_start3A_847 : memref<1x1x64xf32, #tpu.memory_space<hbm>> -> memref<1x64xf32, #tpu.memory_space<hbm>>
      %dma_start3A_849 = arith.constant 25 : i32
      %dma_start3A_850 = arith.constant 0 : i32
      %dma_start3A_851 = tpu.memref_slice %arg16[%dma_start3A_849, %dma_start3A_850] : memref<32x64xf32, #tpu.memory_space<vmem>> -> memref<1x64xf32, #tpu.memory_space<vmem>>
      %dma_start3A_852 = arith.constant 0 : i32
      %dma_start3A_853 = tpu.memref_slice %arg5[%squeeze3A_840, %squeeze3A_842, %dma_start3A_852] : memref<2x500000x64xf32, #tpu.memory_space<hbm>> -> memref<1x1x64xf32, #tpu.memory_space<hbm>>
      %dma_start3A_854 = tpu.memref_squeeze %dma_start3A_853 : memref<1x1x64xf32, #tpu.memory_space<hbm>> -> memref<1x64xf32, #tpu.memory_space<hbm>>
      tpu.enqueue_dma source(%dma_start3A_854 : memref<1x64xf32, #tpu.memory_space<hbm>>) target(%dma_start3A_851 : memref<1x64xf32, #tpu.memory_space<vmem>>) target_semaphore(%arg20 : memref<!tpu.dma_semaphore, #tpu.memory_space<semaphore_mem>>)
      %slice3A_855 = vector.extract_strided_slice %get3A_546 {offsets = [9], sizes = [1], strides = [1]} : vector<16xi32> to vector<1xi32>
      %squeeze3A_856 = vector.extract %slice3A_855[0] : i32 from vector<1xi32>
      %slice3A_857 = vector.extract_strided_slice %get3A_550 {offsets = [9], sizes = [1], strides = [1]} : vector<16xi32> to vector<1xi32>
      %squeeze3A_858 = vector.extract %slice3A_857[0] : i32 from vector<1xi32>
      %dma_start3A_859 = arith.constant 25 : i32
      %dma_start3A_860 = arith.constant 0 : i32
      %dma_start3A_861 = tpu.memref_slice %arg17[%dma_start3A_859, %dma_start3A_860] : memref<32x64xf32, #tpu.memory_space<vmem>> -> memref<1x64xf32, #tpu.memory_space<vmem>>
      %dma_start3A_862 = arith.constant 0 : i32
      %dma_start3A_863 = tpu.memref_slice %arg5[%squeeze3A_856, %squeeze3A_858, %dma_start3A_862] : memref<2x500000x64xf32, #tpu.memory_space<hbm>> -> memref<1x1x64xf32, #tpu.memory_space<hbm>>
      %dma_start3A_864 = tpu.memref_squeeze %dma_start3A_863 : memref<1x1x64xf32, #tpu.memory_space<hbm>> -> memref<1x64xf32, #tpu.memory_space<hbm>>
      %dma_start3A_865 = arith.constant 25 : i32
      %dma_start3A_866 = arith.constant 0 : i32
      %dma_start3A_867 = tpu.memref_slice %arg17[%dma_start3A_865, %dma_start3A_866] : memref<32x64xf32, #tpu.memory_space<vmem>> -> memref<1x64xf32, #tpu.memory_space<vmem>>
      %dma_start3A_868 = arith.constant 0 : i32
      %dma_start3A_869 = tpu.memref_slice %arg5[%squeeze3A_856, %squeeze3A_858, %dma_start3A_868] : memref<2x500000x64xf32, #tpu.memory_space<hbm>> -> memref<1x1x64xf32, #tpu.memory_space<hbm>>
      %dma_start3A_870 = tpu.memref_squeeze %dma_start3A_869 : memref<1x1x64xf32, #tpu.memory_space<hbm>> -> memref<1x64xf32, #tpu.memory_space<hbm>>
      tpu.enqueue_dma source(%dma_start3A_870 : memref<1x64xf32, #tpu.memory_space<hbm>>) target(%dma_start3A_867 : memref<1x64xf32, #tpu.memory_space<vmem>>) target_semaphore(%arg20 : memref<!tpu.dma_semaphore, #tpu.memory_space<semaphore_mem>>)
      %slice3A_871 = vector.extract_strided_slice %get3A_538 {offsets = [10], sizes = [1], strides = [1]} : vector<16xi32> to vector<1xi32>
      %squeeze3A_872 = vector.extract %slice3A_871[0] : i32 from vector<1xi32>
      %slice3A_873 = vector.extract_strided_slice %get3A_542 {offsets = [10], sizes = [1], strides = [1]} : vector<16xi32> to vector<1xi32>
      %squeeze3A_874 = vector.extract %slice3A_873[0] : i32 from vector<1xi32>
      %dma_start3A_875 = arith.constant 26 : i32
      %dma_start3A_876 = arith.constant 0 : i32
      %dma_start3A_877 = tpu.memref_slice %arg16[%dma_start3A_875, %dma_start3A_876] : memref<32x64xf32, #tpu.memory_space<vmem>> -> memref<1x64xf32, #tpu.memory_space<vmem>>
      %dma_start3A_878 = arith.constant 0 : i32
      %dma_start3A_879 = tpu.memref_slice %arg5[%squeeze3A_872, %squeeze3A_874, %dma_start3A_878] : memref<2x500000x64xf32, #tpu.memory_space<hbm>> -> memref<1x1x64xf32, #tpu.memory_space<hbm>>
      %dma_start3A_880 = tpu.memref_squeeze %dma_start3A_879 : memref<1x1x64xf32, #tpu.memory_space<hbm>> -> memref<1x64xf32, #tpu.memory_space<hbm>>
      %dma_start3A_881 = arith.constant 26 : i32
      %dma_start3A_882 = arith.constant 0 : i32
      %dma_start3A_883 = tpu.memref_slice %arg16[%dma_start3A_881, %dma_start3A_882] : memref<32x64xf32, #tpu.memory_space<vmem>> -> memref<1x64xf32, #tpu.memory_space<vmem>>
      %dma_start3A_884 = arith.constant 0 : i32
      %dma_start3A_885 = tpu.memref_slice %arg5[%squeeze3A_872, %squeeze3A_874, %dma_start3A_884] : memref<2x500000x64xf32, #tpu.memory_space<hbm>> -> memref<1x1x64xf32, #tpu.memory_space<hbm>>
      %dma_start3A_886 = tpu.memref_squeeze %dma_start3A_885 : memref<1x1x64xf32, #tpu.memory_space<hbm>> -> memref<1x64xf32, #tpu.memory_space<hbm>>
      tpu.enqueue_dma source(%dma_start3A_886 : memref<1x64xf32, #tpu.memory_space<hbm>>) target(%dma_start3A_883 : memref<1x64xf32, #tpu.memory_space<vmem>>) target_semaphore(%arg20 : memref<!tpu.dma_semaphore, #tpu.memory_space<semaphore_mem>>)
      %slice3A_887 = vector.extract_strided_slice %get3A_546 {offsets = [10], sizes = [1], strides = [1]} : vector<16xi32> to vector<1xi32>
      %squeeze3A_888 = vector.extract %slice3A_887[0] : i32 from vector<1xi32>
      %slice3A_889 = vector.extract_strided_slice %get3A_550 {offsets = [10], sizes = [1], strides = [1]} : vector<16xi32> to vector<1xi32>
      %squeeze3A_890 = vector.extract %slice3A_889[0] : i32 from vector<1xi32>
      %dma_start3A_891 = arith.constant 26 : i32
      %dma_start3A_892 = arith.constant 0 : i32
      %dma_start3A_893 = tpu.memref_slice %arg17[%dma_start3A_891, %dma_start3A_892] : memref<32x64xf32, #tpu.memory_space<vmem>> -> memref<1x64xf32, #tpu.memory_space<vmem>>
      %dma_start3A_894 = arith.constant 0 : i32
      %dma_start3A_895 = tpu.memref_slice %arg5[%squeeze3A_888, %squeeze3A_890, %dma_start3A_894] : memref<2x500000x64xf32, #tpu.memory_space<hbm>> -> memref<1x1x64xf32, #tpu.memory_space<hbm>>
      %dma_start3A_896 = tpu.memref_squeeze %dma_start3A_895 : memref<1x1x64xf32, #tpu.memory_space<hbm>> -> memref<1x64xf32, #tpu.memory_space<hbm>>
      %dma_start3A_897 = arith.constant 26 : i32
      %dma_start3A_898 = arith.constant 0 : i32
      %dma_start3A_899 = tpu.memref_slice %arg17[%dma_start3A_897, %dma_start3A_898] : memref<32x64xf32, #tpu.memory_space<vmem>> -> memref<1x64xf32, #tpu.memory_space<vmem>>
      %dma_start3A_900 = arith.constant 0 : i32
      %dma_start3A_901 = tpu.memref_slice %arg5[%squeeze3A_888, %squeeze3A_890, %dma_start3A_900] : memref<2x500000x64xf32, #tpu.memory_space<hbm>> -> memref<1x1x64xf32, #tpu.memory_space<hbm>>
      %dma_start3A_902 = tpu.memref_squeeze %dma_start3A_901 : memref<1x1x64xf32, #tpu.memory_space<hbm>> -> memref<1x64xf32, #tpu.memory_space<hbm>>
      tpu.enqueue_dma source(%dma_start3A_902 : memref<1x64xf32, #tpu.memory_space<hbm>>) target(%dma_start3A_899 : memref<1x64xf32, #tpu.memory_space<vmem>>) target_semaphore(%arg20 : memref<!tpu.dma_semaphore, #tpu.memory_space<semaphore_mem>>)
      %slice3A_903 = vector.extract_strided_slice %get3A_538 {offsets = [11], sizes = [1], strides = [1]} : vector<16xi32> to vector<1xi32>
      %squeeze3A_904 = vector.extract %slice3A_903[0] : i32 from vector<1xi32>
      %slice3A_905 = vector.extract_strided_slice %get3A_542 {offsets = [11], sizes = [1], strides = [1]} : vector<16xi32> to vector<1xi32>
      %squeeze3A_906 = vector.extract %slice3A_905[0] : i32 from vector<1xi32>
      %dma_start3A_907 = arith.constant 27 : i32
      %dma_start3A_908 = arith.constant 0 : i32
      %dma_start3A_909 = tpu.memref_slice %arg16[%dma_start3A_907, %dma_start3A_908] : memref<32x64xf32, #tpu.memory_space<vmem>> -> memref<1x64xf32, #tpu.memory_space<vmem>>
      %dma_start3A_910 = arith.constant 0 : i32
      %dma_start3A_911 = tpu.memref_slice %arg5[%squeeze3A_904, %squeeze3A_906, %dma_start3A_910] : memref<2x500000x64xf32, #tpu.memory_space<hbm>> -> memref<1x1x64xf32, #tpu.memory_space<hbm>>
      %dma_start3A_912 = tpu.memref_squeeze %dma_start3A_911 : memref<1x1x64xf32, #tpu.memory_space<hbm>> -> memref<1x64xf32, #tpu.memory_space<hbm>>
      %dma_start3A_913 = arith.constant 27 : i32
      %dma_start3A_914 = arith.constant 0 : i32
      %dma_start3A_915 = tpu.memref_slice %arg16[%dma_start3A_913, %dma_start3A_914] : memref<32x64xf32, #tpu.memory_space<vmem>> -> memref<1x64xf32, #tpu.memory_space<vmem>>
      %dma_start3A_916 = arith.constant 0 : i32
      %dma_start3A_917 = tpu.memref_slice %arg5[%squeeze3A_904, %squeeze3A_906, %dma_start3A_916] : memref<2x500000x64xf32, #tpu.memory_space<hbm>> -> memref<1x1x64xf32, #tpu.memory_space<hbm>>
      %dma_start3A_918 = tpu.memref_squeeze %dma_start3A_917 : memref<1x1x64xf32, #tpu.memory_space<hbm>> -> memref<1x64xf32, #tpu.memory_space<hbm>>
      tpu.enqueue_dma source(%dma_start3A_918 : memref<1x64xf32, #tpu.memory_space<hbm>>) target(%dma_start3A_915 : memref<1x64xf32, #tpu.memory_space<vmem>>) target_semaphore(%arg20 : memref<!tpu.dma_semaphore, #tpu.memory_space<semaphore_mem>>)
      %slice3A_919 = vector.extract_strided_slice %get3A_546 {offsets = [11], sizes = [1], strides = [1]} : vector<16xi32> to vector<1xi32>
      %squeeze3A_920 = vector.extract %slice3A_919[0] : i32 from vector<1xi32>
      %slice3A_921 = vector.extract_strided_slice %get3A_550 {offsets = [11], sizes = [1], strides = [1]} : vector<16xi32> to vector<1xi32>
      %squeeze3A_922 = vector.extract %slice3A_921[0] : i32 from vector<1xi32>
      %dma_start3A_923 = arith.constant 27 : i32
      %dma_start3A_924 = arith.constant 0 : i32
      %dma_start3A_925 = tpu.memref_slice %arg17[%dma_start3A_923, %dma_start3A_924] : memref<32x64xf32, #tpu.memory_space<vmem>> -> memref<1x64xf32, #tpu.memory_space<vmem>>
      %dma_start3A_926 = arith.constant 0 : i32
      %dma_start3A_927 = tpu.memref_slice %arg5[%squeeze3A_920, %squeeze3A_922, %dma_start3A_926] : memref<2x500000x64xf32, #tpu.memory_space<hbm>> -> memref<1x1x64xf32, #tpu.memory_space<hbm>>
      %dma_start3A_928 = tpu.memref_squeeze %dma_start3A_927 : memref<1x1x64xf32, #tpu.memory_space<hbm>> -> memref<1x64xf32, #tpu.memory_space<hbm>>
      %dma_start3A_929 = arith.constant 27 : i32
      %dma_start3A_930 = arith.constant 0 : i32
      %dma_start3A_931 = tpu.memref_slice %arg17[%dma_start3A_929, %dma_start3A_930] : memref<32x64xf32, #tpu.memory_space<vmem>> -> memref<1x64xf32, #tpu.memory_space<vmem>>
      %dma_start3A_932 = arith.constant 0 : i32
      %dma_start3A_933 = tpu.memref_slice %arg5[%squeeze3A_920, %squeeze3A_922, %dma_start3A_932] : memref<2x500000x64xf32, #tpu.memory_space<hbm>> -> memref<1x1x64xf32, #tpu.memory_space<hbm>>
      %dma_start3A_934 = tpu.memref_squeeze %dma_start3A_933 : memref<1x1x64xf32, #tpu.memory_space<hbm>> -> memref<1x64xf32, #tpu.memory_space<hbm>>
      tpu.enqueue_dma source(%dma_start3A_934 : memref<1x64xf32, #tpu.memory_space<hbm>>) target(%dma_start3A_931 : memref<1x64xf32, #tpu.memory_space<vmem>>) target_semaphore(%arg20 : memref<!tpu.dma_semaphore, #tpu.memory_space<semaphore_mem>>)
      %slice3A_935 = vector.extract_strided_slice %get3A_538 {offsets = [12], sizes = [1], strides = [1]} : vector<16xi32> to vector<1xi32>
      %squeeze3A_936 = vector.extract %slice3A_935[0] : i32 from vector<1xi32>
      %slice3A_937 = vector.extract_strided_slice %get3A_542 {offsets = [12], sizes = [1], strides = [1]} : vector<16xi32> to vector<1xi32>
      %squeeze3A_938 = vector.extract %slice3A_937[0] : i32 from vector<1xi32>
      %dma_start3A_939 = arith.constant 28 : i32
      %dma_start3A_940 = arith.constant 0 : i32
      %dma_start3A_941 = tpu.memref_slice %arg16[%dma_start3A_939, %dma_start3A_940] : memref<32x64xf32, #tpu.memory_space<vmem>> -> memref<1x64xf32, #tpu.memory_space<vmem>>
      %dma_start3A_942 = arith.constant 0 : i32
      %dma_start3A_943 = tpu.memref_slice %arg5[%squeeze3A_936, %squeeze3A_938, %dma_start3A_942] : memref<2x500000x64xf32, #tpu.memory_space<hbm>> -> memref<1x1x64xf32, #tpu.memory_space<hbm>>
      %dma_start3A_944 = tpu.memref_squeeze %dma_start3A_943 : memref<1x1x64xf32, #tpu.memory_space<hbm>> -> memref<1x64xf32, #tpu.memory_space<hbm>>
      %dma_start3A_945 = arith.constant 28 : i32
      %dma_start3A_946 = arith.constant 0 : i32
      %dma_start3A_947 = tpu.memref_slice %arg16[%dma_start3A_945, %dma_start3A_946] : memref<32x64xf32, #tpu.memory_space<vmem>> -> memref<1x64xf32, #tpu.memory_space<vmem>>
      %dma_start3A_948 = arith.constant 0 : i32
      %dma_start3A_949 = tpu.memref_slice %arg5[%squeeze3A_936, %squeeze3A_938, %dma_start3A_948] : memref<2x500000x64xf32, #tpu.memory_space<hbm>> -> memref<1x1x64xf32, #tpu.memory_space<hbm>>
      %dma_start3A_950 = tpu.memref_squeeze %dma_start3A_949 : memref<1x1x64xf32, #tpu.memory_space<hbm>> -> memref<1x64xf32, #tpu.memory_space<hbm>>
      tpu.enqueue_dma source(%dma_start3A_950 : memref<1x64xf32, #tpu.memory_space<hbm>>) target(%dma_start3A_947 : memref<1x64xf32, #tpu.memory_space<vmem>>) target_semaphore(%arg20 : memref<!tpu.dma_semaphore, #tpu.memory_space<semaphore_mem>>)
      %slice3A_951 = vector.extract_strided_slice %get3A_546 {offsets = [12], sizes = [1], strides = [1]} : vector<16xi32> to vector<1xi32>
      %squeeze3A_952 = vector.extract %slice3A_951[0] : i32 from vector<1xi32>
      %slice3A_953 = vector.extract_strided_slice %get3A_550 {offsets = [12], sizes = [1], strides = [1]} : vector<16xi32> to vector<1xi32>
      %squeeze3A_954 = vector.extract %slice3A_953[0] : i32 from vector<1xi32>
      %dma_start3A_955 = arith.constant 28 : i32
      %dma_start3A_956 = arith.constant 0 : i32
      %dma_start3A_957 = tpu.memref_slice %arg17[%dma_start3A_955, %dma_start3A_956] : memref<32x64xf32, #tpu.memory_space<vmem>> -> memref<1x64xf32, #tpu.memory_space<vmem>>
      %dma_start3A_958 = arith.constant 0 : i32
      %dma_start3A_959 = tpu.memref_slice %arg5[%squeeze3A_952, %squeeze3A_954, %dma_start3A_958] : memref<2x500000x64xf32, #tpu.memory_space<hbm>> -> memref<1x1x64xf32, #tpu.memory_space<hbm>>
      %dma_start3A_960 = tpu.memref_squeeze %dma_start3A_959 : memref<1x1x64xf32, #tpu.memory_space<hbm>> -> memref<1x64xf32, #tpu.memory_space<hbm>>
      %dma_start3A_961 = arith.constant 28 : i32
      %dma_start3A_962 = arith.constant 0 : i32
      %dma_start3A_963 = tpu.memref_slice %arg17[%dma_start3A_961, %dma_start3A_962] : memref<32x64xf32, #tpu.memory_space<vmem>> -> memref<1x64xf32, #tpu.memory_space<vmem>>
      %dma_start3A_964 = arith.constant 0 : i32
      %dma_start3A_965 = tpu.memref_slice %arg5[%squeeze3A_952, %squeeze3A_954, %dma_start3A_964] : memref<2x500000x64xf32, #tpu.memory_space<hbm>> -> memref<1x1x64xf32, #tpu.memory_space<hbm>>
      %dma_start3A_966 = tpu.memref_squeeze %dma_start3A_965 : memref<1x1x64xf32, #tpu.memory_space<hbm>> -> memref<1x64xf32, #tpu.memory_space<hbm>>
      tpu.enqueue_dma source(%dma_start3A_966 : memref<1x64xf32, #tpu.memory_space<hbm>>) target(%dma_start3A_963 : memref<1x64xf32, #tpu.memory_space<vmem>>) target_semaphore(%arg20 : memref<!tpu.dma_semaphore, #tpu.memory_space<semaphore_mem>>)
      %slice3A_967 = vector.extract_strided_slice %get3A_538 {offsets = [13], sizes = [1], strides = [1]} : vector<16xi32> to vector<1xi32>
      %squeeze3A_968 = vector.extract %slice3A_967[0] : i32 from vector<1xi32>
      %slice3A_969 = vector.extract_strided_slice %get3A_542 {offsets = [13], sizes = [1], strides = [1]} : vector<16xi32> to vector<1xi32>
      %squeeze3A_970 = vector.extract %slice3A_969[0] : i32 from vector<1xi32>
      %dma_start3A_971 = arith.constant 29 : i32
      %dma_start3A_972 = arith.constant 0 : i32
      %dma_start3A_973 = tpu.memref_slice %arg16[%dma_start3A_971, %dma_start3A_972] : memref<32x64xf32, #tpu.memory_space<vmem>> -> memref<1x64xf32, #tpu.memory_space<vmem>>
      %dma_start3A_974 = arith.constant 0 : i32
      %dma_start3A_975 = tpu.memref_slice %arg5[%squeeze3A_968, %squeeze3A_970, %dma_start3A_974] : memref<2x500000x64xf32, #tpu.memory_space<hbm>> -> memref<1x1x64xf32, #tpu.memory_space<hbm>>
      %dma_start3A_976 = tpu.memref_squeeze %dma_start3A_975 : memref<1x1x64xf32, #tpu.memory_space<hbm>> -> memref<1x64xf32, #tpu.memory_space<hbm>>
      %dma_start3A_977 = arith.constant 29 : i32
      %dma_start3A_978 = arith.constant 0 : i32
      %dma_start3A_979 = tpu.memref_slice %arg16[%dma_start3A_977, %dma_start3A_978] : memref<32x64xf32, #tpu.memory_space<vmem>> -> memref<1x64xf32, #tpu.memory_space<vmem>>
      %dma_start3A_980 = arith.constant 0 : i32
      %dma_start3A_981 = tpu.memref_slice %arg5[%squeeze3A_968, %squeeze3A_970, %dma_start3A_980] : memref<2x500000x64xf32, #tpu.memory_space<hbm>> -> memref<1x1x64xf32, #tpu.memory_space<hbm>>
      %dma_start3A_982 = tpu.memref_squeeze %dma_start3A_981 : memref<1x1x64xf32, #tpu.memory_space<hbm>> -> memref<1x64xf32, #tpu.memory_space<hbm>>
      tpu.enqueue_dma source(%dma_start3A_982 : memref<1x64xf32, #tpu.memory_space<hbm>>) target(%dma_start3A_979 : memref<1x64xf32, #tpu.memory_space<vmem>>) target_semaphore(%arg20 : memref<!tpu.dma_semaphore, #tpu.memory_space<semaphore_mem>>)
      %slice3A_983 = vector.extract_strided_slice %get3A_546 {offsets = [13], sizes = [1], strides = [1]} : vector<16xi32> to vector<1xi32>
      %squeeze3A_984 = vector.extract %slice3A_983[0] : i32 from vector<1xi32>
      %slice3A_985 = vector.extract_strided_slice %get3A_550 {offsets = [13], sizes = [1], strides = [1]} : vector<16xi32> to vector<1xi32>
      %squeeze3A_986 = vector.extract %slice3A_985[0] : i32 from vector<1xi32>
      %dma_start3A_987 = arith.constant 29 : i32
      %dma_start3A_988 = arith.constant 0 : i32
      %dma_start3A_989 = tpu.memref_slice %arg17[%dma_start3A_987, %dma_start3A_988] : memref<32x64xf32, #tpu.memory_space<vmem>> -> memref<1x64xf32, #tpu.memory_space<vmem>>
      %dma_start3A_990 = arith.constant 0 : i32
      %dma_start3A_991 = tpu.memref_slice %arg5[%squeeze3A_984, %squeeze3A_986, %dma_start3A_990] : memref<2x500000x64xf32, #tpu.memory_space<hbm>> -> memref<1x1x64xf32, #tpu.memory_space<hbm>>
      %dma_start3A_992 = tpu.memref_squeeze %dma_start3A_991 : memref<1x1x64xf32, #tpu.memory_space<hbm>> -> memref<1x64xf32, #tpu.memory_space<hbm>>
      %dma_start3A_993 = arith.constant 29 : i32
      %dma_start3A_994 = arith.constant 0 : i32
      %dma_start3A_995 = tpu.memref_slice %arg17[%dma_start3A_993, %dma_start3A_994] : memref<32x64xf32, #tpu.memory_space<vmem>> -> memref<1x64xf32, #tpu.memory_space<vmem>>
      %dma_start3A_996 = arith.constant 0 : i32
      %dma_start3A_997 = tpu.memref_slice %arg5[%squeeze3A_984, %squeeze3A_986, %dma_start3A_996] : memref<2x500000x64xf32, #tpu.memory_space<hbm>> -> memref<1x1x64xf32, #tpu.memory_space<hbm>>
      %dma_start3A_998 = tpu.memref_squeeze %dma_start3A_997 : memref<1x1x64xf32, #tpu.memory_space<hbm>> -> memref<1x64xf32, #tpu.memory_space<hbm>>
      tpu.enqueue_dma source(%dma_start3A_998 : memref<1x64xf32, #tpu.memory_space<hbm>>) target(%dma_start3A_995 : memref<1x64xf32, #tpu.memory_space<vmem>>) target_semaphore(%arg20 : memref<!tpu.dma_semaphore, #tpu.memory_space<semaphore_mem>>)
      %slice3A_999 = vector.extract_strided_slice %get3A_538 {offsets = [14], sizes = [1], strides = [1]} : vector<16xi32> to vector<1xi32>
      %squeeze3A_1000 = vector.extract %slice3A_999[0] : i32 from vector<1xi32>
      %slice3A_1001 = vector.extract_strided_slice %get3A_542 {offsets = [14], sizes = [1], strides = [1]} : vector<16xi32> to vector<1xi32>
      %squeeze3A_1002 = vector.extract %slice3A_1001[0] : i32 from vector<1xi32>
      %dma_start3A_1003 = arith.constant 30 : i32
      %dma_start3A_1004 = arith.constant 0 : i32
      %dma_start3A_1005 = tpu.memref_slice %arg16[%dma_start3A_1003, %dma_start3A_1004] : memref<32x64xf32, #tpu.memory_space<vmem>> -> memref<1x64xf32, #tpu.memory_space<vmem>>
      %dma_start3A_1006 = arith.constant 0 : i32
      %dma_start3A_1007 = tpu.memref_slice %arg5[%squeeze3A_1000, %squeeze3A_1002, %dma_start3A_1006] : memref<2x500000x64xf32, #tpu.memory_space<hbm>> -> memref<1x1x64xf32, #tpu.memory_space<hbm>>
      %dma_start3A_1008 = tpu.memref_squeeze %dma_start3A_1007 : memref<1x1x64xf32, #tpu.memory_space<hbm>> -> memref<1x64xf32, #tpu.memory_space<hbm>>
      %dma_start3A_1009 = arith.constant 30 : i32
      %dma_start3A_1010 = arith.constant 0 : i32
      %dma_start3A_1011 = tpu.memref_slice %arg16[%dma_start3A_1009, %dma_start3A_1010] : memref<32x64xf32, #tpu.memory_space<vmem>> -> memref<1x64xf32, #tpu.memory_space<vmem>>
      %dma_start3A_1012 = arith.constant 0 : i32
      %dma_start3A_1013 = tpu.memref_slice %arg5[%squeeze3A_1000, %squeeze3A_1002, %dma_start3A_1012] : memref<2x500000x64xf32, #tpu.memory_space<hbm>> -> memref<1x1x64xf32, #tpu.memory_space<hbm>>
      %dma_start3A_1014 = tpu.memref_squeeze %dma_start3A_1013 : memref<1x1x64xf32, #tpu.memory_space<hbm>> -> memref<1x64xf32, #tpu.memory_space<hbm>>
      tpu.enqueue_dma source(%dma_start3A_1014 : memref<1x64xf32, #tpu.memory_space<hbm>>) target(%dma_start3A_1011 : memref<1x64xf32, #tpu.memory_space<vmem>>) target_semaphore(%arg20 : memref<!tpu.dma_semaphore, #tpu.memory_space<semaphore_mem>>)
      %slice3A_1015 = vector.extract_strided_slice %get3A_546 {offsets = [14], sizes = [1], strides = [1]} : vector<16xi32> to vector<1xi32>
      %squeeze3A_1016 = vector.extract %slice3A_1015[0] : i32 from vector<1xi32>
      %slice3A_1017 = vector.extract_strided_slice %get3A_550 {offsets = [14], sizes = [1], strides = [1]} : vector<16xi32> to vector<1xi32>
      %squeeze3A_1018 = vector.extract %slice3A_1017[0] : i32 from vector<1xi32>
      %dma_start3A_1019 = arith.constant 30 : i32
      %dma_start3A_1020 = arith.constant 0 : i32
      %dma_start3A_1021 = tpu.memref_slice %arg17[%dma_start3A_1019, %dma_start3A_1020] : memref<32x64xf32, #tpu.memory_space<vmem>> -> memref<1x64xf32, #tpu.memory_space<vmem>>
      %dma_start3A_1022 = arith.constant 0 : i32
      %dma_start3A_1023 = tpu.memref_slice %arg5[%squeeze3A_1016, %squeeze3A_1018, %dma_start3A_1022] : memref<2x500000x64xf32, #tpu.memory_space<hbm>> -> memref<1x1x64xf32, #tpu.memory_space<hbm>>
      %dma_start3A_1024 = tpu.memref_squeeze %dma_start3A_1023 : memref<1x1x64xf32, #tpu.memory_space<hbm>> -> memref<1x64xf32, #tpu.memory_space<hbm>>
      %dma_start3A_1025 = arith.constant 30 : i32
      %dma_start3A_1026 = arith.constant 0 : i32
      %dma_start3A_1027 = tpu.memref_slice %arg17[%dma_start3A_1025, %dma_start3A_1026] : memref<32x64xf32, #tpu.memory_space<vmem>> -> memref<1x64xf32, #tpu.memory_space<vmem>>
      %dma_start3A_1028 = arith.constant 0 : i32
      %dma_start3A_1029 = tpu.memref_slice %arg5[%squeeze3A_1016, %squeeze3A_1018, %dma_start3A_1028] : memref<2x500000x64xf32, #tpu.memory_space<hbm>> -> memref<1x1x64xf32, #tpu.memory_space<hbm>>
      %dma_start3A_1030 = tpu.memref_squeeze %dma_start3A_1029 : memref<1x1x64xf32, #tpu.memory_space<hbm>> -> memref<1x64xf32, #tpu.memory_space<hbm>>
      tpu.enqueue_dma source(%dma_start3A_1030 : memref<1x64xf32, #tpu.memory_space<hbm>>) target(%dma_start3A_1027 : memref<1x64xf32, #tpu.memory_space<vmem>>) target_semaphore(%arg20 : memref<!tpu.dma_semaphore, #tpu.memory_space<semaphore_mem>>)
      %slice3A_1031 = vector.extract_strided_slice %get3A_538 {offsets = [15], sizes = [1], strides = [1]} : vector<16xi32> to vector<1xi32>
      %squeeze3A_1032 = vector.extract %slice3A_1031[0] : i32 from vector<1xi32>
      %slice3A_1033 = vector.extract_strided_slice %get3A_542 {offsets = [15], sizes = [1], strides = [1]} : vector<16xi32> to vector<1xi32>
      %squeeze3A_1034 = vector.extract %slice3A_1033[0] : i32 from vector<1xi32>
      %dma_start3A_1035 = arith.constant 31 : i32
      %dma_start3A_1036 = arith.constant 0 : i32
      %dma_start3A_1037 = tpu.memref_slice %arg16[%dma_start3A_1035, %dma_start3A_1036] : memref<32x64xf32, #tpu.memory_space<vmem>> -> memref<1x64xf32, #tpu.memory_space<vmem>>
      %dma_start3A_1038 = arith.constant 0 : i32
      %dma_start3A_1039 = tpu.memref_slice %arg5[%squeeze3A_1032, %squeeze3A_1034, %dma_start3A_1038] : memref<2x500000x64xf32, #tpu.memory_space<hbm>> -> memref<1x1x64xf32, #tpu.memory_space<hbm>>
      %dma_start3A_1040 = tpu.memref_squeeze %dma_start3A_1039 : memref<1x1x64xf32, #tpu.memory_space<hbm>> -> memref<1x64xf32, #tpu.memory_space<hbm>>
      %dma_start3A_1041 = arith.constant 31 : i32
      %dma_start3A_1042 = arith.constant 0 : i32
      %dma_start3A_1043 = tpu.memref_slice %arg16[%dma_start3A_1041, %dma_start3A_1042] : memref<32x64xf32, #tpu.memory_space<vmem>> -> memref<1x64xf32, #tpu.memory_space<vmem>>
      %dma_start3A_1044 = arith.constant 0 : i32
      %dma_start3A_1045 = tpu.memref_slice %arg5[%squeeze3A_1032, %squeeze3A_1034, %dma_start3A_1044] : memref<2x500000x64xf32, #tpu.memory_space<hbm>> -> memref<1x1x64xf32, #tpu.memory_space<hbm>>
      %dma_start3A_1046 = tpu.memref_squeeze %dma_start3A_1045 : memref<1x1x64xf32, #tpu.memory_space<hbm>> -> memref<1x64xf32, #tpu.memory_space<hbm>>
      tpu.enqueue_dma source(%dma_start3A_1046 : memref<1x64xf32, #tpu.memory_space<hbm>>) target(%dma_start3A_1043 : memref<1x64xf32, #tpu.memory_space<vmem>>) target_semaphore(%arg20 : memref<!tpu.dma_semaphore, #tpu.memory_space<semaphore_mem>>)
      %slice3A_1047 = vector.extract_strided_slice %get3A_546 {offsets = [15], sizes = [1], strides = [1]} : vector<16xi32> to vector<1xi32>
      %squeeze3A_1048 = vector.extract %slice3A_1047[0] : i32 from vector<1xi32>
      %slice3A_1049 = vector.extract_strided_slice %get3A_550 {offsets = [15], sizes = [1], strides = [1]} : vector<16xi32> to vector<1xi32>
      %squeeze3A_1050 = vector.extract %slice3A_1049[0] : i32 from vector<1xi32>
      %dma_start3A_1051 = arith.constant 31 : i32
      %dma_start3A_1052 = arith.constant 0 : i32
      %dma_start3A_1053 = tpu.memref_slice %arg17[%dma_start3A_1051, %dma_start3A_1052] : memref<32x64xf32, #tpu.memory_space<vmem>> -> memref<1x64xf32, #tpu.memory_space<vmem>>
      %dma_start3A_1054 = arith.constant 0 : i32
      %dma_start3A_1055 = tpu.memref_slice %arg5[%squeeze3A_1048, %squeeze3A_1050, %dma_start3A_1054] : memref<2x500000x64xf32, #tpu.memory_space<hbm>> -> memref<1x1x64xf32, #tpu.memory_space<hbm>>
      %dma_start3A_1056 = tpu.memref_squeeze %dma_start3A_1055 : memref<1x1x64xf32, #tpu.memory_space<hbm>> -> memref<1x64xf32, #tpu.memory_space<hbm>>
      %dma_start3A_1057 = arith.constant 31 : i32
      %dma_start3A_1058 = arith.constant 0 : i32
      %dma_start3A_1059 = tpu.memref_slice %arg17[%dma_start3A_1057, %dma_start3A_1058] : memref<32x64xf32, #tpu.memory_space<vmem>> -> memref<1x64xf32, #tpu.memory_space<vmem>>
      %dma_start3A_1060 = arith.constant 0 : i32
      %dma_start3A_1061 = tpu.memref_slice %arg5[%squeeze3A_1048, %squeeze3A_1050, %dma_start3A_1060] : memref<2x500000x64xf32, #tpu.memory_space<hbm>> -> memref<1x1x64xf32, #tpu.memory_space<hbm>>
      %dma_start3A_1062 = tpu.memref_squeeze %dma_start3A_1061 : memref<1x1x64xf32, #tpu.memory_space<hbm>> -> memref<1x64xf32, #tpu.memory_space<hbm>>
      tpu.enqueue_dma source(%dma_start3A_1062 : memref<1x64xf32, #tpu.memory_space<hbm>>) target(%dma_start3A_1059 : memref<1x64xf32, #tpu.memory_space<vmem>>) target_semaphore(%arg20 : memref<!tpu.dma_semaphore, #tpu.memory_space<semaphore_mem>>)
      %dma_wait3A = arith.constant 0 : i32
      %dma_wait3A_1063 = arith.constant 0 : i32
      %dma_wait3A_1064 = arith.constant 0 : i32
      %dma_wait3A_1065 = tpu.memref_slice %arg16[%dma_wait3A_1063, %dma_wait3A_1064] : memref<32x64xf32, #tpu.memory_space<vmem>> -> memref<16x64xf32, #tpu.memory_space<vmem>>
      %dma_wait3A_1066 = arith.constant 0 : i32
      %dma_wait3A_1067 = arith.constant 0 : i32
      %dma_wait3A_1068 = tpu.memref_slice %arg5[%dma_wait3A, %dma_wait3A_1066, %dma_wait3A_1067] : memref<2x500000x64xf32, #tpu.memory_space<hbm>> -> memref<1x16x64xf32, #tpu.memory_space<hbm>>
      %dma_wait3A_1069 = tpu.memref_squeeze %dma_wait3A_1068 : memref<1x16x64xf32, #tpu.memory_space<hbm>> -> memref<16x64xf32, #tpu.memory_space<hbm>>
      %dma_wait3A_1070 = arith.constant 0 : i32
      %dma_wait3A_1071 = arith.constant 0 : i32
      %dma_wait3A_1072 = tpu.memref_slice %arg16[%dma_wait3A_1070, %dma_wait3A_1071] : memref<32x64xf32, #tpu.memory_space<vmem>> -> memref<16x64xf32, #tpu.memory_space<vmem>>
      %dma_wait3A_1073 = arith.constant 0 : i32
      %dma_wait3A_1074 = arith.constant 0 : i32
      %dma_wait3A_1075 = tpu.memref_slice %arg5[%dma_wait3A, %dma_wait3A_1073, %dma_wait3A_1074] : memref<2x500000x64xf32, #tpu.memory_space<hbm>> -> memref<1x16x64xf32, #tpu.memory_space<hbm>>
      %dma_wait3A_1076 = tpu.memref_squeeze %dma_wait3A_1075 : memref<1x16x64xf32, #tpu.memory_space<hbm>> -> memref<16x64xf32, #tpu.memory_space<hbm>>
      tpu.wait_dma2 semaphore(%arg19 : memref<!tpu.dma_semaphore, #tpu.memory_space<semaphore_mem>>) src(%dma_wait3A_1076 : memref<16x64xf32, #tpu.memory_space<hbm>>) dst(%dma_wait3A_1072 : memref<16x64xf32, #tpu.memory_space<vmem>>)
      %dma_wait3A_1077 = arith.constant 0 : i32
      %dma_wait3A_1078 = arith.constant 0 : i32
      %dma_wait3A_1079 = arith.constant 0 : i32
      %dma_wait3A_1080 = tpu.memref_slice %arg17[%dma_wait3A_1078, %dma_wait3A_1079] : memref<32x64xf32, #tpu.memory_space<vmem>> -> memref<16x64xf32, #tpu.memory_space<vmem>>
      %dma_wait3A_1081 = arith.constant 0 : i32
      %dma_wait3A_1082 = arith.constant 0 : i32
      %dma_wait3A_1083 = tpu.memref_slice %arg5[%dma_wait3A_1077, %dma_wait3A_1081, %dma_wait3A_1082] : memref<2x500000x64xf32, #tpu.memory_space<hbm>> -> memref<1x16x64xf32, #tpu.memory_space<hbm>>
      %dma_wait3A_1084 = tpu.memref_squeeze %dma_wait3A_1083 : memref<1x16x64xf32, #tpu.memory_space<hbm>> -> memref<16x64xf32, #tpu.memory_space<hbm>>
      %dma_wait3A_1085 = arith.constant 0 : i32
      %dma_wait3A_1086 = arith.constant 0 : i32
      %dma_wait3A_1087 = tpu.memref_slice %arg17[%dma_wait3A_1085, %dma_wait3A_1086] : memref<32x64xf32, #tpu.memory_space<vmem>> -> memref<16x64xf32, #tpu.memory_space<vmem>>
      %dma_wait3A_1088 = arith.constant 0 : i32
      %dma_wait3A_1089 = arith.constant 0 : i32
      %dma_wait3A_1090 = tpu.memref_slice %arg5[%dma_wait3A_1077, %dma_wait3A_1088, %dma_wait3A_1089] : memref<2x500000x64xf32, #tpu.memory_space<hbm>> -> memref<1x16x64xf32, #tpu.memory_space<hbm>>
      %dma_wait3A_1091 = tpu.memref_squeeze %dma_wait3A_1090 : memref<1x16x64xf32, #tpu.memory_space<hbm>> -> memref<16x64xf32, #tpu.memory_space<hbm>>
      tpu.wait_dma2 semaphore(%arg19 : memref<!tpu.dma_semaphore, #tpu.memory_space<semaphore_mem>>) src(%dma_wait3A_1091 : memref<16x64xf32, #tpu.memory_space<hbm>>) dst(%dma_wait3A_1087 : memref<16x64xf32, #tpu.memory_space<vmem>>)
      %add3A_1092 = arith.constant 0 : i32
      %add3A_1093 = vector.broadcast %add3A_1092 : i32 to vector<16xi32>
      %add3A_1094 = arith.addi %add3A_1093, %iota3A : vector<16xi32>
      %mul3A_1095 = arith.constant 16 : i32
      %mul3A_1096 = arith.muli %mul3A_532, %mul3A_1095 : i32
      %get3A_1097 = arith.index_cast %mul3A_1096 : i32 to index
      %get3A_1098 = tpu.vector_load %arg9[%get3A_1097] {strides = array<i32>} : memref<512xi32, #tpu.memory_space<vmem>>, vector<16xi32>,
      %shift_right_logical3A = arith.constant 1 : i32
      %shift_right_logical3A_1099 = vector.broadcast %shift_right_logical3A : i32 to vector<16xi32>
      %shift_right_logical3A_1100 = arith.shrui %get3A_1098, %shift_right_logical3A_1099 : vector<16xi32>
      %and3A = arith.constant 1 : i32
      %and3A_1101 = vector.broadcast %and3A : i32 to vector<16xi32>
      %and3A_1102 = arith.andi %get3A_1098, %and3A_1101 : vector<16xi32>
      %shift_left3A = arith.constant 6 : i32
      %shift_left3A_1103 = vector.broadcast %shift_left3A : i32 to vector<16xi32>
      %shift_left3A_1104 = arith.shli %and3A_1102, %shift_left3A_1103 : vector<16xi32>
      %broadcast_in_dim3A = arith.constant 0.000000e+00 : f32
      %broadcast_in_dim3A_1105 = vector.broadcast %broadcast_in_dim3A : f32 to vector<16xf32>
      %broadcast_in_dim3A_1106 = arith.constant 0 : i32
      %broadcast_in_dim3A_1107 = vector.broadcast %broadcast_in_dim3A_1106 : i32 to vector<16xi32>
      %gather3A = tpu.vector_load_idx %arg16[%add3A_1094, %broadcast_in_dim3A_1107] : memref<32x64xf32, #tpu.memory_space<vmem>>[vector<16xi32>, vector<16xi32>], vector<16xf32>,
      %add3A_1108 = arith.constant 0 : i32
      %add3A_1109 = vector.broadcast %add3A_1108 : i32 to vector<16xi32>
      %add3A_1110 = arith.addi %shift_left3A_1104, %add3A_1109 : vector<16xi32>
      %gather3A_1111 = tpu.vector_load_idx %arg15[%shift_right_logical3A_1100, %add3A_1110] : memref<500x128xf32, #tpu.memory_space<vmem>>[vector<16xi32>, vector<16xi32>], vector<16xf32>,
      %gather3A_1112 = tpu.vector_load_idx %arg17[%add3A_1094, %broadcast_in_dim3A_1107] : memref<32x64xf32, #tpu.memory_space<vmem>>[vector<16xi32>, vector<16xi32>], vector<16xf32>,
      %add3A_1113 = arith.addf %gather3A, %gather3A_1111 : vector<16xf32>
      %sub3A = arith.subf %add3A_1113, %gather3A_1112 : vector<16xf32>
      %mul3A_1114 = arith.mulf %sub3A, %sub3A : vector<16xf32>
      %add3A_1115 = arith.addf %broadcast_in_dim3A_1105, %mul3A_1114 : vector<16xf32>
      %broadcast_in_dim3A_1116 = arith.constant 1 : i32
      %broadcast_in_dim3A_1117 = vector.broadcast %broadcast_in_dim3A_1116 : i32 to vector<16xi32>
      %gather3A_1118 = tpu.vector_load_idx %arg16[%add3A_1094, %broadcast_in_dim3A_1117] : memref<32x64xf32, #tpu.memory_space<vmem>>[vector<16xi32>, vector<16xi32>], vector<16xf32>,
      %add3A_1119 = arith.constant 1 : i32
      %add3A_1120 = vector.broadcast %add3A_1119 : i32 to vector<16xi32>
      %add3A_1121 = arith.addi %shift_left3A_1104, %add3A_1120 : vector<16xi32>
      %gather3A_1122 = tpu.vector_load_idx %arg15[%shift_right_logical3A_1100, %add3A_1121] : memref<500x128xf32, #tpu.memory_space<vmem>>[vector<16xi32>, vector<16xi32>], vector<16xf32>,
      %gather3A_1123 = tpu.vector_load_idx %arg17[%add3A_1094, %broadcast_in_dim3A_1117] : memref<32x64xf32, #tpu.memory_space<vmem>>[vector<16xi32>, vector<16xi32>], vector<16xf32>,
      %add3A_1124 = arith.addf %gather3A_1118, %gather3A_1122 : vector<16xf32>
      %sub3A_1125 = arith.subf %add3A_1124, %gather3A_1123 : vector<16xf32>
      %mul3A_1126 = arith.mulf %sub3A_1125, %sub3A_1125 : vector<16xf32>
      %add3A_1127 = arith.addf %add3A_1115, %mul3A_1126 : vector<16xf32>
      %broadcast_in_dim3A_1128 = arith.constant 2 : i32
      %broadcast_in_dim3A_1129 = vector.broadcast %broadcast_in_dim3A_1128 : i32 to vector<16xi32>
      %gather3A_1130 = tpu.vector_load_idx %arg16[%add3A_1094, %broadcast_in_dim3A_1129] : memref<32x64xf32, #tpu.memory_space<vmem>>[vector<16xi32>, vector<16xi32>], vector<16xf32>,
      %add3A_1131 = arith.constant 2 : i32
      %add3A_1132 = vector.broadcast %add3A_1131 : i32 to vector<16xi32>
      %add3A_1133 = arith.addi %shift_left3A_1104, %add3A_1132 : vector<16xi32>
      %gather3A_1134 = tpu.vector_load_idx %arg15[%shift_right_logical3A_1100, %add3A_1133] : memref<500x128xf32, #tpu.memory_space<vmem>>[vector<16xi32>, vector<16xi32>], vector<16xf32>,
      %gather3A_1135 = tpu.vector_load_idx %arg17[%add3A_1094, %broadcast_in_dim3A_1129] : memref<32x64xf32, #tpu.memory_space<vmem>>[vector<16xi32>, vector<16xi32>], vector<16xf32>,
      %add3A_1136 = arith.addf %gather3A_1130, %gather3A_1134 : vector<16xf32>
      %sub3A_1137 = arith.subf %add3A_1136, %gather3A_1135 : vector<16xf32>
      %mul3A_1138 = arith.mulf %sub3A_1137, %sub3A_1137 : vector<16xf32>
      %add3A_1139 = arith.addf %add3A_1127, %mul3A_1138 : vector<16xf32>
      %broadcast_in_dim3A_1140 = arith.constant 3 : i32
      %broadcast_in_dim3A_1141 = vector.broadcast %broadcast_in_dim3A_1140 : i32 to vector<16xi32>
      %gather3A_1142 = tpu.vector_load_idx %arg16[%add3A_1094, %broadcast_in_dim3A_1141] : memref<32x64xf32, #tpu.memory_space<vmem>>[vector<16xi32>, vector<16xi32>], vector<16xf32>,
      %add3A_1143 = arith.constant 3 : i32
      %add3A_1144 = vector.broadcast %add3A_1143 : i32 to vector<16xi32>
      %add3A_1145 = arith.addi %shift_left3A_1104, %add3A_1144 : vector<16xi32>
      %gather3A_1146 = tpu.vector_load_idx %arg15[%shift_right_logical3A_1100, %add3A_1145] : memref<500x128xf32, #tpu.memory_space<vmem>>[vector<16xi32>, vector<16xi32>], vector<16xf32>,
      %gather3A_1147 = tpu.vector_load_idx %arg17[%add3A_1094, %broadcast_in_dim3A_1141] : memref<32x64xf32, #tpu.memory_space<vmem>>[vector<16xi32>, vector<16xi32>], vector<16xf32>,
      %add3A_1148 = arith.addf %gather3A_1142, %gather3A_1146 : vector<16xf32>
      %sub3A_1149 = arith.subf %add3A_1148, %gather3A_1147 : vector<16xf32>
      %mul3A_1150 = arith.mulf %sub3A_1149, %sub3A_1149 : vector<16xf32>
      %add3A_1151 = arith.addf %add3A_1139, %mul3A_1150 : vector<16xf32>
      %broadcast_in_dim3A_1152 = arith.constant 4 : i32
      %broadcast_in_dim3A_1153 = vector.broadcast %broadcast_in_dim3A_1152 : i32 to vector<16xi32>
      %gather3A_1154 = tpu.vector_load_idx %arg16[%add3A_1094, %broadcast_in_dim3A_1153] : memref<32x64xf32, #tpu.memory_space<vmem>>[vector<16xi32>, vector<16xi32>], vector<16xf32>,
      %add3A_1155 = arith.constant 4 : i32
      %add3A_1156 = vector.broadcast %add3A_1155 : i32 to vector<16xi32>
      %add3A_1157 = arith.addi %shift_left3A_1104, %add3A_1156 : vector<16xi32>
      %gather3A_1158 = tpu.vector_load_idx %arg15[%shift_right_logical3A_1100, %add3A_1157] : memref<500x128xf32, #tpu.memory_space<vmem>>[vector<16xi32>, vector<16xi32>], vector<16xf32>,
      %gather3A_1159 = tpu.vector_load_idx %arg17[%add3A_1094, %broadcast_in_dim3A_1153] : memref<32x64xf32, #tpu.memory_space<vmem>>[vector<16xi32>, vector<16xi32>], vector<16xf32>,
      %add3A_1160 = arith.addf %gather3A_1154, %gather3A_1158 : vector<16xf32>
      %sub3A_1161 = arith.subf %add3A_1160, %gather3A_1159 : vector<16xf32>
      %mul3A_1162 = arith.mulf %sub3A_1161, %sub3A_1161 : vector<16xf32>
      %add3A_1163 = arith.addf %add3A_1151, %mul3A_1162 : vector<16xf32>
      %broadcast_in_dim3A_1164 = arith.constant 5 : i32
      %broadcast_in_dim3A_1165 = vector.broadcast %broadcast_in_dim3A_1164 : i32 to vector<16xi32>
      %gather3A_1166 = tpu.vector_load_idx %arg16[%add3A_1094, %broadcast_in_dim3A_1165] : memref<32x64xf32, #tpu.memory_space<vmem>>[vector<16xi32>, vector<16xi32>], vector<16xf32>,
      %add3A_1167 = arith.constant 5 : i32
      %add3A_1168 = vector.broadcast %add3A_1167 : i32 to vector<16xi32>
      %add3A_1169 = arith.addi %shift_left3A_1104, %add3A_1168 : vector<16xi32>
      %gather3A_1170 = tpu.vector_load_idx %arg15[%shift_right_logical3A_1100, %add3A_1169] : memref<500x128xf32, #tpu.memory_space<vmem>>[vector<16xi32>, vector<16xi32>], vector<16xf32>,
      %gather3A_1171 = tpu.vector_load_idx %arg17[%add3A_1094, %broadcast_in_dim3A_1165] : memref<32x64xf32, #tpu.memory_space<vmem>>[vector<16xi32>, vector<16xi32>], vector<16xf32>,
      %add3A_1172 = arith.addf %gather3A_1166, %gather3A_1170 : vector<16xf32>
      %sub3A_1173 = arith.subf %add3A_1172, %gather3A_1171 : vector<16xf32>
      %mul3A_1174 = arith.mulf %sub3A_1173, %sub3A_1173 : vector<16xf32>
      %add3A_1175 = arith.addf %add3A_1163, %mul3A_1174 : vector<16xf32>
      %broadcast_in_dim3A_1176 = arith.constant 6 : i32
      %broadcast_in_dim3A_1177 = vector.broadcast %broadcast_in_dim3A_1176 : i32 to vector<16xi32>
      %gather3A_1178 = tpu.vector_load_idx %arg16[%add3A_1094, %broadcast_in_dim3A_1177] : memref<32x64xf32, #tpu.memory_space<vmem>>[vector<16xi32>, vector<16xi32>], vector<16xf32>,
      %add3A_1179 = arith.constant 6 : i32
      %add3A_1180 = vector.broadcast %add3A_1179 : i32 to vector<16xi32>
      %add3A_1181 = arith.addi %shift_left3A_1104, %add3A_1180 : vector<16xi32>
      %gather3A_1182 = tpu.vector_load_idx %arg15[%shift_right_logical3A_1100, %add3A_1181] : memref<500x128xf32, #tpu.memory_space<vmem>>[vector<16xi32>, vector<16xi32>], vector<16xf32>,
      %gather3A_1183 = tpu.vector_load_idx %arg17[%add3A_1094, %broadcast_in_dim3A_1177] : memref<32x64xf32, #tpu.memory_space<vmem>>[vector<16xi32>, vector<16xi32>], vector<16xf32>,
      %add3A_1184 = arith.addf %gather3A_1178, %gather3A_1182 : vector<16xf32>
      %sub3A_1185 = arith.subf %add3A_1184, %gather3A_1183 : vector<16xf32>
      %mul3A_1186 = arith.mulf %sub3A_1185, %sub3A_1185 : vector<16xf32>
      %add3A_1187 = arith.addf %add3A_1175, %mul3A_1186 : vector<16xf32>
      %broadcast_in_dim3A_1188 = arith.constant 7 : i32
      %broadcast_in_dim3A_1189 = vector.broadcast %broadcast_in_dim3A_1188 : i32 to vector<16xi32>
      %gather3A_1190 = tpu.vector_load_idx %arg16[%add3A_1094, %broadcast_in_dim3A_1189] : memref<32x64xf32, #tpu.memory_space<vmem>>[vector<16xi32>, vector<16xi32>], vector<16xf32>,
      %add3A_1191 = arith.constant 7 : i32
      %add3A_1192 = vector.broadcast %add3A_1191 : i32 to vector<16xi32>
      %add3A_1193 = arith.addi %shift_left3A_1104, %add3A_1192 : vector<16xi32>
      %gather3A_1194 = tpu.vector_load_idx %arg15[%shift_right_logical3A_1100, %add3A_1193] : memref<500x128xf32, #tpu.memory_space<vmem>>[vector<16xi32>, vector<16xi32>], vector<16xf32>,
      %gather3A_1195 = tpu.vector_load_idx %arg17[%add3A_1094, %broadcast_in_dim3A_1189] : memref<32x64xf32, #tpu.memory_space<vmem>>[vector<16xi32>, vector<16xi32>], vector<16xf32>,
      %add3A_1196 = arith.addf %gather3A_1190, %gather3A_1194 : vector<16xf32>
      %sub3A_1197 = arith.subf %add3A_1196, %gather3A_1195 : vector<16xf32>
      %mul3A_1198 = arith.mulf %sub3A_1197, %sub3A_1197 : vector<16xf32>
      %add3A_1199 = arith.addf %add3A_1187, %mul3A_1198 : vector<16xf32>
      %broadcast_in_dim3A_1200 = arith.constant 8 : i32
      %broadcast_in_dim3A_1201 = vector.broadcast %broadcast_in_dim3A_1200 : i32 to vector<16xi32>
      %gather3A_1202 = tpu.vector_load_idx %arg16[%add3A_1094, %broadcast_in_dim3A_1201] : memref<32x64xf32, #tpu.memory_space<vmem>>[vector<16xi32>, vector<16xi32>], vector<16xf32>,
      %add3A_1203 = arith.constant 8 : i32
      %add3A_1204 = vector.broadcast %add3A_1203 : i32 to vector<16xi32>
      %add3A_1205 = arith.addi %shift_left3A_1104, %add3A_1204 : vector<16xi32>
      %gather3A_1206 = tpu.vector_load_idx %arg15[%shift_right_logical3A_1100, %add3A_1205] : memref<500x128xf32, #tpu.memory_space<vmem>>[vector<16xi32>, vector<16xi32>], vector<16xf32>,
      %gather3A_1207 = tpu.vector_load_idx %arg17[%add3A_1094, %broadcast_in_dim3A_1201] : memref<32x64xf32, #tpu.memory_space<vmem>>[vector<16xi32>, vector<16xi32>], vector<16xf32>,
      %add3A_1208 = arith.addf %gather3A_1202, %gather3A_1206 : vector<16xf32>
      %sub3A_1209 = arith.subf %add3A_1208, %gather3A_1207 : vector<16xf32>
      %mul3A_1210 = arith.mulf %sub3A_1209, %sub3A_1209 : vector<16xf32>
      %add3A_1211 = arith.addf %add3A_1199, %mul3A_1210 : vector<16xf32>
      %broadcast_in_dim3A_1212 = arith.constant 9 : i32
      %broadcast_in_dim3A_1213 = vector.broadcast %broadcast_in_dim3A_1212 : i32 to vector<16xi32>
      %gather3A_1214 = tpu.vector_load_idx %arg16[%add3A_1094, %broadcast_in_dim3A_1213] : memref<32x64xf32, #tpu.memory_space<vmem>>[vector<16xi32>, vector<16xi32>], vector<16xf32>,
      %add3A_1215 = arith.constant 9 : i32
      %add3A_1216 = vector.broadcast %add3A_1215 : i32 to vector<16xi32>
      %add3A_1217 = arith.addi %shift_left3A_1104, %add3A_1216 : vector<16xi32>
      %gather3A_1218 = tpu.vector_load_idx %arg15[%shift_right_logical3A_1100, %add3A_1217] : memref<500x128xf32, #tpu.memory_space<vmem>>[vector<16xi32>, vector<16xi32>], vector<16xf32>,
      %gather3A_1219 = tpu.vector_load_idx %arg17[%add3A_1094, %broadcast_in_dim3A_1213] : memref<32x64xf32, #tpu.memory_space<vmem>>[vector<16xi32>, vector<16xi32>], vector<16xf32>,
      %add3A_1220 = arith.addf %gather3A_1214, %gather3A_1218 : vector<16xf32>
      %sub3A_1221 = arith.subf %add3A_1220, %gather3A_1219 : vector<16xf32>
      %mul3A_1222 = arith.mulf %sub3A_1221, %sub3A_1221 : vector<16xf32>
      %add3A_1223 = arith.addf %add3A_1211, %mul3A_1222 : vector<16xf32>
      %broadcast_in_dim3A_1224 = arith.constant 10 : i32
      %broadcast_in_dim3A_1225 = vector.broadcast %broadcast_in_dim3A_1224 : i32 to vector<16xi32>
      %gather3A_1226 = tpu.vector_load_idx %arg16[%add3A_1094, %broadcast_in_dim3A_1225] : memref<32x64xf32, #tpu.memory_space<vmem>>[vector<16xi32>, vector<16xi32>], vector<16xf32>,
      %add3A_1227 = arith.constant 10 : i32
      %add3A_1228 = vector.broadcast %add3A_1227 : i32 to vector<16xi32>
      %add3A_1229 = arith.addi %shift_left3A_1104, %add3A_1228 : vector<16xi32>
      %gather3A_1230 = tpu.vector_load_idx %arg15[%shift_right_logical3A_1100, %add3A_1229] : memref<500x128xf32, #tpu.memory_space<vmem>>[vector<16xi32>, vector<16xi32>], vector<16xf32>,
      %gather3A_1231 = tpu.vector_load_idx %arg17[%add3A_1094, %broadcast_in_dim3A_1225] : memref<32x64xf32, #tpu.memory_space<vmem>>[vector<16xi32>, vector<16xi32>], vector<16xf32>,
      %add3A_1232 = arith.addf %gather3A_1226, %gather3A_1230 : vector<16xf32>
      %sub3A_1233 = arith.subf %add3A_1232, %gather3A_1231 : vector<16xf32>
      %mul3A_1234 = arith.mulf %sub3A_1233, %sub3A_1233 : vector<16xf32>
      %add3A_1235 = arith.addf %add3A_1223, %mul3A_1234 : vector<16xf32>
      %broadcast_in_dim3A_1236 = arith.constant 11 : i32
      %broadcast_in_dim3A_1237 = vector.broadcast %broadcast_in_dim3A_1236 : i32 to vector<16xi32>
      %gather3A_1238 = tpu.vector_load_idx %arg16[%add3A_1094, %broadcast_in_dim3A_1237] : memref<32x64xf32, #tpu.memory_space<vmem>>[vector<16xi32>, vector<16xi32>], vector<16xf32>,
      %add3A_1239 = arith.constant 11 : i32
      %add3A_1240 = vector.broadcast %add3A_1239 : i32 to vector<16xi32>
      %add3A_1241 = arith.addi %shift_left3A_1104, %add3A_1240 : vector<16xi32>
      %gather3A_1242 = tpu.vector_load_idx %arg15[%shift_right_logical3A_1100, %add3A_1241] : memref<500x128xf32, #tpu.memory_space<vmem>>[vector<16xi32>, vector<16xi32>], vector<16xf32>,
      %gather3A_1243 = tpu.vector_load_idx %arg17[%add3A_1094, %broadcast_in_dim3A_1237] : memref<32x64xf32, #tpu.memory_space<vmem>>[vector<16xi32>, vector<16xi32>], vector<16xf32>,
      %add3A_1244 = arith.addf %gather3A_1238, %gather3A_1242 : vector<16xf32>
      %sub3A_1245 = arith.subf %add3A_1244, %gather3A_1243 : vector<16xf32>
      %mul3A_1246 = arith.mulf %sub3A_1245, %sub3A_1245 : vector<16xf32>
      %add3A_1247 = arith.addf %add3A_1235, %mul3A_1246 : vector<16xf32>
      %broadcast_in_dim3A_1248 = arith.constant 12 : i32
      %broadcast_in_dim3A_1249 = vector.broadcast %broadcast_in_dim3A_1248 : i32 to vector<16xi32>
      %gather3A_1250 = tpu.vector_load_idx %arg16[%add3A_1094, %broadcast_in_dim3A_1249] : memref<32x64xf32, #tpu.memory_space<vmem>>[vector<16xi32>, vector<16xi32>], vector<16xf32>,
      %add3A_1251 = arith.constant 12 : i32
      %add3A_1252 = vector.broadcast %add3A_1251 : i32 to vector<16xi32>
      %add3A_1253 = arith.addi %shift_left3A_1104, %add3A_1252 : vector<16xi32>
      %gather3A_1254 = tpu.vector_load_idx %arg15[%shift_right_logical3A_1100, %add3A_1253] : memref<500x128xf32, #tpu.memory_space<vmem>>[vector<16xi32>, vector<16xi32>], vector<16xf32>,
      %gather3A_1255 = tpu.vector_load_idx %arg17[%add3A_1094, %broadcast_in_dim3A_1249] : memref<32x64xf32, #tpu.memory_space<vmem>>[vector<16xi32>, vector<16xi32>], vector<16xf32>,
      %add3A_1256 = arith.addf %gather3A_1250, %gather3A_1254 : vector<16xf32>
      %sub3A_1257 = arith.subf %add3A_1256, %gather3A_1255 : vector<16xf32>
      %mul3A_1258 = arith.mulf %sub3A_1257, %sub3A_1257 : vector<16xf32>
      %add3A_1259 = arith.addf %add3A_1247, %mul3A_1258 : vector<16xf32>
      %broadcast_in_dim3A_1260 = arith.constant 13 : i32
      %broadcast_in_dim3A_1261 = vector.broadcast %broadcast_in_dim3A_1260 : i32 to vector<16xi32>
      %gather3A_1262 = tpu.vector_load_idx %arg16[%add3A_1094, %broadcast_in_dim3A_1261] : memref<32x64xf32, #tpu.memory_space<vmem>>[vector<16xi32>, vector<16xi32>], vector<16xf32>,
      %add3A_1263 = arith.constant 13 : i32
      %add3A_1264 = vector.broadcast %add3A_1263 : i32 to vector<16xi32>
      %add3A_1265 = arith.addi %shift_left3A_1104, %add3A_1264 : vector<16xi32>
      %gather3A_1266 = tpu.vector_load_idx %arg15[%shift_right_logical3A_1100, %add3A_1265] : memref<500x128xf32, #tpu.memory_space<vmem>>[vector<16xi32>, vector<16xi32>], vector<16xf32>,
      %gather3A_1267 = tpu.vector_load_idx %arg17[%add3A_1094, %broadcast_in_dim3A_1261] : memref<32x64xf32, #tpu.memory_space<vmem>>[vector<16xi32>, vector<16xi32>], vector<16xf32>,
      %add3A_1268 = arith.addf %gather3A_1262, %gather3A_1266 : vector<16xf32>
      %sub3A_1269 = arith.subf %add3A_1268, %gather3A_1267 : vector<16xf32>
      %mul3A_1270 = arith.mulf %sub3A_1269, %sub3A_1269 : vector<16xf32>
      %add3A_1271 = arith.addf %add3A_1259, %mul3A_1270 : vector<16xf32>
      %broadcast_in_dim3A_1272 = arith.constant 14 : i32
      %broadcast_in_dim3A_1273 = vector.broadcast %broadcast_in_dim3A_1272 : i32 to vector<16xi32>
      %gather3A_1274 = tpu.vector_load_idx %arg16[%add3A_1094, %broadcast_in_dim3A_1273] : memref<32x64xf32, #tpu.memory_space<vmem>>[vector<16xi32>, vector<16xi32>], vector<16xf32>,
      %add3A_1275 = arith.constant 14 : i32
      %add3A_1276 = vector.broadcast %add3A_1275 : i32 to vector<16xi32>
      %add3A_1277 = arith.addi %shift_left3A_1104, %add3A_1276 : vector<16xi32>
      %gather3A_1278 = tpu.vector_load_idx %arg15[%shift_right_logical3A_1100, %add3A_1277] : memref<500x128xf32, #tpu.memory_space<vmem>>[vector<16xi32>, vector<16xi32>], vector<16xf32>,
      %gather3A_1279 = tpu.vector_load_idx %arg17[%add3A_1094, %broadcast_in_dim3A_1273] : memref<32x64xf32, #tpu.memory_space<vmem>>[vector<16xi32>, vector<16xi32>], vector<16xf32>,
      %add3A_1280 = arith.addf %gather3A_1274, %gather3A_1278 : vector<16xf32>
      %sub3A_1281 = arith.subf %add3A_1280, %gather3A_1279 : vector<16xf32>
      %mul3A_1282 = arith.mulf %sub3A_1281, %sub3A_1281 : vector<16xf32>
      %add3A_1283 = arith.addf %add3A_1271, %mul3A_1282 : vector<16xf32>
      %broadcast_in_dim3A_1284 = arith.constant 15 : i32
      %broadcast_in_dim3A_1285 = vector.broadcast %broadcast_in_dim3A_1284 : i32 to vector<16xi32>
      %gather3A_1286 = tpu.vector_load_idx %arg16[%add3A_1094, %broadcast_in_dim3A_1285] : memref<32x64xf32, #tpu.memory_space<vmem>>[vector<16xi32>, vector<16xi32>], vector<16xf32>,
      %add3A_1287 = arith.constant 15 : i32
      %add3A_1288 = vector.broadcast %add3A_1287 : i32 to vector<16xi32>
      %add3A_1289 = arith.addi %shift_left3A_1104, %add3A_1288 : vector<16xi32>
      %gather3A_1290 = tpu.vector_load_idx %arg15[%shift_right_logical3A_1100, %add3A_1289] : memref<500x128xf32, #tpu.memory_space<vmem>>[vector<16xi32>, vector<16xi32>], vector<16xf32>,
      %gather3A_1291 = tpu.vector_load_idx %arg17[%add3A_1094, %broadcast_in_dim3A_1285] : memref<32x64xf32, #tpu.memory_space<vmem>>[vector<16xi32>, vector<16xi32>], vector<16xf32>,
      %add3A_1292 = arith.addf %gather3A_1286, %gather3A_1290 : vector<16xf32>
      %sub3A_1293 = arith.subf %add3A_1292, %gather3A_1291 : vector<16xf32>
      %mul3A_1294 = arith.mulf %sub3A_1293, %sub3A_1293 : vector<16xf32>
      %add3A_1295 = arith.addf %add3A_1283, %mul3A_1294 : vector<16xf32>
      %broadcast_in_dim3A_1296 = arith.constant 16 : i32
      %broadcast_in_dim3A_1297 = vector.broadcast %broadcast_in_dim3A_1296 : i32 to vector<16xi32>
      %gather3A_1298 = tpu.vector_load_idx %arg16[%add3A_1094, %broadcast_in_dim3A_1297] : memref<32x64xf32, #tpu.memory_space<vmem>>[vector<16xi32>, vector<16xi32>], vector<16xf32>,
      %add3A_1299 = arith.constant 16 : i32
      %add3A_1300 = vector.broadcast %add3A_1299 : i32 to vector<16xi32>
      %add3A_1301 = arith.addi %shift_left3A_1104, %add3A_1300 : vector<16xi32>
      %gather3A_1302 = tpu.vector_load_idx %arg15[%shift_right_logical3A_1100, %add3A_1301] : memref<500x128xf32, #tpu.memory_space<vmem>>[vector<16xi32>, vector<16xi32>], vector<16xf32>,
      %gather3A_1303 = tpu.vector_load_idx %arg17[%add3A_1094, %broadcast_in_dim3A_1297] : memref<32x64xf32, #tpu.memory_space<vmem>>[vector<16xi32>, vector<16xi32>], vector<16xf32>,
      %add3A_1304 = arith.addf %gather3A_1298, %gather3A_1302 : vector<16xf32>
      %sub3A_1305 = arith.subf %add3A_1304, %gather3A_1303 : vector<16xf32>
      %mul3A_1306 = arith.mulf %sub3A_1305, %sub3A_1305 : vector<16xf32>
      %add3A_1307 = arith.addf %add3A_1295, %mul3A_1306 : vector<16xf32>
      %broadcast_in_dim3A_1308 = arith.constant 17 : i32
      %broadcast_in_dim3A_1309 = vector.broadcast %broadcast_in_dim3A_1308 : i32 to vector<16xi32>
      %gather3A_1310 = tpu.vector_load_idx %arg16[%add3A_1094, %broadcast_in_dim3A_1309] : memref<32x64xf32, #tpu.memory_space<vmem>>[vector<16xi32>, vector<16xi32>], vector<16xf32>,
      %add3A_1311 = arith.constant 17 : i32
      %add3A_1312 = vector.broadcast %add3A_1311 : i32 to vector<16xi32>
      %add3A_1313 = arith.addi %shift_left3A_1104, %add3A_1312 : vector<16xi32>
      %gather3A_1314 = tpu.vector_load_idx %arg15[%shift_right_logical3A_1100, %add3A_1313] : memref<500x128xf32, #tpu.memory_space<vmem>>[vector<16xi32>, vector<16xi32>], vector<16xf32>,
      %gather3A_1315 = tpu.vector_load_idx %arg17[%add3A_1094, %broadcast_in_dim3A_1309] : memref<32x64xf32, #tpu.memory_space<vmem>>[vector<16xi32>, vector<16xi32>], vector<16xf32>,
      %add3A_1316 = arith.addf %gather3A_1310, %gather3A_1314 : vector<16xf32>
      %sub3A_1317 = arith.subf %add3A_1316, %gather3A_1315 : vector<16xf32>
      %mul3A_1318 = arith.mulf %sub3A_1317, %sub3A_1317 : vector<16xf32>
      %add3A_1319 = arith.addf %add3A_1307, %mul3A_1318 : vector<16xf32>
      %broadcast_in_dim3A_1320 = arith.constant 18 : i32
      %broadcast_in_dim3A_1321 = vector.broadcast %broadcast_in_dim3A_1320 : i32 to vector<16xi32>
      %gather3A_1322 = tpu.vector_load_idx %arg16[%add3A_1094, %broadcast_in_dim3A_1321] : memref<32x64xf32, #tpu.memory_space<vmem>>[vector<16xi32>, vector<16xi32>], vector<16xf32>,
      %add3A_1323 = arith.constant 18 : i32
      %add3A_1324 = vector.broadcast %add3A_1323 : i32 to vector<16xi32>
      %add3A_1325 = arith.addi %shift_left3A_1104, %add3A_1324 : vector<16xi32>
      %gather3A_1326 = tpu.vector_load_idx %arg15[%shift_right_logical3A_1100, %add3A_1325] : memref<500x128xf32, #tpu.memory_space<vmem>>[vector<16xi32>, vector<16xi32>], vector<16xf32>,
      %gather3A_1327 = tpu.vector_load_idx %arg17[%add3A_1094, %broadcast_in_dim3A_1321] : memref<32x64xf32, #tpu.memory_space<vmem>>[vector<16xi32>, vector<16xi32>], vector<16xf32>,
      %add3A_1328 = arith.addf %gather3A_1322, %gather3A_1326 : vector<16xf32>
      %sub3A_1329 = arith.subf %add3A_1328, %gather3A_1327 : vector<16xf32>
      %mul3A_1330 = arith.mulf %sub3A_1329, %sub3A_1329 : vector<16xf32>
      %add3A_1331 = arith.addf %add3A_1319, %mul3A_1330 : vector<16xf32>
      %broadcast_in_dim3A_1332 = arith.constant 19 : i32
      %broadcast_in_dim3A_1333 = vector.broadcast %broadcast_in_dim3A_1332 : i32 to vector<16xi32>
      %gather3A_1334 = tpu.vector_load_idx %arg16[%add3A_1094, %broadcast_in_dim3A_1333] : memref<32x64xf32, #tpu.memory_space<vmem>>[vector<16xi32>, vector<16xi32>], vector<16xf32>,
      %add3A_1335 = arith.constant 19 : i32
      %add3A_1336 = vector.broadcast %add3A_1335 : i32 to vector<16xi32>
      %add3A_1337 = arith.addi %shift_left3A_1104, %add3A_1336 : vector<16xi32>
      %gather3A_1338 = tpu.vector_load_idx %arg15[%shift_right_logical3A_1100, %add3A_1337] : memref<500x128xf32, #tpu.memory_space<vmem>>[vector<16xi32>, vector<16xi32>], vector<16xf32>,
      %gather3A_1339 = tpu.vector_load_idx %arg17[%add3A_1094, %broadcast_in_dim3A_1333] : memref<32x64xf32, #tpu.memory_space<vmem>>[vector<16xi32>, vector<16xi32>], vector<16xf32>,
      %add3A_1340 = arith.addf %gather3A_1334, %gather3A_1338 : vector<16xf32>
      %sub3A_1341 = arith.subf %add3A_1340, %gather3A_1339 : vector<16xf32>
      %mul3A_1342 = arith.mulf %sub3A_1341, %sub3A_1341 : vector<16xf32>
      %add3A_1343 = arith.addf %add3A_1331, %mul3A_1342 : vector<16xf32>
      %broadcast_in_dim3A_1344 = arith.constant 20 : i32
      %broadcast_in_dim3A_1345 = vector.broadcast %broadcast_in_dim3A_1344 : i32 to vector<16xi32>
      %gather3A_1346 = tpu.vector_load_idx %arg16[%add3A_1094, %broadcast_in_dim3A_1345] : memref<32x64xf32, #tpu.memory_space<vmem>>[vector<16xi32>, vector<16xi32>], vector<16xf32>,
      %add3A_1347 = arith.constant 20 : i32
      %add3A_1348 = vector.broadcast %add3A_1347 : i32 to vector<16xi32>
      %add3A_1349 = arith.addi %shift_left3A_1104, %add3A_1348 : vector<16xi32>
      %gather3A_1350 = tpu.vector_load_idx %arg15[%shift_right_logical3A_1100, %add3A_1349] : memref<500x128xf32, #tpu.memory_space<vmem>>[vector<16xi32>, vector<16xi32>], vector<16xf32>,
      %gather3A_1351 = tpu.vector_load_idx %arg17[%add3A_1094, %broadcast_in_dim3A_1345] : memref<32x64xf32, #tpu.memory_space<vmem>>[vector<16xi32>, vector<16xi32>], vector<16xf32>,
      %add3A_1352 = arith.addf %gather3A_1346, %gather3A_1350 : vector<16xf32>
      %sub3A_1353 = arith.subf %add3A_1352, %gather3A_1351 : vector<16xf32>
      %mul3A_1354 = arith.mulf %sub3A_1353, %sub3A_1353 : vector<16xf32>
      %add3A_1355 = arith.addf %add3A_1343, %mul3A_1354 : vector<16xf32>
      %broadcast_in_dim3A_1356 = arith.constant 21 : i32
      %broadcast_in_dim3A_1357 = vector.broadcast %broadcast_in_dim3A_1356 : i32 to vector<16xi32>
      %gather3A_1358 = tpu.vector_load_idx %arg16[%add3A_1094, %broadcast_in_dim3A_1357] : memref<32x64xf32, #tpu.memory_space<vmem>>[vector<16xi32>, vector<16xi32>], vector<16xf32>,
      %add3A_1359 = arith.constant 21 : i32
      %add3A_1360 = vector.broadcast %add3A_1359 : i32 to vector<16xi32>
      %add3A_1361 = arith.addi %shift_left3A_1104, %add3A_1360 : vector<16xi32>
      %gather3A_1362 = tpu.vector_load_idx %arg15[%shift_right_logical3A_1100, %add3A_1361] : memref<500x128xf32, #tpu.memory_space<vmem>>[vector<16xi32>, vector<16xi32>], vector<16xf32>,
      %gather3A_1363 = tpu.vector_load_idx %arg17[%add3A_1094, %broadcast_in_dim3A_1357] : memref<32x64xf32, #tpu.memory_space<vmem>>[vector<16xi32>, vector<16xi32>], vector<16xf32>,
      %add3A_1364 = arith.addf %gather3A_1358, %gather3A_1362 : vector<16xf32>
      %sub3A_1365 = arith.subf %add3A_1364, %gather3A_1363 : vector<16xf32>
      %mul3A_1366 = arith.mulf %sub3A_1365, %sub3A_1365 : vector<16xf32>
      %add3A_1367 = arith.addf %add3A_1355, %mul3A_1366 : vector<16xf32>
      %broadcast_in_dim3A_1368 = arith.constant 22 : i32
      %broadcast_in_dim3A_1369 = vector.broadcast %broadcast_in_dim3A_1368 : i32 to vector<16xi32>
      %gather3A_1370 = tpu.vector_load_idx %arg16[%add3A_1094, %broadcast_in_dim3A_1369] : memref<32x64xf32, #tpu.memory_space<vmem>>[vector<16xi32>, vector<16xi32>], vector<16xf32>,
      %add3A_1371 = arith.constant 22 : i32
      %add3A_1372 = vector.broadcast %add3A_1371 : i32 to vector<16xi32>
      %add3A_1373 = arith.addi %shift_left3A_1104, %add3A_1372 : vector<16xi32>
      %gather3A_1374 = tpu.vector_load_idx %arg15[%shift_right_logical3A_1100, %add3A_1373] : memref<500x128xf32, #tpu.memory_space<vmem>>[vector<16xi32>, vector<16xi32>], vector<16xf32>,
      %gather3A_1375 = tpu.vector_load_idx %arg17[%add3A_1094, %broadcast_in_dim3A_1369] : memref<32x64xf32, #tpu.memory_space<vmem>>[vector<16xi32>, vector<16xi32>], vector<16xf32>,
      %add3A_1376 = arith.addf %gather3A_1370, %gather3A_1374 : vector<16xf32>
      %sub3A_1377 = arith.subf %add3A_1376, %gather3A_1375 : vector<16xf32>
      %mul3A_1378 = arith.mulf %sub3A_1377, %sub3A_1377 : vector<16xf32>
      %add3A_1379 = arith.addf %add3A_1367, %mul3A_1378 : vector<16xf32>
      %broadcast_in_dim3A_1380 = arith.constant 23 : i32
      %broadcast_in_dim3A_1381 = vector.broadcast %broadcast_in_dim3A_1380 : i32 to vector<16xi32>
      %gather3A_1382 = tpu.vector_load_idx %arg16[%add3A_1094, %broadcast_in_dim3A_1381] : memref<32x64xf32, #tpu.memory_space<vmem>>[vector<16xi32>, vector<16xi32>], vector<16xf32>,
      %add3A_1383 = arith.constant 23 : i32
      %add3A_1384 = vector.broadcast %add3A_1383 : i32 to vector<16xi32>
      %add3A_1385 = arith.addi %shift_left3A_1104, %add3A_1384 : vector<16xi32>
      %gather3A_1386 = tpu.vector_load_idx %arg15[%shift_right_logical3A_1100, %add3A_1385] : memref<500x128xf32, #tpu.memory_space<vmem>>[vector<16xi32>, vector<16xi32>], vector<16xf32>,
      %gather3A_1387 = tpu.vector_load_idx %arg17[%add3A_1094, %broadcast_in_dim3A_1381] : memref<32x64xf32, #tpu.memory_space<vmem>>[vector<16xi32>, vector<16xi32>], vector<16xf32>,
      %add3A_1388 = arith.addf %gather3A_1382, %gather3A_1386 : vector<16xf32>
      %sub3A_1389 = arith.subf %add3A_1388, %gather3A_1387 : vector<16xf32>
      %mul3A_1390 = arith.mulf %sub3A_1389, %sub3A_1389 : vector<16xf32>
      %add3A_1391 = arith.addf %add3A_1379, %mul3A_1390 : vector<16xf32>
      %broadcast_in_dim3A_1392 = arith.constant 24 : i32
      %broadcast_in_dim3A_1393 = vector.broadcast %broadcast_in_dim3A_1392 : i32 to vector<16xi32>
      %gather3A_1394 = tpu.vector_load_idx %arg16[%add3A_1094, %broadcast_in_dim3A_1393] : memref<32x64xf32, #tpu.memory_space<vmem>>[vector<16xi32>, vector<16xi32>], vector<16xf32>,
      %add3A_1395 = arith.constant 24 : i32
      %add3A_1396 = vector.broadcast %add3A_1395 : i32 to vector<16xi32>
      %add3A_1397 = arith.addi %shift_left3A_1104, %add3A_1396 : vector<16xi32>
      %gather3A_1398 = tpu.vector_load_idx %arg15[%shift_right_logical3A_1100, %add3A_1397] : memref<500x128xf32, #tpu.memory_space<vmem>>[vector<16xi32>, vector<16xi32>], vector<16xf32>,
      %gather3A_1399 = tpu.vector_load_idx %arg17[%add3A_1094, %broadcast_in_dim3A_1393] : memref<32x64xf32, #tpu.memory_space<vmem>>[vector<16xi32>, vector<16xi32>], vector<16xf32>,
      %add3A_1400 = arith.addf %gather3A_1394, %gather3A_1398 : vector<16xf32>
      %sub3A_1401 = arith.subf %add3A_1400, %gather3A_1399 : vector<16xf32>
      %mul3A_1402 = arith.mulf %sub3A_1401, %sub3A_1401 : vector<16xf32>
      %add3A_1403 = arith.addf %add3A_1391, %mul3A_1402 : vector<16xf32>
      %broadcast_in_dim3A_1404 = arith.constant 25 : i32
      %broadcast_in_dim3A_1405 = vector.broadcast %broadcast_in_dim3A_1404 : i32 to vector<16xi32>
      %gather3A_1406 = tpu.vector_load_idx %arg16[%add3A_1094, %broadcast_in_dim3A_1405] : memref<32x64xf32, #tpu.memory_space<vmem>>[vector<16xi32>, vector<16xi32>], vector<16xf32>,
      %add3A_1407 = arith.constant 25 : i32
      %add3A_1408 = vector.broadcast %add3A_1407 : i32 to vector<16xi32>
      %add3A_1409 = arith.addi %shift_left3A_1104, %add3A_1408 : vector<16xi32>
      %gather3A_1410 = tpu.vector_load_idx %arg15[%shift_right_logical3A_1100, %add3A_1409] : memref<500x128xf32, #tpu.memory_space<vmem>>[vector<16xi32>, vector<16xi32>], vector<16xf32>,
      %gather3A_1411 = tpu.vector_load_idx %arg17[%add3A_1094, %broadcast_in_dim3A_1405] : memref<32x64xf32, #tpu.memory_space<vmem>>[vector<16xi32>, vector<16xi32>], vector<16xf32>,
      %add3A_1412 = arith.addf %gather3A_1406, %gather3A_1410 : vector<16xf32>
      %sub3A_1413 = arith.subf %add3A_1412, %gather3A_1411 : vector<16xf32>
      %mul3A_1414 = arith.mulf %sub3A_1413, %sub3A_1413 : vector<16xf32>
      %add3A_1415 = arith.addf %add3A_1403, %mul3A_1414 : vector<16xf32>
      %broadcast_in_dim3A_1416 = arith.constant 26 : i32
      %broadcast_in_dim3A_1417 = vector.broadcast %broadcast_in_dim3A_1416 : i32 to vector<16xi32>
      %gather3A_1418 = tpu.vector_load_idx %arg16[%add3A_1094, %broadcast_in_dim3A_1417] : memref<32x64xf32, #tpu.memory_space<vmem>>[vector<16xi32>, vector<16xi32>], vector<16xf32>,
      %add3A_1419 = arith.constant 26 : i32
      %add3A_1420 = vector.broadcast %add3A_1419 : i32 to vector<16xi32>
      %add3A_1421 = arith.addi %shift_left3A_1104, %add3A_1420 : vector<16xi32>
      %gather3A_1422 = tpu.vector_load_idx %arg15[%shift_right_logical3A_1100, %add3A_1421] : memref<500x128xf32, #tpu.memory_space<vmem>>[vector<16xi32>, vector<16xi32>], vector<16xf32>,
      %gather3A_1423 = tpu.vector_load_idx %arg17[%add3A_1094, %broadcast_in_dim3A_1417] : memref<32x64xf32, #tpu.memory_space<vmem>>[vector<16xi32>, vector<16xi32>], vector<16xf32>,
      %add3A_1424 = arith.addf %gather3A_1418, %gather3A_1422 : vector<16xf32>
      %sub3A_1425 = arith.subf %add3A_1424, %gather3A_1423 : vector<16xf32>
      %mul3A_1426 = arith.mulf %sub3A_1425, %sub3A_1425 : vector<16xf32>
      %add3A_1427 = arith.addf %add3A_1415, %mul3A_1426 : vector<16xf32>
      %broadcast_in_dim3A_1428 = arith.constant 27 : i32
      %broadcast_in_dim3A_1429 = vector.broadcast %broadcast_in_dim3A_1428 : i32 to vector<16xi32>
      %gather3A_1430 = tpu.vector_load_idx %arg16[%add3A_1094, %broadcast_in_dim3A_1429] : memref<32x64xf32, #tpu.memory_space<vmem>>[vector<16xi32>, vector<16xi32>], vector<16xf32>,
      %add3A_1431 = arith.constant 27 : i32
      %add3A_1432 = vector.broadcast %add3A_1431 : i32 to vector<16xi32>
      %add3A_1433 = arith.addi %shift_left3A_1104, %add3A_1432 : vector<16xi32>
      %gather3A_1434 = tpu.vector_load_idx %arg15[%shift_right_logical3A_1100, %add3A_1433] : memref<500x128xf32, #tpu.memory_space<vmem>>[vector<16xi32>, vector<16xi32>], vector<16xf32>,
      %gather3A_1435 = tpu.vector_load_idx %arg17[%add3A_1094, %broadcast_in_dim3A_1429] : memref<32x64xf32, #tpu.memory_space<vmem>>[vector<16xi32>, vector<16xi32>], vector<16xf32>,
      %add3A_1436 = arith.addf %gather3A_1430, %gather3A_1434 : vector<16xf32>
      %sub3A_1437 = arith.subf %add3A_1436, %gather3A_1435 : vector<16xf32>
      %mul3A_1438 = arith.mulf %sub3A_1437, %sub3A_1437 : vector<16xf32>
      %add3A_1439 = arith.addf %add3A_1427, %mul3A_1438 : vector<16xf32>
      %broadcast_in_dim3A_1440 = arith.constant 28 : i32
      %broadcast_in_dim3A_1441 = vector.broadcast %broadcast_in_dim3A_1440 : i32 to vector<16xi32>
      %gather3A_1442 = tpu.vector_load_idx %arg16[%add3A_1094, %broadcast_in_dim3A_1441] : memref<32x64xf32, #tpu.memory_space<vmem>>[vector<16xi32>, vector<16xi32>], vector<16xf32>,
      %add3A_1443 = arith.constant 28 : i32
      %add3A_1444 = vector.broadcast %add3A_1443 : i32 to vector<16xi32>
      %add3A_1445 = arith.addi %shift_left3A_1104, %add3A_1444 : vector<16xi32>
      %gather3A_1446 = tpu.vector_load_idx %arg15[%shift_right_logical3A_1100, %add3A_1445] : memref<500x128xf32, #tpu.memory_space<vmem>>[vector<16xi32>, vector<16xi32>], vector<16xf32>,
      %gather3A_1447 = tpu.vector_load_idx %arg17[%add3A_1094, %broadcast_in_dim3A_1441] : memref<32x64xf32, #tpu.memory_space<vmem>>[vector<16xi32>, vector<16xi32>], vector<16xf32>,
      %add3A_1448 = arith.addf %gather3A_1442, %gather3A_1446 : vector<16xf32>
      %sub3A_1449 = arith.subf %add3A_1448, %gather3A_1447 : vector<16xf32>
      %mul3A_1450 = arith.mulf %sub3A_1449, %sub3A_1449 : vector<16xf32>
      %add3A_1451 = arith.addf %add3A_1439, %mul3A_1450 : vector<16xf32>
      %broadcast_in_dim3A_1452 = arith.constant 29 : i32
      %broadcast_in_dim3A_1453 = vector.broadcast %broadcast_in_dim3A_1452 : i32 to vector<16xi32>
      %gather3A_1454 = tpu.vector_load_idx %arg16[%add3A_1094, %broadcast_in_dim3A_1453] : memref<32x64xf32, #tpu.memory_space<vmem>>[vector<16xi32>, vector<16xi32>], vector<16xf32>,
      %add3A_1455 = arith.constant 29 : i32
      %add3A_1456 = vector.broadcast %add3A_1455 : i32 to vector<16xi32>
      %add3A_1457 = arith.addi %shift_left3A_1104, %add3A_1456 : vector<16xi32>
      %gather3A_1458 = tpu.vector_load_idx %arg15[%shift_right_logical3A_1100, %add3A_1457] : memref<500x128xf32, #tpu.memory_space<vmem>>[vector<16xi32>, vector<16xi32>], vector<16xf32>,
      %gather3A_1459 = tpu.vector_load_idx %arg17[%add3A_1094, %broadcast_in_dim3A_1453] : memref<32x64xf32, #tpu.memory_space<vmem>>[vector<16xi32>, vector<16xi32>], vector<16xf32>,
      %add3A_1460 = arith.addf %gather3A_1454, %gather3A_1458 : vector<16xf32>
      %sub3A_1461 = arith.subf %add3A_1460, %gather3A_1459 : vector<16xf32>
      %mul3A_1462 = arith.mulf %sub3A_1461, %sub3A_1461 : vector<16xf32>
      %add3A_1463 = arith.addf %add3A_1451, %mul3A_1462 : vector<16xf32>
      %broadcast_in_dim3A_1464 = arith.constant 30 : i32
      %broadcast_in_dim3A_1465 = vector.broadcast %broadcast_in_dim3A_1464 : i32 to vector<16xi32>
      %gather3A_1466 = tpu.vector_load_idx %arg16[%add3A_1094, %broadcast_in_dim3A_1465] : memref<32x64xf32, #tpu.memory_space<vmem>>[vector<16xi32>, vector<16xi32>], vector<16xf32>,
      %add3A_1467 = arith.constant 30 : i32
      %add3A_1468 = vector.broadcast %add3A_1467 : i32 to vector<16xi32>
      %add3A_1469 = arith.addi %shift_left3A_1104, %add3A_1468 : vector<16xi32>
      %gather3A_1470 = tpu.vector_load_idx %arg15[%shift_right_logical3A_1100, %add3A_1469] : memref<500x128xf32, #tpu.memory_space<vmem>>[vector<16xi32>, vector<16xi32>], vector<16xf32>,
      %gather3A_1471 = tpu.vector_load_idx %arg17[%add3A_1094, %broadcast_in_dim3A_1465] : memref<32x64xf32, #tpu.memory_space<vmem>>[vector<16xi32>, vector<16xi32>], vector<16xf32>,
      %add3A_1472 = arith.addf %gather3A_1466, %gather3A_1470 : vector<16xf32>
      %sub3A_1473 = arith.subf %add3A_1472, %gather3A_1471 : vector<16xf32>
      %mul3A_1474 = arith.mulf %sub3A_1473, %sub3A_1473 : vector<16xf32>
      %add3A_1475 = arith.addf %add3A_1463, %mul3A_1474 : vector<16xf32>
      %broadcast_in_dim3A_1476 = arith.constant 31 : i32
      %broadcast_in_dim3A_1477 = vector.broadcast %broadcast_in_dim3A_1476 : i32 to vector<16xi32>
      %gather3A_1478 = tpu.vector_load_idx %arg16[%add3A_1094, %broadcast_in_dim3A_1477] : memref<32x64xf32, #tpu.memory_space<vmem>>[vector<16xi32>, vector<16xi32>], vector<16xf32>,
      %add3A_1479 = arith.constant 31 : i32
      %add3A_1480 = vector.broadcast %add3A_1479 : i32 to vector<16xi32>
      %add3A_1481 = arith.addi %shift_left3A_1104, %add3A_1480 : vector<16xi32>
      %gather3A_1482 = tpu.vector_load_idx %arg15[%shift_right_logical3A_1100, %add3A_1481] : memref<500x128xf32, #tpu.memory_space<vmem>>[vector<16xi32>, vector<16xi32>], vector<16xf32>,
      %gather3A_1483 = tpu.vector_load_idx %arg17[%add3A_1094, %broadcast_in_dim3A_1477] : memref<32x64xf32, #tpu.memory_space<vmem>>[vector<16xi32>, vector<16xi32>], vector<16xf32>,
      %add3A_1484 = arith.addf %gather3A_1478, %gather3A_1482 : vector<16xf32>
      %sub3A_1485 = arith.subf %add3A_1484, %gather3A_1483 : vector<16xf32>
      %mul3A_1486 = arith.mulf %sub3A_1485, %sub3A_1485 : vector<16xf32>
      %add3A_1487 = arith.addf %add3A_1475, %mul3A_1486 : vector<16xf32>
      %broadcast_in_dim3A_1488 = arith.constant 32 : i32
      %broadcast_in_dim3A_1489 = vector.broadcast %broadcast_in_dim3A_1488 : i32 to vector<16xi32>
      %gather3A_1490 = tpu.vector_load_idx %arg16[%add3A_1094, %broadcast_in_dim3A_1489] : memref<32x64xf32, #tpu.memory_space<vmem>>[vector<16xi32>, vector<16xi32>], vector<16xf32>,
      %add3A_1491 = arith.constant 32 : i32
      %add3A_1492 = vector.broadcast %add3A_1491 : i32 to vector<16xi32>
      %add3A_1493 = arith.addi %shift_left3A_1104, %add3A_1492 : vector<16xi32>
      %gather3A_1494 = tpu.vector_load_idx %arg15[%shift_right_logical3A_1100, %add3A_1493] : memref<500x128xf32, #tpu.memory_space<vmem>>[vector<16xi32>, vector<16xi32>], vector<16xf32>,
      %gather3A_1495 = tpu.vector_load_idx %arg17[%add3A_1094, %broadcast_in_dim3A_1489] : memref<32x64xf32, #tpu.memory_space<vmem>>[vector<16xi32>, vector<16xi32>], vector<16xf32>,
      %add3A_1496 = arith.addf %gather3A_1490, %gather3A_1494 : vector<16xf32>
      %sub3A_1497 = arith.subf %add3A_1496, %gather3A_1495 : vector<16xf32>
      %mul3A_1498 = arith.mulf %sub3A_1497, %sub3A_1497 : vector<16xf32>
      %add3A_1499 = arith.addf %add3A_1487, %mul3A_1498 : vector<16xf32>
      %broadcast_in_dim3A_1500 = arith.constant 33 : i32
      %broadcast_in_dim3A_1501 = vector.broadcast %broadcast_in_dim3A_1500 : i32 to vector<16xi32>
      %gather3A_1502 = tpu.vector_load_idx %arg16[%add3A_1094, %broadcast_in_dim3A_1501] : memref<32x64xf32, #tpu.memory_space<vmem>>[vector<16xi32>, vector<16xi32>], vector<16xf32>,
      %add3A_1503 = arith.constant 33 : i32
      %add3A_1504 = vector.broadcast %add3A_1503 : i32 to vector<16xi32>
      %add3A_1505 = arith.addi %shift_left3A_1104, %add3A_1504 : vector<16xi32>
      %gather3A_1506 = tpu.vector_load_idx %arg15[%shift_right_logical3A_1100, %add3A_1505] : memref<500x128xf32, #tpu.memory_space<vmem>>[vector<16xi32>, vector<16xi32>], vector<16xf32>,
      %gather3A_1507 = tpu.vector_load_idx %arg17[%add3A_1094, %broadcast_in_dim3A_1501] : memref<32x64xf32, #tpu.memory_space<vmem>>[vector<16xi32>, vector<16xi32>], vector<16xf32>,
      %add3A_1508 = arith.addf %gather3A_1502, %gather3A_1506 : vector<16xf32>
      %sub3A_1509 = arith.subf %add3A_1508, %gather3A_1507 : vector<16xf32>
      %mul3A_1510 = arith.mulf %sub3A_1509, %sub3A_1509 : vector<16xf32>
      %add3A_1511 = arith.addf %add3A_1499, %mul3A_1510 : vector<16xf32>
      %broadcast_in_dim3A_1512 = arith.constant 34 : i32
      %broadcast_in_dim3A_1513 = vector.broadcast %broadcast_in_dim3A_1512 : i32 to vector<16xi32>
      %gather3A_1514 = tpu.vector_load_idx %arg16[%add3A_1094, %broadcast_in_dim3A_1513] : memref<32x64xf32, #tpu.memory_space<vmem>>[vector<16xi32>, vector<16xi32>], vector<16xf32>,
      %add3A_1515 = arith.constant 34 : i32
      %add3A_1516 = vector.broadcast %add3A_1515 : i32 to vector<16xi32>
      %add3A_1517 = arith.addi %shift_left3A_1104, %add3A_1516 : vector<16xi32>
      %gather3A_1518 = tpu.vector_load_idx %arg15[%shift_right_logical3A_1100, %add3A_1517] : memref<500x128xf32, #tpu.memory_space<vmem>>[vector<16xi32>, vector<16xi32>], vector<16xf32>,
      %gather3A_1519 = tpu.vector_load_idx %arg17[%add3A_1094, %broadcast_in_dim3A_1513] : memref<32x64xf32, #tpu.memory_space<vmem>>[vector<16xi32>, vector<16xi32>], vector<16xf32>,
      %add3A_1520 = arith.addf %gather3A_1514, %gather3A_1518 : vector<16xf32>
      %sub3A_1521 = arith.subf %add3A_1520, %gather3A_1519 : vector<16xf32>
      %mul3A_1522 = arith.mulf %sub3A_1521, %sub3A_1521 : vector<16xf32>
      %add3A_1523 = arith.addf %add3A_1511, %mul3A_1522 : vector<16xf32>
      %broadcast_in_dim3A_1524 = arith.constant 35 : i32
      %broadcast_in_dim3A_1525 = vector.broadcast %broadcast_in_dim3A_1524 : i32 to vector<16xi32>
      %gather3A_1526 = tpu.vector_load_idx %arg16[%add3A_1094, %broadcast_in_dim3A_1525] : memref<32x64xf32, #tpu.memory_space<vmem>>[vector<16xi32>, vector<16xi32>], vector<16xf32>,
      %add3A_1527 = arith.constant 35 : i32
      %add3A_1528 = vector.broadcast %add3A_1527 : i32 to vector<16xi32>
      %add3A_1529 = arith.addi %shift_left3A_1104, %add3A_1528 : vector<16xi32>
      %gather3A_1530 = tpu.vector_load_idx %arg15[%shift_right_logical3A_1100, %add3A_1529] : memref<500x128xf32, #tpu.memory_space<vmem>>[vector<16xi32>, vector<16xi32>], vector<16xf32>,
      %gather3A_1531 = tpu.vector_load_idx %arg17[%add3A_1094, %broadcast_in_dim3A_1525] : memref<32x64xf32, #tpu.memory_space<vmem>>[vector<16xi32>, vector<16xi32>], vector<16xf32>,
      %add3A_1532 = arith.addf %gather3A_1526, %gather3A_1530 : vector<16xf32>
      %sub3A_1533 = arith.subf %add3A_1532, %gather3A_1531 : vector<16xf32>
      %mul3A_1534 = arith.mulf %sub3A_1533, %sub3A_1533 : vector<16xf32>
      %add3A_1535 = arith.addf %add3A_1523, %mul3A_1534 : vector<16xf32>
      %broadcast_in_dim3A_1536 = arith.constant 36 : i32
      %broadcast_in_dim3A_1537 = vector.broadcast %broadcast_in_dim3A_1536 : i32 to vector<16xi32>
      %gather3A_1538 = tpu.vector_load_idx %arg16[%add3A_1094, %broadcast_in_dim3A_1537] : memref<32x64xf32, #tpu.memory_space<vmem>>[vector<16xi32>, vector<16xi32>], vector<16xf32>,
      %add3A_1539 = arith.constant 36 : i32
      %add3A_1540 = vector.broadcast %add3A_1539 : i32 to vector<16xi32>
      %add3A_1541 = arith.addi %shift_left3A_1104, %add3A_1540 : vector<16xi32>
      %gather3A_1542 = tpu.vector_load_idx %arg15[%shift_right_logical3A_1100, %add3A_1541] : memref<500x128xf32, #tpu.memory_space<vmem>>[vector<16xi32>, vector<16xi32>], vector<16xf32>,
      %gather3A_1543 = tpu.vector_load_idx %arg17[%add3A_1094, %broadcast_in_dim3A_1537] : memref<32x64xf32, #tpu.memory_space<vmem>>[vector<16xi32>, vector<16xi32>], vector<16xf32>,
      %add3A_1544 = arith.addf %gather3A_1538, %gather3A_1542 : vector<16xf32>
      %sub3A_1545 = arith.subf %add3A_1544, %gather3A_1543 : vector<16xf32>
      %mul3A_1546 = arith.mulf %sub3A_1545, %sub3A_1545 : vector<16xf32>
      %add3A_1547 = arith.addf %add3A_1535, %mul3A_1546 : vector<16xf32>
      %broadcast_in_dim3A_1548 = arith.constant 37 : i32
      %broadcast_in_dim3A_1549 = vector.broadcast %broadcast_in_dim3A_1548 : i32 to vector<16xi32>
      %gather3A_1550 = tpu.vector_load_idx %arg16[%add3A_1094, %broadcast_in_dim3A_1549] : memref<32x64xf32, #tpu.memory_space<vmem>>[vector<16xi32>, vector<16xi32>], vector<16xf32>,
      %add3A_1551 = arith.constant 37 : i32
      %add3A_1552 = vector.broadcast %add3A_1551 : i32 to vector<16xi32>
      %add3A_1553 = arith.addi %shift_left3A_1104, %add3A_1552 : vector<16xi32>
      %gather3A_1554 = tpu.vector_load_idx %arg15[%shift_right_logical3A_1100, %add3A_1553] : memref<500x128xf32, #tpu.memory_space<vmem>>[vector<16xi32>, vector<16xi32>], vector<16xf32>,
      %gather3A_1555 = tpu.vector_load_idx %arg17[%add3A_1094, %broadcast_in_dim3A_1549] : memref<32x64xf32, #tpu.memory_space<vmem>>[vector<16xi32>, vector<16xi32>], vector<16xf32>,
      %add3A_1556 = arith.addf %gather3A_1550, %gather3A_1554 : vector<16xf32>
      %sub3A_1557 = arith.subf %add3A_1556, %gather3A_1555 : vector<16xf32>
      %mul3A_1558 = arith.mulf %sub3A_1557, %sub3A_1557 : vector<16xf32>
      %add3A_1559 = arith.addf %add3A_1547, %mul3A_1558 : vector<16xf32>
      %broadcast_in_dim3A_1560 = arith.constant 38 : i32
      %broadcast_in_dim3A_1561 = vector.broadcast %broadcast_in_dim3A_1560 : i32 to vector<16xi32>
      %gather3A_1562 = tpu.vector_load_idx %arg16[%add3A_1094, %broadcast_in_dim3A_1561] : memref<32x64xf32, #tpu.memory_space<vmem>>[vector<16xi32>, vector<16xi32>], vector<16xf32>,
      %add3A_1563 = arith.constant 38 : i32
      %add3A_1564 = vector.broadcast %add3A_1563 : i32 to vector<16xi32>
      %add3A_1565 = arith.addi %shift_left3A_1104, %add3A_1564 : vector<16xi32>
      %gather3A_1566 = tpu.vector_load_idx %arg15[%shift_right_logical3A_1100, %add3A_1565] : memref<500x128xf32, #tpu.memory_space<vmem>>[vector<16xi32>, vector<16xi32>], vector<16xf32>,
      %gather3A_1567 = tpu.vector_load_idx %arg17[%add3A_1094, %broadcast_in_dim3A_1561] : memref<32x64xf32, #tpu.memory_space<vmem>>[vector<16xi32>, vector<16xi32>], vector<16xf32>,
      %add3A_1568 = arith.addf %gather3A_1562, %gather3A_1566 : vector<16xf32>
      %sub3A_1569 = arith.subf %add3A_1568, %gather3A_1567 : vector<16xf32>
      %mul3A_1570 = arith.mulf %sub3A_1569, %sub3A_1569 : vector<16xf32>
      %add3A_1571 = arith.addf %add3A_1559, %mul3A_1570 : vector<16xf32>
      %broadcast_in_dim3A_1572 = arith.constant 39 : i32
      %broadcast_in_dim3A_1573 = vector.broadcast %broadcast_in_dim3A_1572 : i32 to vector<16xi32>
      %gather3A_1574 = tpu.vector_load_idx %arg16[%add3A_1094, %broadcast_in_dim3A_1573] : memref<32x64xf32, #tpu.memory_space<vmem>>[vector<16xi32>, vector<16xi32>], vector<16xf32>,
      %add3A_1575 = arith.constant 39 : i32
      %add3A_1576 = vector.broadcast %add3A_1575 : i32 to vector<16xi32>
      %add3A_1577 = arith.addi %shift_left3A_1104, %add3A_1576 : vector<16xi32>
      %gather3A_1578 = tpu.vector_load_idx %arg15[%shift_right_logical3A_1100, %add3A_1577] : memref<500x128xf32, #tpu.memory_space<vmem>>[vector<16xi32>, vector<16xi32>], vector<16xf32>,
      %gather3A_1579 = tpu.vector_load_idx %arg17[%add3A_1094, %broadcast_in_dim3A_1573] : memref<32x64xf32, #tpu.memory_space<vmem>>[vector<16xi32>, vector<16xi32>], vector<16xf32>,
      %add3A_1580 = arith.addf %gather3A_1574, %gather3A_1578 : vector<16xf32>
      %sub3A_1581 = arith.subf %add3A_1580, %gather3A_1579 : vector<16xf32>
      %mul3A_1582 = arith.mulf %sub3A_1581, %sub3A_1581 : vector<16xf32>
      %add3A_1583 = arith.addf %add3A_1571, %mul3A_1582 : vector<16xf32>
      %broadcast_in_dim3A_1584 = arith.constant 40 : i32
      %broadcast_in_dim3A_1585 = vector.broadcast %broadcast_in_dim3A_1584 : i32 to vector<16xi32>
      %gather3A_1586 = tpu.vector_load_idx %arg16[%add3A_1094, %broadcast_in_dim3A_1585] : memref<32x64xf32, #tpu.memory_space<vmem>>[vector<16xi32>, vector<16xi32>], vector<16xf32>,
      %add3A_1587 = arith.constant 40 : i32
      %add3A_1588 = vector.broadcast %add3A_1587 : i32 to vector<16xi32>
      %add3A_1589 = arith.addi %shift_left3A_1104, %add3A_1588 : vector<16xi32>
      %gather3A_1590 = tpu.vector_load_idx %arg15[%shift_right_logical3A_1100, %add3A_1589] : memref<500x128xf32, #tpu.memory_space<vmem>>[vector<16xi32>, vector<16xi32>], vector<16xf32>,
      %gather3A_1591 = tpu.vector_load_idx %arg17[%add3A_1094, %broadcast_in_dim3A_1585] : memref<32x64xf32, #tpu.memory_space<vmem>>[vector<16xi32>, vector<16xi32>], vector<16xf32>,
      %add3A_1592 = arith.addf %gather3A_1586, %gather3A_1590 : vector<16xf32>
      %sub3A_1593 = arith.subf %add3A_1592, %gather3A_1591 : vector<16xf32>
      %mul3A_1594 = arith.mulf %sub3A_1593, %sub3A_1593 : vector<16xf32>
      %add3A_1595 = arith.addf %add3A_1583, %mul3A_1594 : vector<16xf32>
      %broadcast_in_dim3A_1596 = arith.constant 41 : i32
      %broadcast_in_dim3A_1597 = vector.broadcast %broadcast_in_dim3A_1596 : i32 to vector<16xi32>
      %gather3A_1598 = tpu.vector_load_idx %arg16[%add3A_1094, %broadcast_in_dim3A_1597] : memref<32x64xf32, #tpu.memory_space<vmem>>[vector<16xi32>, vector<16xi32>], vector<16xf32>,
      %add3A_1599 = arith.constant 41 : i32
      %add3A_1600 = vector.broadcast %add3A_1599 : i32 to vector<16xi32>
      %add3A_1601 = arith.addi %shift_left3A_1104, %add3A_1600 : vector<16xi32>
      %gather3A_1602 = tpu.vector_load_idx %arg15[%shift_right_logical3A_1100, %add3A_1601] : memref<500x128xf32, #tpu.memory_space<vmem>>[vector<16xi32>, vector<16xi32>], vector<16xf32>,
      %gather3A_1603 = tpu.vector_load_idx %arg17[%add3A_1094, %broadcast_in_dim3A_1597] : memref<32x64xf32, #tpu.memory_space<vmem>>[vector<16xi32>, vector<16xi32>], vector<16xf32>,
      %add3A_1604 = arith.addf %gather3A_1598, %gather3A_1602 : vector<16xf32>
      %sub3A_1605 = arith.subf %add3A_1604, %gather3A_1603 : vector<16xf32>
      %mul3A_1606 = arith.mulf %sub3A_1605, %sub3A_1605 : vector<16xf32>
      %add3A_1607 = arith.addf %add3A_1595, %mul3A_1606 : vector<16xf32>
      %broadcast_in_dim3A_1608 = arith.constant 42 : i32
      %broadcast_in_dim3A_1609 = vector.broadcast %broadcast_in_dim3A_1608 : i32 to vector<16xi32>
      %gather3A_1610 = tpu.vector_load_idx %arg16[%add3A_1094, %broadcast_in_dim3A_1609] : memref<32x64xf32, #tpu.memory_space<vmem>>[vector<16xi32>, vector<16xi32>], vector<16xf32>,
      %add3A_1611 = arith.constant 42 : i32
      %add3A_1612 = vector.broadcast %add3A_1611 : i32 to vector<16xi32>
      %add3A_1613 = arith.addi %shift_left3A_1104, %add3A_1612 : vector<16xi32>
      %gather3A_1614 = tpu.vector_load_idx %arg15[%shift_right_logical3A_1100, %add3A_1613] : memref<500x128xf32, #tpu.memory_space<vmem>>[vector<16xi32>, vector<16xi32>], vector<16xf32>,
      %gather3A_1615 = tpu.vector_load_idx %arg17[%add3A_1094, %broadcast_in_dim3A_1609] : memref<32x64xf32, #tpu.memory_space<vmem>>[vector<16xi32>, vector<16xi32>], vector<16xf32>,
      %add3A_1616 = arith.addf %gather3A_1610, %gather3A_1614 : vector<16xf32>
      %sub3A_1617 = arith.subf %add3A_1616, %gather3A_1615 : vector<16xf32>
      %mul3A_1618 = arith.mulf %sub3A_1617, %sub3A_1617 : vector<16xf32>
      %add3A_1619 = arith.addf %add3A_1607, %mul3A_1618 : vector<16xf32>
      %broadcast_in_dim3A_1620 = arith.constant 43 : i32
      %broadcast_in_dim3A_1621 = vector.broadcast %broadcast_in_dim3A_1620 : i32 to vector<16xi32>
      %gather3A_1622 = tpu.vector_load_idx %arg16[%add3A_1094, %broadcast_in_dim3A_1621] : memref<32x64xf32, #tpu.memory_space<vmem>>[vector<16xi32>, vector<16xi32>], vector<16xf32>,
      %add3A_1623 = arith.constant 43 : i32
      %add3A_1624 = vector.broadcast %add3A_1623 : i32 to vector<16xi32>
      %add3A_1625 = arith.addi %shift_left3A_1104, %add3A_1624 : vector<16xi32>
      %gather3A_1626 = tpu.vector_load_idx %arg15[%shift_right_logical3A_1100, %add3A_1625] : memref<500x128xf32, #tpu.memory_space<vmem>>[vector<16xi32>, vector<16xi32>], vector<16xf32>,
      %gather3A_1627 = tpu.vector_load_idx %arg17[%add3A_1094, %broadcast_in_dim3A_1621] : memref<32x64xf32, #tpu.memory_space<vmem>>[vector<16xi32>, vector<16xi32>], vector<16xf32>,
      %add3A_1628 = arith.addf %gather3A_1622, %gather3A_1626 : vector<16xf32>
      %sub3A_1629 = arith.subf %add3A_1628, %gather3A_1627 : vector<16xf32>
      %mul3A_1630 = arith.mulf %sub3A_1629, %sub3A_1629 : vector<16xf32>
      %add3A_1631 = arith.addf %add3A_1619, %mul3A_1630 : vector<16xf32>
      %broadcast_in_dim3A_1632 = arith.constant 44 : i32
      %broadcast_in_dim3A_1633 = vector.broadcast %broadcast_in_dim3A_1632 : i32 to vector<16xi32>
      %gather3A_1634 = tpu.vector_load_idx %arg16[%add3A_1094, %broadcast_in_dim3A_1633] : memref<32x64xf32, #tpu.memory_space<vmem>>[vector<16xi32>, vector<16xi32>], vector<16xf32>,
      %add3A_1635 = arith.constant 44 : i32
      %add3A_1636 = vector.broadcast %add3A_1635 : i32 to vector<16xi32>
      %add3A_1637 = arith.addi %shift_left3A_1104, %add3A_1636 : vector<16xi32>
      %gather3A_1638 = tpu.vector_load_idx %arg15[%shift_right_logical3A_1100, %add3A_1637] : memref<500x128xf32, #tpu.memory_space<vmem>>[vector<16xi32>, vector<16xi32>], vector<16xf32>,
      %gather3A_1639 = tpu.vector_load_idx %arg17[%add3A_1094, %broadcast_in_dim3A_1633] : memref<32x64xf32, #tpu.memory_space<vmem>>[vector<16xi32>, vector<16xi32>], vector<16xf32>,
      %add3A_1640 = arith.addf %gather3A_1634, %gather3A_1638 : vector<16xf32>
      %sub3A_1641 = arith.subf %add3A_1640, %gather3A_1639 : vector<16xf32>
      %mul3A_1642 = arith.mulf %sub3A_1641, %sub3A_1641 : vector<16xf32>
      %add3A_1643 = arith.addf %add3A_1631, %mul3A_1642 : vector<16xf32>
      %broadcast_in_dim3A_1644 = arith.constant 45 : i32
      %broadcast_in_dim3A_1645 = vector.broadcast %broadcast_in_dim3A_1644 : i32 to vector<16xi32>
      %gather3A_1646 = tpu.vector_load_idx %arg16[%add3A_1094, %broadcast_in_dim3A_1645] : memref<32x64xf32, #tpu.memory_space<vmem>>[vector<16xi32>, vector<16xi32>], vector<16xf32>,
      %add3A_1647 = arith.constant 45 : i32
      %add3A_1648 = vector.broadcast %add3A_1647 : i32 to vector<16xi32>
      %add3A_1649 = arith.addi %shift_left3A_1104, %add3A_1648 : vector<16xi32>
      %gather3A_1650 = tpu.vector_load_idx %arg15[%shift_right_logical3A_1100, %add3A_1649] : memref<500x128xf32, #tpu.memory_space<vmem>>[vector<16xi32>, vector<16xi32>], vector<16xf32>,
      %gather3A_1651 = tpu.vector_load_idx %arg17[%add3A_1094, %broadcast_in_dim3A_1645] : memref<32x64xf32, #tpu.memory_space<vmem>>[vector<16xi32>, vector<16xi32>], vector<16xf32>,
      %add3A_1652 = arith.addf %gather3A_1646, %gather3A_1650 : vector<16xf32>
      %sub3A_1653 = arith.subf %add3A_1652, %gather3A_1651 : vector<16xf32>
      %mul3A_1654 = arith.mulf %sub3A_1653, %sub3A_1653 : vector<16xf32>
      %add3A_1655 = arith.addf %add3A_1643, %mul3A_1654 : vector<16xf32>
      %broadcast_in_dim3A_1656 = arith.constant 46 : i32
      %broadcast_in_dim3A_1657 = vector.broadcast %broadcast_in_dim3A_1656 : i32 to vector<16xi32>
      %gather3A_1658 = tpu.vector_load_idx %arg16[%add3A_1094, %broadcast_in_dim3A_1657] : memref<32x64xf32, #tpu.memory_space<vmem>>[vector<16xi32>, vector<16xi32>], vector<16xf32>,
      %add3A_1659 = arith.constant 46 : i32
      %add3A_1660 = vector.broadcast %add3A_1659 : i32 to vector<16xi32>
      %add3A_1661 = arith.addi %shift_left3A_1104, %add3A_1660 : vector<16xi32>
      %gather3A_1662 = tpu.vector_load_idx %arg15[%shift_right_logical3A_1100, %add3A_1661] : memref<500x128xf32, #tpu.memory_space<vmem>>[vector<16xi32>, vector<16xi32>], vector<16xf32>,
      %gather3A_1663 = tpu.vector_load_idx %arg17[%add3A_1094, %broadcast_in_dim3A_1657] : memref<32x64xf32, #tpu.memory_space<vmem>>[vector<16xi32>, vector<16xi32>], vector<16xf32>,
      %add3A_1664 = arith.addf %gather3A_1658, %gather3A_1662 : vector<16xf32>
      %sub3A_1665 = arith.subf %add3A_1664, %gather3A_1663 : vector<16xf32>
      %mul3A_1666 = arith.mulf %sub3A_1665, %sub3A_1665 : vector<16xf32>
      %add3A_1667 = arith.addf %add3A_1655, %mul3A_1666 : vector<16xf32>
      %broadcast_in_dim3A_1668 = arith.constant 47 : i32
      %broadcast_in_dim3A_1669 = vector.broadcast %broadcast_in_dim3A_1668 : i32 to vector<16xi32>
      %gather3A_1670 = tpu.vector_load_idx %arg16[%add3A_1094, %broadcast_in_dim3A_1669] : memref<32x64xf32, #tpu.memory_space<vmem>>[vector<16xi32>, vector<16xi32>], vector<16xf32>,
      %add3A_1671 = arith.constant 47 : i32
      %add3A_1672 = vector.broadcast %add3A_1671 : i32 to vector<16xi32>
      %add3A_1673 = arith.addi %shift_left3A_1104, %add3A_1672 : vector<16xi32>
      %gather3A_1674 = tpu.vector_load_idx %arg15[%shift_right_logical3A_1100, %add3A_1673] : memref<500x128xf32, #tpu.memory_space<vmem>>[vector<16xi32>, vector<16xi32>], vector<16xf32>,
      %gather3A_1675 = tpu.vector_load_idx %arg17[%add3A_1094, %broadcast_in_dim3A_1669] : memref<32x64xf32, #tpu.memory_space<vmem>>[vector<16xi32>, vector<16xi32>], vector<16xf32>,
      %add3A_1676 = arith.addf %gather3A_1670, %gather3A_1674 : vector<16xf32>
      %sub3A_1677 = arith.subf %add3A_1676, %gather3A_1675 : vector<16xf32>
      %mul3A_1678 = arith.mulf %sub3A_1677, %sub3A_1677 : vector<16xf32>
      %add3A_1679 = arith.addf %add3A_1667, %mul3A_1678 : vector<16xf32>
      %broadcast_in_dim3A_1680 = arith.constant 48 : i32
      %broadcast_in_dim3A_1681 = vector.broadcast %broadcast_in_dim3A_1680 : i32 to vector<16xi32>
      %gather3A_1682 = tpu.vector_load_idx %arg16[%add3A_1094, %broadcast_in_dim3A_1681] : memref<32x64xf32, #tpu.memory_space<vmem>>[vector<16xi32>, vector<16xi32>], vector<16xf32>,
      %add3A_1683 = arith.constant 48 : i32
      %add3A_1684 = vector.broadcast %add3A_1683 : i32 to vector<16xi32>
      %add3A_1685 = arith.addi %shift_left3A_1104, %add3A_1684 : vector<16xi32>
      %gather3A_1686 = tpu.vector_load_idx %arg15[%shift_right_logical3A_1100, %add3A_1685] : memref<500x128xf32, #tpu.memory_space<vmem>>[vector<16xi32>, vector<16xi32>], vector<16xf32>,
      %gather3A_1687 = tpu.vector_load_idx %arg17[%add3A_1094, %broadcast_in_dim3A_1681] : memref<32x64xf32, #tpu.memory_space<vmem>>[vector<16xi32>, vector<16xi32>], vector<16xf32>,
      %add3A_1688 = arith.addf %gather3A_1682, %gather3A_1686 : vector<16xf32>
      %sub3A_1689 = arith.subf %add3A_1688, %gather3A_1687 : vector<16xf32>
      %mul3A_1690 = arith.mulf %sub3A_1689, %sub3A_1689 : vector<16xf32>
      %add3A_1691 = arith.addf %add3A_1679, %mul3A_1690 : vector<16xf32>
      %broadcast_in_dim3A_1692 = arith.constant 49 : i32
      %broadcast_in_dim3A_1693 = vector.broadcast %broadcast_in_dim3A_1692 : i32 to vector<16xi32>
      %gather3A_1694 = tpu.vector_load_idx %arg16[%add3A_1094, %broadcast_in_dim3A_1693] : memref<32x64xf32, #tpu.memory_space<vmem>>[vector<16xi32>, vector<16xi32>], vector<16xf32>,
      %add3A_1695 = arith.constant 49 : i32
      %add3A_1696 = vector.broadcast %add3A_1695 : i32 to vector<16xi32>
      %add3A_1697 = arith.addi %shift_left3A_1104, %add3A_1696 : vector<16xi32>
      %gather3A_1698 = tpu.vector_load_idx %arg15[%shift_right_logical3A_1100, %add3A_1697] : memref<500x128xf32, #tpu.memory_space<vmem>>[vector<16xi32>, vector<16xi32>], vector<16xf32>,
      %gather3A_1699 = tpu.vector_load_idx %arg17[%add3A_1094, %broadcast_in_dim3A_1693] : memref<32x64xf32, #tpu.memory_space<vmem>>[vector<16xi32>, vector<16xi32>], vector<16xf32>,
      %add3A_1700 = arith.addf %gather3A_1694, %gather3A_1698 : vector<16xf32>
      %sub3A_1701 = arith.subf %add3A_1700, %gather3A_1699 : vector<16xf32>
      %mul3A_1702 = arith.mulf %sub3A_1701, %sub3A_1701 : vector<16xf32>
      %add3A_1703 = arith.addf %add3A_1691, %mul3A_1702 : vector<16xf32>
      %broadcast_in_dim3A_1704 = arith.constant 50 : i32
      %broadcast_in_dim3A_1705 = vector.broadcast %broadcast_in_dim3A_1704 : i32 to vector<16xi32>
      %gather3A_1706 = tpu.vector_load_idx %arg16[%add3A_1094, %broadcast_in_dim3A_1705] : memref<32x64xf32, #tpu.memory_space<vmem>>[vector<16xi32>, vector<16xi32>], vector<16xf32>,
      %add3A_1707 = arith.constant 50 : i32
      %add3A_1708 = vector.broadcast %add3A_1707 : i32 to vector<16xi32>
      %add3A_1709 = arith.addi %shift_left3A_1104, %add3A_1708 : vector<16xi32>
      %gather3A_1710 = tpu.vector_load_idx %arg15[%shift_right_logical3A_1100, %add3A_1709] : memref<500x128xf32, #tpu.memory_space<vmem>>[vector<16xi32>, vector<16xi32>], vector<16xf32>,
      %gather3A_1711 = tpu.vector_load_idx %arg17[%add3A_1094, %broadcast_in_dim3A_1705] : memref<32x64xf32, #tpu.memory_space<vmem>>[vector<16xi32>, vector<16xi32>], vector<16xf32>,
      %add3A_1712 = arith.addf %gather3A_1706, %gather3A_1710 : vector<16xf32>
      %sub3A_1713 = arith.subf %add3A_1712, %gather3A_1711 : vector<16xf32>
      %mul3A_1714 = arith.mulf %sub3A_1713, %sub3A_1713 : vector<16xf32>
      %add3A_1715 = arith.addf %add3A_1703, %mul3A_1714 : vector<16xf32>
      %broadcast_in_dim3A_1716 = arith.constant 51 : i32
      %broadcast_in_dim3A_1717 = vector.broadcast %broadcast_in_dim3A_1716 : i32 to vector<16xi32>
      %gather3A_1718 = tpu.vector_load_idx %arg16[%add3A_1094, %broadcast_in_dim3A_1717] : memref<32x64xf32, #tpu.memory_space<vmem>>[vector<16xi32>, vector<16xi32>], vector<16xf32>,
      %add3A_1719 = arith.constant 51 : i32
      %add3A_1720 = vector.broadcast %add3A_1719 : i32 to vector<16xi32>
      %add3A_1721 = arith.addi %shift_left3A_1104, %add3A_1720 : vector<16xi32>
      %gather3A_1722 = tpu.vector_load_idx %arg15[%shift_right_logical3A_1100, %add3A_1721] : memref<500x128xf32, #tpu.memory_space<vmem>>[vector<16xi32>, vector<16xi32>], vector<16xf32>,
      %gather3A_1723 = tpu.vector_load_idx %arg17[%add3A_1094, %broadcast_in_dim3A_1717] : memref<32x64xf32, #tpu.memory_space<vmem>>[vector<16xi32>, vector<16xi32>], vector<16xf32>,
      %add3A_1724 = arith.addf %gather3A_1718, %gather3A_1722 : vector<16xf32>
      %sub3A_1725 = arith.subf %add3A_1724, %gather3A_1723 : vector<16xf32>
      %mul3A_1726 = arith.mulf %sub3A_1725, %sub3A_1725 : vector<16xf32>
      %add3A_1727 = arith.addf %add3A_1715, %mul3A_1726 : vector<16xf32>
      %broadcast_in_dim3A_1728 = arith.constant 52 : i32
      %broadcast_in_dim3A_1729 = vector.broadcast %broadcast_in_dim3A_1728 : i32 to vector<16xi32>
      %gather3A_1730 = tpu.vector_load_idx %arg16[%add3A_1094, %broadcast_in_dim3A_1729] : memref<32x64xf32, #tpu.memory_space<vmem>>[vector<16xi32>, vector<16xi32>], vector<16xf32>,
      %add3A_1731 = arith.constant 52 : i32
      %add3A_1732 = vector.broadcast %add3A_1731 : i32 to vector<16xi32>
      %add3A_1733 = arith.addi %shift_left3A_1104, %add3A_1732 : vector<16xi32>
      %gather3A_1734 = tpu.vector_load_idx %arg15[%shift_right_logical3A_1100, %add3A_1733] : memref<500x128xf32, #tpu.memory_space<vmem>>[vector<16xi32>, vector<16xi32>], vector<16xf32>,
      %gather3A_1735 = tpu.vector_load_idx %arg17[%add3A_1094, %broadcast_in_dim3A_1729] : memref<32x64xf32, #tpu.memory_space<vmem>>[vector<16xi32>, vector<16xi32>], vector<16xf32>,
      %add3A_1736 = arith.addf %gather3A_1730, %gather3A_1734 : vector<16xf32>
      %sub3A_1737 = arith.subf %add3A_1736, %gather3A_1735 : vector<16xf32>
      %mul3A_1738 = arith.mulf %sub3A_1737, %sub3A_1737 : vector<16xf32>
      %add3A_1739 = arith.addf %add3A_1727, %mul3A_1738 : vector<16xf32>
      %broadcast_in_dim3A_1740 = arith.constant 53 : i32
      %broadcast_in_dim3A_1741 = vector.broadcast %broadcast_in_dim3A_1740 : i32 to vector<16xi32>
      %gather3A_1742 = tpu.vector_load_idx %arg16[%add3A_1094, %broadcast_in_dim3A_1741] : memref<32x64xf32, #tpu.memory_space<vmem>>[vector<16xi32>, vector<16xi32>], vector<16xf32>,
      %add3A_1743 = arith.constant 53 : i32
      %add3A_1744 = vector.broadcast %add3A_1743 : i32 to vector<16xi32>
      %add3A_1745 = arith.addi %shift_left3A_1104, %add3A_1744 : vector<16xi32>
      %gather3A_1746 = tpu.vector_load_idx %arg15[%shift_right_logical3A_1100, %add3A_1745] : memref<500x128xf32, #tpu.memory_space<vmem>>[vector<16xi32>, vector<16xi32>], vector<16xf32>,
      %gather3A_1747 = tpu.vector_load_idx %arg17[%add3A_1094, %broadcast_in_dim3A_1741] : memref<32x64xf32, #tpu.memory_space<vmem>>[vector<16xi32>, vector<16xi32>], vector<16xf32>,
      %add3A_1748 = arith.addf %gather3A_1742, %gather3A_1746 : vector<16xf32>
      %sub3A_1749 = arith.subf %add3A_1748, %gather3A_1747 : vector<16xf32>
      %mul3A_1750 = arith.mulf %sub3A_1749, %sub3A_1749 : vector<16xf32>
      %add3A_1751 = arith.addf %add3A_1739, %mul3A_1750 : vector<16xf32>
      %broadcast_in_dim3A_1752 = arith.constant 54 : i32
      %broadcast_in_dim3A_1753 = vector.broadcast %broadcast_in_dim3A_1752 : i32 to vector<16xi32>
      %gather3A_1754 = tpu.vector_load_idx %arg16[%add3A_1094, %broadcast_in_dim3A_1753] : memref<32x64xf32, #tpu.memory_space<vmem>>[vector<16xi32>, vector<16xi32>], vector<16xf32>,
      %add3A_1755 = arith.constant 54 : i32
      %add3A_1756 = vector.broadcast %add3A_1755 : i32 to vector<16xi32>
      %add3A_1757 = arith.addi %shift_left3A_1104, %add3A_1756 : vector<16xi32>
      %gather3A_1758 = tpu.vector_load_idx %arg15[%shift_right_logical3A_1100, %add3A_1757] : memref<500x128xf32, #tpu.memory_space<vmem>>[vector<16xi32>, vector<16xi32>], vector<16xf32>,
      %gather3A_1759 = tpu.vector_load_idx %arg17[%add3A_1094, %broadcast_in_dim3A_1753] : memref<32x64xf32, #tpu.memory_space<vmem>>[vector<16xi32>, vector<16xi32>], vector<16xf32>,
      %add3A_1760 = arith.addf %gather3A_1754, %gather3A_1758 : vector<16xf32>
      %sub3A_1761 = arith.subf %add3A_1760, %gather3A_1759 : vector<16xf32>
      %mul3A_1762 = arith.mulf %sub3A_1761, %sub3A_1761 : vector<16xf32>
      %add3A_1763 = arith.addf %add3A_1751, %mul3A_1762 : vector<16xf32>
      %broadcast_in_dim3A_1764 = arith.constant 55 : i32
      %broadcast_in_dim3A_1765 = vector.broadcast %broadcast_in_dim3A_1764 : i32 to vector<16xi32>
      %gather3A_1766 = tpu.vector_load_idx %arg16[%add3A_1094, %broadcast_in_dim3A_1765] : memref<32x64xf32, #tpu.memory_space<vmem>>[vector<16xi32>, vector<16xi32>], vector<16xf32>,
      %add3A_1767 = arith.constant 55 : i32
      %add3A_1768 = vector.broadcast %add3A_1767 : i32 to vector<16xi32>
      %add3A_1769 = arith.addi %shift_left3A_1104, %add3A_1768 : vector<16xi32>
      %gather3A_1770 = tpu.vector_load_idx %arg15[%shift_right_logical3A_1100, %add3A_1769] : memref<500x128xf32, #tpu.memory_space<vmem>>[vector<16xi32>, vector<16xi32>], vector<16xf32>,
      %gather3A_1771 = tpu.vector_load_idx %arg17[%add3A_1094, %broadcast_in_dim3A_1765] : memref<32x64xf32, #tpu.memory_space<vmem>>[vector<16xi32>, vector<16xi32>], vector<16xf32>,
      %add3A_1772 = arith.addf %gather3A_1766, %gather3A_1770 : vector<16xf32>
      %sub3A_1773 = arith.subf %add3A_1772, %gather3A_1771 : vector<16xf32>
      %mul3A_1774 = arith.mulf %sub3A_1773, %sub3A_1773 : vector<16xf32>
      %add3A_1775 = arith.addf %add3A_1763, %mul3A_1774 : vector<16xf32>
      %broadcast_in_dim3A_1776 = arith.constant 56 : i32
      %broadcast_in_dim3A_1777 = vector.broadcast %broadcast_in_dim3A_1776 : i32 to vector<16xi32>
      %gather3A_1778 = tpu.vector_load_idx %arg16[%add3A_1094, %broadcast_in_dim3A_1777] : memref<32x64xf32, #tpu.memory_space<vmem>>[vector<16xi32>, vector<16xi32>], vector<16xf32>,
      %add3A_1779 = arith.constant 56 : i32
      %add3A_1780 = vector.broadcast %add3A_1779 : i32 to vector<16xi32>
      %add3A_1781 = arith.addi %shift_left3A_1104, %add3A_1780 : vector<16xi32>
      %gather3A_1782 = tpu.vector_load_idx %arg15[%shift_right_logical3A_1100, %add3A_1781] : memref<500x128xf32, #tpu.memory_space<vmem>>[vector<16xi32>, vector<16xi32>], vector<16xf32>,
      %gather3A_1783 = tpu.vector_load_idx %arg17[%add3A_1094, %broadcast_in_dim3A_1777] : memref<32x64xf32, #tpu.memory_space<vmem>>[vector<16xi32>, vector<16xi32>], vector<16xf32>,
      %add3A_1784 = arith.addf %gather3A_1778, %gather3A_1782 : vector<16xf32>
      %sub3A_1785 = arith.subf %add3A_1784, %gather3A_1783 : vector<16xf32>
      %mul3A_1786 = arith.mulf %sub3A_1785, %sub3A_1785 : vector<16xf32>
      %add3A_1787 = arith.addf %add3A_1775, %mul3A_1786 : vector<16xf32>
      %broadcast_in_dim3A_1788 = arith.constant 57 : i32
      %broadcast_in_dim3A_1789 = vector.broadcast %broadcast_in_dim3A_1788 : i32 to vector<16xi32>
      %gather3A_1790 = tpu.vector_load_idx %arg16[%add3A_1094, %broadcast_in_dim3A_1789] : memref<32x64xf32, #tpu.memory_space<vmem>>[vector<16xi32>, vector<16xi32>], vector<16xf32>,
      %add3A_1791 = arith.constant 57 : i32
      %add3A_1792 = vector.broadcast %add3A_1791 : i32 to vector<16xi32>
      %add3A_1793 = arith.addi %shift_left3A_1104, %add3A_1792 : vector<16xi32>
      %gather3A_1794 = tpu.vector_load_idx %arg15[%shift_right_logical3A_1100, %add3A_1793] : memref<500x128xf32, #tpu.memory_space<vmem>>[vector<16xi32>, vector<16xi32>], vector<16xf32>,
      %gather3A_1795 = tpu.vector_load_idx %arg17[%add3A_1094, %broadcast_in_dim3A_1789] : memref<32x64xf32, #tpu.memory_space<vmem>>[vector<16xi32>, vector<16xi32>], vector<16xf32>,
      %add3A_1796 = arith.addf %gather3A_1790, %gather3A_1794 : vector<16xf32>
      %sub3A_1797 = arith.subf %add3A_1796, %gather3A_1795 : vector<16xf32>
      %mul3A_1798 = arith.mulf %sub3A_1797, %sub3A_1797 : vector<16xf32>
      %add3A_1799 = arith.addf %add3A_1787, %mul3A_1798 : vector<16xf32>
      %broadcast_in_dim3A_1800 = arith.constant 58 : i32
      %broadcast_in_dim3A_1801 = vector.broadcast %broadcast_in_dim3A_1800 : i32 to vector<16xi32>
      %gather3A_1802 = tpu.vector_load_idx %arg16[%add3A_1094, %broadcast_in_dim3A_1801] : memref<32x64xf32, #tpu.memory_space<vmem>>[vector<16xi32>, vector<16xi32>], vector<16xf32>,
      %add3A_1803 = arith.constant 58 : i32
      %add3A_1804 = vector.broadcast %add3A_1803 : i32 to vector<16xi32>
      %add3A_1805 = arith.addi %shift_left3A_1104, %add3A_1804 : vector<16xi32>
      %gather3A_1806 = tpu.vector_load_idx %arg15[%shift_right_logical3A_1100, %add3A_1805] : memref<500x128xf32, #tpu.memory_space<vmem>>[vector<16xi32>, vector<16xi32>], vector<16xf32>,
      %gather3A_1807 = tpu.vector_load_idx %arg17[%add3A_1094, %broadcast_in_dim3A_1801] : memref<32x64xf32, #tpu.memory_space<vmem>>[vector<16xi32>, vector<16xi32>], vector<16xf32>,
      %add3A_1808 = arith.addf %gather3A_1802, %gather3A_1806 : vector<16xf32>
      %sub3A_1809 = arith.subf %add3A_1808, %gather3A_1807 : vector<16xf32>
      %mul3A_1810 = arith.mulf %sub3A_1809, %sub3A_1809 : vector<16xf32>
      %add3A_1811 = arith.addf %add3A_1799, %mul3A_1810 : vector<16xf32>
      %broadcast_in_dim3A_1812 = arith.constant 59 : i32
      %broadcast_in_dim3A_1813 = vector.broadcast %broadcast_in_dim3A_1812 : i32 to vector<16xi32>
      %gather3A_1814 = tpu.vector_load_idx %arg16[%add3A_1094, %broadcast_in_dim3A_1813] : memref<32x64xf32, #tpu.memory_space<vmem>>[vector<16xi32>, vector<16xi32>], vector<16xf32>,
      %add3A_1815 = arith.constant 59 : i32
      %add3A_1816 = vector.broadcast %add3A_1815 : i32 to vector<16xi32>
      %add3A_1817 = arith.addi %shift_left3A_1104, %add3A_1816 : vector<16xi32>
      %gather3A_1818 = tpu.vector_load_idx %arg15[%shift_right_logical3A_1100, %add3A_1817] : memref<500x128xf32, #tpu.memory_space<vmem>>[vector<16xi32>, vector<16xi32>], vector<16xf32>,
      %gather3A_1819 = tpu.vector_load_idx %arg17[%add3A_1094, %broadcast_in_dim3A_1813] : memref<32x64xf32, #tpu.memory_space<vmem>>[vector<16xi32>, vector<16xi32>], vector<16xf32>,
      %add3A_1820 = arith.addf %gather3A_1814, %gather3A_1818 : vector<16xf32>
      %sub3A_1821 = arith.subf %add3A_1820, %gather3A_1819 : vector<16xf32>
      %mul3A_1822 = arith.mulf %sub3A_1821, %sub3A_1821 : vector<16xf32>
      %add3A_1823 = arith.addf %add3A_1811, %mul3A_1822 : vector<16xf32>
      %broadcast_in_dim3A_1824 = arith.constant 60 : i32
      %broadcast_in_dim3A_1825 = vector.broadcast %broadcast_in_dim3A_1824 : i32 to vector<16xi32>
      %gather3A_1826 = tpu.vector_load_idx %arg16[%add3A_1094, %broadcast_in_dim3A_1825] : memref<32x64xf32, #tpu.memory_space<vmem>>[vector<16xi32>, vector<16xi32>], vector<16xf32>,
      %add3A_1827 = arith.constant 60 : i32
      %add3A_1828 = vector.broadcast %add3A_1827 : i32 to vector<16xi32>
      %add3A_1829 = arith.addi %shift_left3A_1104, %add3A_1828 : vector<16xi32>
      %gather3A_1830 = tpu.vector_load_idx %arg15[%shift_right_logical3A_1100, %add3A_1829] : memref<500x128xf32, #tpu.memory_space<vmem>>[vector<16xi32>, vector<16xi32>], vector<16xf32>,
      %gather3A_1831 = tpu.vector_load_idx %arg17[%add3A_1094, %broadcast_in_dim3A_1825] : memref<32x64xf32, #tpu.memory_space<vmem>>[vector<16xi32>, vector<16xi32>], vector<16xf32>,
      %add3A_1832 = arith.addf %gather3A_1826, %gather3A_1830 : vector<16xf32>
      %sub3A_1833 = arith.subf %add3A_1832, %gather3A_1831 : vector<16xf32>
      %mul3A_1834 = arith.mulf %sub3A_1833, %sub3A_1833 : vector<16xf32>
      %add3A_1835 = arith.addf %add3A_1823, %mul3A_1834 : vector<16xf32>
      %broadcast_in_dim3A_1836 = arith.constant 61 : i32
      %broadcast_in_dim3A_1837 = vector.broadcast %broadcast_in_dim3A_1836 : i32 to vector<16xi32>
      %gather3A_1838 = tpu.vector_load_idx %arg16[%add3A_1094, %broadcast_in_dim3A_1837] : memref<32x64xf32, #tpu.memory_space<vmem>>[vector<16xi32>, vector<16xi32>], vector<16xf32>,
      %add3A_1839 = arith.constant 61 : i32
      %add3A_1840 = vector.broadcast %add3A_1839 : i32 to vector<16xi32>
      %add3A_1841 = arith.addi %shift_left3A_1104, %add3A_1840 : vector<16xi32>
      %gather3A_1842 = tpu.vector_load_idx %arg15[%shift_right_logical3A_1100, %add3A_1841] : memref<500x128xf32, #tpu.memory_space<vmem>>[vector<16xi32>, vector<16xi32>], vector<16xf32>,
      %gather3A_1843 = tpu.vector_load_idx %arg17[%add3A_1094, %broadcast_in_dim3A_1837] : memref<32x64xf32, #tpu.memory_space<vmem>>[vector<16xi32>, vector<16xi32>], vector<16xf32>,
      %add3A_1844 = arith.addf %gather3A_1838, %gather3A_1842 : vector<16xf32>
      %sub3A_1845 = arith.subf %add3A_1844, %gather3A_1843 : vector<16xf32>
      %mul3A_1846 = arith.mulf %sub3A_1845, %sub3A_1845 : vector<16xf32>
      %add3A_1847 = arith.addf %add3A_1835, %mul3A_1846 : vector<16xf32>
      %broadcast_in_dim3A_1848 = arith.constant 62 : i32
      %broadcast_in_dim3A_1849 = vector.broadcast %broadcast_in_dim3A_1848 : i32 to vector<16xi32>
      %gather3A_1850 = tpu.vector_load_idx %arg16[%add3A_1094, %broadcast_in_dim3A_1849] : memref<32x64xf32, #tpu.memory_space<vmem>>[vector<16xi32>, vector<16xi32>], vector<16xf32>,
      %add3A_1851 = arith.constant 62 : i32
      %add3A_1852 = vector.broadcast %add3A_1851 : i32 to vector<16xi32>
      %add3A_1853 = arith.addi %shift_left3A_1104, %add3A_1852 : vector<16xi32>
      %gather3A_1854 = tpu.vector_load_idx %arg15[%shift_right_logical3A_1100, %add3A_1853] : memref<500x128xf32, #tpu.memory_space<vmem>>[vector<16xi32>, vector<16xi32>], vector<16xf32>,
      %gather3A_1855 = tpu.vector_load_idx %arg17[%add3A_1094, %broadcast_in_dim3A_1849] : memref<32x64xf32, #tpu.memory_space<vmem>>[vector<16xi32>, vector<16xi32>], vector<16xf32>,
      %add3A_1856 = arith.addf %gather3A_1850, %gather3A_1854 : vector<16xf32>
      %sub3A_1857 = arith.subf %add3A_1856, %gather3A_1855 : vector<16xf32>
      %mul3A_1858 = arith.mulf %sub3A_1857, %sub3A_1857 : vector<16xf32>
      %add3A_1859 = arith.addf %add3A_1847, %mul3A_1858 : vector<16xf32>
      %broadcast_in_dim3A_1860 = arith.constant 63 : i32
      %broadcast_in_dim3A_1861 = vector.broadcast %broadcast_in_dim3A_1860 : i32 to vector<16xi32>
      %gather3A_1862 = tpu.vector_load_idx %arg16[%add3A_1094, %broadcast_in_dim3A_1861] : memref<32x64xf32, #tpu.memory_space<vmem>>[vector<16xi32>, vector<16xi32>], vector<16xf32>,
      %add3A_1863 = arith.constant 63 : i32
      %add3A_1864 = vector.broadcast %add3A_1863 : i32 to vector<16xi32>
      %add3A_1865 = arith.addi %shift_left3A_1104, %add3A_1864 : vector<16xi32>
      %gather3A_1866 = tpu.vector_load_idx %arg15[%shift_right_logical3A_1100, %add3A_1865] : memref<500x128xf32, #tpu.memory_space<vmem>>[vector<16xi32>, vector<16xi32>], vector<16xf32>,
      %gather3A_1867 = tpu.vector_load_idx %arg17[%add3A_1094, %broadcast_in_dim3A_1861] : memref<32x64xf32, #tpu.memory_space<vmem>>[vector<16xi32>, vector<16xi32>], vector<16xf32>,
      %add3A_1868 = arith.addf %gather3A_1862, %gather3A_1866 : vector<16xf32>
      %sub3A_1869 = arith.subf %add3A_1868, %gather3A_1867 : vector<16xf32>
      %mul3A_1870 = arith.mulf %sub3A_1869, %sub3A_1869 : vector<16xf32>
      %add3A_1871 = arith.addf %add3A_1859, %mul3A_1870 : vector<16xf32>
      %bitcast3A = vector.bitcast %add3A_1871 : vector<16xf32> to vector<16xi32>
      %shift_right_logical3A_1872 = arith.constant 1 : i32
      %shift_right_logical3A_1873 = vector.broadcast %shift_right_logical3A_1872 : i32 to vector<16xi32>
      %shift_right_logical3A_1874 = arith.shrui %bitcast3A, %shift_right_logical3A_1873 : vector<16xi32>
      %sub3A_1875 = arith.constant 1597463007 : i32
      %sub3A_1876 = vector.broadcast %sub3A_1875 : i32 to vector<16xi32>
      %sub3A_1877 = arith.subi %sub3A_1876, %shift_right_logical3A_1874 : vector<16xi32>
      %bitcast3A_1878 = vector.bitcast %sub3A_1877 : vector<16xi32> to vector<16xf32>
      %mul3A_1879 = arith.constant 5.000000e-01 : f32
      %mul3A_1880 = vector.broadcast %mul3A_1879 : f32 to vector<16xf32>
      %mul3A_1881 = arith.mulf %add3A_1871, %mul3A_1880 : vector<16xf32>
      %mul3A_1882 = arith.mulf %mul3A_1881, %bitcast3A_1878 : vector<16xf32>
      %mul3A_1883 = arith.mulf %mul3A_1882, %bitcast3A_1878 : vector<16xf32>
      %sub3A_1884 = arith.constant 1.500000e+00 : f32
      %sub3A_1885 = vector.broadcast %sub3A_1884 : f32 to vector<16xf32>
      %sub3A_1886 = arith.subf %sub3A_1885, %mul3A_1883 : vector<16xf32>
      %mul3A_1887 = arith.mulf %bitcast3A_1878, %sub3A_1886 : vector<16xf32>
      %mul3A_1888 = arith.mulf %mul3A_1881, %mul3A_1887 : vector<16xf32>
      %mul3A_1889 = arith.mulf %mul3A_1888, %mul3A_1887 : vector<16xf32>
      %sub3A_1890 = arith.constant 1.500000e+00 : f32
      %sub3A_1891 = vector.broadcast %sub3A_1890 : f32 to vector<16xf32>
      %sub3A_1892 = arith.subf %sub3A_1891, %mul3A_1889 : vector<16xf32>
      %mul3A_1893 = arith.mulf %mul3A_1887, %sub3A_1892 : vector<16xf32>
      %mul3A_1894 = arith.mulf %mul3A_1881, %mul3A_1893 : vector<16xf32>
      %mul3A_1895 = arith.mulf %mul3A_1894, %mul3A_1893 : vector<16xf32>
      %sub3A_1896 = arith.constant 1.500000e+00 : f32
      %sub3A_1897 = vector.broadcast %sub3A_1896 : f32 to vector<16xf32>
      %sub3A_1898 = arith.subf %sub3A_1897, %mul3A_1895 : vector<16xf32>
      %mul3A_1899 = arith.mulf %mul3A_1893, %sub3A_1898 : vector<16xf32>
      %gt3A = arith.constant 0.000000e+00 : f32
      %gt3A_1900 = vector.broadcast %gt3A : f32 to vector<16xf32>
      %gt3A_1901 = arith.cmpf ogt, %add3A_1871, %gt3A_1900 : vector<16xf32>
      %mul3A_1902 = arith.mulf %add3A_1871, %mul3A_1899 : vector<16xf32>
      %jit3A = arith.constant 0.000000e+00 : f32
      %broadcast_in_dim3A_1903 = vector.broadcast %jit3A : f32 to vector<16xf32>
      %select_n3A = arith.select %gt3A_1901, %mul3A_1902, %broadcast_in_dim3A_1903 : vector<16xi1>, vector<16xf32>
      %mul3A_1904 = arith.constant 16 : i32
      %mul3A_1905 = arith.muli %mul3A_532, %mul3A_1904 : i32
      %swap3A = arith.index_cast %mul3A_1905 : i32 to index
      %swap3A_1906 = tpu.vector_load %arg18[%swap3A] {strides = array<i32>} : memref<512xf32, #tpu.memory_space<vmem>>, vector<16xf32>,
      tpu.vector_store %arg18[%swap3A], %select_n3A {strides = array<i32>} : memref<512xf32, #tpu.memory_space<vmem>>, vector<16xf32>,
      %add3A_1907 = arith.constant 1 : i32
      %add3A_1908 = arith.addi %add3A_534, %add3A_1907 : i32
      %lt3A = arith.constant 32 : i32
      %lt3A_1909 = arith.cmpi slt, %add3A_1908, %lt3A : i32
      %convert_element_type3A = arith.extui %lt3A_1909 : i1 to i32
      %cond3A = arith.constant 0 : i32
      %cond3A_1910 = arith.cmpi ne, %convert_element_type3A, %cond3A : i32
      scf.if %cond3A_1910 {
        %add3A_2767 = arith.constant 1 : i32
        %add3A_2768 = arith.addi %add3A_534, %add3A_2767 : i32
        %mul3A_2769 = arith.constant 16 : i32
        %mul3A_2770 = arith.muli %add3A_2768, %mul3A_2769 : i32
        %get3A_2771 = arith.index_cast %mul3A_2770 : i32 to index
        %get3A_2772 = tpu.vector_load %arg11[%get3A_2771] {strides = array<i32>} : memref<512xi32, #tpu.memory_space<vmem>>, vector<16xi32>,
        %mul3A_2773 = arith.constant 16 : i32
        %mul3A_2774 = arith.muli %add3A_2768, %mul3A_2773 : i32
        %get3A_2775 = arith.index_cast %mul3A_2774 : i32 to index
        %get3A_2776 = tpu.vector_load %arg12[%get3A_2775] {strides = array<i32>} : memref<512xi32, #tpu.memory_space<vmem>>, vector<16xi32>,
        %mul3A_2777 = arith.constant 16 : i32
        %mul3A_2778 = arith.muli %add3A_2768, %mul3A_2777 : i32
        %get3A_2779 = arith.index_cast %mul3A_2778 : i32 to index
        %get3A_2780 = tpu.vector_load %arg13[%get3A_2779] {strides = array<i32>} : memref<512xi32, #tpu.memory_space<vmem>>, vector<16xi32>,
        %mul3A_2781 = arith.constant 16 : i32
        %mul3A_2782 = arith.muli %add3A_2768, %mul3A_2781 : i32
        %get3A_2783 = arith.index_cast %mul3A_2782 : i32 to index
        %get3A_2784 = tpu.vector_load %arg14[%get3A_2783] {strides = array<i32>} : memref<512xi32, #tpu.memory_space<vmem>>, vector<16xi32>,
        %slice3A_2785 = vector.extract_strided_slice %get3A_2772 {offsets = [0], sizes = [1], strides = [1]} : vector<16xi32> to vector<1xi32>
        %squeeze3A_2786 = vector.extract %slice3A_2785[0] : i32 from vector<1xi32>
        %slice3A_2787 = vector.extract_strided_slice %get3A_2776 {offsets = [0], sizes = [1], strides = [1]} : vector<16xi32> to vector<1xi32>
        %squeeze3A_2788 = vector.extract %slice3A_2787[0] : i32 from vector<1xi32>
        %dma_start3A_2789 = arith.constant 0 : i32
        %dma_start3A_2790 = arith.constant 0 : i32
        %dma_start3A_2791 = tpu.memref_slice %arg16[%dma_start3A_2789, %dma_start3A_2790] : memref<32x64xf32, #tpu.memory_space<vmem>> -> memref<1x64xf32, #tpu.memory_space<vmem>>
        %dma_start3A_2792 = arith.constant 0 : i32
        %dma_start3A_2793 = tpu.memref_slice %arg5[%squeeze3A_2786, %squeeze3A_2788, %dma_start3A_2792] : memref<2x500000x64xf32, #tpu.memory_space<hbm>> -> memref<1x1x64xf32, #tpu.memory_space<hbm>>
        %dma_start3A_2794 = tpu.memref_squeeze %dma_start3A_2793 : memref<1x1x64xf32, #tpu.memory_space<hbm>> -> memref<1x64xf32, #tpu.memory_space<hbm>>
        %dma_start3A_2795 = arith.constant 0 : i32
        %dma_start3A_2796 = arith.constant 0 : i32
        %dma_start3A_2797 = tpu.memref_slice %arg16[%dma_start3A_2795, %dma_start3A_2796] : memref<32x64xf32, #tpu.memory_space<vmem>> -> memref<1x64xf32, #tpu.memory_space<vmem>>
        %dma_start3A_2798 = arith.constant 0 : i32
        %dma_start3A_2799 = tpu.memref_slice %arg5[%squeeze3A_2786, %squeeze3A_2788, %dma_start3A_2798] : memref<2x500000x64xf32, #tpu.memory_space<hbm>> -> memref<1x1x64xf32, #tpu.memory_space<hbm>>
        %dma_start3A_2800 = tpu.memref_squeeze %dma_start3A_2799 : memref<1x1x64xf32, #tpu.memory_space<hbm>> -> memref<1x64xf32, #tpu.memory_space<hbm>>
        tpu.enqueue_dma source(%dma_start3A_2800 : memref<1x64xf32, #tpu.memory_space<hbm>>) target(%dma_start3A_2797 : memref<1x64xf32, #tpu.memory_space<vmem>>) target_semaphore(%arg19 : memref<!tpu.dma_semaphore, #tpu.memory_space<semaphore_mem>>)
        %slice3A_2801 = vector.extract_strided_slice %get3A_2780 {offsets = [0], sizes = [1], strides = [1]} : vector<16xi32> to vector<1xi32>
        %squeeze3A_2802 = vector.extract %slice3A_2801[0] : i32 from vector<1xi32>
        %slice3A_2803 = vector.extract_strided_slice %get3A_2784 {offsets = [0], sizes = [1], strides = [1]} : vector<16xi32> to vector<1xi32>
        %squeeze3A_2804 = vector.extract %slice3A_2803[0] : i32 from vector<1xi32>
        %dma_start3A_2805 = arith.constant 0 : i32
        %dma_start3A_2806 = arith.constant 0 : i32
        %dma_start3A_2807 = tpu.memref_slice %arg17[%dma_start3A_2805, %dma_start3A_2806] : memref<32x64xf32, #tpu.memory_space<vmem>> -> memref<1x64xf32, #tpu.memory_space<vmem>>
        %dma_start3A_2808 = arith.constant 0 : i32
        %dma_start3A_2809 = tpu.memref_slice %arg5[%squeeze3A_2802, %squeeze3A_2804, %dma_start3A_2808] : memref<2x500000x64xf32, #tpu.memory_space<hbm>> -> memref<1x1x64xf32, #tpu.memory_space<hbm>>
        %dma_start3A_2810 = tpu.memref_squeeze %dma_start3A_2809 : memref<1x1x64xf32, #tpu.memory_space<hbm>> -> memref<1x64xf32, #tpu.memory_space<hbm>>
        %dma_start3A_2811 = arith.constant 0 : i32
        %dma_start3A_2812 = arith.constant 0 : i32
        %dma_start3A_2813 = tpu.memref_slice %arg17[%dma_start3A_2811, %dma_start3A_2812] : memref<32x64xf32, #tpu.memory_space<vmem>> -> memref<1x64xf32, #tpu.memory_space<vmem>>
        %dma_start3A_2814 = arith.constant 0 : i32
        %dma_start3A_2815 = tpu.memref_slice %arg5[%squeeze3A_2802, %squeeze3A_2804, %dma_start3A_2814] : memref<2x500000x64xf32, #tpu.memory_space<hbm>> -> memref<1x1x64xf32, #tpu.memory_space<hbm>>
        %dma_start3A_2816 = tpu.memref_squeeze %dma_start3A_2815 : memref<1x1x64xf32, #tpu.memory_space<hbm>> -> memref<1x64xf32, #tpu.memory_space<hbm>>
        tpu.enqueue_dma source(%dma_start3A_2816 : memref<1x64xf32, #tpu.memory_space<hbm>>) target(%dma_start3A_2813 : memref<1x64xf32, #tpu.memory_space<vmem>>) target_semaphore(%arg19 : memref<!tpu.dma_semaphore, #tpu.memory_space<semaphore_mem>>)
        %slice3A_2817 = vector.extract_strided_slice %get3A_2772 {offsets = [1], sizes = [1], strides = [1]} : vector<16xi32> to vector<1xi32>
        %squeeze3A_2818 = vector.extract %slice3A_2817[0] : i32 from vector<1xi32>
        %slice3A_2819 = vector.extract_strided_slice %get3A_2776 {offsets = [1], sizes = [1], strides = [1]} : vector<16xi32> to vector<1xi32>
        %squeeze3A_2820 = vector.extract %slice3A_2819[0] : i32 from vector<1xi32>
        %dma_start3A_2821 = arith.constant 1 : i32
        %dma_start3A_2822 = arith.constant 0 : i32
        %dma_start3A_2823 = tpu.memref_slice %arg16[%dma_start3A_2821, %dma_start3A_2822] : memref<32x64xf32, #tpu.memory_space<vmem>> -> memref<1x64xf32, #tpu.memory_space<vmem>>
        %dma_start3A_2824 = arith.constant 0 : i32
        %dma_start3A_2825 = tpu.memref_slice %arg5[%squeeze3A_2818, %squeeze3A_2820, %dma_start3A_2824] : memref<2x500000x64xf32, #tpu.memory_space<hbm>> -> memref<1x1x64xf32, #tpu.memory_space<hbm>>
        %dma_start3A_2826 = tpu.memref_squeeze %dma_start3A_2825 : memref<1x1x64xf32, #tpu.memory_space<hbm>> -> memref<1x64xf32, #tpu.memory_space<hbm>>
        %dma_start3A_2827 = arith.constant 1 : i32
        %dma_start3A_2828 = arith.constant 0 : i32
        %dma_start3A_2829 = tpu.memref_slice %arg16[%dma_start3A_2827, %dma_start3A_2828] : memref<32x64xf32, #tpu.memory_space<vmem>> -> memref<1x64xf32, #tpu.memory_space<vmem>>
        %dma_start3A_2830 = arith.constant 0 : i32
        %dma_start3A_2831 = tpu.memref_slice %arg5[%squeeze3A_2818, %squeeze3A_2820, %dma_start3A_2830] : memref<2x500000x64xf32, #tpu.memory_space<hbm>> -> memref<1x1x64xf32, #tpu.memory_space<hbm>>
        %dma_start3A_2832 = tpu.memref_squeeze %dma_start3A_2831 : memref<1x1x64xf32, #tpu.memory_space<hbm>> -> memref<1x64xf32, #tpu.memory_space<hbm>>
        tpu.enqueue_dma source(%dma_start3A_2832 : memref<1x64xf32, #tpu.memory_space<hbm>>) target(%dma_start3A_2829 : memref<1x64xf32, #tpu.memory_space<vmem>>) target_semaphore(%arg19 : memref<!tpu.dma_semaphore, #tpu.memory_space<semaphore_mem>>)
        %slice3A_2833 = vector.extract_strided_slice %get3A_2780 {offsets = [1], sizes = [1], strides = [1]} : vector<16xi32> to vector<1xi32>
        %squeeze3A_2834 = vector.extract %slice3A_2833[0] : i32 from vector<1xi32>
        %slice3A_2835 = vector.extract_strided_slice %get3A_2784 {offsets = [1], sizes = [1], strides = [1]} : vector<16xi32> to vector<1xi32>
        %squeeze3A_2836 = vector.extract %slice3A_2835[0] : i32 from vector<1xi32>
        %dma_start3A_2837 = arith.constant 1 : i32
        %dma_start3A_2838 = arith.constant 0 : i32
        %dma_start3A_2839 = tpu.memref_slice %arg17[%dma_start3A_2837, %dma_start3A_2838] : memref<32x64xf32, #tpu.memory_space<vmem>> -> memref<1x64xf32, #tpu.memory_space<vmem>>
        %dma_start3A_2840 = arith.constant 0 : i32
        %dma_start3A_2841 = tpu.memref_slice %arg5[%squeeze3A_2834, %squeeze3A_2836, %dma_start3A_2840] : memref<2x500000x64xf32, #tpu.memory_space<hbm>> -> memref<1x1x64xf32, #tpu.memory_space<hbm>>
        %dma_start3A_2842 = tpu.memref_squeeze %dma_start3A_2841 : memref<1x1x64xf32, #tpu.memory_space<hbm>> -> memref<1x64xf32, #tpu.memory_space<hbm>>
        %dma_start3A_2843 = arith.constant 1 : i32
        %dma_start3A_2844 = arith.constant 0 : i32
        %dma_start3A_2845 = tpu.memref_slice %arg17[%dma_start3A_2843, %dma_start3A_2844] : memref<32x64xf32, #tpu.memory_space<vmem>> -> memref<1x64xf32, #tpu.memory_space<vmem>>
        %dma_start3A_2846 = arith.constant 0 : i32
        %dma_start3A_2847 = tpu.memref_slice %arg5[%squeeze3A_2834, %squeeze3A_2836, %dma_start3A_2846] : memref<2x500000x64xf32, #tpu.memory_space<hbm>> -> memref<1x1x64xf32, #tpu.memory_space<hbm>>
        %dma_start3A_2848 = tpu.memref_squeeze %dma_start3A_2847 : memref<1x1x64xf32, #tpu.memory_space<hbm>> -> memref<1x64xf32, #tpu.memory_space<hbm>>
        tpu.enqueue_dma source(%dma_start3A_2848 : memref<1x64xf32, #tpu.memory_space<hbm>>) target(%dma_start3A_2845 : memref<1x64xf32, #tpu.memory_space<vmem>>) target_semaphore(%arg19 : memref<!tpu.dma_semaphore, #tpu.memory_space<semaphore_mem>>)
        %slice3A_2849 = vector.extract_strided_slice %get3A_2772 {offsets = [2], sizes = [1], strides = [1]} : vector<16xi32> to vector<1xi32>
        %squeeze3A_2850 = vector.extract %slice3A_2849[0] : i32 from vector<1xi32>
        %slice3A_2851 = vector.extract_strided_slice %get3A_2776 {offsets = [2], sizes = [1], strides = [1]} : vector<16xi32> to vector<1xi32>
        %squeeze3A_2852 = vector.extract %slice3A_2851[0] : i32 from vector<1xi32>
        %dma_start3A_2853 = arith.constant 2 : i32
        %dma_start3A_2854 = arith.constant 0 : i32
        %dma_start3A_2855 = tpu.memref_slice %arg16[%dma_start3A_2853, %dma_start3A_2854] : memref<32x64xf32, #tpu.memory_space<vmem>> -> memref<1x64xf32, #tpu.memory_space<vmem>>
        %dma_start3A_2856 = arith.constant 0 : i32
        %dma_start3A_2857 = tpu.memref_slice %arg5[%squeeze3A_2850, %squeeze3A_2852, %dma_start3A_2856] : memref<2x500000x64xf32, #tpu.memory_space<hbm>> -> memref<1x1x64xf32, #tpu.memory_space<hbm>>
        %dma_start3A_2858 = tpu.memref_squeeze %dma_start3A_2857 : memref<1x1x64xf32, #tpu.memory_space<hbm>> -> memref<1x64xf32, #tpu.memory_space<hbm>>
        %dma_start3A_2859 = arith.constant 2 : i32
        %dma_start3A_2860 = arith.constant 0 : i32
        %dma_start3A_2861 = tpu.memref_slice %arg16[%dma_start3A_2859, %dma_start3A_2860] : memref<32x64xf32, #tpu.memory_space<vmem>> -> memref<1x64xf32, #tpu.memory_space<vmem>>
        %dma_start3A_2862 = arith.constant 0 : i32
        %dma_start3A_2863 = tpu.memref_slice %arg5[%squeeze3A_2850, %squeeze3A_2852, %dma_start3A_2862] : memref<2x500000x64xf32, #tpu.memory_space<hbm>> -> memref<1x1x64xf32, #tpu.memory_space<hbm>>
        %dma_start3A_2864 = tpu.memref_squeeze %dma_start3A_2863 : memref<1x1x64xf32, #tpu.memory_space<hbm>> -> memref<1x64xf32, #tpu.memory_space<hbm>>
        tpu.enqueue_dma source(%dma_start3A_2864 : memref<1x64xf32, #tpu.memory_space<hbm>>) target(%dma_start3A_2861 : memref<1x64xf32, #tpu.memory_space<vmem>>) target_semaphore(%arg19 : memref<!tpu.dma_semaphore, #tpu.memory_space<semaphore_mem>>)
        %slice3A_2865 = vector.extract_strided_slice %get3A_2780 {offsets = [2], sizes = [1], strides = [1]} : vector<16xi32> to vector<1xi32>
        %squeeze3A_2866 = vector.extract %slice3A_2865[0] : i32 from vector<1xi32>
        %slice3A_2867 = vector.extract_strided_slice %get3A_2784 {offsets = [2], sizes = [1], strides = [1]} : vector<16xi32> to vector<1xi32>
        %squeeze3A_2868 = vector.extract %slice3A_2867[0] : i32 from vector<1xi32>
        %dma_start3A_2869 = arith.constant 2 : i32
        %dma_start3A_2870 = arith.constant 0 : i32
        %dma_start3A_2871 = tpu.memref_slice %arg17[%dma_start3A_2869, %dma_start3A_2870] : memref<32x64xf32, #tpu.memory_space<vmem>> -> memref<1x64xf32, #tpu.memory_space<vmem>>
        %dma_start3A_2872 = arith.constant 0 : i32
        %dma_start3A_2873 = tpu.memref_slice %arg5[%squeeze3A_2866, %squeeze3A_2868, %dma_start3A_2872] : memref<2x500000x64xf32, #tpu.memory_space<hbm>> -> memref<1x1x64xf32, #tpu.memory_space<hbm>>
        %dma_start3A_2874 = tpu.memref_squeeze %dma_start3A_2873 : memref<1x1x64xf32, #tpu.memory_space<hbm>> -> memref<1x64xf32, #tpu.memory_space<hbm>>
        %dma_start3A_2875 = arith.constant 2 : i32
        %dma_start3A_2876 = arith.constant 0 : i32
        %dma_start3A_2877 = tpu.memref_slice %arg17[%dma_start3A_2875, %dma_start3A_2876] : memref<32x64xf32, #tpu.memory_space<vmem>> -> memref<1x64xf32, #tpu.memory_space<vmem>>
        %dma_start3A_2878 = arith.constant 0 : i32
        %dma_start3A_2879 = tpu.memref_slice %arg5[%squeeze3A_2866, %squeeze3A_2868, %dma_start3A_2878] : memref<2x500000x64xf32, #tpu.memory_space<hbm>> -> memref<1x1x64xf32, #tpu.memory_space<hbm>>
        %dma_start3A_2880 = tpu.memref_squeeze %dma_start3A_2879 : memref<1x1x64xf32, #tpu.memory_space<hbm>> -> memref<1x64xf32, #tpu.memory_space<hbm>>
        tpu.enqueue_dma source(%dma_start3A_2880 : memref<1x64xf32, #tpu.memory_space<hbm>>) target(%dma_start3A_2877 : memref<1x64xf32, #tpu.memory_space<vmem>>) target_semaphore(%arg19 : memref<!tpu.dma_semaphore, #tpu.memory_space<semaphore_mem>>)
        %slice3A_2881 = vector.extract_strided_slice %get3A_2772 {offsets = [3], sizes = [1], strides = [1]} : vector<16xi32> to vector<1xi32>
        %squeeze3A_2882 = vector.extract %slice3A_2881[0] : i32 from vector<1xi32>
        %slice3A_2883 = vector.extract_strided_slice %get3A_2776 {offsets = [3], sizes = [1], strides = [1]} : vector<16xi32> to vector<1xi32>
        %squeeze3A_2884 = vector.extract %slice3A_2883[0] : i32 from vector<1xi32>
        %dma_start3A_2885 = arith.constant 3 : i32
        %dma_start3A_2886 = arith.constant 0 : i32
        %dma_start3A_2887 = tpu.memref_slice %arg16[%dma_start3A_2885, %dma_start3A_2886] : memref<32x64xf32, #tpu.memory_space<vmem>> -> memref<1x64xf32, #tpu.memory_space<vmem>>
        %dma_start3A_2888 = arith.constant 0 : i32
        %dma_start3A_2889 = tpu.memref_slice %arg5[%squeeze3A_2882, %squeeze3A_2884, %dma_start3A_2888] : memref<2x500000x64xf32, #tpu.memory_space<hbm>> -> memref<1x1x64xf32, #tpu.memory_space<hbm>>
        %dma_start3A_2890 = tpu.memref_squeeze %dma_start3A_2889 : memref<1x1x64xf32, #tpu.memory_space<hbm>> -> memref<1x64xf32, #tpu.memory_space<hbm>>
        %dma_start3A_2891 = arith.constant 3 : i32
        %dma_start3A_2892 = arith.constant 0 : i32
        %dma_start3A_2893 = tpu.memref_slice %arg16[%dma_start3A_2891, %dma_start3A_2892] : memref<32x64xf32, #tpu.memory_space<vmem>> -> memref<1x64xf32, #tpu.memory_space<vmem>>
        %dma_start3A_2894 = arith.constant 0 : i32
        %dma_start3A_2895 = tpu.memref_slice %arg5[%squeeze3A_2882, %squeeze3A_2884, %dma_start3A_2894] : memref<2x500000x64xf32, #tpu.memory_space<hbm>> -> memref<1x1x64xf32, #tpu.memory_space<hbm>>
        %dma_start3A_2896 = tpu.memref_squeeze %dma_start3A_2895 : memref<1x1x64xf32, #tpu.memory_space<hbm>> -> memref<1x64xf32, #tpu.memory_space<hbm>>
        tpu.enqueue_dma source(%dma_start3A_2896 : memref<1x64xf32, #tpu.memory_space<hbm>>) target(%dma_start3A_2893 : memref<1x64xf32, #tpu.memory_space<vmem>>) target_semaphore(%arg19 : memref<!tpu.dma_semaphore, #tpu.memory_space<semaphore_mem>>)
        %slice3A_2897 = vector.extract_strided_slice %get3A_2780 {offsets = [3], sizes = [1], strides = [1]} : vector<16xi32> to vector<1xi32>
        %squeeze3A_2898 = vector.extract %slice3A_2897[0] : i32 from vector<1xi32>
        %slice3A_2899 = vector.extract_strided_slice %get3A_2784 {offsets = [3], sizes = [1], strides = [1]} : vector<16xi32> to vector<1xi32>
        %squeeze3A_2900 = vector.extract %slice3A_2899[0] : i32 from vector<1xi32>
        %dma_start3A_2901 = arith.constant 3 : i32
        %dma_start3A_2902 = arith.constant 0 : i32
        %dma_start3A_2903 = tpu.memref_slice %arg17[%dma_start3A_2901, %dma_start3A_2902] : memref<32x64xf32, #tpu.memory_space<vmem>> -> memref<1x64xf32, #tpu.memory_space<vmem>>
        %dma_start3A_2904 = arith.constant 0 : i32
        %dma_start3A_2905 = tpu.memref_slice %arg5[%squeeze3A_2898, %squeeze3A_2900, %dma_start3A_2904] : memref<2x500000x64xf32, #tpu.memory_space<hbm>> -> memref<1x1x64xf32, #tpu.memory_space<hbm>>
        %dma_start3A_2906 = tpu.memref_squeeze %dma_start3A_2905 : memref<1x1x64xf32, #tpu.memory_space<hbm>> -> memref<1x64xf32, #tpu.memory_space<hbm>>
        %dma_start3A_2907 = arith.constant 3 : i32
        %dma_start3A_2908 = arith.constant 0 : i32
        %dma_start3A_2909 = tpu.memref_slice %arg17[%dma_start3A_2907, %dma_start3A_2908] : memref<32x64xf32, #tpu.memory_space<vmem>> -> memref<1x64xf32, #tpu.memory_space<vmem>>
        %dma_start3A_2910 = arith.constant 0 : i32
        %dma_start3A_2911 = tpu.memref_slice %arg5[%squeeze3A_2898, %squeeze3A_2900, %dma_start3A_2910] : memref<2x500000x64xf32, #tpu.memory_space<hbm>> -> memref<1x1x64xf32, #tpu.memory_space<hbm>>
        %dma_start3A_2912 = tpu.memref_squeeze %dma_start3A_2911 : memref<1x1x64xf32, #tpu.memory_space<hbm>> -> memref<1x64xf32, #tpu.memory_space<hbm>>
        tpu.enqueue_dma source(%dma_start3A_2912 : memref<1x64xf32, #tpu.memory_space<hbm>>) target(%dma_start3A_2909 : memref<1x64xf32, #tpu.memory_space<vmem>>) target_semaphore(%arg19 : memref<!tpu.dma_semaphore, #tpu.memory_space<semaphore_mem>>)
        %slice3A_2913 = vector.extract_strided_slice %get3A_2772 {offsets = [4], sizes = [1], strides = [1]} : vector<16xi32> to vector<1xi32>
        %squeeze3A_2914 = vector.extract %slice3A_2913[0] : i32 from vector<1xi32>
        %slice3A_2915 = vector.extract_strided_slice %get3A_2776 {offsets = [4], sizes = [1], strides = [1]} : vector<16xi32> to vector<1xi32>
        %squeeze3A_2916 = vector.extract %slice3A_2915[0] : i32 from vector<1xi32>
        %dma_start3A_2917 = arith.constant 4 : i32
        %dma_start3A_2918 = arith.constant 0 : i32
        %dma_start3A_2919 = tpu.memref_slice %arg16[%dma_start3A_2917, %dma_start3A_2918] : memref<32x64xf32, #tpu.memory_space<vmem>> -> memref<1x64xf32, #tpu.memory_space<vmem>>
        %dma_start3A_2920 = arith.constant 0 : i32
        %dma_start3A_2921 = tpu.memref_slice %arg5[%squeeze3A_2914, %squeeze3A_2916, %dma_start3A_2920] : memref<2x500000x64xf32, #tpu.memory_space<hbm>> -> memref<1x1x64xf32, #tpu.memory_space<hbm>>
        %dma_start3A_2922 = tpu.memref_squeeze %dma_start3A_2921 : memref<1x1x64xf32, #tpu.memory_space<hbm>> -> memref<1x64xf32, #tpu.memory_space<hbm>>
        %dma_start3A_2923 = arith.constant 4 : i32
        %dma_start3A_2924 = arith.constant 0 : i32
        %dma_start3A_2925 = tpu.memref_slice %arg16[%dma_start3A_2923, %dma_start3A_2924] : memref<32x64xf32, #tpu.memory_space<vmem>> -> memref<1x64xf32, #tpu.memory_space<vmem>>
        %dma_start3A_2926 = arith.constant 0 : i32
        %dma_start3A_2927 = tpu.memref_slice %arg5[%squeeze3A_2914, %squeeze3A_2916, %dma_start3A_2926] : memref<2x500000x64xf32, #tpu.memory_space<hbm>> -> memref<1x1x64xf32, #tpu.memory_space<hbm>>
        %dma_start3A_2928 = tpu.memref_squeeze %dma_start3A_2927 : memref<1x1x64xf32, #tpu.memory_space<hbm>> -> memref<1x64xf32, #tpu.memory_space<hbm>>
        tpu.enqueue_dma source(%dma_start3A_2928 : memref<1x64xf32, #tpu.memory_space<hbm>>) target(%dma_start3A_2925 : memref<1x64xf32, #tpu.memory_space<vmem>>) target_semaphore(%arg19 : memref<!tpu.dma_semaphore, #tpu.memory_space<semaphore_mem>>)
        %slice3A_2929 = vector.extract_strided_slice %get3A_2780 {offsets = [4], sizes = [1], strides = [1]} : vector<16xi32> to vector<1xi32>
        %squeeze3A_2930 = vector.extract %slice3A_2929[0] : i32 from vector<1xi32>
        %slice3A_2931 = vector.extract_strided_slice %get3A_2784 {offsets = [4], sizes = [1], strides = [1]} : vector<16xi32> to vector<1xi32>
        %squeeze3A_2932 = vector.extract %slice3A_2931[0] : i32 from vector<1xi32>
        %dma_start3A_2933 = arith.constant 4 : i32
        %dma_start3A_2934 = arith.constant 0 : i32
        %dma_start3A_2935 = tpu.memref_slice %arg17[%dma_start3A_2933, %dma_start3A_2934] : memref<32x64xf32, #tpu.memory_space<vmem>> -> memref<1x64xf32, #tpu.memory_space<vmem>>
        %dma_start3A_2936 = arith.constant 0 : i32
        %dma_start3A_2937 = tpu.memref_slice %arg5[%squeeze3A_2930, %squeeze3A_2932, %dma_start3A_2936] : memref<2x500000x64xf32, #tpu.memory_space<hbm>> -> memref<1x1x64xf32, #tpu.memory_space<hbm>>
        %dma_start3A_2938 = tpu.memref_squeeze %dma_start3A_2937 : memref<1x1x64xf32, #tpu.memory_space<hbm>> -> memref<1x64xf32, #tpu.memory_space<hbm>>
        %dma_start3A_2939 = arith.constant 4 : i32
        %dma_start3A_2940 = arith.constant 0 : i32
        %dma_start3A_2941 = tpu.memref_slice %arg17[%dma_start3A_2939, %dma_start3A_2940] : memref<32x64xf32, #tpu.memory_space<vmem>> -> memref<1x64xf32, #tpu.memory_space<vmem>>
        %dma_start3A_2942 = arith.constant 0 : i32
        %dma_start3A_2943 = tpu.memref_slice %arg5[%squeeze3A_2930, %squeeze3A_2932, %dma_start3A_2942] : memref<2x500000x64xf32, #tpu.memory_space<hbm>> -> memref<1x1x64xf32, #tpu.memory_space<hbm>>
        %dma_start3A_2944 = tpu.memref_squeeze %dma_start3A_2943 : memref<1x1x64xf32, #tpu.memory_space<hbm>> -> memref<1x64xf32, #tpu.memory_space<hbm>>
        tpu.enqueue_dma source(%dma_start3A_2944 : memref<1x64xf32, #tpu.memory_space<hbm>>) target(%dma_start3A_2941 : memref<1x64xf32, #tpu.memory_space<vmem>>) target_semaphore(%arg19 : memref<!tpu.dma_semaphore, #tpu.memory_space<semaphore_mem>>)
        %slice3A_2945 = vector.extract_strided_slice %get3A_2772 {offsets = [5], sizes = [1], strides = [1]} : vector<16xi32> to vector<1xi32>
        %squeeze3A_2946 = vector.extract %slice3A_2945[0] : i32 from vector<1xi32>
        %slice3A_2947 = vector.extract_strided_slice %get3A_2776 {offsets = [5], sizes = [1], strides = [1]} : vector<16xi32> to vector<1xi32>
        %squeeze3A_2948 = vector.extract %slice3A_2947[0] : i32 from vector<1xi32>
        %dma_start3A_2949 = arith.constant 5 : i32
        %dma_start3A_2950 = arith.constant 0 : i32
        %dma_start3A_2951 = tpu.memref_slice %arg16[%dma_start3A_2949, %dma_start3A_2950] : memref<32x64xf32, #tpu.memory_space<vmem>> -> memref<1x64xf32, #tpu.memory_space<vmem>>
        %dma_start3A_2952 = arith.constant 0 : i32
        %dma_start3A_2953 = tpu.memref_slice %arg5[%squeeze3A_2946, %squeeze3A_2948, %dma_start3A_2952] : memref<2x500000x64xf32, #tpu.memory_space<hbm>> -> memref<1x1x64xf32, #tpu.memory_space<hbm>>
        %dma_start3A_2954 = tpu.memref_squeeze %dma_start3A_2953 : memref<1x1x64xf32, #tpu.memory_space<hbm>> -> memref<1x64xf32, #tpu.memory_space<hbm>>
        %dma_start3A_2955 = arith.constant 5 : i32
        %dma_start3A_2956 = arith.constant 0 : i32
        %dma_start3A_2957 = tpu.memref_slice %arg16[%dma_start3A_2955, %dma_start3A_2956] : memref<32x64xf32, #tpu.memory_space<vmem>> -> memref<1x64xf32, #tpu.memory_space<vmem>>
        %dma_start3A_2958 = arith.constant 0 : i32
        %dma_start3A_2959 = tpu.memref_slice %arg5[%squeeze3A_2946, %squeeze3A_2948, %dma_start3A_2958] : memref<2x500000x64xf32, #tpu.memory_space<hbm>> -> memref<1x1x64xf32, #tpu.memory_space<hbm>>
        %dma_start3A_2960 = tpu.memref_squeeze %dma_start3A_2959 : memref<1x1x64xf32, #tpu.memory_space<hbm>> -> memref<1x64xf32, #tpu.memory_space<hbm>>
        tpu.enqueue_dma source(%dma_start3A_2960 : memref<1x64xf32, #tpu.memory_space<hbm>>) target(%dma_start3A_2957 : memref<1x64xf32, #tpu.memory_space<vmem>>) target_semaphore(%arg19 : memref<!tpu.dma_semaphore, #tpu.memory_space<semaphore_mem>>)
        %slice3A_2961 = vector.extract_strided_slice %get3A_2780 {offsets = [5], sizes = [1], strides = [1]} : vector<16xi32> to vector<1xi32>
        %squeeze3A_2962 = vector.extract %slice3A_2961[0] : i32 from vector<1xi32>
        %slice3A_2963 = vector.extract_strided_slice %get3A_2784 {offsets = [5], sizes = [1], strides = [1]} : vector<16xi32> to vector<1xi32>
        %squeeze3A_2964 = vector.extract %slice3A_2963[0] : i32 from vector<1xi32>
        %dma_start3A_2965 = arith.constant 5 : i32
        %dma_start3A_2966 = arith.constant 0 : i32
        %dma_start3A_2967 = tpu.memref_slice %arg17[%dma_start3A_2965, %dma_start3A_2966] : memref<32x64xf32, #tpu.memory_space<vmem>> -> memref<1x64xf32, #tpu.memory_space<vmem>>
        %dma_start3A_2968 = arith.constant 0 : i32
        %dma_start3A_2969 = tpu.memref_slice %arg5[%squeeze3A_2962, %squeeze3A_2964, %dma_start3A_2968] : memref<2x500000x64xf32, #tpu.memory_space<hbm>> -> memref<1x1x64xf32, #tpu.memory_space<hbm>>
        %dma_start3A_2970 = tpu.memref_squeeze %dma_start3A_2969 : memref<1x1x64xf32, #tpu.memory_space<hbm>> -> memref<1x64xf32, #tpu.memory_space<hbm>>
        %dma_start3A_2971 = arith.constant 5 : i32
        %dma_start3A_2972 = arith.constant 0 : i32
        %dma_start3A_2973 = tpu.memref_slice %arg17[%dma_start3A_2971, %dma_start3A_2972] : memref<32x64xf32, #tpu.memory_space<vmem>> -> memref<1x64xf32, #tpu.memory_space<vmem>>
        %dma_start3A_2974 = arith.constant 0 : i32
        %dma_start3A_2975 = tpu.memref_slice %arg5[%squeeze3A_2962, %squeeze3A_2964, %dma_start3A_2974] : memref<2x500000x64xf32, #tpu.memory_space<hbm>> -> memref<1x1x64xf32, #tpu.memory_space<hbm>>
        %dma_start3A_2976 = tpu.memref_squeeze %dma_start3A_2975 : memref<1x1x64xf32, #tpu.memory_space<hbm>> -> memref<1x64xf32, #tpu.memory_space<hbm>>
        tpu.enqueue_dma source(%dma_start3A_2976 : memref<1x64xf32, #tpu.memory_space<hbm>>) target(%dma_start3A_2973 : memref<1x64xf32, #tpu.memory_space<vmem>>) target_semaphore(%arg19 : memref<!tpu.dma_semaphore, #tpu.memory_space<semaphore_mem>>)
        %slice3A_2977 = vector.extract_strided_slice %get3A_2772 {offsets = [6], sizes = [1], strides = [1]} : vector<16xi32> to vector<1xi32>
        %squeeze3A_2978 = vector.extract %slice3A_2977[0] : i32 from vector<1xi32>
        %slice3A_2979 = vector.extract_strided_slice %get3A_2776 {offsets = [6], sizes = [1], strides = [1]} : vector<16xi32> to vector<1xi32>
        %squeeze3A_2980 = vector.extract %slice3A_2979[0] : i32 from vector<1xi32>
        %dma_start3A_2981 = arith.constant 6 : i32
        %dma_start3A_2982 = arith.constant 0 : i32
        %dma_start3A_2983 = tpu.memref_slice %arg16[%dma_start3A_2981, %dma_start3A_2982] : memref<32x64xf32, #tpu.memory_space<vmem>> -> memref<1x64xf32, #tpu.memory_space<vmem>>
        %dma_start3A_2984 = arith.constant 0 : i32
        %dma_start3A_2985 = tpu.memref_slice %arg5[%squeeze3A_2978, %squeeze3A_2980, %dma_start3A_2984] : memref<2x500000x64xf32, #tpu.memory_space<hbm>> -> memref<1x1x64xf32, #tpu.memory_space<hbm>>
        %dma_start3A_2986 = tpu.memref_squeeze %dma_start3A_2985 : memref<1x1x64xf32, #tpu.memory_space<hbm>> -> memref<1x64xf32, #tpu.memory_space<hbm>>
        %dma_start3A_2987 = arith.constant 6 : i32
        %dma_start3A_2988 = arith.constant 0 : i32
        %dma_start3A_2989 = tpu.memref_slice %arg16[%dma_start3A_2987, %dma_start3A_2988] : memref<32x64xf32, #tpu.memory_space<vmem>> -> memref<1x64xf32, #tpu.memory_space<vmem>>
        %dma_start3A_2990 = arith.constant 0 : i32
        %dma_start3A_2991 = tpu.memref_slice %arg5[%squeeze3A_2978, %squeeze3A_2980, %dma_start3A_2990] : memref<2x500000x64xf32, #tpu.memory_space<hbm>> -> memref<1x1x64xf32, #tpu.memory_space<hbm>>
        %dma_start3A_2992 = tpu.memref_squeeze %dma_start3A_2991 : memref<1x1x64xf32, #tpu.memory_space<hbm>> -> memref<1x64xf32, #tpu.memory_space<hbm>>
        tpu.enqueue_dma source(%dma_start3A_2992 : memref<1x64xf32, #tpu.memory_space<hbm>>) target(%dma_start3A_2989 : memref<1x64xf32, #tpu.memory_space<vmem>>) target_semaphore(%arg19 : memref<!tpu.dma_semaphore, #tpu.memory_space<semaphore_mem>>)
        %slice3A_2993 = vector.extract_strided_slice %get3A_2780 {offsets = [6], sizes = [1], strides = [1]} : vector<16xi32> to vector<1xi32>
        %squeeze3A_2994 = vector.extract %slice3A_2993[0] : i32 from vector<1xi32>
        %slice3A_2995 = vector.extract_strided_slice %get3A_2784 {offsets = [6], sizes = [1], strides = [1]} : vector<16xi32> to vector<1xi32>
        %squeeze3A_2996 = vector.extract %slice3A_2995[0] : i32 from vector<1xi32>
        %dma_start3A_2997 = arith.constant 6 : i32
        %dma_start3A_2998 = arith.constant 0 : i32
        %dma_start3A_2999 = tpu.memref_slice %arg17[%dma_start3A_2997, %dma_start3A_2998] : memref<32x64xf32, #tpu.memory_space<vmem>> -> memref<1x64xf32, #tpu.memory_space<vmem>>
        %dma_start3A_3000 = arith.constant 0 : i32
        %dma_start3A_3001 = tpu.memref_slice %arg5[%squeeze3A_2994, %squeeze3A_2996, %dma_start3A_3000] : memref<2x500000x64xf32, #tpu.memory_space<hbm>> -> memref<1x1x64xf32, #tpu.memory_space<hbm>>
        %dma_start3A_3002 = tpu.memref_squeeze %dma_start3A_3001 : memref<1x1x64xf32, #tpu.memory_space<hbm>> -> memref<1x64xf32, #tpu.memory_space<hbm>>
        %dma_start3A_3003 = arith.constant 6 : i32
        %dma_start3A_3004 = arith.constant 0 : i32
        %dma_start3A_3005 = tpu.memref_slice %arg17[%dma_start3A_3003, %dma_start3A_3004] : memref<32x64xf32, #tpu.memory_space<vmem>> -> memref<1x64xf32, #tpu.memory_space<vmem>>
        %dma_start3A_3006 = arith.constant 0 : i32
        %dma_start3A_3007 = tpu.memref_slice %arg5[%squeeze3A_2994, %squeeze3A_2996, %dma_start3A_3006] : memref<2x500000x64xf32, #tpu.memory_space<hbm>> -> memref<1x1x64xf32, #tpu.memory_space<hbm>>
        %dma_start3A_3008 = tpu.memref_squeeze %dma_start3A_3007 : memref<1x1x64xf32, #tpu.memory_space<hbm>> -> memref<1x64xf32, #tpu.memory_space<hbm>>
        tpu.enqueue_dma source(%dma_start3A_3008 : memref<1x64xf32, #tpu.memory_space<hbm>>) target(%dma_start3A_3005 : memref<1x64xf32, #tpu.memory_space<vmem>>) target_semaphore(%arg19 : memref<!tpu.dma_semaphore, #tpu.memory_space<semaphore_mem>>)
        %slice3A_3009 = vector.extract_strided_slice %get3A_2772 {offsets = [7], sizes = [1], strides = [1]} : vector<16xi32> to vector<1xi32>
        %squeeze3A_3010 = vector.extract %slice3A_3009[0] : i32 from vector<1xi32>
        %slice3A_3011 = vector.extract_strided_slice %get3A_2776 {offsets = [7], sizes = [1], strides = [1]} : vector<16xi32> to vector<1xi32>
        %squeeze3A_3012 = vector.extract %slice3A_3011[0] : i32 from vector<1xi32>
        %dma_start3A_3013 = arith.constant 7 : i32
        %dma_start3A_3014 = arith.constant 0 : i32
        %dma_start3A_3015 = tpu.memref_slice %arg16[%dma_start3A_3013, %dma_start3A_3014] : memref<32x64xf32, #tpu.memory_space<vmem>> -> memref<1x64xf32, #tpu.memory_space<vmem>>
        %dma_start3A_3016 = arith.constant 0 : i32
        %dma_start3A_3017 = tpu.memref_slice %arg5[%squeeze3A_3010, %squeeze3A_3012, %dma_start3A_3016] : memref<2x500000x64xf32, #tpu.memory_space<hbm>> -> memref<1x1x64xf32, #tpu.memory_space<hbm>>
        %dma_start3A_3018 = tpu.memref_squeeze %dma_start3A_3017 : memref<1x1x64xf32, #tpu.memory_space<hbm>> -> memref<1x64xf32, #tpu.memory_space<hbm>>
        %dma_start3A_3019 = arith.constant 7 : i32
        %dma_start3A_3020 = arith.constant 0 : i32
        %dma_start3A_3021 = tpu.memref_slice %arg16[%dma_start3A_3019, %dma_start3A_3020] : memref<32x64xf32, #tpu.memory_space<vmem>> -> memref<1x64xf32, #tpu.memory_space<vmem>>
        %dma_start3A_3022 = arith.constant 0 : i32
        %dma_start3A_3023 = tpu.memref_slice %arg5[%squeeze3A_3010, %squeeze3A_3012, %dma_start3A_3022] : memref<2x500000x64xf32, #tpu.memory_space<hbm>> -> memref<1x1x64xf32, #tpu.memory_space<hbm>>
        %dma_start3A_3024 = tpu.memref_squeeze %dma_start3A_3023 : memref<1x1x64xf32, #tpu.memory_space<hbm>> -> memref<1x64xf32, #tpu.memory_space<hbm>>
        tpu.enqueue_dma source(%dma_start3A_3024 : memref<1x64xf32, #tpu.memory_space<hbm>>) target(%dma_start3A_3021 : memref<1x64xf32, #tpu.memory_space<vmem>>) target_semaphore(%arg19 : memref<!tpu.dma_semaphore, #tpu.memory_space<semaphore_mem>>)
        %slice3A_3025 = vector.extract_strided_slice %get3A_2780 {offsets = [7], sizes = [1], strides = [1]} : vector<16xi32> to vector<1xi32>
        %squeeze3A_3026 = vector.extract %slice3A_3025[0] : i32 from vector<1xi32>
        %slice3A_3027 = vector.extract_strided_slice %get3A_2784 {offsets = [7], sizes = [1], strides = [1]} : vector<16xi32> to vector<1xi32>
        %squeeze3A_3028 = vector.extract %slice3A_3027[0] : i32 from vector<1xi32>
        %dma_start3A_3029 = arith.constant 7 : i32
        %dma_start3A_3030 = arith.constant 0 : i32
        %dma_start3A_3031 = tpu.memref_slice %arg17[%dma_start3A_3029, %dma_start3A_3030] : memref<32x64xf32, #tpu.memory_space<vmem>> -> memref<1x64xf32, #tpu.memory_space<vmem>>
        %dma_start3A_3032 = arith.constant 0 : i32
        %dma_start3A_3033 = tpu.memref_slice %arg5[%squeeze3A_3026, %squeeze3A_3028, %dma_start3A_3032] : memref<2x500000x64xf32, #tpu.memory_space<hbm>> -> memref<1x1x64xf32, #tpu.memory_space<hbm>>
        %dma_start3A_3034 = tpu.memref_squeeze %dma_start3A_3033 : memref<1x1x64xf32, #tpu.memory_space<hbm>> -> memref<1x64xf32, #tpu.memory_space<hbm>>
        %dma_start3A_3035 = arith.constant 7 : i32
        %dma_start3A_3036 = arith.constant 0 : i32
        %dma_start3A_3037 = tpu.memref_slice %arg17[%dma_start3A_3035, %dma_start3A_3036] : memref<32x64xf32, #tpu.memory_space<vmem>> -> memref<1x64xf32, #tpu.memory_space<vmem>>
        %dma_start3A_3038 = arith.constant 0 : i32
        %dma_start3A_3039 = tpu.memref_slice %arg5[%squeeze3A_3026, %squeeze3A_3028, %dma_start3A_3038] : memref<2x500000x64xf32, #tpu.memory_space<hbm>> -> memref<1x1x64xf32, #tpu.memory_space<hbm>>
        %dma_start3A_3040 = tpu.memref_squeeze %dma_start3A_3039 : memref<1x1x64xf32, #tpu.memory_space<hbm>> -> memref<1x64xf32, #tpu.memory_space<hbm>>
        tpu.enqueue_dma source(%dma_start3A_3040 : memref<1x64xf32, #tpu.memory_space<hbm>>) target(%dma_start3A_3037 : memref<1x64xf32, #tpu.memory_space<vmem>>) target_semaphore(%arg19 : memref<!tpu.dma_semaphore, #tpu.memory_space<semaphore_mem>>)
        %slice3A_3041 = vector.extract_strided_slice %get3A_2772 {offsets = [8], sizes = [1], strides = [1]} : vector<16xi32> to vector<1xi32>
        %squeeze3A_3042 = vector.extract %slice3A_3041[0] : i32 from vector<1xi32>
        %slice3A_3043 = vector.extract_strided_slice %get3A_2776 {offsets = [8], sizes = [1], strides = [1]} : vector<16xi32> to vector<1xi32>
        %squeeze3A_3044 = vector.extract %slice3A_3043[0] : i32 from vector<1xi32>
        %dma_start3A_3045 = arith.constant 8 : i32
        %dma_start3A_3046 = arith.constant 0 : i32
        %dma_start3A_3047 = tpu.memref_slice %arg16[%dma_start3A_3045, %dma_start3A_3046] : memref<32x64xf32, #tpu.memory_space<vmem>> -> memref<1x64xf32, #tpu.memory_space<vmem>>
        %dma_start3A_3048 = arith.constant 0 : i32
        %dma_start3A_3049 = tpu.memref_slice %arg5[%squeeze3A_3042, %squeeze3A_3044, %dma_start3A_3048] : memref<2x500000x64xf32, #tpu.memory_space<hbm>> -> memref<1x1x64xf32, #tpu.memory_space<hbm>>
        %dma_start3A_3050 = tpu.memref_squeeze %dma_start3A_3049 : memref<1x1x64xf32, #tpu.memory_space<hbm>> -> memref<1x64xf32, #tpu.memory_space<hbm>>
        %dma_start3A_3051 = arith.constant 8 : i32
        %dma_start3A_3052 = arith.constant 0 : i32
        %dma_start3A_3053 = tpu.memref_slice %arg16[%dma_start3A_3051, %dma_start3A_3052] : memref<32x64xf32, #tpu.memory_space<vmem>> -> memref<1x64xf32, #tpu.memory_space<vmem>>
        %dma_start3A_3054 = arith.constant 0 : i32
        %dma_start3A_3055 = tpu.memref_slice %arg5[%squeeze3A_3042, %squeeze3A_3044, %dma_start3A_3054] : memref<2x500000x64xf32, #tpu.memory_space<hbm>> -> memref<1x1x64xf32, #tpu.memory_space<hbm>>
        %dma_start3A_3056 = tpu.memref_squeeze %dma_start3A_3055 : memref<1x1x64xf32, #tpu.memory_space<hbm>> -> memref<1x64xf32, #tpu.memory_space<hbm>>
        tpu.enqueue_dma source(%dma_start3A_3056 : memref<1x64xf32, #tpu.memory_space<hbm>>) target(%dma_start3A_3053 : memref<1x64xf32, #tpu.memory_space<vmem>>) target_semaphore(%arg19 : memref<!tpu.dma_semaphore, #tpu.memory_space<semaphore_mem>>)
        %slice3A_3057 = vector.extract_strided_slice %get3A_2780 {offsets = [8], sizes = [1], strides = [1]} : vector<16xi32> to vector<1xi32>
        %squeeze3A_3058 = vector.extract %slice3A_3057[0] : i32 from vector<1xi32>
        %slice3A_3059 = vector.extract_strided_slice %get3A_2784 {offsets = [8], sizes = [1], strides = [1]} : vector<16xi32> to vector<1xi32>
        %squeeze3A_3060 = vector.extract %slice3A_3059[0] : i32 from vector<1xi32>
        %dma_start3A_3061 = arith.constant 8 : i32
        %dma_start3A_3062 = arith.constant 0 : i32
        %dma_start3A_3063 = tpu.memref_slice %arg17[%dma_start3A_3061, %dma_start3A_3062] : memref<32x64xf32, #tpu.memory_space<vmem>> -> memref<1x64xf32, #tpu.memory_space<vmem>>
        %dma_start3A_3064 = arith.constant 0 : i32
        %dma_start3A_3065 = tpu.memref_slice %arg5[%squeeze3A_3058, %squeeze3A_3060, %dma_start3A_3064] : memref<2x500000x64xf32, #tpu.memory_space<hbm>> -> memref<1x1x64xf32, #tpu.memory_space<hbm>>
        %dma_start3A_3066 = tpu.memref_squeeze %dma_start3A_3065 : memref<1x1x64xf32, #tpu.memory_space<hbm>> -> memref<1x64xf32, #tpu.memory_space<hbm>>
        %dma_start3A_3067 = arith.constant 8 : i32
        %dma_start3A_3068 = arith.constant 0 : i32
        %dma_start3A_3069 = tpu.memref_slice %arg17[%dma_start3A_3067, %dma_start3A_3068] : memref<32x64xf32, #tpu.memory_space<vmem>> -> memref<1x64xf32, #tpu.memory_space<vmem>>
        %dma_start3A_3070 = arith.constant 0 : i32
        %dma_start3A_3071 = tpu.memref_slice %arg5[%squeeze3A_3058, %squeeze3A_3060, %dma_start3A_3070] : memref<2x500000x64xf32, #tpu.memory_space<hbm>> -> memref<1x1x64xf32, #tpu.memory_space<hbm>>
        %dma_start3A_3072 = tpu.memref_squeeze %dma_start3A_3071 : memref<1x1x64xf32, #tpu.memory_space<hbm>> -> memref<1x64xf32, #tpu.memory_space<hbm>>
        tpu.enqueue_dma source(%dma_start3A_3072 : memref<1x64xf32, #tpu.memory_space<hbm>>) target(%dma_start3A_3069 : memref<1x64xf32, #tpu.memory_space<vmem>>) target_semaphore(%arg19 : memref<!tpu.dma_semaphore, #tpu.memory_space<semaphore_mem>>)
        %slice3A_3073 = vector.extract_strided_slice %get3A_2772 {offsets = [9], sizes = [1], strides = [1]} : vector<16xi32> to vector<1xi32>
        %squeeze3A_3074 = vector.extract %slice3A_3073[0] : i32 from vector<1xi32>
        %slice3A_3075 = vector.extract_strided_slice %get3A_2776 {offsets = [9], sizes = [1], strides = [1]} : vector<16xi32> to vector<1xi32>
        %squeeze3A_3076 = vector.extract %slice3A_3075[0] : i32 from vector<1xi32>
        %dma_start3A_3077 = arith.constant 9 : i32
        %dma_start3A_3078 = arith.constant 0 : i32
        %dma_start3A_3079 = tpu.memref_slice %arg16[%dma_start3A_3077, %dma_start3A_3078] : memref<32x64xf32, #tpu.memory_space<vmem>> -> memref<1x64xf32, #tpu.memory_space<vmem>>
        %dma_start3A_3080 = arith.constant 0 : i32
        %dma_start3A_3081 = tpu.memref_slice %arg5[%squeeze3A_3074, %squeeze3A_3076, %dma_start3A_3080] : memref<2x500000x64xf32, #tpu.memory_space<hbm>> -> memref<1x1x64xf32, #tpu.memory_space<hbm>>
        %dma_start3A_3082 = tpu.memref_squeeze %dma_start3A_3081 : memref<1x1x64xf32, #tpu.memory_space<hbm>> -> memref<1x64xf32, #tpu.memory_space<hbm>>
        %dma_start3A_3083 = arith.constant 9 : i32
        %dma_start3A_3084 = arith.constant 0 : i32
        %dma_start3A_3085 = tpu.memref_slice %arg16[%dma_start3A_3083, %dma_start3A_3084] : memref<32x64xf32, #tpu.memory_space<vmem>> -> memref<1x64xf32, #tpu.memory_space<vmem>>
        %dma_start3A_3086 = arith.constant 0 : i32
        %dma_start3A_3087 = tpu.memref_slice %arg5[%squeeze3A_3074, %squeeze3A_3076, %dma_start3A_3086] : memref<2x500000x64xf32, #tpu.memory_space<hbm>> -> memref<1x1x64xf32, #tpu.memory_space<hbm>>
        %dma_start3A_3088 = tpu.memref_squeeze %dma_start3A_3087 : memref<1x1x64xf32, #tpu.memory_space<hbm>> -> memref<1x64xf32, #tpu.memory_space<hbm>>
        tpu.enqueue_dma source(%dma_start3A_3088 : memref<1x64xf32, #tpu.memory_space<hbm>>) target(%dma_start3A_3085 : memref<1x64xf32, #tpu.memory_space<vmem>>) target_semaphore(%arg19 : memref<!tpu.dma_semaphore, #tpu.memory_space<semaphore_mem>>)
        %slice3A_3089 = vector.extract_strided_slice %get3A_2780 {offsets = [9], sizes = [1], strides = [1]} : vector<16xi32> to vector<1xi32>
        %squeeze3A_3090 = vector.extract %slice3A_3089[0] : i32 from vector<1xi32>
        %slice3A_3091 = vector.extract_strided_slice %get3A_2784 {offsets = [9], sizes = [1], strides = [1]} : vector<16xi32> to vector<1xi32>
        %squeeze3A_3092 = vector.extract %slice3A_3091[0] : i32 from vector<1xi32>
        %dma_start3A_3093 = arith.constant 9 : i32
        %dma_start3A_3094 = arith.constant 0 : i32
        %dma_start3A_3095 = tpu.memref_slice %arg17[%dma_start3A_3093, %dma_start3A_3094] : memref<32x64xf32, #tpu.memory_space<vmem>> -> memref<1x64xf32, #tpu.memory_space<vmem>>
        %dma_start3A_3096 = arith.constant 0 : i32
        %dma_start3A_3097 = tpu.memref_slice %arg5[%squeeze3A_3090, %squeeze3A_3092, %dma_start3A_3096] : memref<2x500000x64xf32, #tpu.memory_space<hbm>> -> memref<1x1x64xf32, #tpu.memory_space<hbm>>
        %dma_start3A_3098 = tpu.memref_squeeze %dma_start3A_3097 : memref<1x1x64xf32, #tpu.memory_space<hbm>> -> memref<1x64xf32, #tpu.memory_space<hbm>>
        %dma_start3A_3099 = arith.constant 9 : i32
        %dma_start3A_3100 = arith.constant 0 : i32
        %dma_start3A_3101 = tpu.memref_slice %arg17[%dma_start3A_3099, %dma_start3A_3100] : memref<32x64xf32, #tpu.memory_space<vmem>> -> memref<1x64xf32, #tpu.memory_space<vmem>>
        %dma_start3A_3102 = arith.constant 0 : i32
        %dma_start3A_3103 = tpu.memref_slice %arg5[%squeeze3A_3090, %squeeze3A_3092, %dma_start3A_3102] : memref<2x500000x64xf32, #tpu.memory_space<hbm>> -> memref<1x1x64xf32, #tpu.memory_space<hbm>>
        %dma_start3A_3104 = tpu.memref_squeeze %dma_start3A_3103 : memref<1x1x64xf32, #tpu.memory_space<hbm>> -> memref<1x64xf32, #tpu.memory_space<hbm>>
        tpu.enqueue_dma source(%dma_start3A_3104 : memref<1x64xf32, #tpu.memory_space<hbm>>) target(%dma_start3A_3101 : memref<1x64xf32, #tpu.memory_space<vmem>>) target_semaphore(%arg19 : memref<!tpu.dma_semaphore, #tpu.memory_space<semaphore_mem>>)
        %slice3A_3105 = vector.extract_strided_slice %get3A_2772 {offsets = [10], sizes = [1], strides = [1]} : vector<16xi32> to vector<1xi32>
        %squeeze3A_3106 = vector.extract %slice3A_3105[0] : i32 from vector<1xi32>
        %slice3A_3107 = vector.extract_strided_slice %get3A_2776 {offsets = [10], sizes = [1], strides = [1]} : vector<16xi32> to vector<1xi32>
        %squeeze3A_3108 = vector.extract %slice3A_3107[0] : i32 from vector<1xi32>
        %dma_start3A_3109 = arith.constant 10 : i32
        %dma_start3A_3110 = arith.constant 0 : i32
        %dma_start3A_3111 = tpu.memref_slice %arg16[%dma_start3A_3109, %dma_start3A_3110] : memref<32x64xf32, #tpu.memory_space<vmem>> -> memref<1x64xf32, #tpu.memory_space<vmem>>
        %dma_start3A_3112 = arith.constant 0 : i32
        %dma_start3A_3113 = tpu.memref_slice %arg5[%squeeze3A_3106, %squeeze3A_3108, %dma_start3A_3112] : memref<2x500000x64xf32, #tpu.memory_space<hbm>> -> memref<1x1x64xf32, #tpu.memory_space<hbm>>
        %dma_start3A_3114 = tpu.memref_squeeze %dma_start3A_3113 : memref<1x1x64xf32, #tpu.memory_space<hbm>> -> memref<1x64xf32, #tpu.memory_space<hbm>>
        %dma_start3A_3115 = arith.constant 10 : i32
        %dma_start3A_3116 = arith.constant 0 : i32
        %dma_start3A_3117 = tpu.memref_slice %arg16[%dma_start3A_3115, %dma_start3A_3116] : memref<32x64xf32, #tpu.memory_space<vmem>> -> memref<1x64xf32, #tpu.memory_space<vmem>>
        %dma_start3A_3118 = arith.constant 0 : i32
        %dma_start3A_3119 = tpu.memref_slice %arg5[%squeeze3A_3106, %squeeze3A_3108, %dma_start3A_3118] : memref<2x500000x64xf32, #tpu.memory_space<hbm>> -> memref<1x1x64xf32, #tpu.memory_space<hbm>>
        %dma_start3A_3120 = tpu.memref_squeeze %dma_start3A_3119 : memref<1x1x64xf32, #tpu.memory_space<hbm>> -> memref<1x64xf32, #tpu.memory_space<hbm>>
        tpu.enqueue_dma source(%dma_start3A_3120 : memref<1x64xf32, #tpu.memory_space<hbm>>) target(%dma_start3A_3117 : memref<1x64xf32, #tpu.memory_space<vmem>>) target_semaphore(%arg19 : memref<!tpu.dma_semaphore, #tpu.memory_space<semaphore_mem>>)
        %slice3A_3121 = vector.extract_strided_slice %get3A_2780 {offsets = [10], sizes = [1], strides = [1]} : vector<16xi32> to vector<1xi32>
        %squeeze3A_3122 = vector.extract %slice3A_3121[0] : i32 from vector<1xi32>
        %slice3A_3123 = vector.extract_strided_slice %get3A_2784 {offsets = [10], sizes = [1], strides = [1]} : vector<16xi32> to vector<1xi32>
        %squeeze3A_3124 = vector.extract %slice3A_3123[0] : i32 from vector<1xi32>
        %dma_start3A_3125 = arith.constant 10 : i32
        %dma_start3A_3126 = arith.constant 0 : i32
        %dma_start3A_3127 = tpu.memref_slice %arg17[%dma_start3A_3125, %dma_start3A_3126] : memref<32x64xf32, #tpu.memory_space<vmem>> -> memref<1x64xf32, #tpu.memory_space<vmem>>
        %dma_start3A_3128 = arith.constant 0 : i32
        %dma_start3A_3129 = tpu.memref_slice %arg5[%squeeze3A_3122, %squeeze3A_3124, %dma_start3A_3128] : memref<2x500000x64xf32, #tpu.memory_space<hbm>> -> memref<1x1x64xf32, #tpu.memory_space<hbm>>
        %dma_start3A_3130 = tpu.memref_squeeze %dma_start3A_3129 : memref<1x1x64xf32, #tpu.memory_space<hbm>> -> memref<1x64xf32, #tpu.memory_space<hbm>>
        %dma_start3A_3131 = arith.constant 10 : i32
        %dma_start3A_3132 = arith.constant 0 : i32
        %dma_start3A_3133 = tpu.memref_slice %arg17[%dma_start3A_3131, %dma_start3A_3132] : memref<32x64xf32, #tpu.memory_space<vmem>> -> memref<1x64xf32, #tpu.memory_space<vmem>>
        %dma_start3A_3134 = arith.constant 0 : i32
        %dma_start3A_3135 = tpu.memref_slice %arg5[%squeeze3A_3122, %squeeze3A_3124, %dma_start3A_3134] : memref<2x500000x64xf32, #tpu.memory_space<hbm>> -> memref<1x1x64xf32, #tpu.memory_space<hbm>>
        %dma_start3A_3136 = tpu.memref_squeeze %dma_start3A_3135 : memref<1x1x64xf32, #tpu.memory_space<hbm>> -> memref<1x64xf32, #tpu.memory_space<hbm>>
        tpu.enqueue_dma source(%dma_start3A_3136 : memref<1x64xf32, #tpu.memory_space<hbm>>) target(%dma_start3A_3133 : memref<1x64xf32, #tpu.memory_space<vmem>>) target_semaphore(%arg19 : memref<!tpu.dma_semaphore, #tpu.memory_space<semaphore_mem>>)
        %slice3A_3137 = vector.extract_strided_slice %get3A_2772 {offsets = [11], sizes = [1], strides = [1]} : vector<16xi32> to vector<1xi32>
        %squeeze3A_3138 = vector.extract %slice3A_3137[0] : i32 from vector<1xi32>
        %slice3A_3139 = vector.extract_strided_slice %get3A_2776 {offsets = [11], sizes = [1], strides = [1]} : vector<16xi32> to vector<1xi32>
        %squeeze3A_3140 = vector.extract %slice3A_3139[0] : i32 from vector<1xi32>
        %dma_start3A_3141 = arith.constant 11 : i32
        %dma_start3A_3142 = arith.constant 0 : i32
        %dma_start3A_3143 = tpu.memref_slice %arg16[%dma_start3A_3141, %dma_start3A_3142] : memref<32x64xf32, #tpu.memory_space<vmem>> -> memref<1x64xf32, #tpu.memory_space<vmem>>
        %dma_start3A_3144 = arith.constant 0 : i32
        %dma_start3A_3145 = tpu.memref_slice %arg5[%squeeze3A_3138, %squeeze3A_3140, %dma_start3A_3144] : memref<2x500000x64xf32, #tpu.memory_space<hbm>> -> memref<1x1x64xf32, #tpu.memory_space<hbm>>
        %dma_start3A_3146 = tpu.memref_squeeze %dma_start3A_3145 : memref<1x1x64xf32, #tpu.memory_space<hbm>> -> memref<1x64xf32, #tpu.memory_space<hbm>>
        %dma_start3A_3147 = arith.constant 11 : i32
        %dma_start3A_3148 = arith.constant 0 : i32
        %dma_start3A_3149 = tpu.memref_slice %arg16[%dma_start3A_3147, %dma_start3A_3148] : memref<32x64xf32, #tpu.memory_space<vmem>> -> memref<1x64xf32, #tpu.memory_space<vmem>>
        %dma_start3A_3150 = arith.constant 0 : i32
        %dma_start3A_3151 = tpu.memref_slice %arg5[%squeeze3A_3138, %squeeze3A_3140, %dma_start3A_3150] : memref<2x500000x64xf32, #tpu.memory_space<hbm>> -> memref<1x1x64xf32, #tpu.memory_space<hbm>>
        %dma_start3A_3152 = tpu.memref_squeeze %dma_start3A_3151 : memref<1x1x64xf32, #tpu.memory_space<hbm>> -> memref<1x64xf32, #tpu.memory_space<hbm>>
        tpu.enqueue_dma source(%dma_start3A_3152 : memref<1x64xf32, #tpu.memory_space<hbm>>) target(%dma_start3A_3149 : memref<1x64xf32, #tpu.memory_space<vmem>>) target_semaphore(%arg19 : memref<!tpu.dma_semaphore, #tpu.memory_space<semaphore_mem>>)
        %slice3A_3153 = vector.extract_strided_slice %get3A_2780 {offsets = [11], sizes = [1], strides = [1]} : vector<16xi32> to vector<1xi32>
        %squeeze3A_3154 = vector.extract %slice3A_3153[0] : i32 from vector<1xi32>
        %slice3A_3155 = vector.extract_strided_slice %get3A_2784 {offsets = [11], sizes = [1], strides = [1]} : vector<16xi32> to vector<1xi32>
        %squeeze3A_3156 = vector.extract %slice3A_3155[0] : i32 from vector<1xi32>
        %dma_start3A_3157 = arith.constant 11 : i32
        %dma_start3A_3158 = arith.constant 0 : i32
        %dma_start3A_3159 = tpu.memref_slice %arg17[%dma_start3A_3157, %dma_start3A_3158] : memref<32x64xf32, #tpu.memory_space<vmem>> -> memref<1x64xf32, #tpu.memory_space<vmem>>
        %dma_start3A_3160 = arith.constant 0 : i32
        %dma_start3A_3161 = tpu.memref_slice %arg5[%squeeze3A_3154, %squeeze3A_3156, %dma_start3A_3160] : memref<2x500000x64xf32, #tpu.memory_space<hbm>> -> memref<1x1x64xf32, #tpu.memory_space<hbm>>
        %dma_start3A_3162 = tpu.memref_squeeze %dma_start3A_3161 : memref<1x1x64xf32, #tpu.memory_space<hbm>> -> memref<1x64xf32, #tpu.memory_space<hbm>>
        %dma_start3A_3163 = arith.constant 11 : i32
        %dma_start3A_3164 = arith.constant 0 : i32
        %dma_start3A_3165 = tpu.memref_slice %arg17[%dma_start3A_3163, %dma_start3A_3164] : memref<32x64xf32, #tpu.memory_space<vmem>> -> memref<1x64xf32, #tpu.memory_space<vmem>>
        %dma_start3A_3166 = arith.constant 0 : i32
        %dma_start3A_3167 = tpu.memref_slice %arg5[%squeeze3A_3154, %squeeze3A_3156, %dma_start3A_3166] : memref<2x500000x64xf32, #tpu.memory_space<hbm>> -> memref<1x1x64xf32, #tpu.memory_space<hbm>>
        %dma_start3A_3168 = tpu.memref_squeeze %dma_start3A_3167 : memref<1x1x64xf32, #tpu.memory_space<hbm>> -> memref<1x64xf32, #tpu.memory_space<hbm>>
        tpu.enqueue_dma source(%dma_start3A_3168 : memref<1x64xf32, #tpu.memory_space<hbm>>) target(%dma_start3A_3165 : memref<1x64xf32, #tpu.memory_space<vmem>>) target_semaphore(%arg19 : memref<!tpu.dma_semaphore, #tpu.memory_space<semaphore_mem>>)
        %slice3A_3169 = vector.extract_strided_slice %get3A_2772 {offsets = [12], sizes = [1], strides = [1]} : vector<16xi32> to vector<1xi32>
        %squeeze3A_3170 = vector.extract %slice3A_3169[0] : i32 from vector<1xi32>
        %slice3A_3171 = vector.extract_strided_slice %get3A_2776 {offsets = [12], sizes = [1], strides = [1]} : vector<16xi32> to vector<1xi32>
        %squeeze3A_3172 = vector.extract %slice3A_3171[0] : i32 from vector<1xi32>
        %dma_start3A_3173 = arith.constant 12 : i32
        %dma_start3A_3174 = arith.constant 0 : i32
        %dma_start3A_3175 = tpu.memref_slice %arg16[%dma_start3A_3173, %dma_start3A_3174] : memref<32x64xf32, #tpu.memory_space<vmem>> -> memref<1x64xf32, #tpu.memory_space<vmem>>
        %dma_start3A_3176 = arith.constant 0 : i32
        %dma_start3A_3177 = tpu.memref_slice %arg5[%squeeze3A_3170, %squeeze3A_3172, %dma_start3A_3176] : memref<2x500000x64xf32, #tpu.memory_space<hbm>> -> memref<1x1x64xf32, #tpu.memory_space<hbm>>
        %dma_start3A_3178 = tpu.memref_squeeze %dma_start3A_3177 : memref<1x1x64xf32, #tpu.memory_space<hbm>> -> memref<1x64xf32, #tpu.memory_space<hbm>>
        %dma_start3A_3179 = arith.constant 12 : i32
        %dma_start3A_3180 = arith.constant 0 : i32
        %dma_start3A_3181 = tpu.memref_slice %arg16[%dma_start3A_3179, %dma_start3A_3180] : memref<32x64xf32, #tpu.memory_space<vmem>> -> memref<1x64xf32, #tpu.memory_space<vmem>>
        %dma_start3A_3182 = arith.constant 0 : i32
        %dma_start3A_3183 = tpu.memref_slice %arg5[%squeeze3A_3170, %squeeze3A_3172, %dma_start3A_3182] : memref<2x500000x64xf32, #tpu.memory_space<hbm>> -> memref<1x1x64xf32, #tpu.memory_space<hbm>>
        %dma_start3A_3184 = tpu.memref_squeeze %dma_start3A_3183 : memref<1x1x64xf32, #tpu.memory_space<hbm>> -> memref<1x64xf32, #tpu.memory_space<hbm>>
        tpu.enqueue_dma source(%dma_start3A_3184 : memref<1x64xf32, #tpu.memory_space<hbm>>) target(%dma_start3A_3181 : memref<1x64xf32, #tpu.memory_space<vmem>>) target_semaphore(%arg19 : memref<!tpu.dma_semaphore, #tpu.memory_space<semaphore_mem>>)
        %slice3A_3185 = vector.extract_strided_slice %get3A_2780 {offsets = [12], sizes = [1], strides = [1]} : vector<16xi32> to vector<1xi32>
        %squeeze3A_3186 = vector.extract %slice3A_3185[0] : i32 from vector<1xi32>
        %slice3A_3187 = vector.extract_strided_slice %get3A_2784 {offsets = [12], sizes = [1], strides = [1]} : vector<16xi32> to vector<1xi32>
        %squeeze3A_3188 = vector.extract %slice3A_3187[0] : i32 from vector<1xi32>
        %dma_start3A_3189 = arith.constant 12 : i32
        %dma_start3A_3190 = arith.constant 0 : i32
        %dma_start3A_3191 = tpu.memref_slice %arg17[%dma_start3A_3189, %dma_start3A_3190] : memref<32x64xf32, #tpu.memory_space<vmem>> -> memref<1x64xf32, #tpu.memory_space<vmem>>
        %dma_start3A_3192 = arith.constant 0 : i32
        %dma_start3A_3193 = tpu.memref_slice %arg5[%squeeze3A_3186, %squeeze3A_3188, %dma_start3A_3192] : memref<2x500000x64xf32, #tpu.memory_space<hbm>> -> memref<1x1x64xf32, #tpu.memory_space<hbm>>
        %dma_start3A_3194 = tpu.memref_squeeze %dma_start3A_3193 : memref<1x1x64xf32, #tpu.memory_space<hbm>> -> memref<1x64xf32, #tpu.memory_space<hbm>>
        %dma_start3A_3195 = arith.constant 12 : i32
        %dma_start3A_3196 = arith.constant 0 : i32
        %dma_start3A_3197 = tpu.memref_slice %arg17[%dma_start3A_3195, %dma_start3A_3196] : memref<32x64xf32, #tpu.memory_space<vmem>> -> memref<1x64xf32, #tpu.memory_space<vmem>>
        %dma_start3A_3198 = arith.constant 0 : i32
        %dma_start3A_3199 = tpu.memref_slice %arg5[%squeeze3A_3186, %squeeze3A_3188, %dma_start3A_3198] : memref<2x500000x64xf32, #tpu.memory_space<hbm>> -> memref<1x1x64xf32, #tpu.memory_space<hbm>>
        %dma_start3A_3200 = tpu.memref_squeeze %dma_start3A_3199 : memref<1x1x64xf32, #tpu.memory_space<hbm>> -> memref<1x64xf32, #tpu.memory_space<hbm>>
        tpu.enqueue_dma source(%dma_start3A_3200 : memref<1x64xf32, #tpu.memory_space<hbm>>) target(%dma_start3A_3197 : memref<1x64xf32, #tpu.memory_space<vmem>>) target_semaphore(%arg19 : memref<!tpu.dma_semaphore, #tpu.memory_space<semaphore_mem>>)
        %slice3A_3201 = vector.extract_strided_slice %get3A_2772 {offsets = [13], sizes = [1], strides = [1]} : vector<16xi32> to vector<1xi32>
        %squeeze3A_3202 = vector.extract %slice3A_3201[0] : i32 from vector<1xi32>
        %slice3A_3203 = vector.extract_strided_slice %get3A_2776 {offsets = [13], sizes = [1], strides = [1]} : vector<16xi32> to vector<1xi32>
        %squeeze3A_3204 = vector.extract %slice3A_3203[0] : i32 from vector<1xi32>
        %dma_start3A_3205 = arith.constant 13 : i32
        %dma_start3A_3206 = arith.constant 0 : i32
        %dma_start3A_3207 = tpu.memref_slice %arg16[%dma_start3A_3205, %dma_start3A_3206] : memref<32x64xf32, #tpu.memory_space<vmem>> -> memref<1x64xf32, #tpu.memory_space<vmem>>
        %dma_start3A_3208 = arith.constant 0 : i32
        %dma_start3A_3209 = tpu.memref_slice %arg5[%squeeze3A_3202, %squeeze3A_3204, %dma_start3A_3208] : memref<2x500000x64xf32, #tpu.memory_space<hbm>> -> memref<1x1x64xf32, #tpu.memory_space<hbm>>
        %dma_start3A_3210 = tpu.memref_squeeze %dma_start3A_3209 : memref<1x1x64xf32, #tpu.memory_space<hbm>> -> memref<1x64xf32, #tpu.memory_space<hbm>>
        %dma_start3A_3211 = arith.constant 13 : i32
        %dma_start3A_3212 = arith.constant 0 : i32
        %dma_start3A_3213 = tpu.memref_slice %arg16[%dma_start3A_3211, %dma_start3A_3212] : memref<32x64xf32, #tpu.memory_space<vmem>> -> memref<1x64xf32, #tpu.memory_space<vmem>>
        %dma_start3A_3214 = arith.constant 0 : i32
        %dma_start3A_3215 = tpu.memref_slice %arg5[%squeeze3A_3202, %squeeze3A_3204, %dma_start3A_3214] : memref<2x500000x64xf32, #tpu.memory_space<hbm>> -> memref<1x1x64xf32, #tpu.memory_space<hbm>>
        %dma_start3A_3216 = tpu.memref_squeeze %dma_start3A_3215 : memref<1x1x64xf32, #tpu.memory_space<hbm>> -> memref<1x64xf32, #tpu.memory_space<hbm>>
        tpu.enqueue_dma source(%dma_start3A_3216 : memref<1x64xf32, #tpu.memory_space<hbm>>) target(%dma_start3A_3213 : memref<1x64xf32, #tpu.memory_space<vmem>>) target_semaphore(%arg19 : memref<!tpu.dma_semaphore, #tpu.memory_space<semaphore_mem>>)
        %slice3A_3217 = vector.extract_strided_slice %get3A_2780 {offsets = [13], sizes = [1], strides = [1]} : vector<16xi32> to vector<1xi32>
        %squeeze3A_3218 = vector.extract %slice3A_3217[0] : i32 from vector<1xi32>
        %slice3A_3219 = vector.extract_strided_slice %get3A_2784 {offsets = [13], sizes = [1], strides = [1]} : vector<16xi32> to vector<1xi32>
        %squeeze3A_3220 = vector.extract %slice3A_3219[0] : i32 from vector<1xi32>
        %dma_start3A_3221 = arith.constant 13 : i32
        %dma_start3A_3222 = arith.constant 0 : i32
        %dma_start3A_3223 = tpu.memref_slice %arg17[%dma_start3A_3221, %dma_start3A_3222] : memref<32x64xf32, #tpu.memory_space<vmem>> -> memref<1x64xf32, #tpu.memory_space<vmem>>
        %dma_start3A_3224 = arith.constant 0 : i32
        %dma_start3A_3225 = tpu.memref_slice %arg5[%squeeze3A_3218, %squeeze3A_3220, %dma_start3A_3224] : memref<2x500000x64xf32, #tpu.memory_space<hbm>> -> memref<1x1x64xf32, #tpu.memory_space<hbm>>
        %dma_start3A_3226 = tpu.memref_squeeze %dma_start3A_3225 : memref<1x1x64xf32, #tpu.memory_space<hbm>> -> memref<1x64xf32, #tpu.memory_space<hbm>>
        %dma_start3A_3227 = arith.constant 13 : i32
        %dma_start3A_3228 = arith.constant 0 : i32
        %dma_start3A_3229 = tpu.memref_slice %arg17[%dma_start3A_3227, %dma_start3A_3228] : memref<32x64xf32, #tpu.memory_space<vmem>> -> memref<1x64xf32, #tpu.memory_space<vmem>>
        %dma_start3A_3230 = arith.constant 0 : i32
        %dma_start3A_3231 = tpu.memref_slice %arg5[%squeeze3A_3218, %squeeze3A_3220, %dma_start3A_3230] : memref<2x500000x64xf32, #tpu.memory_space<hbm>> -> memref<1x1x64xf32, #tpu.memory_space<hbm>>
        %dma_start3A_3232 = tpu.memref_squeeze %dma_start3A_3231 : memref<1x1x64xf32, #tpu.memory_space<hbm>> -> memref<1x64xf32, #tpu.memory_space<hbm>>
        tpu.enqueue_dma source(%dma_start3A_3232 : memref<1x64xf32, #tpu.memory_space<hbm>>) target(%dma_start3A_3229 : memref<1x64xf32, #tpu.memory_space<vmem>>) target_semaphore(%arg19 : memref<!tpu.dma_semaphore, #tpu.memory_space<semaphore_mem>>)
        %slice3A_3233 = vector.extract_strided_slice %get3A_2772 {offsets = [14], sizes = [1], strides = [1]} : vector<16xi32> to vector<1xi32>
        %squeeze3A_3234 = vector.extract %slice3A_3233[0] : i32 from vector<1xi32>
        %slice3A_3235 = vector.extract_strided_slice %get3A_2776 {offsets = [14], sizes = [1], strides = [1]} : vector<16xi32> to vector<1xi32>
        %squeeze3A_3236 = vector.extract %slice3A_3235[0] : i32 from vector<1xi32>
        %dma_start3A_3237 = arith.constant 14 : i32
        %dma_start3A_3238 = arith.constant 0 : i32
        %dma_start3A_3239 = tpu.memref_slice %arg16[%dma_start3A_3237, %dma_start3A_3238] : memref<32x64xf32, #tpu.memory_space<vmem>> -> memref<1x64xf32, #tpu.memory_space<vmem>>
        %dma_start3A_3240 = arith.constant 0 : i32
        %dma_start3A_3241 = tpu.memref_slice %arg5[%squeeze3A_3234, %squeeze3A_3236, %dma_start3A_3240] : memref<2x500000x64xf32, #tpu.memory_space<hbm>> -> memref<1x1x64xf32, #tpu.memory_space<hbm>>
        %dma_start3A_3242 = tpu.memref_squeeze %dma_start3A_3241 : memref<1x1x64xf32, #tpu.memory_space<hbm>> -> memref<1x64xf32, #tpu.memory_space<hbm>>
        %dma_start3A_3243 = arith.constant 14 : i32
        %dma_start3A_3244 = arith.constant 0 : i32
        %dma_start3A_3245 = tpu.memref_slice %arg16[%dma_start3A_3243, %dma_start3A_3244] : memref<32x64xf32, #tpu.memory_space<vmem>> -> memref<1x64xf32, #tpu.memory_space<vmem>>
        %dma_start3A_3246 = arith.constant 0 : i32
        %dma_start3A_3247 = tpu.memref_slice %arg5[%squeeze3A_3234, %squeeze3A_3236, %dma_start3A_3246] : memref<2x500000x64xf32, #tpu.memory_space<hbm>> -> memref<1x1x64xf32, #tpu.memory_space<hbm>>
        %dma_start3A_3248 = tpu.memref_squeeze %dma_start3A_3247 : memref<1x1x64xf32, #tpu.memory_space<hbm>> -> memref<1x64xf32, #tpu.memory_space<hbm>>
        tpu.enqueue_dma source(%dma_start3A_3248 : memref<1x64xf32, #tpu.memory_space<hbm>>) target(%dma_start3A_3245 : memref<1x64xf32, #tpu.memory_space<vmem>>) target_semaphore(%arg19 : memref<!tpu.dma_semaphore, #tpu.memory_space<semaphore_mem>>)
        %slice3A_3249 = vector.extract_strided_slice %get3A_2780 {offsets = [14], sizes = [1], strides = [1]} : vector<16xi32> to vector<1xi32>
        %squeeze3A_3250 = vector.extract %slice3A_3249[0] : i32 from vector<1xi32>
        %slice3A_3251 = vector.extract_strided_slice %get3A_2784 {offsets = [14], sizes = [1], strides = [1]} : vector<16xi32> to vector<1xi32>
        %squeeze3A_3252 = vector.extract %slice3A_3251[0] : i32 from vector<1xi32>
        %dma_start3A_3253 = arith.constant 14 : i32
        %dma_start3A_3254 = arith.constant 0 : i32
        %dma_start3A_3255 = tpu.memref_slice %arg17[%dma_start3A_3253, %dma_start3A_3254] : memref<32x64xf32, #tpu.memory_space<vmem>> -> memref<1x64xf32, #tpu.memory_space<vmem>>
        %dma_start3A_3256 = arith.constant 0 : i32
        %dma_start3A_3257 = tpu.memref_slice %arg5[%squeeze3A_3250, %squeeze3A_3252, %dma_start3A_3256] : memref<2x500000x64xf32, #tpu.memory_space<hbm>> -> memref<1x1x64xf32, #tpu.memory_space<hbm>>
        %dma_start3A_3258 = tpu.memref_squeeze %dma_start3A_3257 : memref<1x1x64xf32, #tpu.memory_space<hbm>> -> memref<1x64xf32, #tpu.memory_space<hbm>>
        %dma_start3A_3259 = arith.constant 14 : i32
        %dma_start3A_3260 = arith.constant 0 : i32
        %dma_start3A_3261 = tpu.memref_slice %arg17[%dma_start3A_3259, %dma_start3A_3260] : memref<32x64xf32, #tpu.memory_space<vmem>> -> memref<1x64xf32, #tpu.memory_space<vmem>>
        %dma_start3A_3262 = arith.constant 0 : i32
        %dma_start3A_3263 = tpu.memref_slice %arg5[%squeeze3A_3250, %squeeze3A_3252, %dma_start3A_3262] : memref<2x500000x64xf32, #tpu.memory_space<hbm>> -> memref<1x1x64xf32, #tpu.memory_space<hbm>>
        %dma_start3A_3264 = tpu.memref_squeeze %dma_start3A_3263 : memref<1x1x64xf32, #tpu.memory_space<hbm>> -> memref<1x64xf32, #tpu.memory_space<hbm>>
        tpu.enqueue_dma source(%dma_start3A_3264 : memref<1x64xf32, #tpu.memory_space<hbm>>) target(%dma_start3A_3261 : memref<1x64xf32, #tpu.memory_space<vmem>>) target_semaphore(%arg19 : memref<!tpu.dma_semaphore, #tpu.memory_space<semaphore_mem>>)
        %slice3A_3265 = vector.extract_strided_slice %get3A_2772 {offsets = [15], sizes = [1], strides = [1]} : vector<16xi32> to vector<1xi32>
        %squeeze3A_3266 = vector.extract %slice3A_3265[0] : i32 from vector<1xi32>
        %slice3A_3267 = vector.extract_strided_slice %get3A_2776 {offsets = [15], sizes = [1], strides = [1]} : vector<16xi32> to vector<1xi32>
        %squeeze3A_3268 = vector.extract %slice3A_3267[0] : i32 from vector<1xi32>
        %dma_start3A_3269 = arith.constant 15 : i32
        %dma_start3A_3270 = arith.constant 0 : i32
        %dma_start3A_3271 = tpu.memref_slice %arg16[%dma_start3A_3269, %dma_start3A_3270] : memref<32x64xf32, #tpu.memory_space<vmem>> -> memref<1x64xf32, #tpu.memory_space<vmem>>
        %dma_start3A_3272 = arith.constant 0 : i32
        %dma_start3A_3273 = tpu.memref_slice %arg5[%squeeze3A_3266, %squeeze3A_3268, %dma_start3A_3272] : memref<2x500000x64xf32, #tpu.memory_space<hbm>> -> memref<1x1x64xf32, #tpu.memory_space<hbm>>
        %dma_start3A_3274 = tpu.memref_squeeze %dma_start3A_3273 : memref<1x1x64xf32, #tpu.memory_space<hbm>> -> memref<1x64xf32, #tpu.memory_space<hbm>>
        %dma_start3A_3275 = arith.constant 15 : i32
        %dma_start3A_3276 = arith.constant 0 : i32
        %dma_start3A_3277 = tpu.memref_slice %arg16[%dma_start3A_3275, %dma_start3A_3276] : memref<32x64xf32, #tpu.memory_space<vmem>> -> memref<1x64xf32, #tpu.memory_space<vmem>>
        %dma_start3A_3278 = arith.constant 0 : i32
        %dma_start3A_3279 = tpu.memref_slice %arg5[%squeeze3A_3266, %squeeze3A_3268, %dma_start3A_3278] : memref<2x500000x64xf32, #tpu.memory_space<hbm>> -> memref<1x1x64xf32, #tpu.memory_space<hbm>>
        %dma_start3A_3280 = tpu.memref_squeeze %dma_start3A_3279 : memref<1x1x64xf32, #tpu.memory_space<hbm>> -> memref<1x64xf32, #tpu.memory_space<hbm>>
        tpu.enqueue_dma source(%dma_start3A_3280 : memref<1x64xf32, #tpu.memory_space<hbm>>) target(%dma_start3A_3277 : memref<1x64xf32, #tpu.memory_space<vmem>>) target_semaphore(%arg19 : memref<!tpu.dma_semaphore, #tpu.memory_space<semaphore_mem>>)
        %slice3A_3281 = vector.extract_strided_slice %get3A_2780 {offsets = [15], sizes = [1], strides = [1]} : vector<16xi32> to vector<1xi32>
        %squeeze3A_3282 = vector.extract %slice3A_3281[0] : i32 from vector<1xi32>
        %slice3A_3283 = vector.extract_strided_slice %get3A_2784 {offsets = [15], sizes = [1], strides = [1]} : vector<16xi32> to vector<1xi32>
        %squeeze3A_3284 = vector.extract %slice3A_3283[0] : i32 from vector<1xi32>
        %dma_start3A_3285 = arith.constant 15 : i32
        %dma_start3A_3286 = arith.constant 0 : i32
        %dma_start3A_3287 = tpu.memref_slice %arg17[%dma_start3A_3285, %dma_start3A_3286] : memref<32x64xf32, #tpu.memory_space<vmem>> -> memref<1x64xf32, #tpu.memory_space<vmem>>
        %dma_start3A_3288 = arith.constant 0 : i32
        %dma_start3A_3289 = tpu.memref_slice %arg5[%squeeze3A_3282, %squeeze3A_3284, %dma_start3A_3288] : memref<2x500000x64xf32, #tpu.memory_space<hbm>> -> memref<1x1x64xf32, #tpu.memory_space<hbm>>
        %dma_start3A_3290 = tpu.memref_squeeze %dma_start3A_3289 : memref<1x1x64xf32, #tpu.memory_space<hbm>> -> memref<1x64xf32, #tpu.memory_space<hbm>>
        %dma_start3A_3291 = arith.constant 15 : i32
        %dma_start3A_3292 = arith.constant 0 : i32
        %dma_start3A_3293 = tpu.memref_slice %arg17[%dma_start3A_3291, %dma_start3A_3292] : memref<32x64xf32, #tpu.memory_space<vmem>> -> memref<1x64xf32, #tpu.memory_space<vmem>>
        %dma_start3A_3294 = arith.constant 0 : i32
        %dma_start3A_3295 = tpu.memref_slice %arg5[%squeeze3A_3282, %squeeze3A_3284, %dma_start3A_3294] : memref<2x500000x64xf32, #tpu.memory_space<hbm>> -> memref<1x1x64xf32, #tpu.memory_space<hbm>>
        %dma_start3A_3296 = tpu.memref_squeeze %dma_start3A_3295 : memref<1x1x64xf32, #tpu.memory_space<hbm>> -> memref<1x64xf32, #tpu.memory_space<hbm>>
        tpu.enqueue_dma source(%dma_start3A_3296 : memref<1x64xf32, #tpu.memory_space<hbm>>) target(%dma_start3A_3293 : memref<1x64xf32, #tpu.memory_space<vmem>>) target_semaphore(%arg19 : memref<!tpu.dma_semaphore, #tpu.memory_space<semaphore_mem>>)
      } else {
      }
      %dma_wait3A_1911 = arith.constant 0 : i32
      %dma_wait3A_1912 = arith.constant 16 : i32
      %dma_wait3A_1913 = arith.constant 0 : i32
      %dma_wait3A_1914 = tpu.memref_slice %arg16[%dma_wait3A_1912, %dma_wait3A_1913] : memref<32x64xf32, #tpu.memory_space<vmem>> -> memref<16x64xf32, #tpu.memory_space<vmem>>
      %dma_wait3A_1915 = arith.constant 0 : i32
      %dma_wait3A_1916 = arith.constant 0 : i32
      %dma_wait3A_1917 = tpu.memref_slice %arg5[%dma_wait3A_1911, %dma_wait3A_1915, %dma_wait3A_1916] : memref<2x500000x64xf32, #tpu.memory_space<hbm>> -> memref<1x16x64xf32, #tpu.memory_space<hbm>>
      %dma_wait3A_1918 = tpu.memref_squeeze %dma_wait3A_1917 : memref<1x16x64xf32, #tpu.memory_space<hbm>> -> memref<16x64xf32, #tpu.memory_space<hbm>>
      %dma_wait3A_1919 = arith.constant 16 : i32
      %dma_wait3A_1920 = arith.constant 0 : i32
      %dma_wait3A_1921 = tpu.memref_slice %arg16[%dma_wait3A_1919, %dma_wait3A_1920] : memref<32x64xf32, #tpu.memory_space<vmem>> -> memref<16x64xf32, #tpu.memory_space<vmem>>
      %dma_wait3A_1922 = arith.constant 0 : i32
      %dma_wait3A_1923 = arith.constant 0 : i32
      %dma_wait3A_1924 = tpu.memref_slice %arg5[%dma_wait3A_1911, %dma_wait3A_1922, %dma_wait3A_1923] : memref<2x500000x64xf32, #tpu.memory_space<hbm>> -> memref<1x16x64xf32, #tpu.memory_space<hbm>>
      %dma_wait3A_1925 = tpu.memref_squeeze %dma_wait3A_1924 : memref<1x16x64xf32, #tpu.memory_space<hbm>> -> memref<16x64xf32, #tpu.memory_space<hbm>>
      tpu.wait_dma2 semaphore(%arg20 : memref<!tpu.dma_semaphore, #tpu.memory_space<semaphore_mem>>) src(%dma_wait3A_1925 : memref<16x64xf32, #tpu.memory_space<hbm>>) dst(%dma_wait3A_1921 : memref<16x64xf32, #tpu.memory_space<vmem>>)
      %dma_wait3A_1926 = arith.constant 0 : i32
      %dma_wait3A_1927 = arith.constant 16 : i32
      %dma_wait3A_1928 = arith.constant 0 : i32
      %dma_wait3A_1929 = tpu.memref_slice %arg17[%dma_wait3A_1927, %dma_wait3A_1928] : memref<32x64xf32, #tpu.memory_space<vmem>> -> memref<16x64xf32, #tpu.memory_space<vmem>>
      %dma_wait3A_1930 = arith.constant 0 : i32
      %dma_wait3A_1931 = arith.constant 0 : i32
      %dma_wait3A_1932 = tpu.memref_slice %arg5[%dma_wait3A_1926, %dma_wait3A_1930, %dma_wait3A_1931] : memref<2x500000x64xf32, #tpu.memory_space<hbm>> -> memref<1x16x64xf32, #tpu.memory_space<hbm>>
      %dma_wait3A_1933 = tpu.memref_squeeze %dma_wait3A_1932 : memref<1x16x64xf32, #tpu.memory_space<hbm>> -> memref<16x64xf32, #tpu.memory_space<hbm>>
      %dma_wait3A_1934 = arith.constant 16 : i32
      %dma_wait3A_1935 = arith.constant 0 : i32
      %dma_wait3A_1936 = tpu.memref_slice %arg17[%dma_wait3A_1934, %dma_wait3A_1935] : memref<32x64xf32, #tpu.memory_space<vmem>> -> memref<16x64xf32, #tpu.memory_space<vmem>>
      %dma_wait3A_1937 = arith.constant 0 : i32
      %dma_wait3A_1938 = arith.constant 0 : i32
      %dma_wait3A_1939 = tpu.memref_slice %arg5[%dma_wait3A_1926, %dma_wait3A_1937, %dma_wait3A_1938] : memref<2x500000x64xf32, #tpu.memory_space<hbm>> -> memref<1x16x64xf32, #tpu.memory_space<hbm>>
      %dma_wait3A_1940 = tpu.memref_squeeze %dma_wait3A_1939 : memref<1x16x64xf32, #tpu.memory_space<hbm>> -> memref<16x64xf32, #tpu.memory_space<hbm>>
      tpu.wait_dma2 semaphore(%arg20 : memref<!tpu.dma_semaphore, #tpu.memory_space<semaphore_mem>>) src(%dma_wait3A_1940 : memref<16x64xf32, #tpu.memory_space<hbm>>) dst(%dma_wait3A_1936 : memref<16x64xf32, #tpu.memory_space<vmem>>)
      %add3A_1941 = arith.constant 16 : i32
      %add3A_1942 = vector.broadcast %add3A_1941 : i32 to vector<16xi32>
      %add3A_1943 = arith.addi %add3A_1942, %iota3A : vector<16xi32>
      %mul3A_1944 = arith.constant 16 : i32
      %mul3A_1945 = arith.muli %add3A_534, %mul3A_1944 : i32
      %get3A_1946 = arith.index_cast %mul3A_1945 : i32 to index
      %get3A_1947 = tpu.vector_load %arg9[%get3A_1946] {strides = array<i32>} : memref<512xi32, #tpu.memory_space<vmem>>, vector<16xi32>,
      %shift_right_logical3A_1948 = arith.constant 1 : i32
      %shift_right_logical3A_1949 = vector.broadcast %shift_right_logical3A_1948 : i32 to vector<16xi32>
      %shift_right_logical3A_1950 = arith.shrui %get3A_1947, %shift_right_logical3A_1949 : vector<16xi32>
      %and3A_1951 = arith.constant 1 : i32
      %and3A_1952 = vector.broadcast %and3A_1951 : i32 to vector<16xi32>
      %and3A_1953 = arith.andi %get3A_1947, %and3A_1952 : vector<16xi32>
      %shift_left3A_1954 = arith.constant 6 : i32
      %shift_left3A_1955 = vector.broadcast %shift_left3A_1954 : i32 to vector<16xi32>
      %shift_left3A_1956 = arith.shli %and3A_1953, %shift_left3A_1955 : vector<16xi32>
      %broadcast_in_dim3A_1957 = arith.constant 0.000000e+00 : f32
      %broadcast_in_dim3A_1958 = vector.broadcast %broadcast_in_dim3A_1957 : f32 to vector<16xf32>
      %broadcast_in_dim3A_1959 = arith.constant 0 : i32
      %broadcast_in_dim3A_1960 = vector.broadcast %broadcast_in_dim3A_1959 : i32 to vector<16xi32>
      %gather3A_1961 = tpu.vector_load_idx %arg16[%add3A_1943, %broadcast_in_dim3A_1960] : memref<32x64xf32, #tpu.memory_space<vmem>>[vector<16xi32>, vector<16xi32>], vector<16xf32>,
      %add3A_1962 = arith.constant 0 : i32
      %add3A_1963 = vector.broadcast %add3A_1962 : i32 to vector<16xi32>
      %add3A_1964 = arith.addi %shift_left3A_1956, %add3A_1963 : vector<16xi32>
      %gather3A_1965 = tpu.vector_load_idx %arg15[%shift_right_logical3A_1950, %add3A_1964] : memref<500x128xf32, #tpu.memory_space<vmem>>[vector<16xi32>, vector<16xi32>], vector<16xf32>,
      %gather3A_1966 = tpu.vector_load_idx %arg17[%add3A_1943, %broadcast_in_dim3A_1960] : memref<32x64xf32, #tpu.memory_space<vmem>>[vector<16xi32>, vector<16xi32>], vector<16xf32>,
      %add3A_1967 = arith.addf %gather3A_1961, %gather3A_1965 : vector<16xf32>
      %sub3A_1968 = arith.subf %add3A_1967, %gather3A_1966 : vector<16xf32>
      %mul3A_1969 = arith.mulf %sub3A_1968, %sub3A_1968 : vector<16xf32>
      %add3A_1970 = arith.addf %broadcast_in_dim3A_1958, %mul3A_1969 : vector<16xf32>
      %broadcast_in_dim3A_1971 = arith.constant 1 : i32
      %broadcast_in_dim3A_1972 = vector.broadcast %broadcast_in_dim3A_1971 : i32 to vector<16xi32>
      %gather3A_1973 = tpu.vector_load_idx %arg16[%add3A_1943, %broadcast_in_dim3A_1972] : memref<32x64xf32, #tpu.memory_space<vmem>>[vector<16xi32>, vector<16xi32>], vector<16xf32>,
      %add3A_1974 = arith.constant 1 : i32
      %add3A_1975 = vector.broadcast %add3A_1974 : i32 to vector<16xi32>
      %add3A_1976 = arith.addi %shift_left3A_1956, %add3A_1975 : vector<16xi32>
      %gather3A_1977 = tpu.vector_load_idx %arg15[%shift_right_logical3A_1950, %add3A_1976] : memref<500x128xf32, #tpu.memory_space<vmem>>[vector<16xi32>, vector<16xi32>], vector<16xf32>,
      %gather3A_1978 = tpu.vector_load_idx %arg17[%add3A_1943, %broadcast_in_dim3A_1972] : memref<32x64xf32, #tpu.memory_space<vmem>>[vector<16xi32>, vector<16xi32>], vector<16xf32>,
      %add3A_1979 = arith.addf %gather3A_1973, %gather3A_1977 : vector<16xf32>
      %sub3A_1980 = arith.subf %add3A_1979, %gather3A_1978 : vector<16xf32>
      %mul3A_1981 = arith.mulf %sub3A_1980, %sub3A_1980 : vector<16xf32>
      %add3A_1982 = arith.addf %add3A_1970, %mul3A_1981 : vector<16xf32>
      %broadcast_in_dim3A_1983 = arith.constant 2 : i32
      %broadcast_in_dim3A_1984 = vector.broadcast %broadcast_in_dim3A_1983 : i32 to vector<16xi32>
      %gather3A_1985 = tpu.vector_load_idx %arg16[%add3A_1943, %broadcast_in_dim3A_1984] : memref<32x64xf32, #tpu.memory_space<vmem>>[vector<16xi32>, vector<16xi32>], vector<16xf32>,
      %add3A_1986 = arith.constant 2 : i32
      %add3A_1987 = vector.broadcast %add3A_1986 : i32 to vector<16xi32>
      %add3A_1988 = arith.addi %shift_left3A_1956, %add3A_1987 : vector<16xi32>
      %gather3A_1989 = tpu.vector_load_idx %arg15[%shift_right_logical3A_1950, %add3A_1988] : memref<500x128xf32, #tpu.memory_space<vmem>>[vector<16xi32>, vector<16xi32>], vector<16xf32>,
      %gather3A_1990 = tpu.vector_load_idx %arg17[%add3A_1943, %broadcast_in_dim3A_1984] : memref<32x64xf32, #tpu.memory_space<vmem>>[vector<16xi32>, vector<16xi32>], vector<16xf32>,
      %add3A_1991 = arith.addf %gather3A_1985, %gather3A_1989 : vector<16xf32>
      %sub3A_1992 = arith.subf %add3A_1991, %gather3A_1990 : vector<16xf32>
      %mul3A_1993 = arith.mulf %sub3A_1992, %sub3A_1992 : vector<16xf32>
      %add3A_1994 = arith.addf %add3A_1982, %mul3A_1993 : vector<16xf32>
      %broadcast_in_dim3A_1995 = arith.constant 3 : i32
      %broadcast_in_dim3A_1996 = vector.broadcast %broadcast_in_dim3A_1995 : i32 to vector<16xi32>
      %gather3A_1997 = tpu.vector_load_idx %arg16[%add3A_1943, %broadcast_in_dim3A_1996] : memref<32x64xf32, #tpu.memory_space<vmem>>[vector<16xi32>, vector<16xi32>], vector<16xf32>,
      %add3A_1998 = arith.constant 3 : i32
      %add3A_1999 = vector.broadcast %add3A_1998 : i32 to vector<16xi32>
      %add3A_2000 = arith.addi %shift_left3A_1956, %add3A_1999 : vector<16xi32>
      %gather3A_2001 = tpu.vector_load_idx %arg15[%shift_right_logical3A_1950, %add3A_2000] : memref<500x128xf32, #tpu.memory_space<vmem>>[vector<16xi32>, vector<16xi32>], vector<16xf32>,
      %gather3A_2002 = tpu.vector_load_idx %arg17[%add3A_1943, %broadcast_in_dim3A_1996] : memref<32x64xf32, #tpu.memory_space<vmem>>[vector<16xi32>, vector<16xi32>], vector<16xf32>,
      %add3A_2003 = arith.addf %gather3A_1997, %gather3A_2001 : vector<16xf32>
      %sub3A_2004 = arith.subf %add3A_2003, %gather3A_2002 : vector<16xf32>
      %mul3A_2005 = arith.mulf %sub3A_2004, %sub3A_2004 : vector<16xf32>
      %add3A_2006 = arith.addf %add3A_1994, %mul3A_2005 : vector<16xf32>
      %broadcast_in_dim3A_2007 = arith.constant 4 : i32
      %broadcast_in_dim3A_2008 = vector.broadcast %broadcast_in_dim3A_2007 : i32 to vector<16xi32>
      %gather3A_2009 = tpu.vector_load_idx %arg16[%add3A_1943, %broadcast_in_dim3A_2008] : memref<32x64xf32, #tpu.memory_space<vmem>>[vector<16xi32>, vector<16xi32>], vector<16xf32>,
      %add3A_2010 = arith.constant 4 : i32
      %add3A_2011 = vector.broadcast %add3A_2010 : i32 to vector<16xi32>
      %add3A_2012 = arith.addi %shift_left3A_1956, %add3A_2011 : vector<16xi32>
      %gather3A_2013 = tpu.vector_load_idx %arg15[%shift_right_logical3A_1950, %add3A_2012] : memref<500x128xf32, #tpu.memory_space<vmem>>[vector<16xi32>, vector<16xi32>], vector<16xf32>,
      %gather3A_2014 = tpu.vector_load_idx %arg17[%add3A_1943, %broadcast_in_dim3A_2008] : memref<32x64xf32, #tpu.memory_space<vmem>>[vector<16xi32>, vector<16xi32>], vector<16xf32>,
      %add3A_2015 = arith.addf %gather3A_2009, %gather3A_2013 : vector<16xf32>
      %sub3A_2016 = arith.subf %add3A_2015, %gather3A_2014 : vector<16xf32>
      %mul3A_2017 = arith.mulf %sub3A_2016, %sub3A_2016 : vector<16xf32>
      %add3A_2018 = arith.addf %add3A_2006, %mul3A_2017 : vector<16xf32>
      %broadcast_in_dim3A_2019 = arith.constant 5 : i32
      %broadcast_in_dim3A_2020 = vector.broadcast %broadcast_in_dim3A_2019 : i32 to vector<16xi32>
      %gather3A_2021 = tpu.vector_load_idx %arg16[%add3A_1943, %broadcast_in_dim3A_2020] : memref<32x64xf32, #tpu.memory_space<vmem>>[vector<16xi32>, vector<16xi32>], vector<16xf32>,
      %add3A_2022 = arith.constant 5 : i32
      %add3A_2023 = vector.broadcast %add3A_2022 : i32 to vector<16xi32>
      %add3A_2024 = arith.addi %shift_left3A_1956, %add3A_2023 : vector<16xi32>
      %gather3A_2025 = tpu.vector_load_idx %arg15[%shift_right_logical3A_1950, %add3A_2024] : memref<500x128xf32, #tpu.memory_space<vmem>>[vector<16xi32>, vector<16xi32>], vector<16xf32>,
      %gather3A_2026 = tpu.vector_load_idx %arg17[%add3A_1943, %broadcast_in_dim3A_2020] : memref<32x64xf32, #tpu.memory_space<vmem>>[vector<16xi32>, vector<16xi32>], vector<16xf32>,
      %add3A_2027 = arith.addf %gather3A_2021, %gather3A_2025 : vector<16xf32>
      %sub3A_2028 = arith.subf %add3A_2027, %gather3A_2026 : vector<16xf32>
      %mul3A_2029 = arith.mulf %sub3A_2028, %sub3A_2028 : vector<16xf32>
      %add3A_2030 = arith.addf %add3A_2018, %mul3A_2029 : vector<16xf32>
      %broadcast_in_dim3A_2031 = arith.constant 6 : i32
      %broadcast_in_dim3A_2032 = vector.broadcast %broadcast_in_dim3A_2031 : i32 to vector<16xi32>
      %gather3A_2033 = tpu.vector_load_idx %arg16[%add3A_1943, %broadcast_in_dim3A_2032] : memref<32x64xf32, #tpu.memory_space<vmem>>[vector<16xi32>, vector<16xi32>], vector<16xf32>,
      %add3A_2034 = arith.constant 6 : i32
      %add3A_2035 = vector.broadcast %add3A_2034 : i32 to vector<16xi32>
      %add3A_2036 = arith.addi %shift_left3A_1956, %add3A_2035 : vector<16xi32>
      %gather3A_2037 = tpu.vector_load_idx %arg15[%shift_right_logical3A_1950, %add3A_2036] : memref<500x128xf32, #tpu.memory_space<vmem>>[vector<16xi32>, vector<16xi32>], vector<16xf32>,
      %gather3A_2038 = tpu.vector_load_idx %arg17[%add3A_1943, %broadcast_in_dim3A_2032] : memref<32x64xf32, #tpu.memory_space<vmem>>[vector<16xi32>, vector<16xi32>], vector<16xf32>,
      %add3A_2039 = arith.addf %gather3A_2033, %gather3A_2037 : vector<16xf32>
      %sub3A_2040 = arith.subf %add3A_2039, %gather3A_2038 : vector<16xf32>
      %mul3A_2041 = arith.mulf %sub3A_2040, %sub3A_2040 : vector<16xf32>
      %add3A_2042 = arith.addf %add3A_2030, %mul3A_2041 : vector<16xf32>
      %broadcast_in_dim3A_2043 = arith.constant 7 : i32
      %broadcast_in_dim3A_2044 = vector.broadcast %broadcast_in_dim3A_2043 : i32 to vector<16xi32>
      %gather3A_2045 = tpu.vector_load_idx %arg16[%add3A_1943, %broadcast_in_dim3A_2044] : memref<32x64xf32, #tpu.memory_space<vmem>>[vector<16xi32>, vector<16xi32>], vector<16xf32>,
      %add3A_2046 = arith.constant 7 : i32
      %add3A_2047 = vector.broadcast %add3A_2046 : i32 to vector<16xi32>
      %add3A_2048 = arith.addi %shift_left3A_1956, %add3A_2047 : vector<16xi32>
      %gather3A_2049 = tpu.vector_load_idx %arg15[%shift_right_logical3A_1950, %add3A_2048] : memref<500x128xf32, #tpu.memory_space<vmem>>[vector<16xi32>, vector<16xi32>], vector<16xf32>,
      %gather3A_2050 = tpu.vector_load_idx %arg17[%add3A_1943, %broadcast_in_dim3A_2044] : memref<32x64xf32, #tpu.memory_space<vmem>>[vector<16xi32>, vector<16xi32>], vector<16xf32>,
      %add3A_2051 = arith.addf %gather3A_2045, %gather3A_2049 : vector<16xf32>
      %sub3A_2052 = arith.subf %add3A_2051, %gather3A_2050 : vector<16xf32>
      %mul3A_2053 = arith.mulf %sub3A_2052, %sub3A_2052 : vector<16xf32>
      %add3A_2054 = arith.addf %add3A_2042, %mul3A_2053 : vector<16xf32>
      %broadcast_in_dim3A_2055 = arith.constant 8 : i32
      %broadcast_in_dim3A_2056 = vector.broadcast %broadcast_in_dim3A_2055 : i32 to vector<16xi32>
      %gather3A_2057 = tpu.vector_load_idx %arg16[%add3A_1943, %broadcast_in_dim3A_2056] : memref<32x64xf32, #tpu.memory_space<vmem>>[vector<16xi32>, vector<16xi32>], vector<16xf32>,
      %add3A_2058 = arith.constant 8 : i32
      %add3A_2059 = vector.broadcast %add3A_2058 : i32 to vector<16xi32>
      %add3A_2060 = arith.addi %shift_left3A_1956, %add3A_2059 : vector<16xi32>
      %gather3A_2061 = tpu.vector_load_idx %arg15[%shift_right_logical3A_1950, %add3A_2060] : memref<500x128xf32, #tpu.memory_space<vmem>>[vector<16xi32>, vector<16xi32>], vector<16xf32>,
      %gather3A_2062 = tpu.vector_load_idx %arg17[%add3A_1943, %broadcast_in_dim3A_2056] : memref<32x64xf32, #tpu.memory_space<vmem>>[vector<16xi32>, vector<16xi32>], vector<16xf32>,
      %add3A_2063 = arith.addf %gather3A_2057, %gather3A_2061 : vector<16xf32>
      %sub3A_2064 = arith.subf %add3A_2063, %gather3A_2062 : vector<16xf32>
      %mul3A_2065 = arith.mulf %sub3A_2064, %sub3A_2064 : vector<16xf32>
      %add3A_2066 = arith.addf %add3A_2054, %mul3A_2065 : vector<16xf32>
      %broadcast_in_dim3A_2067 = arith.constant 9 : i32
      %broadcast_in_dim3A_2068 = vector.broadcast %broadcast_in_dim3A_2067 : i32 to vector<16xi32>
      %gather3A_2069 = tpu.vector_load_idx %arg16[%add3A_1943, %broadcast_in_dim3A_2068] : memref<32x64xf32, #tpu.memory_space<vmem>>[vector<16xi32>, vector<16xi32>], vector<16xf32>,
      %add3A_2070 = arith.constant 9 : i32
      %add3A_2071 = vector.broadcast %add3A_2070 : i32 to vector<16xi32>
      %add3A_2072 = arith.addi %shift_left3A_1956, %add3A_2071 : vector<16xi32>
      %gather3A_2073 = tpu.vector_load_idx %arg15[%shift_right_logical3A_1950, %add3A_2072] : memref<500x128xf32, #tpu.memory_space<vmem>>[vector<16xi32>, vector<16xi32>], vector<16xf32>,
      %gather3A_2074 = tpu.vector_load_idx %arg17[%add3A_1943, %broadcast_in_dim3A_2068] : memref<32x64xf32, #tpu.memory_space<vmem>>[vector<16xi32>, vector<16xi32>], vector<16xf32>,
      %add3A_2075 = arith.addf %gather3A_2069, %gather3A_2073 : vector<16xf32>
      %sub3A_2076 = arith.subf %add3A_2075, %gather3A_2074 : vector<16xf32>
      %mul3A_2077 = arith.mulf %sub3A_2076, %sub3A_2076 : vector<16xf32>
      %add3A_2078 = arith.addf %add3A_2066, %mul3A_2077 : vector<16xf32>
      %broadcast_in_dim3A_2079 = arith.constant 10 : i32
      %broadcast_in_dim3A_2080 = vector.broadcast %broadcast_in_dim3A_2079 : i32 to vector<16xi32>
      %gather3A_2081 = tpu.vector_load_idx %arg16[%add3A_1943, %broadcast_in_dim3A_2080] : memref<32x64xf32, #tpu.memory_space<vmem>>[vector<16xi32>, vector<16xi32>], vector<16xf32>,
      %add3A_2082 = arith.constant 10 : i32
      %add3A_2083 = vector.broadcast %add3A_2082 : i32 to vector<16xi32>
      %add3A_2084 = arith.addi %shift_left3A_1956, %add3A_2083 : vector<16xi32>
      %gather3A_2085 = tpu.vector_load_idx %arg15[%shift_right_logical3A_1950, %add3A_2084] : memref<500x128xf32, #tpu.memory_space<vmem>>[vector<16xi32>, vector<16xi32>], vector<16xf32>,
      %gather3A_2086 = tpu.vector_load_idx %arg17[%add3A_1943, %broadcast_in_dim3A_2080] : memref<32x64xf32, #tpu.memory_space<vmem>>[vector<16xi32>, vector<16xi32>], vector<16xf32>,
      %add3A_2087 = arith.addf %gather3A_2081, %gather3A_2085 : vector<16xf32>
      %sub3A_2088 = arith.subf %add3A_2087, %gather3A_2086 : vector<16xf32>
      %mul3A_2089 = arith.mulf %sub3A_2088, %sub3A_2088 : vector<16xf32>
      %add3A_2090 = arith.addf %add3A_2078, %mul3A_2089 : vector<16xf32>
      %broadcast_in_dim3A_2091 = arith.constant 11 : i32
      %broadcast_in_dim3A_2092 = vector.broadcast %broadcast_in_dim3A_2091 : i32 to vector<16xi32>
      %gather3A_2093 = tpu.vector_load_idx %arg16[%add3A_1943, %broadcast_in_dim3A_2092] : memref<32x64xf32, #tpu.memory_space<vmem>>[vector<16xi32>, vector<16xi32>], vector<16xf32>,
      %add3A_2094 = arith.constant 11 : i32
      %add3A_2095 = vector.broadcast %add3A_2094 : i32 to vector<16xi32>
      %add3A_2096 = arith.addi %shift_left3A_1956, %add3A_2095 : vector<16xi32>
      %gather3A_2097 = tpu.vector_load_idx %arg15[%shift_right_logical3A_1950, %add3A_2096] : memref<500x128xf32, #tpu.memory_space<vmem>>[vector<16xi32>, vector<16xi32>], vector<16xf32>,
      %gather3A_2098 = tpu.vector_load_idx %arg17[%add3A_1943, %broadcast_in_dim3A_2092] : memref<32x64xf32, #tpu.memory_space<vmem>>[vector<16xi32>, vector<16xi32>], vector<16xf32>,
      %add3A_2099 = arith.addf %gather3A_2093, %gather3A_2097 : vector<16xf32>
      %sub3A_2100 = arith.subf %add3A_2099, %gather3A_2098 : vector<16xf32>
      %mul3A_2101 = arith.mulf %sub3A_2100, %sub3A_2100 : vector<16xf32>
      %add3A_2102 = arith.addf %add3A_2090, %mul3A_2101 : vector<16xf32>
      %broadcast_in_dim3A_2103 = arith.constant 12 : i32
      %broadcast_in_dim3A_2104 = vector.broadcast %broadcast_in_dim3A_2103 : i32 to vector<16xi32>
      %gather3A_2105 = tpu.vector_load_idx %arg16[%add3A_1943, %broadcast_in_dim3A_2104] : memref<32x64xf32, #tpu.memory_space<vmem>>[vector<16xi32>, vector<16xi32>], vector<16xf32>,
      %add3A_2106 = arith.constant 12 : i32
      %add3A_2107 = vector.broadcast %add3A_2106 : i32 to vector<16xi32>
      %add3A_2108 = arith.addi %shift_left3A_1956, %add3A_2107 : vector<16xi32>
      %gather3A_2109 = tpu.vector_load_idx %arg15[%shift_right_logical3A_1950, %add3A_2108] : memref<500x128xf32, #tpu.memory_space<vmem>>[vector<16xi32>, vector<16xi32>], vector<16xf32>,
      %gather3A_2110 = tpu.vector_load_idx %arg17[%add3A_1943, %broadcast_in_dim3A_2104] : memref<32x64xf32, #tpu.memory_space<vmem>>[vector<16xi32>, vector<16xi32>], vector<16xf32>,
      %add3A_2111 = arith.addf %gather3A_2105, %gather3A_2109 : vector<16xf32>
      %sub3A_2112 = arith.subf %add3A_2111, %gather3A_2110 : vector<16xf32>
      %mul3A_2113 = arith.mulf %sub3A_2112, %sub3A_2112 : vector<16xf32>
      %add3A_2114 = arith.addf %add3A_2102, %mul3A_2113 : vector<16xf32>
      %broadcast_in_dim3A_2115 = arith.constant 13 : i32
      %broadcast_in_dim3A_2116 = vector.broadcast %broadcast_in_dim3A_2115 : i32 to vector<16xi32>
      %gather3A_2117 = tpu.vector_load_idx %arg16[%add3A_1943, %broadcast_in_dim3A_2116] : memref<32x64xf32, #tpu.memory_space<vmem>>[vector<16xi32>, vector<16xi32>], vector<16xf32>,
      %add3A_2118 = arith.constant 13 : i32
      %add3A_2119 = vector.broadcast %add3A_2118 : i32 to vector<16xi32>
      %add3A_2120 = arith.addi %shift_left3A_1956, %add3A_2119 : vector<16xi32>
      %gather3A_2121 = tpu.vector_load_idx %arg15[%shift_right_logical3A_1950, %add3A_2120] : memref<500x128xf32, #tpu.memory_space<vmem>>[vector<16xi32>, vector<16xi32>], vector<16xf32>,
      %gather3A_2122 = tpu.vector_load_idx %arg17[%add3A_1943, %broadcast_in_dim3A_2116] : memref<32x64xf32, #tpu.memory_space<vmem>>[vector<16xi32>, vector<16xi32>], vector<16xf32>,
      %add3A_2123 = arith.addf %gather3A_2117, %gather3A_2121 : vector<16xf32>
      %sub3A_2124 = arith.subf %add3A_2123, %gather3A_2122 : vector<16xf32>
      %mul3A_2125 = arith.mulf %sub3A_2124, %sub3A_2124 : vector<16xf32>
      %add3A_2126 = arith.addf %add3A_2114, %mul3A_2125 : vector<16xf32>
      %broadcast_in_dim3A_2127 = arith.constant 14 : i32
      %broadcast_in_dim3A_2128 = vector.broadcast %broadcast_in_dim3A_2127 : i32 to vector<16xi32>
      %gather3A_2129 = tpu.vector_load_idx %arg16[%add3A_1943, %broadcast_in_dim3A_2128] : memref<32x64xf32, #tpu.memory_space<vmem>>[vector<16xi32>, vector<16xi32>], vector<16xf32>,
      %add3A_2130 = arith.constant 14 : i32
      %add3A_2131 = vector.broadcast %add3A_2130 : i32 to vector<16xi32>
      %add3A_2132 = arith.addi %shift_left3A_1956, %add3A_2131 : vector<16xi32>
      %gather3A_2133 = tpu.vector_load_idx %arg15[%shift_right_logical3A_1950, %add3A_2132] : memref<500x128xf32, #tpu.memory_space<vmem>>[vector<16xi32>, vector<16xi32>], vector<16xf32>,
      %gather3A_2134 = tpu.vector_load_idx %arg17[%add3A_1943, %broadcast_in_dim3A_2128] : memref<32x64xf32, #tpu.memory_space<vmem>>[vector<16xi32>, vector<16xi32>], vector<16xf32>,
      %add3A_2135 = arith.addf %gather3A_2129, %gather3A_2133 : vector<16xf32>
      %sub3A_2136 = arith.subf %add3A_2135, %gather3A_2134 : vector<16xf32>
      %mul3A_2137 = arith.mulf %sub3A_2136, %sub3A_2136 : vector<16xf32>
      %add3A_2138 = arith.addf %add3A_2126, %mul3A_2137 : vector<16xf32>
      %broadcast_in_dim3A_2139 = arith.constant 15 : i32
      %broadcast_in_dim3A_2140 = vector.broadcast %broadcast_in_dim3A_2139 : i32 to vector<16xi32>
      %gather3A_2141 = tpu.vector_load_idx %arg16[%add3A_1943, %broadcast_in_dim3A_2140] : memref<32x64xf32, #tpu.memory_space<vmem>>[vector<16xi32>, vector<16xi32>], vector<16xf32>,
      %add3A_2142 = arith.constant 15 : i32
      %add3A_2143 = vector.broadcast %add3A_2142 : i32 to vector<16xi32>
      %add3A_2144 = arith.addi %shift_left3A_1956, %add3A_2143 : vector<16xi32>
      %gather3A_2145 = tpu.vector_load_idx %arg15[%shift_right_logical3A_1950, %add3A_2144] : memref<500x128xf32, #tpu.memory_space<vmem>>[vector<16xi32>, vector<16xi32>], vector<16xf32>,
      %gather3A_2146 = tpu.vector_load_idx %arg17[%add3A_1943, %broadcast_in_dim3A_2140] : memref<32x64xf32, #tpu.memory_space<vmem>>[vector<16xi32>, vector<16xi32>], vector<16xf32>,
      %add3A_2147 = arith.addf %gather3A_2141, %gather3A_2145 : vector<16xf32>
      %sub3A_2148 = arith.subf %add3A_2147, %gather3A_2146 : vector<16xf32>
      %mul3A_2149 = arith.mulf %sub3A_2148, %sub3A_2148 : vector<16xf32>
      %add3A_2150 = arith.addf %add3A_2138, %mul3A_2149 : vector<16xf32>
      %broadcast_in_dim3A_2151 = arith.constant 16 : i32
      %broadcast_in_dim3A_2152 = vector.broadcast %broadcast_in_dim3A_2151 : i32 to vector<16xi32>
      %gather3A_2153 = tpu.vector_load_idx %arg16[%add3A_1943, %broadcast_in_dim3A_2152] : memref<32x64xf32, #tpu.memory_space<vmem>>[vector<16xi32>, vector<16xi32>], vector<16xf32>,
      %add3A_2154 = arith.constant 16 : i32
      %add3A_2155 = vector.broadcast %add3A_2154 : i32 to vector<16xi32>
      %add3A_2156 = arith.addi %shift_left3A_1956, %add3A_2155 : vector<16xi32>
      %gather3A_2157 = tpu.vector_load_idx %arg15[%shift_right_logical3A_1950, %add3A_2156] : memref<500x128xf32, #tpu.memory_space<vmem>>[vector<16xi32>, vector<16xi32>], vector<16xf32>,
      %gather3A_2158 = tpu.vector_load_idx %arg17[%add3A_1943, %broadcast_in_dim3A_2152] : memref<32x64xf32, #tpu.memory_space<vmem>>[vector<16xi32>, vector<16xi32>], vector<16xf32>,
      %add3A_2159 = arith.addf %gather3A_2153, %gather3A_2157 : vector<16xf32>
      %sub3A_2160 = arith.subf %add3A_2159, %gather3A_2158 : vector<16xf32>
      %mul3A_2161 = arith.mulf %sub3A_2160, %sub3A_2160 : vector<16xf32>
      %add3A_2162 = arith.addf %add3A_2150, %mul3A_2161 : vector<16xf32>
      %broadcast_in_dim3A_2163 = arith.constant 17 : i32
      %broadcast_in_dim3A_2164 = vector.broadcast %broadcast_in_dim3A_2163 : i32 to vector<16xi32>
      %gather3A_2165 = tpu.vector_load_idx %arg16[%add3A_1943, %broadcast_in_dim3A_2164] : memref<32x64xf32, #tpu.memory_space<vmem>>[vector<16xi32>, vector<16xi32>], vector<16xf32>,
      %add3A_2166 = arith.constant 17 : i32
      %add3A_2167 = vector.broadcast %add3A_2166 : i32 to vector<16xi32>
      %add3A_2168 = arith.addi %shift_left3A_1956, %add3A_2167 : vector<16xi32>
      %gather3A_2169 = tpu.vector_load_idx %arg15[%shift_right_logical3A_1950, %add3A_2168] : memref<500x128xf32, #tpu.memory_space<vmem>>[vector<16xi32>, vector<16xi32>], vector<16xf32>,
      %gather3A_2170 = tpu.vector_load_idx %arg17[%add3A_1943, %broadcast_in_dim3A_2164] : memref<32x64xf32, #tpu.memory_space<vmem>>[vector<16xi32>, vector<16xi32>], vector<16xf32>,
      %add3A_2171 = arith.addf %gather3A_2165, %gather3A_2169 : vector<16xf32>
      %sub3A_2172 = arith.subf %add3A_2171, %gather3A_2170 : vector<16xf32>
      %mul3A_2173 = arith.mulf %sub3A_2172, %sub3A_2172 : vector<16xf32>
      %add3A_2174 = arith.addf %add3A_2162, %mul3A_2173 : vector<16xf32>
      %broadcast_in_dim3A_2175 = arith.constant 18 : i32
      %broadcast_in_dim3A_2176 = vector.broadcast %broadcast_in_dim3A_2175 : i32 to vector<16xi32>
      %gather3A_2177 = tpu.vector_load_idx %arg16[%add3A_1943, %broadcast_in_dim3A_2176] : memref<32x64xf32, #tpu.memory_space<vmem>>[vector<16xi32>, vector<16xi32>], vector<16xf32>,
      %add3A_2178 = arith.constant 18 : i32
      %add3A_2179 = vector.broadcast %add3A_2178 : i32 to vector<16xi32>
      %add3A_2180 = arith.addi %shift_left3A_1956, %add3A_2179 : vector<16xi32>
      %gather3A_2181 = tpu.vector_load_idx %arg15[%shift_right_logical3A_1950, %add3A_2180] : memref<500x128xf32, #tpu.memory_space<vmem>>[vector<16xi32>, vector<16xi32>], vector<16xf32>,
      %gather3A_2182 = tpu.vector_load_idx %arg17[%add3A_1943, %broadcast_in_dim3A_2176] : memref<32x64xf32, #tpu.memory_space<vmem>>[vector<16xi32>, vector<16xi32>], vector<16xf32>,
      %add3A_2183 = arith.addf %gather3A_2177, %gather3A_2181 : vector<16xf32>
      %sub3A_2184 = arith.subf %add3A_2183, %gather3A_2182 : vector<16xf32>
      %mul3A_2185 = arith.mulf %sub3A_2184, %sub3A_2184 : vector<16xf32>
      %add3A_2186 = arith.addf %add3A_2174, %mul3A_2185 : vector<16xf32>
      %broadcast_in_dim3A_2187 = arith.constant 19 : i32
      %broadcast_in_dim3A_2188 = vector.broadcast %broadcast_in_dim3A_2187 : i32 to vector<16xi32>
      %gather3A_2189 = tpu.vector_load_idx %arg16[%add3A_1943, %broadcast_in_dim3A_2188] : memref<32x64xf32, #tpu.memory_space<vmem>>[vector<16xi32>, vector<16xi32>], vector<16xf32>,
      %add3A_2190 = arith.constant 19 : i32
      %add3A_2191 = vector.broadcast %add3A_2190 : i32 to vector<16xi32>
      %add3A_2192 = arith.addi %shift_left3A_1956, %add3A_2191 : vector<16xi32>
      %gather3A_2193 = tpu.vector_load_idx %arg15[%shift_right_logical3A_1950, %add3A_2192] : memref<500x128xf32, #tpu.memory_space<vmem>>[vector<16xi32>, vector<16xi32>], vector<16xf32>,
      %gather3A_2194 = tpu.vector_load_idx %arg17[%add3A_1943, %broadcast_in_dim3A_2188] : memref<32x64xf32, #tpu.memory_space<vmem>>[vector<16xi32>, vector<16xi32>], vector<16xf32>,
      %add3A_2195 = arith.addf %gather3A_2189, %gather3A_2193 : vector<16xf32>
      %sub3A_2196 = arith.subf %add3A_2195, %gather3A_2194 : vector<16xf32>
      %mul3A_2197 = arith.mulf %sub3A_2196, %sub3A_2196 : vector<16xf32>
      %add3A_2198 = arith.addf %add3A_2186, %mul3A_2197 : vector<16xf32>
      %broadcast_in_dim3A_2199 = arith.constant 20 : i32
      %broadcast_in_dim3A_2200 = vector.broadcast %broadcast_in_dim3A_2199 : i32 to vector<16xi32>
      %gather3A_2201 = tpu.vector_load_idx %arg16[%add3A_1943, %broadcast_in_dim3A_2200] : memref<32x64xf32, #tpu.memory_space<vmem>>[vector<16xi32>, vector<16xi32>], vector<16xf32>,
      %add3A_2202 = arith.constant 20 : i32
      %add3A_2203 = vector.broadcast %add3A_2202 : i32 to vector<16xi32>
      %add3A_2204 = arith.addi %shift_left3A_1956, %add3A_2203 : vector<16xi32>
      %gather3A_2205 = tpu.vector_load_idx %arg15[%shift_right_logical3A_1950, %add3A_2204] : memref<500x128xf32, #tpu.memory_space<vmem>>[vector<16xi32>, vector<16xi32>], vector<16xf32>,
      %gather3A_2206 = tpu.vector_load_idx %arg17[%add3A_1943, %broadcast_in_dim3A_2200] : memref<32x64xf32, #tpu.memory_space<vmem>>[vector<16xi32>, vector<16xi32>], vector<16xf32>,
      %add3A_2207 = arith.addf %gather3A_2201, %gather3A_2205 : vector<16xf32>
      %sub3A_2208 = arith.subf %add3A_2207, %gather3A_2206 : vector<16xf32>
      %mul3A_2209 = arith.mulf %sub3A_2208, %sub3A_2208 : vector<16xf32>
      %add3A_2210 = arith.addf %add3A_2198, %mul3A_2209 : vector<16xf32>
      %broadcast_in_dim3A_2211 = arith.constant 21 : i32
      %broadcast_in_dim3A_2212 = vector.broadcast %broadcast_in_dim3A_2211 : i32 to vector<16xi32>
      %gather3A_2213 = tpu.vector_load_idx %arg16[%add3A_1943, %broadcast_in_dim3A_2212] : memref<32x64xf32, #tpu.memory_space<vmem>>[vector<16xi32>, vector<16xi32>], vector<16xf32>,
      %add3A_2214 = arith.constant 21 : i32
      %add3A_2215 = vector.broadcast %add3A_2214 : i32 to vector<16xi32>
      %add3A_2216 = arith.addi %shift_left3A_1956, %add3A_2215 : vector<16xi32>
      %gather3A_2217 = tpu.vector_load_idx %arg15[%shift_right_logical3A_1950, %add3A_2216] : memref<500x128xf32, #tpu.memory_space<vmem>>[vector<16xi32>, vector<16xi32>], vector<16xf32>,
      %gather3A_2218 = tpu.vector_load_idx %arg17[%add3A_1943, %broadcast_in_dim3A_2212] : memref<32x64xf32, #tpu.memory_space<vmem>>[vector<16xi32>, vector<16xi32>], vector<16xf32>,
      %add3A_2219 = arith.addf %gather3A_2213, %gather3A_2217 : vector<16xf32>
      %sub3A_2220 = arith.subf %add3A_2219, %gather3A_2218 : vector<16xf32>
      %mul3A_2221 = arith.mulf %sub3A_2220, %sub3A_2220 : vector<16xf32>
      %add3A_2222 = arith.addf %add3A_2210, %mul3A_2221 : vector<16xf32>
      %broadcast_in_dim3A_2223 = arith.constant 22 : i32
      %broadcast_in_dim3A_2224 = vector.broadcast %broadcast_in_dim3A_2223 : i32 to vector<16xi32>
      %gather3A_2225 = tpu.vector_load_idx %arg16[%add3A_1943, %broadcast_in_dim3A_2224] : memref<32x64xf32, #tpu.memory_space<vmem>>[vector<16xi32>, vector<16xi32>], vector<16xf32>,
      %add3A_2226 = arith.constant 22 : i32
      %add3A_2227 = vector.broadcast %add3A_2226 : i32 to vector<16xi32>
      %add3A_2228 = arith.addi %shift_left3A_1956, %add3A_2227 : vector<16xi32>
      %gather3A_2229 = tpu.vector_load_idx %arg15[%shift_right_logical3A_1950, %add3A_2228] : memref<500x128xf32, #tpu.memory_space<vmem>>[vector<16xi32>, vector<16xi32>], vector<16xf32>,
      %gather3A_2230 = tpu.vector_load_idx %arg17[%add3A_1943, %broadcast_in_dim3A_2224] : memref<32x64xf32, #tpu.memory_space<vmem>>[vector<16xi32>, vector<16xi32>], vector<16xf32>,
      %add3A_2231 = arith.addf %gather3A_2225, %gather3A_2229 : vector<16xf32>
      %sub3A_2232 = arith.subf %add3A_2231, %gather3A_2230 : vector<16xf32>
      %mul3A_2233 = arith.mulf %sub3A_2232, %sub3A_2232 : vector<16xf32>
      %add3A_2234 = arith.addf %add3A_2222, %mul3A_2233 : vector<16xf32>
      %broadcast_in_dim3A_2235 = arith.constant 23 : i32
      %broadcast_in_dim3A_2236 = vector.broadcast %broadcast_in_dim3A_2235 : i32 to vector<16xi32>
      %gather3A_2237 = tpu.vector_load_idx %arg16[%add3A_1943, %broadcast_in_dim3A_2236] : memref<32x64xf32, #tpu.memory_space<vmem>>[vector<16xi32>, vector<16xi32>], vector<16xf32>,
      %add3A_2238 = arith.constant 23 : i32
      %add3A_2239 = vector.broadcast %add3A_2238 : i32 to vector<16xi32>
      %add3A_2240 = arith.addi %shift_left3A_1956, %add3A_2239 : vector<16xi32>
      %gather3A_2241 = tpu.vector_load_idx %arg15[%shift_right_logical3A_1950, %add3A_2240] : memref<500x128xf32, #tpu.memory_space<vmem>>[vector<16xi32>, vector<16xi32>], vector<16xf32>,
      %gather3A_2242 = tpu.vector_load_idx %arg17[%add3A_1943, %broadcast_in_dim3A_2236] : memref<32x64xf32, #tpu.memory_space<vmem>>[vector<16xi32>, vector<16xi32>], vector<16xf32>,
      %add3A_2243 = arith.addf %gather3A_2237, %gather3A_2241 : vector<16xf32>
      %sub3A_2244 = arith.subf %add3A_2243, %gather3A_2242 : vector<16xf32>
      %mul3A_2245 = arith.mulf %sub3A_2244, %sub3A_2244 : vector<16xf32>
      %add3A_2246 = arith.addf %add3A_2234, %mul3A_2245 : vector<16xf32>
      %broadcast_in_dim3A_2247 = arith.constant 24 : i32
      %broadcast_in_dim3A_2248 = vector.broadcast %broadcast_in_dim3A_2247 : i32 to vector<16xi32>
      %gather3A_2249 = tpu.vector_load_idx %arg16[%add3A_1943, %broadcast_in_dim3A_2248] : memref<32x64xf32, #tpu.memory_space<vmem>>[vector<16xi32>, vector<16xi32>], vector<16xf32>,
      %add3A_2250 = arith.constant 24 : i32
      %add3A_2251 = vector.broadcast %add3A_2250 : i32 to vector<16xi32>
      %add3A_2252 = arith.addi %shift_left3A_1956, %add3A_2251 : vector<16xi32>
      %gather3A_2253 = tpu.vector_load_idx %arg15[%shift_right_logical3A_1950, %add3A_2252] : memref<500x128xf32, #tpu.memory_space<vmem>>[vector<16xi32>, vector<16xi32>], vector<16xf32>,
      %gather3A_2254 = tpu.vector_load_idx %arg17[%add3A_1943, %broadcast_in_dim3A_2248] : memref<32x64xf32, #tpu.memory_space<vmem>>[vector<16xi32>, vector<16xi32>], vector<16xf32>,
      %add3A_2255 = arith.addf %gather3A_2249, %gather3A_2253 : vector<16xf32>
      %sub3A_2256 = arith.subf %add3A_2255, %gather3A_2254 : vector<16xf32>
      %mul3A_2257 = arith.mulf %sub3A_2256, %sub3A_2256 : vector<16xf32>
      %add3A_2258 = arith.addf %add3A_2246, %mul3A_2257 : vector<16xf32>
      %broadcast_in_dim3A_2259 = arith.constant 25 : i32
      %broadcast_in_dim3A_2260 = vector.broadcast %broadcast_in_dim3A_2259 : i32 to vector<16xi32>
      %gather3A_2261 = tpu.vector_load_idx %arg16[%add3A_1943, %broadcast_in_dim3A_2260] : memref<32x64xf32, #tpu.memory_space<vmem>>[vector<16xi32>, vector<16xi32>], vector<16xf32>,
      %add3A_2262 = arith.constant 25 : i32
      %add3A_2263 = vector.broadcast %add3A_2262 : i32 to vector<16xi32>
      %add3A_2264 = arith.addi %shift_left3A_1956, %add3A_2263 : vector<16xi32>
      %gather3A_2265 = tpu.vector_load_idx %arg15[%shift_right_logical3A_1950, %add3A_2264] : memref<500x128xf32, #tpu.memory_space<vmem>>[vector<16xi32>, vector<16xi32>], vector<16xf32>,
      %gather3A_2266 = tpu.vector_load_idx %arg17[%add3A_1943, %broadcast_in_dim3A_2260] : memref<32x64xf32, #tpu.memory_space<vmem>>[vector<16xi32>, vector<16xi32>], vector<16xf32>,
      %add3A_2267 = arith.addf %gather3A_2261, %gather3A_2265 : vector<16xf32>
      %sub3A_2268 = arith.subf %add3A_2267, %gather3A_2266 : vector<16xf32>
      %mul3A_2269 = arith.mulf %sub3A_2268, %sub3A_2268 : vector<16xf32>
      %add3A_2270 = arith.addf %add3A_2258, %mul3A_2269 : vector<16xf32>
      %broadcast_in_dim3A_2271 = arith.constant 26 : i32
      %broadcast_in_dim3A_2272 = vector.broadcast %broadcast_in_dim3A_2271 : i32 to vector<16xi32>
      %gather3A_2273 = tpu.vector_load_idx %arg16[%add3A_1943, %broadcast_in_dim3A_2272] : memref<32x64xf32, #tpu.memory_space<vmem>>[vector<16xi32>, vector<16xi32>], vector<16xf32>,
      %add3A_2274 = arith.constant 26 : i32
      %add3A_2275 = vector.broadcast %add3A_2274 : i32 to vector<16xi32>
      %add3A_2276 = arith.addi %shift_left3A_1956, %add3A_2275 : vector<16xi32>
      %gather3A_2277 = tpu.vector_load_idx %arg15[%shift_right_logical3A_1950, %add3A_2276] : memref<500x128xf32, #tpu.memory_space<vmem>>[vector<16xi32>, vector<16xi32>], vector<16xf32>,
      %gather3A_2278 = tpu.vector_load_idx %arg17[%add3A_1943, %broadcast_in_dim3A_2272] : memref<32x64xf32, #tpu.memory_space<vmem>>[vector<16xi32>, vector<16xi32>], vector<16xf32>,
      %add3A_2279 = arith.addf %gather3A_2273, %gather3A_2277 : vector<16xf32>
      %sub3A_2280 = arith.subf %add3A_2279, %gather3A_2278 : vector<16xf32>
      %mul3A_2281 = arith.mulf %sub3A_2280, %sub3A_2280 : vector<16xf32>
      %add3A_2282 = arith.addf %add3A_2270, %mul3A_2281 : vector<16xf32>
      %broadcast_in_dim3A_2283 = arith.constant 27 : i32
      %broadcast_in_dim3A_2284 = vector.broadcast %broadcast_in_dim3A_2283 : i32 to vector<16xi32>
      %gather3A_2285 = tpu.vector_load_idx %arg16[%add3A_1943, %broadcast_in_dim3A_2284] : memref<32x64xf32, #tpu.memory_space<vmem>>[vector<16xi32>, vector<16xi32>], vector<16xf32>,
      %add3A_2286 = arith.constant 27 : i32
      %add3A_2287 = vector.broadcast %add3A_2286 : i32 to vector<16xi32>
      %add3A_2288 = arith.addi %shift_left3A_1956, %add3A_2287 : vector<16xi32>
      %gather3A_2289 = tpu.vector_load_idx %arg15[%shift_right_logical3A_1950, %add3A_2288] : memref<500x128xf32, #tpu.memory_space<vmem>>[vector<16xi32>, vector<16xi32>], vector<16xf32>,
      %gather3A_2290 = tpu.vector_load_idx %arg17[%add3A_1943, %broadcast_in_dim3A_2284] : memref<32x64xf32, #tpu.memory_space<vmem>>[vector<16xi32>, vector<16xi32>], vector<16xf32>,
      %add3A_2291 = arith.addf %gather3A_2285, %gather3A_2289 : vector<16xf32>
      %sub3A_2292 = arith.subf %add3A_2291, %gather3A_2290 : vector<16xf32>
      %mul3A_2293 = arith.mulf %sub3A_2292, %sub3A_2292 : vector<16xf32>
      %add3A_2294 = arith.addf %add3A_2282, %mul3A_2293 : vector<16xf32>
      %broadcast_in_dim3A_2295 = arith.constant 28 : i32
      %broadcast_in_dim3A_2296 = vector.broadcast %broadcast_in_dim3A_2295 : i32 to vector<16xi32>
      %gather3A_2297 = tpu.vector_load_idx %arg16[%add3A_1943, %broadcast_in_dim3A_2296] : memref<32x64xf32, #tpu.memory_space<vmem>>[vector<16xi32>, vector<16xi32>], vector<16xf32>,
      %add3A_2298 = arith.constant 28 : i32
      %add3A_2299 = vector.broadcast %add3A_2298 : i32 to vector<16xi32>
      %add3A_2300 = arith.addi %shift_left3A_1956, %add3A_2299 : vector<16xi32>
      %gather3A_2301 = tpu.vector_load_idx %arg15[%shift_right_logical3A_1950, %add3A_2300] : memref<500x128xf32, #tpu.memory_space<vmem>>[vector<16xi32>, vector<16xi32>], vector<16xf32>,
      %gather3A_2302 = tpu.vector_load_idx %arg17[%add3A_1943, %broadcast_in_dim3A_2296] : memref<32x64xf32, #tpu.memory_space<vmem>>[vector<16xi32>, vector<16xi32>], vector<16xf32>,
      %add3A_2303 = arith.addf %gather3A_2297, %gather3A_2301 : vector<16xf32>
      %sub3A_2304 = arith.subf %add3A_2303, %gather3A_2302 : vector<16xf32>
      %mul3A_2305 = arith.mulf %sub3A_2304, %sub3A_2304 : vector<16xf32>
      %add3A_2306 = arith.addf %add3A_2294, %mul3A_2305 : vector<16xf32>
      %broadcast_in_dim3A_2307 = arith.constant 29 : i32
      %broadcast_in_dim3A_2308 = vector.broadcast %broadcast_in_dim3A_2307 : i32 to vector<16xi32>
      %gather3A_2309 = tpu.vector_load_idx %arg16[%add3A_1943, %broadcast_in_dim3A_2308] : memref<32x64xf32, #tpu.memory_space<vmem>>[vector<16xi32>, vector<16xi32>], vector<16xf32>,
      %add3A_2310 = arith.constant 29 : i32
      %add3A_2311 = vector.broadcast %add3A_2310 : i32 to vector<16xi32>
      %add3A_2312 = arith.addi %shift_left3A_1956, %add3A_2311 : vector<16xi32>
      %gather3A_2313 = tpu.vector_load_idx %arg15[%shift_right_logical3A_1950, %add3A_2312] : memref<500x128xf32, #tpu.memory_space<vmem>>[vector<16xi32>, vector<16xi32>], vector<16xf32>,
      %gather3A_2314 = tpu.vector_load_idx %arg17[%add3A_1943, %broadcast_in_dim3A_2308] : memref<32x64xf32, #tpu.memory_space<vmem>>[vector<16xi32>, vector<16xi32>], vector<16xf32>,
      %add3A_2315 = arith.addf %gather3A_2309, %gather3A_2313 : vector<16xf32>
      %sub3A_2316 = arith.subf %add3A_2315, %gather3A_2314 : vector<16xf32>
      %mul3A_2317 = arith.mulf %sub3A_2316, %sub3A_2316 : vector<16xf32>
      %add3A_2318 = arith.addf %add3A_2306, %mul3A_2317 : vector<16xf32>
      %broadcast_in_dim3A_2319 = arith.constant 30 : i32
      %broadcast_in_dim3A_2320 = vector.broadcast %broadcast_in_dim3A_2319 : i32 to vector<16xi32>
      %gather3A_2321 = tpu.vector_load_idx %arg16[%add3A_1943, %broadcast_in_dim3A_2320] : memref<32x64xf32, #tpu.memory_space<vmem>>[vector<16xi32>, vector<16xi32>], vector<16xf32>,
      %add3A_2322 = arith.constant 30 : i32
      %add3A_2323 = vector.broadcast %add3A_2322 : i32 to vector<16xi32>
      %add3A_2324 = arith.addi %shift_left3A_1956, %add3A_2323 : vector<16xi32>
      %gather3A_2325 = tpu.vector_load_idx %arg15[%shift_right_logical3A_1950, %add3A_2324] : memref<500x128xf32, #tpu.memory_space<vmem>>[vector<16xi32>, vector<16xi32>], vector<16xf32>,
      %gather3A_2326 = tpu.vector_load_idx %arg17[%add3A_1943, %broadcast_in_dim3A_2320] : memref<32x64xf32, #tpu.memory_space<vmem>>[vector<16xi32>, vector<16xi32>], vector<16xf32>,
      %add3A_2327 = arith.addf %gather3A_2321, %gather3A_2325 : vector<16xf32>
      %sub3A_2328 = arith.subf %add3A_2327, %gather3A_2326 : vector<16xf32>
      %mul3A_2329 = arith.mulf %sub3A_2328, %sub3A_2328 : vector<16xf32>
      %add3A_2330 = arith.addf %add3A_2318, %mul3A_2329 : vector<16xf32>
      %broadcast_in_dim3A_2331 = arith.constant 31 : i32
      %broadcast_in_dim3A_2332 = vector.broadcast %broadcast_in_dim3A_2331 : i32 to vector<16xi32>
      %gather3A_2333 = tpu.vector_load_idx %arg16[%add3A_1943, %broadcast_in_dim3A_2332] : memref<32x64xf32, #tpu.memory_space<vmem>>[vector<16xi32>, vector<16xi32>], vector<16xf32>,
      %add3A_2334 = arith.constant 31 : i32
      %add3A_2335 = vector.broadcast %add3A_2334 : i32 to vector<16xi32>
      %add3A_2336 = arith.addi %shift_left3A_1956, %add3A_2335 : vector<16xi32>
      %gather3A_2337 = tpu.vector_load_idx %arg15[%shift_right_logical3A_1950, %add3A_2336] : memref<500x128xf32, #tpu.memory_space<vmem>>[vector<16xi32>, vector<16xi32>], vector<16xf32>,
      %gather3A_2338 = tpu.vector_load_idx %arg17[%add3A_1943, %broadcast_in_dim3A_2332] : memref<32x64xf32, #tpu.memory_space<vmem>>[vector<16xi32>, vector<16xi32>], vector<16xf32>,
      %add3A_2339 = arith.addf %gather3A_2333, %gather3A_2337 : vector<16xf32>
      %sub3A_2340 = arith.subf %add3A_2339, %gather3A_2338 : vector<16xf32>
      %mul3A_2341 = arith.mulf %sub3A_2340, %sub3A_2340 : vector<16xf32>
      %add3A_2342 = arith.addf %add3A_2330, %mul3A_2341 : vector<16xf32>
      %broadcast_in_dim3A_2343 = arith.constant 32 : i32
      %broadcast_in_dim3A_2344 = vector.broadcast %broadcast_in_dim3A_2343 : i32 to vector<16xi32>
      %gather3A_2345 = tpu.vector_load_idx %arg16[%add3A_1943, %broadcast_in_dim3A_2344] : memref<32x64xf32, #tpu.memory_space<vmem>>[vector<16xi32>, vector<16xi32>], vector<16xf32>,
      %add3A_2346 = arith.constant 32 : i32
      %add3A_2347 = vector.broadcast %add3A_2346 : i32 to vector<16xi32>
      %add3A_2348 = arith.addi %shift_left3A_1956, %add3A_2347 : vector<16xi32>
      %gather3A_2349 = tpu.vector_load_idx %arg15[%shift_right_logical3A_1950, %add3A_2348] : memref<500x128xf32, #tpu.memory_space<vmem>>[vector<16xi32>, vector<16xi32>], vector<16xf32>,
      %gather3A_2350 = tpu.vector_load_idx %arg17[%add3A_1943, %broadcast_in_dim3A_2344] : memref<32x64xf32, #tpu.memory_space<vmem>>[vector<16xi32>, vector<16xi32>], vector<16xf32>,
      %add3A_2351 = arith.addf %gather3A_2345, %gather3A_2349 : vector<16xf32>
      %sub3A_2352 = arith.subf %add3A_2351, %gather3A_2350 : vector<16xf32>
      %mul3A_2353 = arith.mulf %sub3A_2352, %sub3A_2352 : vector<16xf32>
      %add3A_2354 = arith.addf %add3A_2342, %mul3A_2353 : vector<16xf32>
      %broadcast_in_dim3A_2355 = arith.constant 33 : i32
      %broadcast_in_dim3A_2356 = vector.broadcast %broadcast_in_dim3A_2355 : i32 to vector<16xi32>
      %gather3A_2357 = tpu.vector_load_idx %arg16[%add3A_1943, %broadcast_in_dim3A_2356] : memref<32x64xf32, #tpu.memory_space<vmem>>[vector<16xi32>, vector<16xi32>], vector<16xf32>,
      %add3A_2358 = arith.constant 33 : i32
      %add3A_2359 = vector.broadcast %add3A_2358 : i32 to vector<16xi32>
      %add3A_2360 = arith.addi %shift_left3A_1956, %add3A_2359 : vector<16xi32>
      %gather3A_2361 = tpu.vector_load_idx %arg15[%shift_right_logical3A_1950, %add3A_2360] : memref<500x128xf32, #tpu.memory_space<vmem>>[vector<16xi32>, vector<16xi32>], vector<16xf32>,
      %gather3A_2362 = tpu.vector_load_idx %arg17[%add3A_1943, %broadcast_in_dim3A_2356] : memref<32x64xf32, #tpu.memory_space<vmem>>[vector<16xi32>, vector<16xi32>], vector<16xf32>,
      %add3A_2363 = arith.addf %gather3A_2357, %gather3A_2361 : vector<16xf32>
      %sub3A_2364 = arith.subf %add3A_2363, %gather3A_2362 : vector<16xf32>
      %mul3A_2365 = arith.mulf %sub3A_2364, %sub3A_2364 : vector<16xf32>
      %add3A_2366 = arith.addf %add3A_2354, %mul3A_2365 : vector<16xf32>
      %broadcast_in_dim3A_2367 = arith.constant 34 : i32
      %broadcast_in_dim3A_2368 = vector.broadcast %broadcast_in_dim3A_2367 : i32 to vector<16xi32>
      %gather3A_2369 = tpu.vector_load_idx %arg16[%add3A_1943, %broadcast_in_dim3A_2368] : memref<32x64xf32, #tpu.memory_space<vmem>>[vector<16xi32>, vector<16xi32>], vector<16xf32>,
      %add3A_2370 = arith.constant 34 : i32
      %add3A_2371 = vector.broadcast %add3A_2370 : i32 to vector<16xi32>
      %add3A_2372 = arith.addi %shift_left3A_1956, %add3A_2371 : vector<16xi32>
      %gather3A_2373 = tpu.vector_load_idx %arg15[%shift_right_logical3A_1950, %add3A_2372] : memref<500x128xf32, #tpu.memory_space<vmem>>[vector<16xi32>, vector<16xi32>], vector<16xf32>,
      %gather3A_2374 = tpu.vector_load_idx %arg17[%add3A_1943, %broadcast_in_dim3A_2368] : memref<32x64xf32, #tpu.memory_space<vmem>>[vector<16xi32>, vector<16xi32>], vector<16xf32>,
      %add3A_2375 = arith.addf %gather3A_2369, %gather3A_2373 : vector<16xf32>
      %sub3A_2376 = arith.subf %add3A_2375, %gather3A_2374 : vector<16xf32>
      %mul3A_2377 = arith.mulf %sub3A_2376, %sub3A_2376 : vector<16xf32>
      %add3A_2378 = arith.addf %add3A_2366, %mul3A_2377 : vector<16xf32>
      %broadcast_in_dim3A_2379 = arith.constant 35 : i32
      %broadcast_in_dim3A_2380 = vector.broadcast %broadcast_in_dim3A_2379 : i32 to vector<16xi32>
      %gather3A_2381 = tpu.vector_load_idx %arg16[%add3A_1943, %broadcast_in_dim3A_2380] : memref<32x64xf32, #tpu.memory_space<vmem>>[vector<16xi32>, vector<16xi32>], vector<16xf32>,
      %add3A_2382 = arith.constant 35 : i32
      %add3A_2383 = vector.broadcast %add3A_2382 : i32 to vector<16xi32>
      %add3A_2384 = arith.addi %shift_left3A_1956, %add3A_2383 : vector<16xi32>
      %gather3A_2385 = tpu.vector_load_idx %arg15[%shift_right_logical3A_1950, %add3A_2384] : memref<500x128xf32, #tpu.memory_space<vmem>>[vector<16xi32>, vector<16xi32>], vector<16xf32>,
      %gather3A_2386 = tpu.vector_load_idx %arg17[%add3A_1943, %broadcast_in_dim3A_2380] : memref<32x64xf32, #tpu.memory_space<vmem>>[vector<16xi32>, vector<16xi32>], vector<16xf32>,
      %add3A_2387 = arith.addf %gather3A_2381, %gather3A_2385 : vector<16xf32>
      %sub3A_2388 = arith.subf %add3A_2387, %gather3A_2386 : vector<16xf32>
      %mul3A_2389 = arith.mulf %sub3A_2388, %sub3A_2388 : vector<16xf32>
      %add3A_2390 = arith.addf %add3A_2378, %mul3A_2389 : vector<16xf32>
      %broadcast_in_dim3A_2391 = arith.constant 36 : i32
      %broadcast_in_dim3A_2392 = vector.broadcast %broadcast_in_dim3A_2391 : i32 to vector<16xi32>
      %gather3A_2393 = tpu.vector_load_idx %arg16[%add3A_1943, %broadcast_in_dim3A_2392] : memref<32x64xf32, #tpu.memory_space<vmem>>[vector<16xi32>, vector<16xi32>], vector<16xf32>,
      %add3A_2394 = arith.constant 36 : i32
      %add3A_2395 = vector.broadcast %add3A_2394 : i32 to vector<16xi32>
      %add3A_2396 = arith.addi %shift_left3A_1956, %add3A_2395 : vector<16xi32>
      %gather3A_2397 = tpu.vector_load_idx %arg15[%shift_right_logical3A_1950, %add3A_2396] : memref<500x128xf32, #tpu.memory_space<vmem>>[vector<16xi32>, vector<16xi32>], vector<16xf32>,
      %gather3A_2398 = tpu.vector_load_idx %arg17[%add3A_1943, %broadcast_in_dim3A_2392] : memref<32x64xf32, #tpu.memory_space<vmem>>[vector<16xi32>, vector<16xi32>], vector<16xf32>,
      %add3A_2399 = arith.addf %gather3A_2393, %gather3A_2397 : vector<16xf32>
      %sub3A_2400 = arith.subf %add3A_2399, %gather3A_2398 : vector<16xf32>
      %mul3A_2401 = arith.mulf %sub3A_2400, %sub3A_2400 : vector<16xf32>
      %add3A_2402 = arith.addf %add3A_2390, %mul3A_2401 : vector<16xf32>
      %broadcast_in_dim3A_2403 = arith.constant 37 : i32
      %broadcast_in_dim3A_2404 = vector.broadcast %broadcast_in_dim3A_2403 : i32 to vector<16xi32>
      %gather3A_2405 = tpu.vector_load_idx %arg16[%add3A_1943, %broadcast_in_dim3A_2404] : memref<32x64xf32, #tpu.memory_space<vmem>>[vector<16xi32>, vector<16xi32>], vector<16xf32>,
      %add3A_2406 = arith.constant 37 : i32
      %add3A_2407 = vector.broadcast %add3A_2406 : i32 to vector<16xi32>
      %add3A_2408 = arith.addi %shift_left3A_1956, %add3A_2407 : vector<16xi32>
      %gather3A_2409 = tpu.vector_load_idx %arg15[%shift_right_logical3A_1950, %add3A_2408] : memref<500x128xf32, #tpu.memory_space<vmem>>[vector<16xi32>, vector<16xi32>], vector<16xf32>,
      %gather3A_2410 = tpu.vector_load_idx %arg17[%add3A_1943, %broadcast_in_dim3A_2404] : memref<32x64xf32, #tpu.memory_space<vmem>>[vector<16xi32>, vector<16xi32>], vector<16xf32>,
      %add3A_2411 = arith.addf %gather3A_2405, %gather3A_2409 : vector<16xf32>
      %sub3A_2412 = arith.subf %add3A_2411, %gather3A_2410 : vector<16xf32>
      %mul3A_2413 = arith.mulf %sub3A_2412, %sub3A_2412 : vector<16xf32>
      %add3A_2414 = arith.addf %add3A_2402, %mul3A_2413 : vector<16xf32>
      %broadcast_in_dim3A_2415 = arith.constant 38 : i32
      %broadcast_in_dim3A_2416 = vector.broadcast %broadcast_in_dim3A_2415 : i32 to vector<16xi32>
      %gather3A_2417 = tpu.vector_load_idx %arg16[%add3A_1943, %broadcast_in_dim3A_2416] : memref<32x64xf32, #tpu.memory_space<vmem>>[vector<16xi32>, vector<16xi32>], vector<16xf32>,
      %add3A_2418 = arith.constant 38 : i32
      %add3A_2419 = vector.broadcast %add3A_2418 : i32 to vector<16xi32>
      %add3A_2420 = arith.addi %shift_left3A_1956, %add3A_2419 : vector<16xi32>
      %gather3A_2421 = tpu.vector_load_idx %arg15[%shift_right_logical3A_1950, %add3A_2420] : memref<500x128xf32, #tpu.memory_space<vmem>>[vector<16xi32>, vector<16xi32>], vector<16xf32>,
      %gather3A_2422 = tpu.vector_load_idx %arg17[%add3A_1943, %broadcast_in_dim3A_2416] : memref<32x64xf32, #tpu.memory_space<vmem>>[vector<16xi32>, vector<16xi32>], vector<16xf32>,
      %add3A_2423 = arith.addf %gather3A_2417, %gather3A_2421 : vector<16xf32>
      %sub3A_2424 = arith.subf %add3A_2423, %gather3A_2422 : vector<16xf32>
      %mul3A_2425 = arith.mulf %sub3A_2424, %sub3A_2424 : vector<16xf32>
      %add3A_2426 = arith.addf %add3A_2414, %mul3A_2425 : vector<16xf32>
      %broadcast_in_dim3A_2427 = arith.constant 39 : i32
      %broadcast_in_dim3A_2428 = vector.broadcast %broadcast_in_dim3A_2427 : i32 to vector<16xi32>
      %gather3A_2429 = tpu.vector_load_idx %arg16[%add3A_1943, %broadcast_in_dim3A_2428] : memref<32x64xf32, #tpu.memory_space<vmem>>[vector<16xi32>, vector<16xi32>], vector<16xf32>,
      %add3A_2430 = arith.constant 39 : i32
      %add3A_2431 = vector.broadcast %add3A_2430 : i32 to vector<16xi32>
      %add3A_2432 = arith.addi %shift_left3A_1956, %add3A_2431 : vector<16xi32>
      %gather3A_2433 = tpu.vector_load_idx %arg15[%shift_right_logical3A_1950, %add3A_2432] : memref<500x128xf32, #tpu.memory_space<vmem>>[vector<16xi32>, vector<16xi32>], vector<16xf32>,
      %gather3A_2434 = tpu.vector_load_idx %arg17[%add3A_1943, %broadcast_in_dim3A_2428] : memref<32x64xf32, #tpu.memory_space<vmem>>[vector<16xi32>, vector<16xi32>], vector<16xf32>,
      %add3A_2435 = arith.addf %gather3A_2429, %gather3A_2433 : vector<16xf32>
      %sub3A_2436 = arith.subf %add3A_2435, %gather3A_2434 : vector<16xf32>
      %mul3A_2437 = arith.mulf %sub3A_2436, %sub3A_2436 : vector<16xf32>
      %add3A_2438 = arith.addf %add3A_2426, %mul3A_2437 : vector<16xf32>
      %broadcast_in_dim3A_2439 = arith.constant 40 : i32
      %broadcast_in_dim3A_2440 = vector.broadcast %broadcast_in_dim3A_2439 : i32 to vector<16xi32>
      %gather3A_2441 = tpu.vector_load_idx %arg16[%add3A_1943, %broadcast_in_dim3A_2440] : memref<32x64xf32, #tpu.memory_space<vmem>>[vector<16xi32>, vector<16xi32>], vector<16xf32>,
      %add3A_2442 = arith.constant 40 : i32
      %add3A_2443 = vector.broadcast %add3A_2442 : i32 to vector<16xi32>
      %add3A_2444 = arith.addi %shift_left3A_1956, %add3A_2443 : vector<16xi32>
      %gather3A_2445 = tpu.vector_load_idx %arg15[%shift_right_logical3A_1950, %add3A_2444] : memref<500x128xf32, #tpu.memory_space<vmem>>[vector<16xi32>, vector<16xi32>], vector<16xf32>,
      %gather3A_2446 = tpu.vector_load_idx %arg17[%add3A_1943, %broadcast_in_dim3A_2440] : memref<32x64xf32, #tpu.memory_space<vmem>>[vector<16xi32>, vector<16xi32>], vector<16xf32>,
      %add3A_2447 = arith.addf %gather3A_2441, %gather3A_2445 : vector<16xf32>
      %sub3A_2448 = arith.subf %add3A_2447, %gather3A_2446 : vector<16xf32>
      %mul3A_2449 = arith.mulf %sub3A_2448, %sub3A_2448 : vector<16xf32>
      %add3A_2450 = arith.addf %add3A_2438, %mul3A_2449 : vector<16xf32>
      %broadcast_in_dim3A_2451 = arith.constant 41 : i32
      %broadcast_in_dim3A_2452 = vector.broadcast %broadcast_in_dim3A_2451 : i32 to vector<16xi32>
      %gather3A_2453 = tpu.vector_load_idx %arg16[%add3A_1943, %broadcast_in_dim3A_2452] : memref<32x64xf32, #tpu.memory_space<vmem>>[vector<16xi32>, vector<16xi32>], vector<16xf32>,
      %add3A_2454 = arith.constant 41 : i32
      %add3A_2455 = vector.broadcast %add3A_2454 : i32 to vector<16xi32>
      %add3A_2456 = arith.addi %shift_left3A_1956, %add3A_2455 : vector<16xi32>
      %gather3A_2457 = tpu.vector_load_idx %arg15[%shift_right_logical3A_1950, %add3A_2456] : memref<500x128xf32, #tpu.memory_space<vmem>>[vector<16xi32>, vector<16xi32>], vector<16xf32>,
      %gather3A_2458 = tpu.vector_load_idx %arg17[%add3A_1943, %broadcast_in_dim3A_2452] : memref<32x64xf32, #tpu.memory_space<vmem>>[vector<16xi32>, vector<16xi32>], vector<16xf32>,
      %add3A_2459 = arith.addf %gather3A_2453, %gather3A_2457 : vector<16xf32>
      %sub3A_2460 = arith.subf %add3A_2459, %gather3A_2458 : vector<16xf32>
      %mul3A_2461 = arith.mulf %sub3A_2460, %sub3A_2460 : vector<16xf32>
      %add3A_2462 = arith.addf %add3A_2450, %mul3A_2461 : vector<16xf32>
      %broadcast_in_dim3A_2463 = arith.constant 42 : i32
      %broadcast_in_dim3A_2464 = vector.broadcast %broadcast_in_dim3A_2463 : i32 to vector<16xi32>
      %gather3A_2465 = tpu.vector_load_idx %arg16[%add3A_1943, %broadcast_in_dim3A_2464] : memref<32x64xf32, #tpu.memory_space<vmem>>[vector<16xi32>, vector<16xi32>], vector<16xf32>,
      %add3A_2466 = arith.constant 42 : i32
      %add3A_2467 = vector.broadcast %add3A_2466 : i32 to vector<16xi32>
      %add3A_2468 = arith.addi %shift_left3A_1956, %add3A_2467 : vector<16xi32>
      %gather3A_2469 = tpu.vector_load_idx %arg15[%shift_right_logical3A_1950, %add3A_2468] : memref<500x128xf32, #tpu.memory_space<vmem>>[vector<16xi32>, vector<16xi32>], vector<16xf32>,
      %gather3A_2470 = tpu.vector_load_idx %arg17[%add3A_1943, %broadcast_in_dim3A_2464] : memref<32x64xf32, #tpu.memory_space<vmem>>[vector<16xi32>, vector<16xi32>], vector<16xf32>,
      %add3A_2471 = arith.addf %gather3A_2465, %gather3A_2469 : vector<16xf32>
      %sub3A_2472 = arith.subf %add3A_2471, %gather3A_2470 : vector<16xf32>
      %mul3A_2473 = arith.mulf %sub3A_2472, %sub3A_2472 : vector<16xf32>
      %add3A_2474 = arith.addf %add3A_2462, %mul3A_2473 : vector<16xf32>
      %broadcast_in_dim3A_2475 = arith.constant 43 : i32
      %broadcast_in_dim3A_2476 = vector.broadcast %broadcast_in_dim3A_2475 : i32 to vector<16xi32>
      %gather3A_2477 = tpu.vector_load_idx %arg16[%add3A_1943, %broadcast_in_dim3A_2476] : memref<32x64xf32, #tpu.memory_space<vmem>>[vector<16xi32>, vector<16xi32>], vector<16xf32>,
      %add3A_2478 = arith.constant 43 : i32
      %add3A_2479 = vector.broadcast %add3A_2478 : i32 to vector<16xi32>
      %add3A_2480 = arith.addi %shift_left3A_1956, %add3A_2479 : vector<16xi32>
      %gather3A_2481 = tpu.vector_load_idx %arg15[%shift_right_logical3A_1950, %add3A_2480] : memref<500x128xf32, #tpu.memory_space<vmem>>[vector<16xi32>, vector<16xi32>], vector<16xf32>,
      %gather3A_2482 = tpu.vector_load_idx %arg17[%add3A_1943, %broadcast_in_dim3A_2476] : memref<32x64xf32, #tpu.memory_space<vmem>>[vector<16xi32>, vector<16xi32>], vector<16xf32>,
      %add3A_2483 = arith.addf %gather3A_2477, %gather3A_2481 : vector<16xf32>
      %sub3A_2484 = arith.subf %add3A_2483, %gather3A_2482 : vector<16xf32>
      %mul3A_2485 = arith.mulf %sub3A_2484, %sub3A_2484 : vector<16xf32>
      %add3A_2486 = arith.addf %add3A_2474, %mul3A_2485 : vector<16xf32>
      %broadcast_in_dim3A_2487 = arith.constant 44 : i32
      %broadcast_in_dim3A_2488 = vector.broadcast %broadcast_in_dim3A_2487 : i32 to vector<16xi32>
      %gather3A_2489 = tpu.vector_load_idx %arg16[%add3A_1943, %broadcast_in_dim3A_2488] : memref<32x64xf32, #tpu.memory_space<vmem>>[vector<16xi32>, vector<16xi32>], vector<16xf32>,
      %add3A_2490 = arith.constant 44 : i32
      %add3A_2491 = vector.broadcast %add3A_2490 : i32 to vector<16xi32>
      %add3A_2492 = arith.addi %shift_left3A_1956, %add3A_2491 : vector<16xi32>
      %gather3A_2493 = tpu.vector_load_idx %arg15[%shift_right_logical3A_1950, %add3A_2492] : memref<500x128xf32, #tpu.memory_space<vmem>>[vector<16xi32>, vector<16xi32>], vector<16xf32>,
      %gather3A_2494 = tpu.vector_load_idx %arg17[%add3A_1943, %broadcast_in_dim3A_2488] : memref<32x64xf32, #tpu.memory_space<vmem>>[vector<16xi32>, vector<16xi32>], vector<16xf32>,
      %add3A_2495 = arith.addf %gather3A_2489, %gather3A_2493 : vector<16xf32>
      %sub3A_2496 = arith.subf %add3A_2495, %gather3A_2494 : vector<16xf32>
      %mul3A_2497 = arith.mulf %sub3A_2496, %sub3A_2496 : vector<16xf32>
      %add3A_2498 = arith.addf %add3A_2486, %mul3A_2497 : vector<16xf32>
      %broadcast_in_dim3A_2499 = arith.constant 45 : i32
      %broadcast_in_dim3A_2500 = vector.broadcast %broadcast_in_dim3A_2499 : i32 to vector<16xi32>
      %gather3A_2501 = tpu.vector_load_idx %arg16[%add3A_1943, %broadcast_in_dim3A_2500] : memref<32x64xf32, #tpu.memory_space<vmem>>[vector<16xi32>, vector<16xi32>], vector<16xf32>,
      %add3A_2502 = arith.constant 45 : i32
      %add3A_2503 = vector.broadcast %add3A_2502 : i32 to vector<16xi32>
      %add3A_2504 = arith.addi %shift_left3A_1956, %add3A_2503 : vector<16xi32>
      %gather3A_2505 = tpu.vector_load_idx %arg15[%shift_right_logical3A_1950, %add3A_2504] : memref<500x128xf32, #tpu.memory_space<vmem>>[vector<16xi32>, vector<16xi32>], vector<16xf32>,
      %gather3A_2506 = tpu.vector_load_idx %arg17[%add3A_1943, %broadcast_in_dim3A_2500] : memref<32x64xf32, #tpu.memory_space<vmem>>[vector<16xi32>, vector<16xi32>], vector<16xf32>,
      %add3A_2507 = arith.addf %gather3A_2501, %gather3A_2505 : vector<16xf32>
      %sub3A_2508 = arith.subf %add3A_2507, %gather3A_2506 : vector<16xf32>
      %mul3A_2509 = arith.mulf %sub3A_2508, %sub3A_2508 : vector<16xf32>
      %add3A_2510 = arith.addf %add3A_2498, %mul3A_2509 : vector<16xf32>
      %broadcast_in_dim3A_2511 = arith.constant 46 : i32
      %broadcast_in_dim3A_2512 = vector.broadcast %broadcast_in_dim3A_2511 : i32 to vector<16xi32>
      %gather3A_2513 = tpu.vector_load_idx %arg16[%add3A_1943, %broadcast_in_dim3A_2512] : memref<32x64xf32, #tpu.memory_space<vmem>>[vector<16xi32>, vector<16xi32>], vector<16xf32>,
      %add3A_2514 = arith.constant 46 : i32
      %add3A_2515 = vector.broadcast %add3A_2514 : i32 to vector<16xi32>
      %add3A_2516 = arith.addi %shift_left3A_1956, %add3A_2515 : vector<16xi32>
      %gather3A_2517 = tpu.vector_load_idx %arg15[%shift_right_logical3A_1950, %add3A_2516] : memref<500x128xf32, #tpu.memory_space<vmem>>[vector<16xi32>, vector<16xi32>], vector<16xf32>,
      %gather3A_2518 = tpu.vector_load_idx %arg17[%add3A_1943, %broadcast_in_dim3A_2512] : memref<32x64xf32, #tpu.memory_space<vmem>>[vector<16xi32>, vector<16xi32>], vector<16xf32>,
      %add3A_2519 = arith.addf %gather3A_2513, %gather3A_2517 : vector<16xf32>
      %sub3A_2520 = arith.subf %add3A_2519, %gather3A_2518 : vector<16xf32>
      %mul3A_2521 = arith.mulf %sub3A_2520, %sub3A_2520 : vector<16xf32>
      %add3A_2522 = arith.addf %add3A_2510, %mul3A_2521 : vector<16xf32>
      %broadcast_in_dim3A_2523 = arith.constant 47 : i32
      %broadcast_in_dim3A_2524 = vector.broadcast %broadcast_in_dim3A_2523 : i32 to vector<16xi32>
      %gather3A_2525 = tpu.vector_load_idx %arg16[%add3A_1943, %broadcast_in_dim3A_2524] : memref<32x64xf32, #tpu.memory_space<vmem>>[vector<16xi32>, vector<16xi32>], vector<16xf32>,
      %add3A_2526 = arith.constant 47 : i32
      %add3A_2527 = vector.broadcast %add3A_2526 : i32 to vector<16xi32>
      %add3A_2528 = arith.addi %shift_left3A_1956, %add3A_2527 : vector<16xi32>
      %gather3A_2529 = tpu.vector_load_idx %arg15[%shift_right_logical3A_1950, %add3A_2528] : memref<500x128xf32, #tpu.memory_space<vmem>>[vector<16xi32>, vector<16xi32>], vector<16xf32>,
      %gather3A_2530 = tpu.vector_load_idx %arg17[%add3A_1943, %broadcast_in_dim3A_2524] : memref<32x64xf32, #tpu.memory_space<vmem>>[vector<16xi32>, vector<16xi32>], vector<16xf32>,
      %add3A_2531 = arith.addf %gather3A_2525, %gather3A_2529 : vector<16xf32>
      %sub3A_2532 = arith.subf %add3A_2531, %gather3A_2530 : vector<16xf32>
      %mul3A_2533 = arith.mulf %sub3A_2532, %sub3A_2532 : vector<16xf32>
      %add3A_2534 = arith.addf %add3A_2522, %mul3A_2533 : vector<16xf32>
      %broadcast_in_dim3A_2535 = arith.constant 48 : i32
      %broadcast_in_dim3A_2536 = vector.broadcast %broadcast_in_dim3A_2535 : i32 to vector<16xi32>
      %gather3A_2537 = tpu.vector_load_idx %arg16[%add3A_1943, %broadcast_in_dim3A_2536] : memref<32x64xf32, #tpu.memory_space<vmem>>[vector<16xi32>, vector<16xi32>], vector<16xf32>,
      %add3A_2538 = arith.constant 48 : i32
      %add3A_2539 = vector.broadcast %add3A_2538 : i32 to vector<16xi32>
      %add3A_2540 = arith.addi %shift_left3A_1956, %add3A_2539 : vector<16xi32>
      %gather3A_2541 = tpu.vector_load_idx %arg15[%shift_right_logical3A_1950, %add3A_2540] : memref<500x128xf32, #tpu.memory_space<vmem>>[vector<16xi32>, vector<16xi32>], vector<16xf32>,
      %gather3A_2542 = tpu.vector_load_idx %arg17[%add3A_1943, %broadcast_in_dim3A_2536] : memref<32x64xf32, #tpu.memory_space<vmem>>[vector<16xi32>, vector<16xi32>], vector<16xf32>,
      %add3A_2543 = arith.addf %gather3A_2537, %gather3A_2541 : vector<16xf32>
      %sub3A_2544 = arith.subf %add3A_2543, %gather3A_2542 : vector<16xf32>
      %mul3A_2545 = arith.mulf %sub3A_2544, %sub3A_2544 : vector<16xf32>
      %add3A_2546 = arith.addf %add3A_2534, %mul3A_2545 : vector<16xf32>
      %broadcast_in_dim3A_2547 = arith.constant 49 : i32
      %broadcast_in_dim3A_2548 = vector.broadcast %broadcast_in_dim3A_2547 : i32 to vector<16xi32>
      %gather3A_2549 = tpu.vector_load_idx %arg16[%add3A_1943, %broadcast_in_dim3A_2548] : memref<32x64xf32, #tpu.memory_space<vmem>>[vector<16xi32>, vector<16xi32>], vector<16xf32>,
      %add3A_2550 = arith.constant 49 : i32
      %add3A_2551 = vector.broadcast %add3A_2550 : i32 to vector<16xi32>
      %add3A_2552 = arith.addi %shift_left3A_1956, %add3A_2551 : vector<16xi32>
      %gather3A_2553 = tpu.vector_load_idx %arg15[%shift_right_logical3A_1950, %add3A_2552] : memref<500x128xf32, #tpu.memory_space<vmem>>[vector<16xi32>, vector<16xi32>], vector<16xf32>,
      %gather3A_2554 = tpu.vector_load_idx %arg17[%add3A_1943, %broadcast_in_dim3A_2548] : memref<32x64xf32, #tpu.memory_space<vmem>>[vector<16xi32>, vector<16xi32>], vector<16xf32>,
      %add3A_2555 = arith.addf %gather3A_2549, %gather3A_2553 : vector<16xf32>
      %sub3A_2556 = arith.subf %add3A_2555, %gather3A_2554 : vector<16xf32>
      %mul3A_2557 = arith.mulf %sub3A_2556, %sub3A_2556 : vector<16xf32>
      %add3A_2558 = arith.addf %add3A_2546, %mul3A_2557 : vector<16xf32>
      %broadcast_in_dim3A_2559 = arith.constant 50 : i32
      %broadcast_in_dim3A_2560 = vector.broadcast %broadcast_in_dim3A_2559 : i32 to vector<16xi32>
      %gather3A_2561 = tpu.vector_load_idx %arg16[%add3A_1943, %broadcast_in_dim3A_2560] : memref<32x64xf32, #tpu.memory_space<vmem>>[vector<16xi32>, vector<16xi32>], vector<16xf32>,
      %add3A_2562 = arith.constant 50 : i32
      %add3A_2563 = vector.broadcast %add3A_2562 : i32 to vector<16xi32>
      %add3A_2564 = arith.addi %shift_left3A_1956, %add3A_2563 : vector<16xi32>
      %gather3A_2565 = tpu.vector_load_idx %arg15[%shift_right_logical3A_1950, %add3A_2564] : memref<500x128xf32, #tpu.memory_space<vmem>>[vector<16xi32>, vector<16xi32>], vector<16xf32>,
      %gather3A_2566 = tpu.vector_load_idx %arg17[%add3A_1943, %broadcast_in_dim3A_2560] : memref<32x64xf32, #tpu.memory_space<vmem>>[vector<16xi32>, vector<16xi32>], vector<16xf32>,
      %add3A_2567 = arith.addf %gather3A_2561, %gather3A_2565 : vector<16xf32>
      %sub3A_2568 = arith.subf %add3A_2567, %gather3A_2566 : vector<16xf32>
      %mul3A_2569 = arith.mulf %sub3A_2568, %sub3A_2568 : vector<16xf32>
      %add3A_2570 = arith.addf %add3A_2558, %mul3A_2569 : vector<16xf32>
      %broadcast_in_dim3A_2571 = arith.constant 51 : i32
      %broadcast_in_dim3A_2572 = vector.broadcast %broadcast_in_dim3A_2571 : i32 to vector<16xi32>
      %gather3A_2573 = tpu.vector_load_idx %arg16[%add3A_1943, %broadcast_in_dim3A_2572] : memref<32x64xf32, #tpu.memory_space<vmem>>[vector<16xi32>, vector<16xi32>], vector<16xf32>,
      %add3A_2574 = arith.constant 51 : i32
      %add3A_2575 = vector.broadcast %add3A_2574 : i32 to vector<16xi32>
      %add3A_2576 = arith.addi %shift_left3A_1956, %add3A_2575 : vector<16xi32>
      %gather3A_2577 = tpu.vector_load_idx %arg15[%shift_right_logical3A_1950, %add3A_2576] : memref<500x128xf32, #tpu.memory_space<vmem>>[vector<16xi32>, vector<16xi32>], vector<16xf32>,
      %gather3A_2578 = tpu.vector_load_idx %arg17[%add3A_1943, %broadcast_in_dim3A_2572] : memref<32x64xf32, #tpu.memory_space<vmem>>[vector<16xi32>, vector<16xi32>], vector<16xf32>,
      %add3A_2579 = arith.addf %gather3A_2573, %gather3A_2577 : vector<16xf32>
      %sub3A_2580 = arith.subf %add3A_2579, %gather3A_2578 : vector<16xf32>
      %mul3A_2581 = arith.mulf %sub3A_2580, %sub3A_2580 : vector<16xf32>
      %add3A_2582 = arith.addf %add3A_2570, %mul3A_2581 : vector<16xf32>
      %broadcast_in_dim3A_2583 = arith.constant 52 : i32
      %broadcast_in_dim3A_2584 = vector.broadcast %broadcast_in_dim3A_2583 : i32 to vector<16xi32>
      %gather3A_2585 = tpu.vector_load_idx %arg16[%add3A_1943, %broadcast_in_dim3A_2584] : memref<32x64xf32, #tpu.memory_space<vmem>>[vector<16xi32>, vector<16xi32>], vector<16xf32>,
      %add3A_2586 = arith.constant 52 : i32
      %add3A_2587 = vector.broadcast %add3A_2586 : i32 to vector<16xi32>
      %add3A_2588 = arith.addi %shift_left3A_1956, %add3A_2587 : vector<16xi32>
      %gather3A_2589 = tpu.vector_load_idx %arg15[%shift_right_logical3A_1950, %add3A_2588] : memref<500x128xf32, #tpu.memory_space<vmem>>[vector<16xi32>, vector<16xi32>], vector<16xf32>,
      %gather3A_2590 = tpu.vector_load_idx %arg17[%add3A_1943, %broadcast_in_dim3A_2584] : memref<32x64xf32, #tpu.memory_space<vmem>>[vector<16xi32>, vector<16xi32>], vector<16xf32>,
      %add3A_2591 = arith.addf %gather3A_2585, %gather3A_2589 : vector<16xf32>
      %sub3A_2592 = arith.subf %add3A_2591, %gather3A_2590 : vector<16xf32>
      %mul3A_2593 = arith.mulf %sub3A_2592, %sub3A_2592 : vector<16xf32>
      %add3A_2594 = arith.addf %add3A_2582, %mul3A_2593 : vector<16xf32>
      %broadcast_in_dim3A_2595 = arith.constant 53 : i32
      %broadcast_in_dim3A_2596 = vector.broadcast %broadcast_in_dim3A_2595 : i32 to vector<16xi32>
      %gather3A_2597 = tpu.vector_load_idx %arg16[%add3A_1943, %broadcast_in_dim3A_2596] : memref<32x64xf32, #tpu.memory_space<vmem>>[vector<16xi32>, vector<16xi32>], vector<16xf32>,
      %add3A_2598 = arith.constant 53 : i32
      %add3A_2599 = vector.broadcast %add3A_2598 : i32 to vector<16xi32>
      %add3A_2600 = arith.addi %shift_left3A_1956, %add3A_2599 : vector<16xi32>
      %gather3A_2601 = tpu.vector_load_idx %arg15[%shift_right_logical3A_1950, %add3A_2600] : memref<500x128xf32, #tpu.memory_space<vmem>>[vector<16xi32>, vector<16xi32>], vector<16xf32>,
      %gather3A_2602 = tpu.vector_load_idx %arg17[%add3A_1943, %broadcast_in_dim3A_2596] : memref<32x64xf32, #tpu.memory_space<vmem>>[vector<16xi32>, vector<16xi32>], vector<16xf32>,
      %add3A_2603 = arith.addf %gather3A_2597, %gather3A_2601 : vector<16xf32>
      %sub3A_2604 = arith.subf %add3A_2603, %gather3A_2602 : vector<16xf32>
      %mul3A_2605 = arith.mulf %sub3A_2604, %sub3A_2604 : vector<16xf32>
      %add3A_2606 = arith.addf %add3A_2594, %mul3A_2605 : vector<16xf32>
      %broadcast_in_dim3A_2607 = arith.constant 54 : i32
      %broadcast_in_dim3A_2608 = vector.broadcast %broadcast_in_dim3A_2607 : i32 to vector<16xi32>
      %gather3A_2609 = tpu.vector_load_idx %arg16[%add3A_1943, %broadcast_in_dim3A_2608] : memref<32x64xf32, #tpu.memory_space<vmem>>[vector<16xi32>, vector<16xi32>], vector<16xf32>,
      %add3A_2610 = arith.constant 54 : i32
      %add3A_2611 = vector.broadcast %add3A_2610 : i32 to vector<16xi32>
      %add3A_2612 = arith.addi %shift_left3A_1956, %add3A_2611 : vector<16xi32>
      %gather3A_2613 = tpu.vector_load_idx %arg15[%shift_right_logical3A_1950, %add3A_2612] : memref<500x128xf32, #tpu.memory_space<vmem>>[vector<16xi32>, vector<16xi32>], vector<16xf32>,
      %gather3A_2614 = tpu.vector_load_idx %arg17[%add3A_1943, %broadcast_in_dim3A_2608] : memref<32x64xf32, #tpu.memory_space<vmem>>[vector<16xi32>, vector<16xi32>], vector<16xf32>,
      %add3A_2615 = arith.addf %gather3A_2609, %gather3A_2613 : vector<16xf32>
      %sub3A_2616 = arith.subf %add3A_2615, %gather3A_2614 : vector<16xf32>
      %mul3A_2617 = arith.mulf %sub3A_2616, %sub3A_2616 : vector<16xf32>
      %add3A_2618 = arith.addf %add3A_2606, %mul3A_2617 : vector<16xf32>
      %broadcast_in_dim3A_2619 = arith.constant 55 : i32
      %broadcast_in_dim3A_2620 = vector.broadcast %broadcast_in_dim3A_2619 : i32 to vector<16xi32>
      %gather3A_2621 = tpu.vector_load_idx %arg16[%add3A_1943, %broadcast_in_dim3A_2620] : memref<32x64xf32, #tpu.memory_space<vmem>>[vector<16xi32>, vector<16xi32>], vector<16xf32>,
      %add3A_2622 = arith.constant 55 : i32
      %add3A_2623 = vector.broadcast %add3A_2622 : i32 to vector<16xi32>
      %add3A_2624 = arith.addi %shift_left3A_1956, %add3A_2623 : vector<16xi32>
      %gather3A_2625 = tpu.vector_load_idx %arg15[%shift_right_logical3A_1950, %add3A_2624] : memref<500x128xf32, #tpu.memory_space<vmem>>[vector<16xi32>, vector<16xi32>], vector<16xf32>,
      %gather3A_2626 = tpu.vector_load_idx %arg17[%add3A_1943, %broadcast_in_dim3A_2620] : memref<32x64xf32, #tpu.memory_space<vmem>>[vector<16xi32>, vector<16xi32>], vector<16xf32>,
      %add3A_2627 = arith.addf %gather3A_2621, %gather3A_2625 : vector<16xf32>
      %sub3A_2628 = arith.subf %add3A_2627, %gather3A_2626 : vector<16xf32>
      %mul3A_2629 = arith.mulf %sub3A_2628, %sub3A_2628 : vector<16xf32>
      %add3A_2630 = arith.addf %add3A_2618, %mul3A_2629 : vector<16xf32>
      %broadcast_in_dim3A_2631 = arith.constant 56 : i32
      %broadcast_in_dim3A_2632 = vector.broadcast %broadcast_in_dim3A_2631 : i32 to vector<16xi32>
      %gather3A_2633 = tpu.vector_load_idx %arg16[%add3A_1943, %broadcast_in_dim3A_2632] : memref<32x64xf32, #tpu.memory_space<vmem>>[vector<16xi32>, vector<16xi32>], vector<16xf32>,
      %add3A_2634 = arith.constant 56 : i32
      %add3A_2635 = vector.broadcast %add3A_2634 : i32 to vector<16xi32>
      %add3A_2636 = arith.addi %shift_left3A_1956, %add3A_2635 : vector<16xi32>
      %gather3A_2637 = tpu.vector_load_idx %arg15[%shift_right_logical3A_1950, %add3A_2636] : memref<500x128xf32, #tpu.memory_space<vmem>>[vector<16xi32>, vector<16xi32>], vector<16xf32>,
      %gather3A_2638 = tpu.vector_load_idx %arg17[%add3A_1943, %broadcast_in_dim3A_2632] : memref<32x64xf32, #tpu.memory_space<vmem>>[vector<16xi32>, vector<16xi32>], vector<16xf32>,
      %add3A_2639 = arith.addf %gather3A_2633, %gather3A_2637 : vector<16xf32>
      %sub3A_2640 = arith.subf %add3A_2639, %gather3A_2638 : vector<16xf32>
      %mul3A_2641 = arith.mulf %sub3A_2640, %sub3A_2640 : vector<16xf32>
      %add3A_2642 = arith.addf %add3A_2630, %mul3A_2641 : vector<16xf32>
      %broadcast_in_dim3A_2643 = arith.constant 57 : i32
      %broadcast_in_dim3A_2644 = vector.broadcast %broadcast_in_dim3A_2643 : i32 to vector<16xi32>
      %gather3A_2645 = tpu.vector_load_idx %arg16[%add3A_1943, %broadcast_in_dim3A_2644] : memref<32x64xf32, #tpu.memory_space<vmem>>[vector<16xi32>, vector<16xi32>], vector<16xf32>,
      %add3A_2646 = arith.constant 57 : i32
      %add3A_2647 = vector.broadcast %add3A_2646 : i32 to vector<16xi32>
      %add3A_2648 = arith.addi %shift_left3A_1956, %add3A_2647 : vector<16xi32>
      %gather3A_2649 = tpu.vector_load_idx %arg15[%shift_right_logical3A_1950, %add3A_2648] : memref<500x128xf32, #tpu.memory_space<vmem>>[vector<16xi32>, vector<16xi32>], vector<16xf32>,
      %gather3A_2650 = tpu.vector_load_idx %arg17[%add3A_1943, %broadcast_in_dim3A_2644] : memref<32x64xf32, #tpu.memory_space<vmem>>[vector<16xi32>, vector<16xi32>], vector<16xf32>,
      %add3A_2651 = arith.addf %gather3A_2645, %gather3A_2649 : vector<16xf32>
      %sub3A_2652 = arith.subf %add3A_2651, %gather3A_2650 : vector<16xf32>
      %mul3A_2653 = arith.mulf %sub3A_2652, %sub3A_2652 : vector<16xf32>
      %add3A_2654 = arith.addf %add3A_2642, %mul3A_2653 : vector<16xf32>
      %broadcast_in_dim3A_2655 = arith.constant 58 : i32
      %broadcast_in_dim3A_2656 = vector.broadcast %broadcast_in_dim3A_2655 : i32 to vector<16xi32>
      %gather3A_2657 = tpu.vector_load_idx %arg16[%add3A_1943, %broadcast_in_dim3A_2656] : memref<32x64xf32, #tpu.memory_space<vmem>>[vector<16xi32>, vector<16xi32>], vector<16xf32>,
      %add3A_2658 = arith.constant 58 : i32
      %add3A_2659 = vector.broadcast %add3A_2658 : i32 to vector<16xi32>
      %add3A_2660 = arith.addi %shift_left3A_1956, %add3A_2659 : vector<16xi32>
      %gather3A_2661 = tpu.vector_load_idx %arg15[%shift_right_logical3A_1950, %add3A_2660] : memref<500x128xf32, #tpu.memory_space<vmem>>[vector<16xi32>, vector<16xi32>], vector<16xf32>,
      %gather3A_2662 = tpu.vector_load_idx %arg17[%add3A_1943, %broadcast_in_dim3A_2656] : memref<32x64xf32, #tpu.memory_space<vmem>>[vector<16xi32>, vector<16xi32>], vector<16xf32>,
      %add3A_2663 = arith.addf %gather3A_2657, %gather3A_2661 : vector<16xf32>
      %sub3A_2664 = arith.subf %add3A_2663, %gather3A_2662 : vector<16xf32>
      %mul3A_2665 = arith.mulf %sub3A_2664, %sub3A_2664 : vector<16xf32>
      %add3A_2666 = arith.addf %add3A_2654, %mul3A_2665 : vector<16xf32>
      %broadcast_in_dim3A_2667 = arith.constant 59 : i32
      %broadcast_in_dim3A_2668 = vector.broadcast %broadcast_in_dim3A_2667 : i32 to vector<16xi32>
      %gather3A_2669 = tpu.vector_load_idx %arg16[%add3A_1943, %broadcast_in_dim3A_2668] : memref<32x64xf32, #tpu.memory_space<vmem>>[vector<16xi32>, vector<16xi32>], vector<16xf32>,
      %add3A_2670 = arith.constant 59 : i32
      %add3A_2671 = vector.broadcast %add3A_2670 : i32 to vector<16xi32>
      %add3A_2672 = arith.addi %shift_left3A_1956, %add3A_2671 : vector<16xi32>
      %gather3A_2673 = tpu.vector_load_idx %arg15[%shift_right_logical3A_1950, %add3A_2672] : memref<500x128xf32, #tpu.memory_space<vmem>>[vector<16xi32>, vector<16xi32>], vector<16xf32>,
      %gather3A_2674 = tpu.vector_load_idx %arg17[%add3A_1943, %broadcast_in_dim3A_2668] : memref<32x64xf32, #tpu.memory_space<vmem>>[vector<16xi32>, vector<16xi32>], vector<16xf32>,
      %add3A_2675 = arith.addf %gather3A_2669, %gather3A_2673 : vector<16xf32>
      %sub3A_2676 = arith.subf %add3A_2675, %gather3A_2674 : vector<16xf32>
      %mul3A_2677 = arith.mulf %sub3A_2676, %sub3A_2676 : vector<16xf32>
      %add3A_2678 = arith.addf %add3A_2666, %mul3A_2677 : vector<16xf32>
      %broadcast_in_dim3A_2679 = arith.constant 60 : i32
      %broadcast_in_dim3A_2680 = vector.broadcast %broadcast_in_dim3A_2679 : i32 to vector<16xi32>
      %gather3A_2681 = tpu.vector_load_idx %arg16[%add3A_1943, %broadcast_in_dim3A_2680] : memref<32x64xf32, #tpu.memory_space<vmem>>[vector<16xi32>, vector<16xi32>], vector<16xf32>,
      %add3A_2682 = arith.constant 60 : i32
      %add3A_2683 = vector.broadcast %add3A_2682 : i32 to vector<16xi32>
      %add3A_2684 = arith.addi %shift_left3A_1956, %add3A_2683 : vector<16xi32>
      %gather3A_2685 = tpu.vector_load_idx %arg15[%shift_right_logical3A_1950, %add3A_2684] : memref<500x128xf32, #tpu.memory_space<vmem>>[vector<16xi32>, vector<16xi32>], vector<16xf32>,
      %gather3A_2686 = tpu.vector_load_idx %arg17[%add3A_1943, %broadcast_in_dim3A_2680] : memref<32x64xf32, #tpu.memory_space<vmem>>[vector<16xi32>, vector<16xi32>], vector<16xf32>,
      %add3A_2687 = arith.addf %gather3A_2681, %gather3A_2685 : vector<16xf32>
      %sub3A_2688 = arith.subf %add3A_2687, %gather3A_2686 : vector<16xf32>
      %mul3A_2689 = arith.mulf %sub3A_2688, %sub3A_2688 : vector<16xf32>
      %add3A_2690 = arith.addf %add3A_2678, %mul3A_2689 : vector<16xf32>
      %broadcast_in_dim3A_2691 = arith.constant 61 : i32
      %broadcast_in_dim3A_2692 = vector.broadcast %broadcast_in_dim3A_2691 : i32 to vector<16xi32>
      %gather3A_2693 = tpu.vector_load_idx %arg16[%add3A_1943, %broadcast_in_dim3A_2692] : memref<32x64xf32, #tpu.memory_space<vmem>>[vector<16xi32>, vector<16xi32>], vector<16xf32>,
      %add3A_2694 = arith.constant 61 : i32
      %add3A_2695 = vector.broadcast %add3A_2694 : i32 to vector<16xi32>
      %add3A_2696 = arith.addi %shift_left3A_1956, %add3A_2695 : vector<16xi32>
      %gather3A_2697 = tpu.vector_load_idx %arg15[%shift_right_logical3A_1950, %add3A_2696] : memref<500x128xf32, #tpu.memory_space<vmem>>[vector<16xi32>, vector<16xi32>], vector<16xf32>,
      %gather3A_2698 = tpu.vector_load_idx %arg17[%add3A_1943, %broadcast_in_dim3A_2692] : memref<32x64xf32, #tpu.memory_space<vmem>>[vector<16xi32>, vector<16xi32>], vector<16xf32>,
      %add3A_2699 = arith.addf %gather3A_2693, %gather3A_2697 : vector<16xf32>
      %sub3A_2700 = arith.subf %add3A_2699, %gather3A_2698 : vector<16xf32>
      %mul3A_2701 = arith.mulf %sub3A_2700, %sub3A_2700 : vector<16xf32>
      %add3A_2702 = arith.addf %add3A_2690, %mul3A_2701 : vector<16xf32>
      %broadcast_in_dim3A_2703 = arith.constant 62 : i32
      %broadcast_in_dim3A_2704 = vector.broadcast %broadcast_in_dim3A_2703 : i32 to vector<16xi32>
      %gather3A_2705 = tpu.vector_load_idx %arg16[%add3A_1943, %broadcast_in_dim3A_2704] : memref<32x64xf32, #tpu.memory_space<vmem>>[vector<16xi32>, vector<16xi32>], vector<16xf32>,
      %add3A_2706 = arith.constant 62 : i32
      %add3A_2707 = vector.broadcast %add3A_2706 : i32 to vector<16xi32>
      %add3A_2708 = arith.addi %shift_left3A_1956, %add3A_2707 : vector<16xi32>
      %gather3A_2709 = tpu.vector_load_idx %arg15[%shift_right_logical3A_1950, %add3A_2708] : memref<500x128xf32, #tpu.memory_space<vmem>>[vector<16xi32>, vector<16xi32>], vector<16xf32>,
      %gather3A_2710 = tpu.vector_load_idx %arg17[%add3A_1943, %broadcast_in_dim3A_2704] : memref<32x64xf32, #tpu.memory_space<vmem>>[vector<16xi32>, vector<16xi32>], vector<16xf32>,
      %add3A_2711 = arith.addf %gather3A_2705, %gather3A_2709 : vector<16xf32>
      %sub3A_2712 = arith.subf %add3A_2711, %gather3A_2710 : vector<16xf32>
      %mul3A_2713 = arith.mulf %sub3A_2712, %sub3A_2712 : vector<16xf32>
      %add3A_2714 = arith.addf %add3A_2702, %mul3A_2713 : vector<16xf32>
      %broadcast_in_dim3A_2715 = arith.constant 63 : i32
      %broadcast_in_dim3A_2716 = vector.broadcast %broadcast_in_dim3A_2715 : i32 to vector<16xi32>
      %gather3A_2717 = tpu.vector_load_idx %arg16[%add3A_1943, %broadcast_in_dim3A_2716] : memref<32x64xf32, #tpu.memory_space<vmem>>[vector<16xi32>, vector<16xi32>], vector<16xf32>,
      %add3A_2718 = arith.constant 63 : i32
      %add3A_2719 = vector.broadcast %add3A_2718 : i32 to vector<16xi32>
      %add3A_2720 = arith.addi %shift_left3A_1956, %add3A_2719 : vector<16xi32>
      %gather3A_2721 = tpu.vector_load_idx %arg15[%shift_right_logical3A_1950, %add3A_2720] : memref<500x128xf32, #tpu.memory_space<vmem>>[vector<16xi32>, vector<16xi32>], vector<16xf32>,
      %gather3A_2722 = tpu.vector_load_idx %arg17[%add3A_1943, %broadcast_in_dim3A_2716] : memref<32x64xf32, #tpu.memory_space<vmem>>[vector<16xi32>, vector<16xi32>], vector<16xf32>,
      %add3A_2723 = arith.addf %gather3A_2717, %gather3A_2721 : vector<16xf32>
      %sub3A_2724 = arith.subf %add3A_2723, %gather3A_2722 : vector<16xf32>
      %mul3A_2725 = arith.mulf %sub3A_2724, %sub3A_2724 : vector<16xf32>
      %add3A_2726 = arith.addf %add3A_2714, %mul3A_2725 : vector<16xf32>
      %bitcast3A_2727 = vector.bitcast %add3A_2726 : vector<16xf32> to vector<16xi32>
      %shift_right_logical3A_2728 = arith.constant 1 : i32
      %shift_right_logical3A_2729 = vector.broadcast %shift_right_logical3A_2728 : i32 to vector<16xi32>
      %shift_right_logical3A_2730 = arith.shrui %bitcast3A_2727, %shift_right_logical3A_2729 : vector<16xi32>
      %sub3A_2731 = arith.constant 1597463007 : i32
      %sub3A_2732 = vector.broadcast %sub3A_2731 : i32 to vector<16xi32>
      %sub3A_2733 = arith.subi %sub3A_2732, %shift_right_logical3A_2730 : vector<16xi32>
      %bitcast3A_2734 = vector.bitcast %sub3A_2733 : vector<16xi32> to vector<16xf32>
      %mul3A_2735 = arith.constant 5.000000e-01 : f32
      %mul3A_2736 = vector.broadcast %mul3A_2735 : f32 to vector<16xf32>
      %mul3A_2737 = arith.mulf %add3A_2726, %mul3A_2736 : vector<16xf32>
      %mul3A_2738 = arith.mulf %mul3A_2737, %bitcast3A_2734 : vector<16xf32>
      %mul3A_2739 = arith.mulf %mul3A_2738, %bitcast3A_2734 : vector<16xf32>
      %sub3A_2740 = arith.constant 1.500000e+00 : f32
      %sub3A_2741 = vector.broadcast %sub3A_2740 : f32 to vector<16xf32>
      %sub3A_2742 = arith.subf %sub3A_2741, %mul3A_2739 : vector<16xf32>
      %mul3A_2743 = arith.mulf %bitcast3A_2734, %sub3A_2742 : vector<16xf32>
      %mul3A_2744 = arith.mulf %mul3A_2737, %mul3A_2743 : vector<16xf32>
      %mul3A_2745 = arith.mulf %mul3A_2744, %mul3A_2743 : vector<16xf32>
      %sub3A_2746 = arith.constant 1.500000e+00 : f32
      %sub3A_2747 = vector.broadcast %sub3A_2746 : f32 to vector<16xf32>
      %sub3A_2748 = arith.subf %sub3A_2747, %mul3A_2745 : vector<16xf32>
      %mul3A_2749 = arith.mulf %mul3A_2743, %sub3A_2748 : vector<16xf32>
      %mul3A_2750 = arith.mulf %mul3A_2737, %mul3A_2749 : vector<16xf32>
      %mul3A_2751 = arith.mulf %mul3A_2750, %mul3A_2749 : vector<16xf32>
      %sub3A_2752 = arith.constant 1.500000e+00 : f32
      %sub3A_2753 = vector.broadcast %sub3A_2752 : f32 to vector<16xf32>
      %sub3A_2754 = arith.subf %sub3A_2753, %mul3A_2751 : vector<16xf32>
      %mul3A_2755 = arith.mulf %mul3A_2749, %sub3A_2754 : vector<16xf32>
      %gt3A_2756 = arith.constant 0.000000e+00 : f32
      %gt3A_2757 = vector.broadcast %gt3A_2756 : f32 to vector<16xf32>
      %gt3A_2758 = arith.cmpf ogt, %add3A_2726, %gt3A_2757 : vector<16xf32>
      %mul3A_2759 = arith.mulf %add3A_2726, %mul3A_2755 : vector<16xf32>
      %jit3A_2760 = arith.constant 0.000000e+00 : f32
      %broadcast_in_dim3A_2761 = vector.broadcast %jit3A_2760 : f32 to vector<16xf32>
      %select_n3A_2762 = arith.select %gt3A_2758, %mul3A_2759, %broadcast_in_dim3A_2761 : vector<16xi1>, vector<16xf32>
      %mul3A_2763 = arith.constant 16 : i32
      %mul3A_2764 = arith.muli %add3A_534, %mul3A_2763 : i32
      %swap3A_2765 = arith.index_cast %mul3A_2764 : i32 to index
      %swap3A_2766 = tpu.vector_load %arg18[%swap3A_2765] {strides = array<i32>} : memref<512xf32, #tpu.memory_space<vmem>>, vector<16xf32>,
      tpu.vector_store %arg18[%swap3A_2765], %select_n3A_2762 {strides = array<i32>} : memref<512xf32, #tpu.memory_space<vmem>>, vector<16xf32>,
    }
    %scan3A_529 = arith.constant 16 : i32
    "tpu.region"() ({
      %run_scoped3A = tpu.sem_alloc : memref<!tpu.dma_semaphore, #tpu.memory_space<semaphore_mem>>
      %dma_start3A_530 = tpu.memref_slice %arg7[%mul3A_2] : memref<16384xf32, #tpu.memory_space<hbm>> -> memref<512xf32, #tpu.memory_space<hbm>>
      %dma_start3A_531 = tpu.memref_slice %arg7[%mul3A_2] : memref<16384xf32, #tpu.memory_space<hbm>> -> memref<512xf32, #tpu.memory_space<hbm>>
      tpu.enqueue_dma source(%arg18 : memref<512xf32, #tpu.memory_space<vmem>>) target(%dma_start3A_531 : memref<512xf32, #tpu.memory_space<hbm>>) target_semaphore(%run_scoped3A : memref<!tpu.dma_semaphore, #tpu.memory_space<semaphore_mem>>)
      %dma_wait3A = tpu.memref_slice %arg7[%mul3A_2] : memref<16384xf32, #tpu.memory_space<hbm>> -> memref<512xf32, #tpu.memory_space<hbm>>
      %dma_wait3A_532 = tpu.memref_slice %arg7[%mul3A_2] : memref<16384xf32, #tpu.memory_space<hbm>> -> memref<512xf32, #tpu.memory_space<hbm>>
      tpu.wait_dma2 semaphore(%run_scoped3A : memref<!tpu.dma_semaphore, #tpu.memory_space<semaphore_mem>>) src(%arg18 : memref<512xf32, #tpu.memory_space<vmem>>) dst(%dma_wait3A_532 : memref<512xf32, #tpu.memory_space<hbm>>)
      tpu.yield
    }) : () -> ()
    return
  }
}

</mosaic_0001>

<sc_bundles>
// kernel: _transe_sc.3.cloned.1.call-start
scs
__scs_entry_jumppad:
0x0: {  	(pc) =	sbr.rel $0x88, $3  }
0x1: {  	(tag) =	ssettag $0x0;
	lr =	simm.s32 $0x1  }
0x2: {  	[smem:$0x3F9C] =	sst lr;
	_ =	strace $0xD0000000  }
0x3: {  	_ = 	snop  }
0x4: {  	_ = 	snop  }
0x5: {  	_ = 	snop  }
0x6: {  	_ = 	snop  }
0x7: {  	_ = 	snop  }
__scs_overlays_trampoline_lowered:
0x8: {  	[smem:$0x3FAB] =	sst s0  }
0x9: {  	[smem:$0x3FAC] =	sst s1  }
0xa: {  	[smem:$0x3FAD] =	sst s2  }
0xb: {  	[smem:$0x3FAE] =	sst s3  }
0xc: {  	[smem:$0x3FAF] =	sst s4  }
0xd: {  	[smem:$0x3FB0] =	sst s5  }
0xe: {  	[smem:$0x3FB1] =	sst s6  }
0xf: {  	[smem:$0x3FB2] =	sst s7  }
0x10: {  	[smem:$0x3FB3] =	sst s8  }
0x11: {  	[smem:$0x3FB4] =	sst s9;
	s0 =	simm.s32 @!p0 $0x0  }
0x12: {  	s1 =	sld [smem:$0x3F9A];
	s0 =	simm.s32 @p0 $0x1  }
0x13: {  	[smem:$0x3FB5] =	sst s0;
	s0 =	simm.s32 @!p1 $0x0  }
0x14: {  	s2 =	sld [smem:$0x3F99];
	s0 =	simm.s32 @p1 $0x1  }
0x15: {  	[smem:$0x3FB6] =	sst s0;
	s0 =	simm.s32 @!p2 $0x0  }
0x16: {  	s3 =	sld [smem:$0x3FDB];
	s0 =	simm.s32 @p2 $0x1  }
0x17: {  	s4 =	simm.s32 $0x1BF5;
	[smem:$0x3FB8] =	sst s0  }
0x18: {  	s0 =	sld [smem:$0x3F9B];
	_ =	swait.ge [sflag:s4], $0x0  }
0x19: {  	s7 =	sld [smem:$0x3F9C]  }
0x1a: {  	s8 =	sadd.s32 $0xFFFFE003, lr  }
0x1b: {  	s9 =	sadd.s32 $0xFFFFFEF7, lr;
	s5 =	simm.s32 $0xFFFFFFFF;
	p2 =	slt.u32 s8, $0xFFFFF086  }
0x1c: {  	p1 =	slt.u32 s9, $0xF7A;
	s5 =	simm.s32 @!p2 $0x0  }
0x1d: {  	s5 =	simm.s32 @p1 $0x1;
	p0 =	seq.s32 s7, s2  }
0x1e: {  	s7 =	smul.u32 @!p0 $0xF7A, s2;
	p2 =	seq.s32 @!p0 s5, $0x0  }
0x1f: {  	s9 =	smul.u32 $0xF7A, s1;
	s8 =	simm.s32 @!p0 $0x1BF5;
	p2 =	por !p2, p0  }
0x20: {  	[sflag:s8] =	ssyncset.s32 @!p0 $0xFFFFF086;
	s6 =	sadd.s32 @!p0 s3, s7;
	s7 =	simm.s32 @!p0 $0x108  }
0x21: {  	s3 =	sadd.s32 s3, s9;
	s6 =	sadd.s32 @!p0 $0x88, s6;
	s7 =	simm.s32 @p2 $0x1082  }
0x22: {  	[simem:s7], [sflag:s8] =	dma.local @!p0 [hbm:s6], $0xF7A  }
0x23: {  	s9 =	sor.u32 $0xD0000000, s2;
	s6 =	simm.s32 $0x108;
	_ =	swait.ge @!p0 [sflag:s8], $0x0  }
0x24: {  	s3 =	sadd.s32 $0x88, s3;
	s6 =	simm.s32 @!p1 $0x1082;
	[sflag:s4] =	ssyncset.s32 $0xFFFFF086  }
0x25: {  	[simem:s6], [sflag:s4] =	dma.local [hbm:s3], $0xF7A  }
0x26: {  	[smem:$0x3F9C] =	sst s1;
	(tag) =	ssettag s2;
	_ =	strace s9  }
0x27: {  	s1 =	sld [smem:$0x3FAC]  }
0x28: {  	s2 =	sld [smem:$0x3FAD]  }
0x29: {  	s4 =	sld [smem:$0x3FAF]  }
0x2a: {  	p0 =	seq.s32 s5, $0x0;
	s5 =	sld [smem:$0x3FB0]  }
0x2b: {  	s6 =	sld [smem:$0x3FB1]  }
0x2c: {  	s7 =	sld [smem:$0x3FB2]  }
0x2d: {  	s3 =	simm.s32 $0x108;
	s8 =	sld [smem:$0x3FB3]  }
0x2e: {  	s3 =	simm.s32 @!p0 $0x1082;
	s9 =	sld [smem:$0x3FB4]  }
0x2f: {  	lr =	sadd.s32 s0, s3;
	s0 =	sld [smem:$0x3FAB]  }
0x30: {  	s3 =	sld [smem:$0x3FAE]  }
0x31: {  	[smem:$0x3FB7] =	sst s10  }
0x32: {  	s10 =	sld [smem:$0x3FB5];
	_ =	sdelay $0x3  }
0x33: {  	p0 =	seq.s32 s10, $0x1;
	s10 =	sld [smem:$0x3FB7];
	_ =	sdelay $0x3  }
0x34: {  	[smem:$0x3FB7] =	sst s10  }
0x35: {  	s10 =	sld [smem:$0x3FB6];
	_ =	sdelay $0x3  }
0x36: {  	p1 =	seq.s32 s10, $0x1;
	s10 =	sld [smem:$0x3FB7];
	_ =	sdelay $0x3  }
0x37: {  	[smem:$0x3FB7] =	sst s10  }
0x38: {  	s10 =	sld [smem:$0x3FB8]  }
0x39: {  	_ = 	snop;
	(pc) =	sbr.ind lr, $3  }
0x3a: {  	_ = 	snop  }
0x3b: {  	_ = 	snop  }
0x3c: {  	p2 =	seq.s32 s10, $0x1;
	s10 =	sld [smem:$0x3FB7]  }
0x3d: {  	_ =	shalt  }
0x3e: {  	_ =	shalt  }
0x3f: {  	_ =	shalt  }
0x40: {  	_ =	shalt  }
0x41: {  	_ =	shalt  }
0x42: {  	_ =	shalt  }
0x43: {  	_ =	shalt  }
0x44: {  	_ =	shalt  }
0x45: {  	_ =	shalt  }
0x46: {  	_ =	shalt  }
0x47: {  	_ =	shalt  }
0x48: {  	_ =	shalt  }
0x49: {  	_ =	shalt  }
0x4a: {  	_ =	shalt  }
0x4b: {  	_ =	shalt  }
0x4c: {  	_ =	shalt  }
0x4d: {  	_ =	shalt  }
0x4e: {  	_ =	shalt  }
0x4f: {  	_ =	shalt  }
0x50: {  	_ =	shalt  }
0x51: {  	_ =	shalt  }
0x52: {  	_ =	shalt  }
0x53: {  	_ =	shalt  }
0x54: {  	_ =	shalt  }
0x55: {  	_ =	shalt  }
0x56: {  	_ =	shalt  }
0x57: {  	_ =	shalt  }
0x58: {  	_ =	shalt  }
0x59: {  	_ =	shalt  }
0x5a: {  	_ =	shalt  }
0x5b: {  	_ =	shalt  }
0x5c: {  	_ =	shalt  }
0x5d: {  	_ =	shalt  }
0x5e: {  	_ =	shalt  }
0x5f: {  	_ =	shalt  }
0x60: {  	_ =	shalt  }
0x61: {  	_ =	shalt  }
0x62: {  	_ =	shalt  }
0x63: {  	_ =	shalt  }
0x64: {  	_ =	shalt  }
0x65: {  	_ =	shalt  }
0x66: {  	_ =	shalt  }
0x67: {  	_ =	shalt  }
0x68: {  	_ =	shalt  }
0x69: {  	_ =	shalt  }
0x6a: {  	_ =	shalt  }
0x6b: {  	_ =	shalt  }
0x6c: {  	_ =	shalt  }
0x6d: {  	_ =	shalt  }
0x6e: {  	_ =	shalt  }
0x6f: {  	_ =	shalt  }
0x70: {  	_ =	shalt  }
0x71: {  	_ =	shalt  }
0x72: {  	_ =	shalt  }
0x73: {  	_ =	shalt  }
0x74: {  	_ =	shalt  }
0x75: {  	_ =	shalt  }
0x76: {  	_ =	shalt  }
0x77: {  	_ =	shalt  }
0x78: {  	_ =	shalt  }
0x79: {  	_ =	shalt  }
0x7a: {  	_ =	shalt  }
0x7b: {  	_ =	shalt  }
0x7c: {  	_ =	shalt  }
0x7d: {  	_ =	shalt  }
0x7e: {  	_ =	shalt  }
0x7f: {  	_ =	shalt  }
0x80: {  	_ =	shalt  }
0x81: {  	_ =	shalt  }
0x82: {  	_ =	shalt  }
0x83: {  	_ =	shalt  }
0x84: {  	_ =	shalt  }
0x85: {  	_ =	shalt  }
0x86: {  	_ =	shalt  }
0x87: {  	_ =	shalt  }
.Lfunc_end0:
.L_simem_size_0:
called_computation_lowered:
.L_overlay_start_0:
0x88: {  	s2 =	sld [smem:$0x3FD9]  }
0x89: {  	s3 =	sld [smem:$0x3FFE];
	_ =	sdelay $0x1  }
0x8a: {  	s1 =	srdreg.scid  }
0x8b: {  	s0 =	sand.u32 $0x1, s1  }
0x8c: {  	s17 =	sshll.u32 s0, $0xA;
	s2 =	sadd.s32 s3, s2  }
0x8d: {  	s2 =	sadd.s32 s2, s17  }
0x8e: {  	[smem:$0x3FC3] =	sst s2  }
0x8f: {  	_ = 	snop  }
0x90: {  	s2 =	sld [smem:$0x3FC9]  }
0x91: {  	s18 =	sld [smem:$0x3FC8]  }
0x92: {  	s4 =	sld [smem:$0x3FC7]  }
0x93: {  	s5 =	sld [smem:$0x3FC5]  }
0x94: {  	s6 =	sld [smem:$0x3FD0];
	(tm) =	ssettm $0x1  }
0x95: {  	s7 =	sld [smem:$0x3FFB];
	_ =	sdelay $0x3  }
0x96: {  	_ =	strace s7  }
0x97: {  	s7 =	sld [smem:$0x3FFC];
	_ =	sdelay $0x3  }
0x98: {  	_ =	strace s7  }
0x99: {  	s7 =	sld [smem:$0x3FFD];
	_ =	sdelay $0x3  }
0x9a: {  	_ =	strace s7  }
0x9b: {  	_ =	strace $0x8FFFFFFF  }
0x9c: {  	s19 =	sld [smem:$0x3FDB];
	_ =	sdelay $0x1  }
0x9d: {  	s8 =	simm.s32 $_scs_section_size  }
0x9e: {  	s9 =	simm.s32 $_size__tile_overlayer_lowered;
	s10 =	simm.s32 $_tile_overlayer_lowered  }
0x9f: {  	s22 =	simm.s32 $0x1BFF;
	s21 =	sshll.u32 s10, $0x1;
	s7 =	sadd.s32 s8, s19  }
0xa0: {  	s11 =	simm.s32 $0x0;
	s20 =	sshll.u32 s9, $0x1;
	s9 =	sadd.s32 s21, s7  }
0xa1: {  	[timem:s11], [sflag:s22] =	dma.local [hbm:s9], s20  }
0xa2: {  	_ =	swait.ge [sflag:s22], s20  }
0xa3: {  	s8 =	ssub.s32 $0x0, s20;
	[sflag:s22] =	ssyncset.done $0x0  }
0xa4: {  	[sflag:s22] =	ssyncadd.s32 s8;
	_ =	sdelay $0x1  }
0xa5: {  	s23 =	simm.s32 $0x1B8B  }
0xa6: {  	_ =	swait.ge [sflag:s23], $0x1  }
0xa7: {  	[sflag:s23] =	ssyncset.done $0x0  }
0xa8: {  	s25 =	simm.s32 $0x1B8E;
	s24 =	sld [smem:$0x3FFE];
	[sflag:s23] =	ssyncadd.s32 $0xFFFFFFFF  }
0xa9: {  	s26 =	simm.s32 $execute0_lowered;
	[smem:$0x3FD2] =	sst s25  }
0xaa: {  	s9 =	sshll.u32 s26, $0x1;
	_ =	strace $0x80000046;
	[dreg:$0x1] =	wrdreg $0xFFFFFFFF  }
0xab: {  	s28 =	simm.s32 $_size_execute0_lowered;
	s7 =	sadd.s32 s7, s9;
	[dreg:$0x0] =	wrdreg $0x0  }
0xac: {  	s9 =	sshll.u32 s28, $0x1;
	[dreg:$0x2] =	wrdreg s7  }
0xad: {  	[dreg:$0x3] =	wrdreg s9  }
0xae: {  	[dreg:$0x4] =	wrdreg $0xC0  }
0xaf: {  	_ =	task [dreg:s11], $0x5FFFF  }
0xb0: {  	[dreg:$0x1] =	wrdreg $0xFFFFFFFF  }
0xb1: {  	[dreg:$0x0] =	wrdreg $0x60  }
0xb2: {  	[dreg:$0x2] =	wrdreg s2  }
0xb3: {  	[dreg:$0x3] =	wrdreg s18  }
0xb4: {  	[dreg:$0x4] =	wrdreg s4  }
0xb5: {  	[dreg:$0x5] =	wrdreg s24  }
0xb6: {  	[dreg:$0x6] =	wrdreg s5  }
0xb7: {  	[dreg:$0x7] =	wrdreg s6  }
0xb8: {  	[dreg:$0x8] =	wrdreg $0x9  }
0xb9: {  	_ =	task.clear_ibuf [dreg:s11], $0x9FFFF;
	_ =	strace $0x90000046  }
0xba: {  	s29 =	simm.s32 $0x9;
	_ =	strace $0x80000048  }
0xbb: {  	_ =	swait.ge [sflag:s29], $0x1  }
0xbc: {  	[sflag:s29] =	ssyncadd.s32 $0xFFFFFFFF  }
0xbd: {  	_ =	strace $0x90000048  }
0xbe: {  	_ =	sfence  }
0xbf: {  	s30 =	sld [smem:$0x0];
	_ =	sdelay $0x2  }
0xc0: {  	s31 =	sshll.u32 s1, $0xD;
	s1 =	sshrl.u32 s1, $0x2  }
0xc1: {  	s3 =	sand.u32 $0x4000, s31;
	s1 =	sadd.s32 s1, s30  }
0xc2: {  	s0 =	sor.u32 s3, s0;
	s1 =	sshll.u32 s1, $0x11  }
0xc3: {  	s0 =	sor.u32 s1, s0  }
0xc4: {  	s0 =	sadd.s32 $0x8F2B, s0  }
0xc5: {  	[sflag:s0] =	ssyncadd.remote.s32 $0x1  }
0xc6: {  	_ =	sfence.sel $0xFFFF  }
0xc7: {  	[dreg:$0x0] =	wrdreg $0xFFFFFFFF;
	(pc) =	sbr.abs _section_cstart, $3  }
0xc8: {  	[dreg:$0x1] =	wrdreg $0xFFFFFFFF  }
0xc9: {  	_ =	task.clear_ibuf [dreg:s11], $0x2FFFF;
	_ =	strace $0x9FFFFFFF  }
0xca: {  	(tm) =	ssettm $0x7FFFFFFF  }
0xcb: {  	_ =	shalt  }
tec
execute0_lowered:
.L_overlay_start_1:
0x0: {  	(tag) =	ssettag $0x1  }
0x1: {  	s0 =	rddreg [dreg:$0x0]  }
0x2: {  	s1 =	rddreg [dreg:$0x1];
	v0 =	vlaneseq.u32  }
0x3: {  	s2 =	rddreg [dreg:$0x2];
	v0 =	vmul.u32 $0x80, v0  }
0x4: {  	s4 =	rddreg [dreg:$0x3];
	s3 =	simm.s32 $0x0  }
0x5: {  	[smem:$0x7FF] =	sst s3;
	v2 =	vor.u32 $0x1, v0  }
0x6: {  	s5 =	rddreg [dreg:$0x5];
	_ =	strace $0x80000047;
	[tilespmem:$0x1FD50] =	vst v2;
	v2 =	vor.u32 $0x2, v0  }
0x7: {  	[tilespmem:$0x1FD60] =	vst v2;
	v2 =	vor.u32 $0x3, v0  }
0x8: {  	[tilespmem:$0x1FD70] =	vst v2;
	v2 =	vor.u32 $0x4, v0  }
0x9: {  	[tilespmem:$0x1FD80] =	vst v2;
	v2 =	vor.u32 $0x5, v0  }
0xa: {  	[tilespmem:$0x1FD90] =	vst v2;
	v2 =	vor.u32 $0x6, v0  }
0xb: {  	[tilespmem:$0x1FDA0] =	vst v2;
	v2 =	vor.u32 $0x7, v0  }
0xc: {  	[tilespmem:$0x1FDB0] =	vst v2;
	v2 =	vor.u32 $0x8, v0  }
0xd: {  	[tilespmem:$0x1FDC0] =	vst v2;
	v2 =	vor.u32 $0x9, v0  }
0xe: {  	[tilespmem:$0x1FDD0] =	vst v2;
	v2 =	vor.u32 $0xA, v0  }
0xf: {  	[tilespmem:$0x1FDE0] =	vst v2;
	v2 =	vor.u32 $0xB, v0  }
0x10: {  	[tilespmem:$0x1FDF0] =	vst v2;
	v2 =	vor.u32 $0xC, v0  }
0x11: {  	[tilespmem:$0x1FE00] =	vst v2;
	v2 =	vor.u32 $0xD, v0  }
0x12: {  	[tilespmem:$0x1FE10] =	vst v2;
	v2 =	vor.u32 $0xE, v0  }
0x13: {  	[tilespmem:$0x1FE20] =	vst v2;
	v2 =	vor.u32 $0xF, v0  }
0x14: {  	[tilespmem:$0x1FE30] =	vst v2;
	v2 =	vor.u32 $0x10, v0  }
0x15: {  	[tilespmem:$0x1FE40] =	vst v2;
	v2 =	vor.u32 $0x11, v0  }
0x16: {  	[tilespmem:$0x1FE50] =	vst v2;
	v2 =	vor.u32 $0x12, v0  }
0x17: {  	[tilespmem:$0x1FE60] =	vst v2;
	v2 =	vor.u32 $0x13, v0  }
0x18: {  	[tilespmem:$0x1FE70] =	vst v2;
	v2 =	vor.u32 $0x14, v0  }
0x19: {  	[tilespmem:$0x1FE80] =	vst v2;
	v2 =	vor.u32 $0x15, v0  }
0x1a: {  	[tilespmem:$0x1FE90] =	vst v2;
	v2 =	vor.u32 $0x16, v0  }
0x1b: {  	[tilespmem:$0x1FEA0] =	vst v2;
	v2 =	vor.u32 $0x17, v0  }
0x1c: {  	[tilespmem:$0x1FEB0] =	vst v2;
	v2 =	vor.u32 $0x18, v0  }
0x1d: {  	[tilespmem:$0x1FEC0] =	vst v2;
	v2 =	vor.u32 $0x19, v0  }
0x1e: {  	[tilespmem:$0x1FED0] =	vst v2;
	v2 =	vor.u32 $0x1A, v0  }
0x1f: {  	[tilespmem:$0x1FEE0] =	vst v2;
	v2 =	vor.u32 $0x1B, v0  }
0x20: {  	[tilespmem:$0x1FEF0] =	vst v2;
	v2 =	vor.u32 $0x1C, v0  }
0x21: {  	s6 =	srdreg.scid;
	[tilespmem:$0x1FF00] =	vst v2;
	v2 =	vor.u32 $0x1D, v0  }
0x22: {  	s8 =	stileid.u32;
	s13 =	simm.s32 $0xE00;
	s14 =	simm.s32 $0x10A00;
	[tilespmem:$0x1FF10] =	vst v2;
	v2 =	vor.u32 $0x1E, v0  }
0x23: {  	s15 =	simm.s32 $0x11A00;
	s11 =	simm.s32 $0x11580;
	s12 =	simm.s32 $0x12580;
	[tilespmem:$0x1FF20] =	vst v2;
	v2 =	vor.u32 $0x1F, v0  }
0x24: {  	s10 =	simm.s32 $0x12700;
	s16 =	simm.s32 $0x11780;
	s17 =	simm.s32 $0x12780;
	[tilespmem:$0x1FF30] =	vst v2;
	v2 =	vor.u32 $0x20, v0  }
0x25: {  	s18 =	simm.s32 $0x11800;
	s19 =	simm.s32 $0x12800;
	s20 =	simm.s32 $0x11880;
	[tilespmem:$0x1FF40] =	vst v2;
	v2 =	vor.u32 $0x21, v0  }
0x26: {  	s21 =	simm.s32 $0x12880;
	s22 =	simm.s32 $0x11900;
	s23 =	simm.s32 $0x12900;
	[tilespmem:$0x1FF50] =	vst v2;
	v2 =	vor.u32 $0x22, v0  }
0x27: {  	s24 =	simm.s32 $0x11980;
	s25 =	simm.s32 $0x12980;
	s6 =	sand.u32 $0x1, s6;
	[tilespmem:$0x1FF60] =	vst v2;
	v2 =	vor.u32 $0x23, v0  }
0x28: {  	s28 =	simm.s32 $0x2;
	s8 =	sshll.u32 s8, $0x7;
	s7 =	ssub.s32 $0x2, s6;
	[tilespmem:$0x1FF70] =	vst v2;
	v2 =	vor.u32 $0x24, v0  }
0x29: {  	s4 =	sadd.s32 $0x400, s4;
	s6 =	sshll.u32 s6, $0x6;
	s9 =	sshrl.u32 s7, $0x1;
	[tilespmem:$0x1FF80] =	vst v2;
	v2 =	vor.u32 $0x25, v0  }
0x2a: {  	v1 =	vimm.s32 $0x0;
	s6 =	sor.u32 s6, s8;
	s8 =	simm.s32 $0x12680;
	s7 =	ssub.s32 s7, s9;
	[tilespmem:$0x1FF90] =	vst v2;
	v2 =	vor.u32 $0x26, v0  }
0x2b: {  	v45 =	vor.u32 $0x2C, v0;
	v46 =	vor.u32 $0x2D, v0;
	s0 =	sadd.s32 s0, s6;
	s26 =	sadd.s32 s1, s6;
	s29 =	sadd.s32 s2, s6;
	[tilespmem:$0x1FFA0] =	vst v2;
	v2 =	vor.u32 $0x27, v0  }
.Ltmp0:
0x2c: {  	v47 =	vor.u32 $0x2E, v0;
	v48 =	vor.u32 $0x2F, v0;
	s30 =	sadd.s32 s5, s6;
	[dreg:$0x7] =	wrdreg s0;
	[tilespmem:$0x1FFB0] =	vst v2;
	v2 =	vor.u32 $0x28, v0;
	(pc) =	sbr.rel .LBB2_1-.Ltmp0, $4  }
0x2d: {  	v49 =	vor.u32 $0x30, v0;
	v50 =	vor.u32 $0x31, v0;
	s2 =	simm.s32 $0x3;
	s5 =	simm.s32 $0x11600;
	[dreg:$0x8] =	wrdreg s26;
	[tilespmem:$0x1FFC0] =	vst v2;
	v2 =	vor.u32 $0x29, v0  }
0x2e: {  	v51 =	vor.u32 $0x32, v0;
	v52 =	vor.u32 $0x33, v0;
	s6 =	simm.s32 $0x12600;
	s9 =	simm.s32 $0x11700;
	[dreg:$0x9] =	wrdreg s29;
	[tilespmem:$0x1FFD0] =	vst v2;
	v2 =	vor.u32 $0x2A, v0  }
0x2f: {  	v53 =	vor.u32 $0x34, v0;
	v54 =	vor.u32 $0x35, v0;
	s1 =	simm.s32 $0x0;
	[dreg:$0xa] =	wrdreg s30;
	s31 =	smax.u32 s7, $0x1;
	[tilespmem:$0x1FFE0] =	vst v2;
	v2 =	vor.u32 $0x2B, v0  }
0x30: {  	v55 =	vor.u32 $0x36, v0;
	v56 =	vor.u32 $0x37, v0;
	v57 =	vor.u32 $0x38, v0;
	s7 =	simm.s32 $0x11680;
	s26 =	simm.s32 $0x1;
	[dreg:$0xb] =	wrdreg s31;
	[tilespmem:$0x1FFF0] =	vst v2  }
.LBB2_7:
0x31: {  	s0 =	rddreg [dreg:$0xa];
	s1 =	simm.s32 $0x12A00;
	s2 =	simm.s32 $0x3  }
0x32: {  	[hbm4b:s0+s3] =	stream.linear.scatter [tilespmem:s1], [sflag:$0x3], $0x200, $0x38;
	[tilespmem:$0x12C00] =	vst v63  }
0x33: {  	_ =	swait.ge [sflag:s2], $0x200  }
0x34: {  	s30 =	rddreg [dreg:$0xc]  }
0x35: {  	s31 =	rddreg [dreg:$0xb];
	s1 =	sadd.s32 $0x1, s30  }
0x36: {  	p0 =	sne.s32 s1, s31  }
.Ltmp1:
0x37: {  	_ = 	snop;
	(pc) =	sbr.rel @!p0 .LBB2_8-.Ltmp1, $3  }
0x38: {  	_ =	sdelay $0x1  }
0x39: {  	[sflag:s2] =	ssyncset.done $0x0  }
0x3a: {  	[sflag:s2] =	ssyncadd.s32 $0xFFFFFE00  }
.LBB2_1:
0x3b: {  	[dreg:$0xc] =	wrdreg s1  }
0x3c: {  	s0 =	rddreg [dreg:$0x7]  }
0x3d: {  	[tilespmem:s3], [sflag:$0x3] =	stream.linear.gather [hbm4b:s0+s3], $0x200, $0x38;
	[tilespmem:$0x12C00] =	vst v63  }
0x3e: {  	_ =	swait.ge [sflag:s2], $0x200  }
0x3f: {  	[sflag:s2] =	ssyncset.done $0x0  }
0x40: {  	s29 =	simm.s32 $0x200;
	s31 =	rddreg [dreg:$0x8];
	[sflag:s2] =	ssyncadd.s32 $0xFFFFFE00  }
0x41: {  	[tilespmem:s29], [sflag:$0x3] =	stream.linear.gather [hbm4b:s31+s3], $0x200, $0x38;
	[tilespmem:$0x12C00] =	vst v63  }
0x42: {  	_ =	swait.ge [sflag:s2], $0x200  }
0x43: {  	[sflag:s2] =	ssyncset.done $0x0  }
0x44: {  	s29 =	simm.s32 $0x400;
	s1 =	rddreg [dreg:$0x9];
	[sflag:s2] =	ssyncadd.s32 $0xFFFFFE00  }
0x45: {  	[tilespmem:s29], [sflag:$0x3] =	stream.linear.gather [hbm4b:s1+s3], $0x200, $0x38;
	[tilespmem:$0x12C00] =	vst v63  }
0x46: {  	_ =	swait.ge [sflag:s2], $0x200  }
0x47: {  	[sflag:s2] =	ssyncset.done $0x0  }
0x48: {  	[sflag:s2] =	ssyncadd.s32 $0xFFFFFE00  }
0x49: {  	s31 =	rddreg [dreg:$0x4]  }
0x4a: {  	[tilespmem:s13], [sflag:$0x3] =	stream.linear.gather [hbm4b:s31+s3], $0xFA00, $0x38;
	[tilespmem:$0x12C00] =	vst v63  }
0x4b: {  	_ =	swait.ge [sflag:s2], $0xFA00  }
0x4c: {  	[sflag:s2] =	ssyncset.done $0x0  }
0x4d: {  	s29 =	simm.s32 $0x0;
	[sflag:s2] =	ssyncadd.s32 $0xFFFF0600  }
0x4e: {  	v58 =	vld [tilespmem:s29+$0x400]  }
0x4f: {  	v59 =	vld [tilespmem:s29+$0x0];
	_ =	sdelay $0x2  }
0x50: {  	s30 =	simm.s32 $0x40  }
.LBB2_2:
0x51: {  	s31 =	sshra.s32 s30, $0x2;
	p0 =	sne.s32 s30, $0x7C0;
	s30 =	sadd.s32 $0x40, s30;
	vm0 =	vgt.s32 v58, $0x7A11F;
	v60 =	vmov v58  }
.Ltmp2:
0x52: {  	v58 =	vld [tilespmem:s31+$0x400];
	vm1 =	vgt.s32 v59, $0x7A11F;
	v61 =	vsel vm0, $0x1, v1;
	v62 =	vsel vm0, $0xFFF85EE0, v1;
	v63 =	vmovc v59;
	(pc) =	sbr.rel @p0 .LBB2_2-.Ltmp2, $4  }
0x53: {  	v59 =	vld [tilespmem:s31+$0x0];
	v2 =	vsel vm1, $0x1, v1;
	v3 =	vsel vm1, $0xFFF85EE0, v1;
	[tilespmem:s29+$0xA00] =	vst v61;
	v60 =	vadd.s32 v60, v62  }
0x54: {  	v3 =	vadd.s32 v63, v3;
	[tilespmem:s29+$0xC00] =	vst v60  }
0x55: {  	[tilespmem:s29+$0x800] =	vst v3  }
0x56: {  	[tilespmem:s29+$0x600] =	vst v2;
	s29 =	smov.u32 s31  }
0x57: {  	vm0 =	vgt.s32 v58, $0x7A11F  }
0x58: {  	vm1 =	vgt.s32 v59, $0x7A11F;
	v2 =	vsel vm0, $0x1, v1;
	v3 =	vsel vm0, $0xFFF85EE0, v1  }
0x59: {  	v60 =	vsel vm1, $0xFFF85EE0, v1;
	[tilespmem:s29+$0xA00] =	vst v2;
	v2 =	vadd.s32 v58, v3  }
0x5a: {  	v3 =	vadd.s32 v59, v60;
	[tilespmem:s29+$0xC00] =	vst v2  }
0x5b: {  	v2 =	vsel vm1, $0x1, v1;
	[tilespmem:s29+$0x800] =	vst v3  }
0x5c: {  	[tilespmem:s29+$0x600] =	vst v2  }
0x5d: {  	v3 =	vld [tilespmem:$0x800]  }
0x5e: {  	v2 =	vld [tilespmem:$0x600];
	_ =	sdelay $0x3  }
0x5f: {  	v44 =	vshll.u32 v3, $0x7  }
0x60: {  	v61 =	vmul.u32 $0x3D09000, v2;
	v3 =	vld [tilespmem:$0xC00];
	(v2sf) =	vpush v44, $0x0  }
0x61: {  	v2 =	vld [tilespmem:$0xA00]  }
0x62: {  	(v2sf) =	vpush v61, $0x0;
	_ =	sdelay $0x2  }
0x63: {  	v62 =	vshll.u32 v3, $0x7  }
0x64: {  	v63 =	vmul.u32 $0x3D09000, v2;
	(v2sf) =	vpush v62, $0x0;
	_ =	sdelay $0x1  }
0x65: {  	(v2sf) =	vpush v63, $0x0;
	_ =	sdelay $0x5  }
0x66: {  	(v2sf) =	vpush v44, $0x1  }
0x67: {  	s29 =	spop (v2sf);
	(v2sf) =	vpush v61, $0x1;
	_ =	sdelay $0x1  }
0x68: {  	s30 =	sand.u32 $0xFFFFFC00, s29;
	s31 =	spop (v2sf)  }
0x69: {  	s29 =	sand.u32 $0x380, s29;
	s30 =	sadd.s32 s31, s30  }
0x6a: {  	s29 =	sor.u32 s29, s30  }
0x6b: {  	s29 =	sshrl.u32 s29, $0x3  }
0x6c: {  	(v2sf) =	vpush v62, $0x1;
	s0 =	sadd.s32 s4, s29;
	s29 =	simm.s32 $0x0;
	s1 =	spop (v2sf)  }
0x6d: {  	(v2sf) =	vpush v63, $0x1;
	[tilespmem:s14], [sflag:$0x1] =	stream.linear.gather [hbm4b:s0+s29], $0x80, $0x38;
	[tilespmem:$0x12C00] =	vst v63  }
0x6e: {  	s2 =	sand.u32 $0xFFFFFC00, s1;
	s0 =	spop (v2sf)  }
0x6f: {  	s30 =	sand.u32 $0x380, s1;
	s0 =	sadd.s32 s0, s2  }
0x70: {  	s0 =	sor.u32 s30, s0  }
0x71: {  	s0 =	sshrl.u32 s0, $0x3  }
0x72: {  	s0 =	sadd.s32 s4, s0  }
0x73: {  	(v2sf) =	vpush v44, $0x2;
	[tilespmem:s15], [sflag:$0x1] =	stream.linear.gather [hbm4b:s0+s29], $0x80, $0x38;
	[tilespmem:$0x12C00] =	vst v63  }
0x74: {  	s0 =	spop (v2sf);
	(v2sf) =	vpush v61, $0x2  }
0x75: {  	s1 =	sand.u32 $0xFFFFFC00, s0;
	s2 =	spop (v2sf)  }
0x76: {  	s0 =	sand.u32 $0x380, s0;
	s30 =	sadd.s32 s2, s1  }
0x77: {  	s0 =	sor.u32 s0, s30  }
0x78: {  	s0 =	sshrl.u32 s0, $0x3  }
0x79: {  	s2 =	simm.s32 $0x10A80;
	s0 =	sadd.s32 s4, s0  }
0x7a: {  	(v2sf) =	vpush v62, $0x2;
	[tilespmem:s2], [sflag:$0x1] =	stream.linear.gather [hbm4b:s0+s29], $0x80, $0x38;
	[tilespmem:$0x12C00] =	vst v63  }
0x7b: {  	s0 =	spop (v2sf);
	(v2sf) =	vpush v63, $0x2  }
0x7c: {  	s1 =	sand.u32 $0xFFFFFC00, s0;
	s2 =	spop (v2sf)  }
0x7d: {  	s0 =	sand.u32 $0x380, s0;
	s30 =	sadd.s32 s2, s1  }
0x7e: {  	s0 =	sor.u32 s0, s30  }
0x7f: {  	s0 =	sshrl.u32 s0, $0x3  }
0x80: {  	s31 =	simm.s32 $0x11A80;
	s0 =	sadd.s32 s4, s0  }
0x81: {  	(v2sf) =	vpush v44, $0x3;
	[tilespmem:s31], [sflag:$0x1] =	stream.linear.gather [hbm4b:s0+s29], $0x80, $0x38;
	[tilespmem:$0x12C00] =	vst v63  }
0x82: {  	s0 =	spop (v2sf);
	(v2sf) =	vpush v61, $0x3  }
0x83: {  	s1 =	sand.u32 $0xFFFFFC00, s0;
	s2 =	spop (v2sf)  }
0x84: {  	s0 =	sand.u32 $0x380, s0;
	s30 =	sadd.s32 s2, s1  }
0x85: {  	s0 =	sor.u32 s0, s30  }
0x86: {  	s0 =	sshrl.u32 s0, $0x3  }
0x87: {  	s31 =	simm.s32 $0x10B00;
	s0 =	sadd.s32 s4, s0  }
0x88: {  	(v2sf) =	vpush v62, $0x3;
	[tilespmem:s31], [sflag:$0x1] =	stream.linear.gather [hbm4b:s0+s29], $0x80, $0x38;
	[tilespmem:$0x12C00] =	vst v63  }
0x89: {  	s0 =	spop (v2sf);
	(v2sf) =	vpush v63, $0x3  }
0x8a: {  	s1 =	sand.u32 $0xFFFFFC00, s0;
	s2 =	spop (v2sf)  }
0x8b: {  	s0 =	sand.u32 $0x380, s0;
	s30 =	sadd.s32 s2, s1  }
0x8c: {  	s0 =	sor.u32 s0, s30  }
0x8d: {  	s0 =	sshrl.u32 s0, $0x3  }
0x8e: {  	s31 =	simm.s32 $0x11B00;
	s0 =	sadd.s32 s4, s0  }
0x8f: {  	(v2sf) =	vpush v44, $0x4;
	[tilespmem:s31], [sflag:$0x1] =	stream.linear.gather [hbm4b:s0+s29], $0x80, $0x38;
	[tilespmem:$0x12C00] =	vst v63  }
0x90: {  	s0 =	spop (v2sf);
	(v2sf) =	vpush v61, $0x4  }
0x91: {  	s1 =	sand.u32 $0xFFFFFC00, s0;
	s2 =	spop (v2sf)  }
0x92: {  	s0 =	sand.u32 $0x380, s0;
	s30 =	sadd.s32 s2, s1  }
0x93: {  	s0 =	sor.u32 s0, s30  }
0x94: {  	s0 =	sshrl.u32 s0, $0x3  }
0x95: {  	s31 =	simm.s32 $0x10B80;
	s0 =	sadd.s32 s4, s0  }
0x96: {  	(v2sf) =	vpush v62, $0x4;
	[tilespmem:s31], [sflag:$0x1] =	stream.linear.gather [hbm4b:s0+s29], $0x80, $0x38;
	[tilespmem:$0x12C00] =	vst v63  }
0x97: {  	s0 =	spop (v2sf);
	(v2sf) =	vpush v63, $0x4  }
0x98: {  	s1 =	sand.u32 $0xFFFFFC00, s0;
	s2 =	spop (v2sf)  }
0x99: {  	s0 =	sand.u32 $0x380, s0;
	s30 =	sadd.s32 s2, s1  }
0x9a: {  	s0 =	sor.u32 s0, s30  }
0x9b: {  	s0 =	sshrl.u32 s0, $0x3  }
0x9c: {  	s31 =	simm.s32 $0x11B80;
	s0 =	sadd.s32 s4, s0  }
0x9d: {  	(v2sf) =	vpush v44, $0x5;
	[tilespmem:s31], [sflag:$0x1] =	stream.linear.gather [hbm4b:s0+s29], $0x80, $0x38;
	[tilespmem:$0x12C00] =	vst v63  }
0x9e: {  	s0 =	spop (v2sf);
	(v2sf) =	vpush v61, $0x5  }
0x9f: {  	s1 =	sand.u32 $0xFFFFFC00, s0;
	s2 =	spop (v2sf)  }
0xa0: {  	s0 =	sand.u32 $0x380, s0;
	s30 =	sadd.s32 s2, s1  }
0xa1: {  	s0 =	sor.u32 s0, s30  }
0xa2: {  	s0 =	sshrl.u32 s0, $0x3  }
0xa3: {  	s31 =	simm.s32 $0x10C00;
	s0 =	sadd.s32 s4, s0  }
0xa4: {  	(v2sf) =	vpush v62, $0x5;
	[tilespmem:s31], [sflag:$0x1] =	stream.linear.gather [hbm4b:s0+s29], $0x80, $0x38;
	[tilespmem:$0x12C00] =	vst v63  }
0xa5: {  	s0 =	spop (v2sf);
	(v2sf) =	vpush v63, $0x5  }
0xa6: {  	s1 =	sand.u32 $0xFFFFFC00, s0;
	s2 =	spop (v2sf)  }
0xa7: {  	s0 =	sand.u32 $0x380, s0;
	s30 =	sadd.s32 s2, s1  }
0xa8: {  	s0 =	sor.u32 s0, s30  }
0xa9: {  	s0 =	sshrl.u32 s0, $0x3  }
0xaa: {  	s31 =	simm.s32 $0x11C00;
	s0 =	sadd.s32 s4, s0  }
0xab: {  	(v2sf) =	vpush v44, $0x6;
	[tilespmem:s31], [sflag:$0x1] =	stream.linear.gather [hbm4b:s0+s29], $0x80, $0x38;
	[tilespmem:$0x12C00] =	vst v63  }
0xac: {  	s0 =	spop (v2sf);
	(v2sf) =	vpush v61, $0x6  }
0xad: {  	s1 =	sand.u32 $0xFFFFFC00, s0;
	s2 =	spop (v2sf)  }
0xae: {  	s0 =	sand.u32 $0x380, s0;
	s30 =	sadd.s32 s2, s1  }
0xaf: {  	s0 =	sor.u32 s0, s30  }
0xb0: {  	s0 =	sshrl.u32 s0, $0x3  }
0xb1: {  	s31 =	simm.s32 $0x10C80;
	s0 =	sadd.s32 s4, s0  }
0xb2: {  	(v2sf) =	vpush v62, $0x6;
	[tilespmem:s31], [sflag:$0x1] =	stream.linear.gather [hbm4b:s0+s29], $0x80, $0x38;
	[tilespmem:$0x12C00] =	vst v63  }
0xb3: {  	s0 =	spop (v2sf);
	(v2sf) =	vpush v63, $0x6  }
0xb4: {  	s1 =	sand.u32 $0xFFFFFC00, s0;
	s2 =	spop (v2sf)  }
0xb5: {  	s0 =	sand.u32 $0x380, s0;
	s30 =	sadd.s32 s2, s1  }
0xb6: {  	s0 =	sor.u32 s0, s30  }
0xb7: {  	s0 =	sshrl.u32 s0, $0x3  }
0xb8: {  	s31 =	simm.s32 $0x11C80;
	s0 =	sadd.s32 s4, s0  }
0xb9: {  	(v2sf) =	vpush v44, $0x7;
	[tilespmem:s31], [sflag:$0x1] =	stream.linear.gather [hbm4b:s0+s29], $0x80, $0x38;
	[tilespmem:$0x12C00] =	vst v63  }
0xba: {  	s0 =	spop (v2sf);
	(v2sf) =	vpush v61, $0x7  }
0xbb: {  	s1 =	sand.u32 $0xFFFFFC00, s0;
	s2 =	spop (v2sf)  }
0xbc: {  	s0 =	sand.u32 $0x380, s0;
	s30 =	sadd.s32 s2, s1  }
0xbd: {  	s0 =	sor.u32 s0, s30  }
0xbe: {  	s0 =	sshrl.u32 s0, $0x3  }
0xbf: {  	s31 =	simm.s32 $0x10D00;
	s0 =	sadd.s32 s4, s0  }
0xc0: {  	(v2sf) =	vpush v62, $0x7;
	[tilespmem:s31], [sflag:$0x1] =	stream.linear.gather [hbm4b:s0+s29], $0x80, $0x38;
	[tilespmem:$0x12C00] =	vst v63  }
0xc1: {  	s0 =	spop (v2sf);
	(v2sf) =	vpush v63, $0x7  }
0xc2: {  	s1 =	sand.u32 $0xFFFFFC00, s0;
	s2 =	spop (v2sf)  }
0xc3: {  	s0 =	sand.u32 $0x380, s0;
	s30 =	sadd.s32 s2, s1  }
0xc4: {  	s0 =	sor.u32 s0, s30  }
0xc5: {  	s0 =	sshrl.u32 s0, $0x3  }
0xc6: {  	s31 =	simm.s32 $0x11D00;
	s0 =	sadd.s32 s4, s0  }
0xc7: {  	(v2sf) =	vpush v44, $0x8;
	[tilespmem:s31], [sflag:$0x1] =	stream.linear.gather [hbm4b:s0+s29], $0x80, $0x38;
	[tilespmem:$0x12C00] =	vst v63  }
0xc8: {  	s0 =	spop (v2sf);
	(v2sf) =	vpush v61, $0x8  }
0xc9: {  	s1 =	sand.u32 $0xFFFFFC00, s0;
	s2 =	spop (v2sf)  }
0xca: {  	s0 =	sand.u32 $0x380, s0;
	s30 =	sadd.s32 s2, s1  }
0xcb: {  	s0 =	sor.u32 s0, s30  }
0xcc: {  	s0 =	sshrl.u32 s0, $0x3  }
0xcd: {  	s31 =	simm.s32 $0x10D80;
	s0 =	sadd.s32 s4, s0  }
0xce: {  	(v2sf) =	vpush v62, $0x8;
	[tilespmem:s31], [sflag:$0x1] =	stream.linear.gather [hbm4b:s0+s29], $0x80, $0x38;
	[tilespmem:$0x12C00] =	vst v63  }
0xcf: {  	s0 =	spop (v2sf);
	(v2sf) =	vpush v63, $0x8  }
0xd0: {  	s1 =	sand.u32 $0xFFFFFC00, s0;
	s2 =	spop (v2sf)  }
0xd1: {  	s0 =	sand.u32 $0x380, s0;
	s30 =	sadd.s32 s2, s1  }
0xd2: {  	s0 =	sor.u32 s0, s30  }
0xd3: {  	s0 =	sshrl.u32 s0, $0x3  }
0xd4: {  	s31 =	simm.s32 $0x11D80;
	s0 =	sadd.s32 s4, s0  }
0xd5: {  	(v2sf) =	vpush v44, $0x9;
	[tilespmem:s31], [sflag:$0x1] =	stream.linear.gather [hbm4b:s0+s29], $0x80, $0x38;
	[tilespmem:$0x12C00] =	vst v63  }
0xd6: {  	s0 =	spop (v2sf);
	(v2sf) =	vpush v61, $0x9  }
0xd7: {  	s1 =	sand.u32 $0xFFFFFC00, s0;
	s2 =	spop (v2sf)  }
0xd8: {  	s0 =	sand.u32 $0x380, s0;
	s30 =	sadd.s32 s2, s1  }
0xd9: {  	s0 =	sor.u32 s0, s30  }
0xda: {  	s0 =	sshrl.u32 s0, $0x3  }
0xdb: {  	s31 =	simm.s32 $0x10E00;
	s0 =	sadd.s32 s4, s0  }
0xdc: {  	(v2sf) =	vpush v62, $0x9;
	[tilespmem:s31], [sflag:$0x1] =	stream.linear.gather [hbm4b:s0+s29], $0x80, $0x38;
	[tilespmem:$0x12C00] =	vst v63  }
0xdd: {  	s0 =	spop (v2sf);
	(v2sf) =	vpush v63, $0x9  }
0xde: {  	s1 =	sand.u32 $0xFFFFFC00, s0;
	s2 =	spop (v2sf)  }
0xdf: {  	s0 =	sand.u32 $0x380, s0;
	s30 =	sadd.s32 s2, s1  }
0xe0: {  	s0 =	sor.u32 s0, s30  }
0xe1: {  	s0 =	sshrl.u32 s0, $0x3  }
0xe2: {  	s31 =	simm.s32 $0x11E00;
	s0 =	sadd.s32 s4, s0  }
0xe3: {  	(v2sf) =	vpush v44, $0xA;
	[tilespmem:s31], [sflag:$0x1] =	stream.linear.gather [hbm4b:s0+s29], $0x80, $0x38;
	[tilespmem:$0x12C00] =	vst v63  }
0xe4: {  	s0 =	spop (v2sf);
	(v2sf) =	vpush v61, $0xA  }
0xe5: {  	s1 =	sand.u32 $0xFFFFFC00, s0;
	s2 =	spop (v2sf)  }
0xe6: {  	s0 =	sand.u32 $0x380, s0;
	s30 =	sadd.s32 s2, s1  }
0xe7: {  	s0 =	sor.u32 s0, s30  }
0xe8: {  	s0 =	sshrl.u32 s0, $0x3  }
0xe9: {  	s31 =	simm.s32 $0x10E80;
	s0 =	sadd.s32 s4, s0  }
0xea: {  	(v2sf) =	vpush v62, $0xA;
	[tilespmem:s31], [sflag:$0x1] =	stream.linear.gather [hbm4b:s0+s29], $0x80, $0x38;
	[tilespmem:$0x12C00] =	vst v63  }
0xeb: {  	s0 =	spop (v2sf);
	(v2sf) =	vpush v63, $0xA  }
0xec: {  	s1 =	sand.u32 $0xFFFFFC00, s0;
	s2 =	spop (v2sf)  }
0xed: {  	s0 =	sand.u32 $0x380, s0;
	s30 =	sadd.s32 s2, s1  }
0xee: {  	s0 =	sor.u32 s0, s30  }
0xef: {  	s0 =	sshrl.u32 s0, $0x3  }
0xf0: {  	s31 =	simm.s32 $0x11E80;
	s0 =	sadd.s32 s4, s0  }
0xf1: {  	(v2sf) =	vpush v44, $0xB;
	[tilespmem:s31], [sflag:$0x1] =	stream.linear.gather [hbm4b:s0+s29], $0x80, $0x38;
	[tilespmem:$0x12C00] =	vst v63  }
0xf2: {  	s0 =	spop (v2sf);
	(v2sf) =	vpush v61, $0xB  }
0xf3: {  	s1 =	sand.u32 $0xFFFFFC00, s0;
	s2 =	spop (v2sf)  }
0xf4: {  	s0 =	sand.u32 $0x380, s0;
	s30 =	sadd.s32 s2, s1  }
0xf5: {  	s0 =	sor.u32 s0, s30  }
0xf6: {  	s0 =	sshrl.u32 s0, $0x3  }
0xf7: {  	s31 =	simm.s32 $0x10F00;
	s0 =	sadd.s32 s4, s0  }
0xf8: {  	(v2sf) =	vpush v62, $0xB;
	[tilespmem:s31], [sflag:$0x1] =	stream.linear.gather [hbm4b:s0+s29], $0x80, $0x38;
	[tilespmem:$0x12C00] =	vst v63  }
0xf9: {  	s0 =	spop (v2sf);
	(v2sf) =	vpush v63, $0xB  }
0xfa: {  	s1 =	sand.u32 $0xFFFFFC00, s0;
	s2 =	spop (v2sf)  }
0xfb: {  	s0 =	sand.u32 $0x380, s0;
	s30 =	sadd.s32 s2, s1  }
0xfc: {  	s0 =	sor.u32 s0, s30  }
0xfd: {  	s0 =	sshrl.u32 s0, $0x3  }
0xfe: {  	s31 =	simm.s32 $0x11F00;
	s0 =	sadd.s32 s4, s0  }
0xff: {  	(v2sf) =	vpush v44, $0xC;
	[tilespmem:s31], [sflag:$0x1] =	stream.linear.gather [hbm4b:s0+s29], $0x80, $0x38;
	[tilespmem:$0x12C00] =	vst v63  }
0x100: {  	s0 =	spop (v2sf);
	(v2sf) =	vpush v61, $0xC  }
0x101: {  	s1 =	sand.u32 $0xFFFFFC00, s0;
	s2 =	spop (v2sf)  }
0x102: {  	s0 =	sand.u32 $0x380, s0;
	s30 =	sadd.s32 s2, s1  }
0x103: {  	s0 =	sor.u32 s0, s30  }
0x104: {  	s0 =	sshrl.u32 s0, $0x3  }
0x105: {  	s31 =	simm.s32 $0x10F80;
	s0 =	sadd.s32 s4, s0  }
0x106: {  	(v2sf) =	vpush v62, $0xC;
	[tilespmem:s31], [sflag:$0x1] =	stream.linear.gather [hbm4b:s0+s29], $0x80, $0x38;
	[tilespmem:$0x12C00] =	vst v63  }
0x107: {  	s0 =	spop (v2sf);
	(v2sf) =	vpush v63, $0xC  }
0x108: {  	s1 =	sand.u32 $0xFFFFFC00, s0;
	s2 =	spop (v2sf)  }
0x109: {  	s0 =	sand.u32 $0x380, s0;
	s30 =	sadd.s32 s2, s1  }
0x10a: {  	s0 =	sor.u32 s0, s30  }
0x10b: {  	s0 =	sshrl.u32 s0, $0x3  }
0x10c: {  	s31 =	simm.s32 $0x11F80;
	s0 =	sadd.s32 s4, s0  }
0x10d: {  	(v2sf) =	vpush v44, $0xD;
	[tilespmem:s31], [sflag:$0x1] =	stream.linear.gather [hbm4b:s0+s29], $0x80, $0x38;
	[tilespmem:$0x12C00] =	vst v63  }
0x10e: {  	s0 =	spop (v2sf);
	(v2sf) =	vpush v61, $0xD  }
0x10f: {  	s1 =	sand.u32 $0xFFFFFC00, s0;
	s2 =	spop (v2sf)  }
0x110: {  	s0 =	sand.u32 $0x380, s0;
	s30 =	sadd.s32 s2, s1  }
0x111: {  	s0 =	sor.u32 s0, s30  }
0x112: {  	s0 =	sshrl.u32 s0, $0x3  }
0x113: {  	s31 =	simm.s32 $0x11000;
	s0 =	sadd.s32 s4, s0  }
0x114: {  	(v2sf) =	vpush v62, $0xD;
	[tilespmem:s31], [sflag:$0x1] =	stream.linear.gather [hbm4b:s0+s29], $0x80, $0x38;
	[tilespmem:$0x12C00] =	vst v63  }
0x115: {  	s0 =	spop (v2sf);
	(v2sf) =	vpush v63, $0xD  }
0x116: {  	s1 =	sand.u32 $0xFFFFFC00, s0;
	s2 =	spop (v2sf)  }
0x117: {  	s0 =	sand.u32 $0x380, s0;
	s30 =	sadd.s32 s2, s1  }
0x118: {  	s0 =	sor.u32 s0, s30  }
0x119: {  	s0 =	sshrl.u32 s0, $0x3  }
0x11a: {  	s31 =	simm.s32 $0x12000;
	s0 =	sadd.s32 s4, s0  }
0x11b: {  	(v2sf) =	vpush v44, $0xE;
	[tilespmem:s31], [sflag:$0x1] =	stream.linear.gather [hbm4b:s0+s29], $0x80, $0x38;
	[tilespmem:$0x12C00] =	vst v63  }
0x11c: {  	s0 =	spop (v2sf);
	(v2sf) =	vpush v61, $0xE  }
0x11d: {  	s1 =	sand.u32 $0xFFFFFC00, s0;
	s2 =	spop (v2sf)  }
0x11e: {  	s0 =	sand.u32 $0x380, s0;
	s30 =	sadd.s32 s2, s1  }
0x11f: {  	(v2sf) =	vpush v62, $0xE;
	s0 =	sor.u32 s0, s30  }
0x120: {  	(v2sf) =	vpush v63, $0xE;
	s0 =	sshrl.u32 s0, $0x3  }
0x121: {  	s31 =	simm.s32 $0x11080;
	s0 =	sadd.s32 s4, s0  }
0x122: {  	[tilespmem:s31], [sflag:$0x1] =	stream.linear.gather [hbm4b:s0+s29], $0x80, $0x38;
	[tilespmem:$0x12C00] =	vst v63  }
0x123: {  	s0 =	spop (v2sf)  }
0x124: {  	s1 =	sand.u32 $0xFFFFFC00, s0;
	s2 =	spop (v2sf)  }
0x125: {  	s0 =	sand.u32 $0x380, s0;
	(v2sf) =	vpush v61, $0xF;
	s30 =	sadd.s32 s2, s1  }
0x126: {  	s0 =	sor.u32 s0, s30  }
0x127: {  	(v2sf) =	vpush v44, $0xF;
	s0 =	sshrl.u32 s0, $0x3  }
0x128: {  	s31 =	simm.s32 $0x12080;
	s0 =	sadd.s32 s4, s0  }
0x129: {  	[tilespmem:s31], [sflag:$0x1] =	stream.linear.gather [hbm4b:s0+s29], $0x80, $0x38;
	[tilespmem:$0x12C00] =	vst v63  }
0x12a: {  	s0 =	spop (v2sf)  }
0x12b: {  	s1 =	sand.u32 $0xFFFFFC00, s0;
	s2 =	spop (v2sf)  }
0x12c: {  	(v2sf) =	vpush v63, $0xF;
	s0 =	sand.u32 $0x380, s0;
	s30 =	sadd.s32 s2, s1  }
0x12d: {  	s0 =	sor.u32 s0, s30  }
0x12e: {  	s31 =	simm.s32 $0x11100;
	(v2sf) =	vpush v62, $0xF;
	s30 =	spop (v2sf);
	s0 =	sshrl.u32 s0, $0x3  }
0x12f: {  	s1 =	spop (v2sf);
	s2 =	sand.u32 $0xFFFFFC00, s30;
	s0 =	sadd.s32 s4, s0  }
0x130: {  	[tilespmem:s31], [sflag:$0x1] =	stream.linear.gather [hbm4b:s0+s29], $0x80, $0x38;
	[tilespmem:$0x12C00] =	vst v63  }
0x131: {  	s30 =	sand.u32 $0x380, s30;
	s0 =	sadd.s32 s1, s2  }
0x132: {  	s0 =	sor.u32 s30, s0  }
0x133: {  	s0 =	sshrl.u32 s0, $0x3  }
0x134: {  	s1 =	simm.s32 $0x12100;
	s0 =	sadd.s32 s4, s0;
	s30 =	spop (v2sf)  }
0x135: {  	[tilespmem:s1], [sflag:$0x1] =	stream.linear.gather [hbm4b:s0+s29], $0x80, $0x38;
	[tilespmem:$0x12C00] =	vst v63  }
0x136: {  	s31 =	spop (v2sf)  }
0x137: {  	s2 =	sand.u32 $0xFFFFFC00, s31  }
0x138: {  	s31 =	sand.u32 $0x380, s31;
	s0 =	sadd.s32 s30, s2  }
0x139: {  	s0 =	sor.u32 s31, s0  }
0x13a: {  	s0 =	sshrl.u32 s0, $0x3  }
0x13b: {  	s1 =	simm.s32 $0x11180;
	s30 =	spop (v2sf);
	s0 =	sadd.s32 s4, s0  }
0x13c: {  	[tilespmem:s1], [sflag:$0x1] =	stream.linear.gather [hbm4b:s0+s29], $0x80, $0x38;
	[tilespmem:$0x12C00] =	vst v63  }
0x13d: {  	s1 =	spop (v2sf)  }
0x13e: {  	s2 =	sand.u32 $0xFFFFFC00, s1  }
.Ltmp3:
0x13f: {  	s0 =	sand.u32 $0x380, s1;
	s30 =	sadd.s32 s30, s2;
	(pc) =	sbr.rel .LBB2_4-.Ltmp3, $4  }
0x140: {  	s0 =	sor.u32 s0, s30  }
0x141: {  	s0 =	sshrl.u32 s0, $0x3  }
0x142: {  	s31 =	simm.s32 $0x12180;
	s0 =	sadd.s32 s4, s0  }
0x143: {  	[tilespmem:s31], [sflag:$0x1] =	stream.linear.gather [hbm4b:s0+s29], $0x80, $0x38;
	[tilespmem:$0x12C00] =	vst v63  }
.LBB2_6:
0x144: {  	_ =	swait.ge [sflag:s28], $0x800  }
0x145: {  	[sflag:s28] =	ssyncset.done $0x0  }
0x146: {  	v3 =	vor.u32 $0x800, v0;
	[sflag:s28] =	ssyncadd.s32 $0xFFFFF800  }
0x147: {  	_ =	swait.ge [sflag:s28], $0x800  }
0x148: {  	v7 =	vor.u32 $0x802, v0;
	[sflag:s28] =	ssyncset.done $0x0  }
0x149: {  	[sflag:s28] =	ssyncadd.s32 $0xFFFFF800  }
0x14a: {  	v10 =	vor.u32 $0x803, v0;
	v2 =	vld [tilespmem:s30+$0x210]  }
0x14b: {  	v5 =	vld.idx.msk [tilespmem:v3+s14+$0x0], $0xffff  }
0x14c: {  	v13 =	vor.u32 $0x804, v0;
	v3 =	vld.idx.msk [tilespmem:v3+s15+$0x0], $0xffff  }
0x14d: {  	v12 =	vld.idx.msk [tilespmem:v7+s14+$0x0], $0xffff  }
0x14e: {  	v16 =	vor.u32 $0x805, v0;
	v7 =	vld.idx.msk [tilespmem:v7+s15+$0x0], $0xffff  }
0x14f: {  	v15 =	vld.idx.msk [tilespmem:v10+s14+$0x0], $0xffff  }
0x150: {  	v19 =	vor.u32 $0x806, v0;
	v10 =	vld.idx.msk [tilespmem:v10+s15+$0x0], $0xffff  }
0x151: {  	v18 =	vld.idx.msk [tilespmem:v13+s14+$0x0], $0xffff  }
0x152: {  	v22 =	vor.u32 $0x807, v0;
	v13 =	vld.idx.msk [tilespmem:v13+s15+$0x0], $0xffff  }
0x153: {  	v21 =	vld.idx.msk [tilespmem:v16+s14+$0x0], $0xffff  }
0x154: {  	v25 =	vor.u32 $0x808, v0;
	v16 =	vld.idx.msk [tilespmem:v16+s15+$0x0], $0xffff  }
0x155: {  	v24 =	vld.idx.msk [tilespmem:v19+s14+$0x0], $0xffff  }
0x156: {  	v28 =	vor.u32 $0x809, v0;
	v19 =	vld.idx.msk [tilespmem:v19+s15+$0x0], $0xffff  }
0x157: {  	v27 =	vld.idx.msk [tilespmem:v22+s14+$0x0], $0xffff  }
0x158: {  	v31 =	vor.u32 $0x80A, v0;
	v22 =	vld.idx.msk [tilespmem:v22+s15+$0x0], $0xffff  }
0x159: {  	v30 =	vld.idx.msk [tilespmem:v25+s14+$0x0], $0xffff  }
0x15a: {  	v34 =	vor.u32 $0x80B, v0;
	v25 =	vld.idx.msk [tilespmem:v25+s15+$0x0], $0xffff  }
0x15b: {  	v33 =	vld.idx.msk [tilespmem:v28+s14+$0x0], $0xffff  }
0x15c: {  	v37 =	vor.u32 $0x80C, v0;
	v28 =	vld.idx.msk [tilespmem:v28+s15+$0x0], $0xffff  }
0x15d: {  	v36 =	vld.idx.msk [tilespmem:v31+s14+$0x0], $0xffff  }
0x15e: {  	v40 =	vor.u32 $0x80D, v0;
	v31 =	vld.idx.msk [tilespmem:v31+s15+$0x0], $0xffff  }
0x15f: {  	v39 =	vld.idx.msk [tilespmem:v34+s14+$0x0], $0xffff;
	v58 =	vshll.u32 v2, $0x6  }
0x160: {  	v34 =	vld.idx.msk [tilespmem:v34+s15+$0x0], $0xffff;
	v2 =	vor.u32 $0x801, v0  }
0x161: {  	v42 =	vld.idx.msk [tilespmem:v37+s14+$0x0], $0xffff  }
0x162: {  	v37 =	vld.idx.msk [tilespmem:v37+s15+$0x0], $0xffff;
	v4 =	vor.u32 $0x1, v58  }
0x163: {  	v60 =	vld.idx.msk [tilespmem:v40+s14+$0x0], $0xffff;
	v8 =	vor.u32 $0x2, v58  }
0x164: {  	v11 =	vor.u32 $0x3, v58;
	v6 =	vld.idx.msk [tilespmem:v58+s13+$0x0], $0xffff  }
0x165: {  	v14 =	vor.u32 $0x4, v58;
	v9 =	vld.idx.msk [tilespmem:v2+s14+$0x0], $0xffff  }
0x166: {  	v17 =	vor.u32 $0x5, v58;
	v2 =	vld.idx.msk [tilespmem:v2+s15+$0x0], $0xffff  }
0x167: {  	v20 =	vor.u32 $0x6, v58;
	v4 =	vld.idx.msk [tilespmem:v4+s13+$0x0], $0xffff  }
0x168: {  	v23 =	vor.u32 $0x7, v58;
	v8 =	vld.idx.msk [tilespmem:v8+s13+$0x0], $0xffff  }
0x169: {  	v26 =	vor.u32 $0x8, v58;
	v11 =	vld.idx.msk [tilespmem:v11+s13+$0x0], $0xffff  }
0x16a: {  	v29 =	vor.u32 $0x9, v58;
	v14 =	vld.idx.msk [tilespmem:v14+s13+$0x0], $0xffff  }
0x16b: {  	v32 =	vor.u32 $0xA, v58;
	v17 =	vld.idx.msk [tilespmem:v17+s13+$0x0], $0xffff  }
0x16c: {  	v35 =	vor.u32 $0xB, v58;
	v20 =	vld.idx.msk [tilespmem:v20+s13+$0x0], $0xffff  }
0x16d: {  	v38 =	vor.u32 $0xC, v58;
	v23 =	vld.idx.msk [tilespmem:v23+s13+$0x0], $0xffff  }
0x16e: {  	v41 =	vor.u32 $0xD, v58;
	v26 =	vld.idx.msk [tilespmem:v26+s13+$0x0], $0xffff  }
0x16f: {  	v29 =	vld.idx.msk [tilespmem:v29+s13+$0x0], $0xffff  }
0x170: {  	v43 =	vor.u32 $0x80E, v0;
	v32 =	vld.idx.msk [tilespmem:v32+s13+$0x0], $0xffff  }
0x171: {  	v35 =	vld.idx.msk [tilespmem:v35+s13+$0x0], $0xffff  }
0x172: {  	v63 =	vor.u32 $0xF, v58;
	v38 =	vld.idx.msk [tilespmem:v38+s13+$0x0], $0xffff  }
0x173: {  	v61 =	vor.u32 $0x80F, v0;
	v41 =	vld.idx.msk [tilespmem:v41+s13+$0x0], $0xffff  }
0x174: {  	v59 =	vor.u32 $0xE, v58;
	v5 =	vadd.f32 v6, v5;
	v6 =	vld.idx.msk [tilespmem:v40+s15+$0x0], $0xffff  }
0x175: {  	v40 =	vld.idx.msk [tilespmem:v43+s14+$0x0], $0xffff  }
0x176: {  	v8 =	vadd.f32 v8, v12;
	v12 =	vld.idx.msk [tilespmem:v43+s15+$0x0], $0xffff;
	v43 =	vor.u32 $0x10, v58  }
0x177: {  	v4 =	vadd.f32 v4, v9;
	v9 =	vld.idx.msk [tilespmem:v63+s13+$0x0], $0xffff;
	v3 =	vsub.f32 v5, v3;
	v5 =	vor.u32 $0x810, v0  }
0x178: {  	v44 =	vadd.f32 v11, v15;
	v15 =	vld.idx.msk [tilespmem:v61+s15+$0x0], $0xffff  }
0x179: {  	v62 =	vor.u32 $0x12, v58;
	v2 =	vsub.f32 v4, v2;
	v4 =	vld.idx.msk [tilespmem:v59+s13+$0x0], $0xffff  }
0x17a: {  	v59 =	vld.idx.msk [tilespmem:v61+s14+$0x0], $0xffff;
	v63 =	vsub.f32 v44, v10;
	v44 =	vadd.f32 v14, v18;
	v18 =	vor.u32 $0x812, v0  }
0x17b: {  	v11 =	vor.u32 $0x811, v0;
	v14 =	vld.idx.msk [tilespmem:v43+s13+$0x0], $0xffff  }
0x17c: {  	v7 =	vsub.f32 v8, v7;
	v3 =	vmul.f32 v3, v3;
	v2 =	vmul.f32 v2, v2;
	v8 =	vld.idx.msk [tilespmem:v5+s14+$0x0], $0xffff  }
0x17d: {  	v5 =	vld.idx.msk [tilespmem:v5+s15+$0x0], $0xffff  }
0x17e: {  	v61 =	vor.u32 $0x11, v58;
	v2 =	vadd.f32 v2, v3;
	v3 =	vmul.f32 v7, v7;
	v7 =	vld.idx.msk [tilespmem:v62+s13+$0x0], $0xffff  }
0x17f: {  	v20 =	vadd.f32 v20, v24;
	v43 =	vor.u32 $0x13, v58;
	v24 =	vld.idx.msk [tilespmem:v18+s14+$0x0], $0xffff  }
0x180: {  	v62 =	vadd.f32 v23, v27;
	v27 =	vor.u32 $0x15, v58;
	v18 =	vld.idx.msk [tilespmem:v18+s15+$0x0], $0xffff;
	v2 =	vadd.f32 v3, v2  }
0x181: {  	v3 =	vmul.f32 v63, v63;
	v63 =	vadd.f32 v17, v21;
	v17 =	vld.idx.msk [tilespmem:v11+s14+$0x0], $0xffff;
	v21 =	vor.u32 $0x813, v0  }
0x182: {  	v19 =	vsub.f32 v20, v19;
	v10 =	vsub.f32 v44, v13;
	v11 =	vld.idx.msk [tilespmem:v11+s15+$0x0], $0xffff  }
0x183: {  	v20 =	vsub.f32 v62, v22;
	v22 =	vor.u32 $0x815, v0;
	v2 =	vadd.f32 v3, v2;
	v3 =	vld.idx.msk [tilespmem:v61+s13+$0x0], $0xffff  }
0x184: {  	v10 =	vmul.f32 v10, v10;
	v13 =	vsub.f32 v63, v16;
	v16 =	vld.idx.msk [tilespmem:v43+s13+$0x0], $0xffff  }
0x185: {  	v61 =	vor.u32 $0x814, v0;
	v27 =	vld.idx.msk [tilespmem:v27+s13+$0x0], $0xffff  }
0x186: {  	v26 =	vadd.f32 v26, v30;
	v63 =	vor.u32 $0x14, v58;
	v2 =	vadd.f32 v10, v2;
	v10 =	vld.idx.msk [tilespmem:v21+s14+$0x0], $0xffff  }
0x187: {  	v44 =	vmul.f32 v13, v13;
	v21 =	vld.idx.msk [tilespmem:v21+s15+$0x0], $0xffff  }
0x188: {  	v30 =	vor.u32 $0x16, v58;
	v25 =	vsub.f32 v26, v25;
	v19 =	vmul.f32 v19, v19;
	v26 =	vld.idx.msk [tilespmem:v22+s14+$0x0], $0xffff  }
0x189: {  	v4 =	vadd.f32 v4, v40;
	v40 =	vor.u32 $0x1E, v58;
	v22 =	vld.idx.msk [tilespmem:v22+s15+$0x0], $0xffff;
	v2 =	vadd.f32 v44, v2  }
0x18a: {  	v43 =	vmul.f32 v20, v20;
	v44 =	vadd.f32 v29, v33;
	v29 =	vor.u32 $0x816, v0;
	v20 =	vld.idx.msk [tilespmem:v61+s14+$0x0], $0xffff  }
0x18b: {  	v23 =	vld.idx.msk [tilespmem:v63+s13+$0x0], $0xffff;
	v63 =	vadd.f32 v32, v36;
	v2 =	vadd.f32 v19, v2  }
0x18c: {  	v13 =	vld.idx.msk [tilespmem:v61+s15+$0x0], $0xffff;
	v32 =	vor.u32 $0x817, v0;
	v62 =	vsub.f32 v44, v28;
	v44 =	vadd.f32 v35, v39  }
0x18d: {  	v61 =	vmul.f32 v25, v25;
	v19 =	vld.idx.msk [tilespmem:v30+s13+$0x0], $0xffff;
	v28 =	vsub.f32 v63, v31;
	v2 =	vadd.f32 v43, v2  }
0x18e: {  	v36 =	vmul.f32 v62, v62;
	v43 =	vor.u32 $0x17, v58;
	v10 =	vadd.f32 v16, v10;
	v16 =	vld.idx.msk [tilespmem:v40+s13+$0x0], $0xffff  }
0x18f: {  	v31 =	vsub.f32 v44, v34;
	v44 =	vor.u32 $0x19, v58;
	v33 =	vld.idx.msk [tilespmem:v29+s14+$0x0], $0xffff;
	v2 =	vadd.f32 v61, v2  }
0x190: {  	v62 =	vadd.f32 v38, v42;
	v42 =	vor.u32 $0x819, v0;
	v29 =	vld.idx.msk [tilespmem:v29+s15+$0x0], $0xffff  }
0x191: {  	v38 =	vor.u32 $0x21, v58;
	v2 =	vadd.f32 v36, v2;
	v36 =	vld.idx.msk [tilespmem:v32+s14+$0x0], $0xffff  }
0x192: {  	v30 =	vor.u32 $0x818, v0;
	v32 =	vld.idx.msk [tilespmem:v32+s15+$0x0], $0xffff  }
0x193: {  	v25 =	vld.idx.msk [tilespmem:v43+s13+$0x0], $0xffff  }
0x194: {  	v4 =	vsub.f32 v4, v12;
	v28 =	vmul.f32 v28, v28;
	v61 =	vor.u32 $0x18, v58;
	v12 =	vld.idx.msk [tilespmem:v44+s13+$0x0], $0xffff  }
0x195: {  	v63 =	vmul.f32 v31, v31;
	v35 =	vsub.f32 v62, v37;
	v62 =	vor.u32 $0x81B, v0;
	v31 =	vld.idx.msk [tilespmem:v42+s15+$0x0], $0xffff  }
0x196: {  	v10 =	vsub.f32 v10, v21;
	v21 =	vld.idx.msk [tilespmem:v38+s13+$0x0], $0xffff  }
0x197: {  	v2 =	vadd.f32 v28, v2;
	v28 =	vld.idx.msk [tilespmem:v30+s14+$0x0], $0xffff  }
0x198: {  	v8 =	vadd.f32 v14, v8;
	v43 =	vadd.f32 v41, v60;
	v60 =	vor.u32 $0x81A, v0;
	v30 =	vld.idx.msk [tilespmem:v30+s15+$0x0], $0xffff  }
0x199: {  	v3 =	vadd.f32 v3, v17;
	v44 =	vor.u32 $0x81C, v0;
	v34 =	vld.idx.msk [tilespmem:v61+s13+$0x0], $0xffff  }
0x19a: {  	v5 =	vsub.f32 v8, v5;
	v35 =	vmul.f32 v35, v35;
	v8 =	vld.idx.msk [tilespmem:v62+s14+$0x0], $0xffff;
	v2 =	vadd.f32 v63, v2  }
0x19b: {  	v9 =	vadd.f32 v9, v59;
	v3 =	vsub.f32 v3, v11;
	v41 =	vor.u32 $0x81F, v0;
	v11 =	vld.idx.msk [tilespmem:v62+s15+$0x0], $0xffff  }
0x19c: {  	v61 =	vor.u32 $0x1A, v58;
	v2 =	vadd.f32 v35, v2;
	v35 =	vld.idx.msk [tilespmem:v42+s14+$0x0], $0xffff  }
0x19d: {  	v6 =	vsub.f32 v43, v6;
	v43 =	vsub.f32 v9, v15;
	v9 =	vld.idx.msk [tilespmem:v60+s14+$0x0], $0xffff  }
0x19e: {  	v7 =	vadd.f32 v7, v24;
	v20 =	vadd.f32 v23, v20;
	v62 =	vor.u32 $0x1D, v58;
	v24 =	vld.idx.msk [tilespmem:v44+s14+$0x0], $0xffff  }
0x19f: {  	v63 =	vor.u32 $0x1B, v58;
	v15 =	vld.idx.msk [tilespmem:v44+s15+$0x0], $0xffff  }
0x1a0: {  	v13 =	vsub.f32 v20, v13;
	v6 =	vmul.f32 v6, v6;
	v42 =	vor.u32 $0x1F, v58;
	v20 =	vld.idx.msk [tilespmem:v41+s14+$0x0], $0xffff  }
0x1a1: {  	v14 =	vld.idx.msk [tilespmem:v61+s13+$0x0], $0xffff;
	v61 =	vor.u32 $0x81D, v0  }
0x1a2: {  	v4 =	vmul.f32 v4, v4;
	v40 =	vor.u32 $0x22, v58;
	v2 =	vadd.f32 v6, v2;
	v6 =	vld.idx.msk [tilespmem:v60+s15+$0x0], $0xffff  }
0x1a3: {  	v7 =	vsub.f32 v7, v18;
	v39 =	vor.u32 $0x822, v0;
	v44 =	vadd.f32 v27, v26;
	v18 =	vld.idx.msk [tilespmem:v62+s13+$0x0], $0xffff  }
0x1a4: {  	v59 =	vmul.f32 v43, v43;
	v60 =	vor.u32 $0x1C, v58;
	v2 =	vadd.f32 v4, v2;
	v4 =	vld.idx.msk [tilespmem:v63+s13+$0x0], $0xffff  }
0x1a5: {  	v62 =	vsub.f32 v44, v22;
	v63 =	vor.u32 $0x81E, v0;
	v22 =	vld.idx.msk [tilespmem:v42+s13+$0x0], $0xffff;
	v12 =	vadd.f32 v12, v35  }
0x1a6: {  	v17 =	vld.idx.msk [tilespmem:v61+s15+$0x0], $0xffff  }
0x1a7: {  	v5 =	vmul.f32 v5, v5;
	v2 =	vadd.f32 v59, v2;
	v12 =	vsub.f32 v12, v31;
	v31 =	vld.idx.msk [tilespmem:v40+s13+$0x0], $0xffff  }
0x1a8: {  	v3 =	vmul.f32 v3, v3;
	v19 =	vadd.f32 v19, v33;
	v9 =	vadd.f32 v14, v9;
	v14 =	vld.idx.msk [tilespmem:v39+s15+$0x0], $0xffff  }
0x1a9: {  	v43 =	vmul.f32 v10, v10;
	v42 =	vor.u32 $0x823, v0;
	v2 =	vadd.f32 v5, v2;
	v5 =	vld.idx.msk [tilespmem:v60+s13+$0x0], $0xffff  }
0x1aa: {  	v25 =	vadd.f32 v25, v36;
	v33 =	vmul.f32 v62, v62;
	v62 =	vor.u32 $0x826, v0;
	v10 =	vld.idx.msk [tilespmem:v63+s14+$0x0], $0xffff  }
0x1ab: {  	v59 =	vor.u32 $0x820, v0;
	v27 =	vld.idx.msk [tilespmem:v63+s15+$0x0], $0xffff  }
0x1ac: {  	v25 =	vsub.f32 v25, v32;
	v2 =	vadd.f32 v3, v2;
	v3 =	vld.idx.msk [tilespmem:v61+s14+$0x0], $0xffff  }
0x1ad: {  	v44 =	vor.u32 $0x824, v0;
	v61 =	vmul.f32 v13, v13;
	v13 =	vld.idx.msk [tilespmem:v41+s15+$0x0], $0xffff  }
0x1ae: {  	v28 =	vadd.f32 v34, v28;
	v60 =	vor.u32 $0x20, v58;
	v41 =	vmul.f32 v25, v25;
	v25 =	vld.idx.msk [tilespmem:v42+s15+$0x0], $0xffff  }
0x1af: {  	v38 =	vor.u32 $0x28, v58;
	v19 =	vsub.f32 v19, v29;
	v20 =	vadd.f32 v22, v20;
	v22 =	vld.idx.msk [tilespmem:v62+s15+$0x0], $0xffff  }
0x1b0: {  	v28 =	vsub.f32 v28, v30;
	v30 =	vor.u32 $0x82D, v0;
	v4 =	vadd.f32 v4, v8;
	v29 =	vld.idx.msk [tilespmem:v59+s14+$0x0], $0xffff  }
0x1b1: {  	v7 =	vmul.f32 v7, v7;
	v63 =	vor.u32 $0x821, v0;
	v26 =	vld.idx.msk [tilespmem:v59+s15+$0x0], $0xffff  }
0x1b2: {  	v4 =	vsub.f32 v4, v11;
	v11 =	vld.idx.msk [tilespmem:v44+s14+$0x0], $0xffff  }
0x1b3: {  	v2 =	vadd.f32 v7, v2;
	v7 =	vld.idx.msk [tilespmem:v60+s13+$0x0], $0xffff  }
0x1b4: {  	v5 =	vadd.f32 v5, v24;
	v24 =	vld.idx.msk [tilespmem:v38+s13+$0x0], $0xffff  }
0x1b5: {  	v35 =	vor.u32 $0x27, v58;
	v38 =	vld.idx.msk [tilespmem:v30+s14+$0x0], $0xffff  }
0x1b6: {  	v60 =	vor.u32 $0x825, v0;
	v34 =	vld.idx.msk [tilespmem:v63+s14+$0x0], $0xffff  }
0x1b7: {  	v2 =	vadd.f32 v43, v2;
	v23 =	vld.idx.msk [tilespmem:v63+s15+$0x0], $0xffff  }
0x1b8: {  	v37 =	vor.u32 $0x828, v0;
	v10 =	vadd.f32 v16, v10;
	v16 =	vld.idx.msk [tilespmem:v62+s14+$0x0], $0xffff;
	v3 =	vadd.f32 v18, v3  }
0x1b9: {  	v43 =	vor.u32 $0x23, v58;
	v13 =	vsub.f32 v20, v13;
	v20 =	vld.idx.msk [tilespmem:v30+s15+$0x0], $0xffff  }
0x1ba: {  	v63 =	vor.u32 $0x26, v58;
	v2 =	vadd.f32 v61, v2;
	v3 =	vsub.f32 v3, v17;
	v17 =	vld.idx.msk [tilespmem:v35+s13+$0x0], $0xffff  }
0x1bb: {  	v5 =	vsub.f32 v5, v15;
	v15 =	vld.idx.msk [tilespmem:v60+s14+$0x0], $0xffff  }
0x1bc: {  	v19 =	vmul.f32 v19, v19;
	v6 =	vsub.f32 v9, v6;
	v2 =	vadd.f32 v33, v2;
	v9 =	vld.idx.msk [tilespmem:v60+s15+$0x0], $0xffff  }
0x1bd: {  	v33 =	vor.u32 $0x827, v0;
	v7 =	vadd.f32 v7, v29;
	v29 =	vld.idx.msk [tilespmem:v37+s15+$0x0], $0xffff  }
0x1be: {  	v8 =	vld.idx.msk [tilespmem:v43+s13+$0x0], $0xffff;
	v2 =	vadd.f32 v19, v2  }
0x1bf: {  	v36 =	vld.idx.msk [tilespmem:v63+s13+$0x0], $0xffff;
	v63 =	vor.u32 $0x2C, v58  }
0x1c0: {  	v28 =	vmul.f32 v28, v28;
	v59 =	vor.u32 $0x24, v58;
	v19 =	vld.idx.msk [tilespmem:v39+s14+$0x0], $0xffff;
	v2 =	vadd.f32 v41, v2  }
0x1c1: {  	v41 =	vmul.f32 v13, v13;
	v13 =	vld.idx.msk [tilespmem:v37+s14+$0x0], $0xffff  }
0x1c2: {  	v12 =	vmul.f32 v12, v12;
	v39 =	vor.u32 $0x829, v0;
	v18 =	vld.idx.msk [tilespmem:v33+s15+$0x0], $0xffff;
	v2 =	vadd.f32 v28, v2  }
0x1c3: {  	v40 =	vor.u32 $0x29, v58;
	v6 =	vmul.f32 v6, v6;
	v28 =	vld.idx.msk [tilespmem:v42+s14+$0x0], $0xffff  }
0x1c4: {  	v21 =	vadd.f32 v21, v34;
	v42 =	vor.u32 $0x82A, v0;
	v34 =	vld.idx.msk [tilespmem:v63+s13+$0x0], $0xffff;
	v2 =	vadd.f32 v12, v2  }
0x1c5: {  	v61 =	vor.u32 $0x25, v58;
	v12 =	vld.idx.msk [tilespmem:v59+s13+$0x0], $0xffff  }
0x1c6: {  	v2 =	vadd.f32 v6, v2;
	v6 =	vld.idx.msk [tilespmem:v44+s15+$0x0], $0xffff  }
0x1c7: {  	v19 =	vadd.f32 v31, v19;
	v59 =	vor.u32 $0x82B, v0;
	v44 =	vsub.f32 v21, v23;
	v21 =	vld.idx.msk [tilespmem:v39+s14+$0x0], $0xffff  }
0x1c8: {  	v4 =	vmul.f32 v4, v4;
	v62 =	vor.u32 $0x82C, v0;
	v23 =	vld.idx.msk [tilespmem:v40+s13+$0x0], $0xffff  }
0x1c9: {  	v14 =	vsub.f32 v19, v14;
	v8 =	vadd.f32 v8, v28;
	v19 =	vld.idx.msk [tilespmem:v42+s14+$0x0], $0xffff  }
0x1ca: {  	v5 =	vmul.f32 v5, v5;
	v2 =	vadd.f32 v4, v2;
	v4 =	vld.idx.msk [tilespmem:v61+s13+$0x0], $0xffff  }
0x1cb: {  	v35 =	vor.u32 $0x82E, v0;
	v8 =	vsub.f32 v8, v25;
	v25 =	vld.idx.msk [tilespmem:v42+s15+$0x0], $0xffff  }
0x1cc: {  	v3 =	vmul.f32 v3, v3;
	v11 =	vadd.f32 v12, v11;
	v12 =	vld.idx.msk [tilespmem:v59+s14+$0x0], $0xffff;
	v2 =	vadd.f32 v5, v2  }
0x1cd: {  	v10 =	vsub.f32 v10, v27;
	v5 =	vadd.f32 v36, v16;
	v36 =	vld.idx.msk [tilespmem:v62+s15+$0x0], $0xffff  }
0x1ce: {  	v32 =	vor.u32 $0x2D, v58;
	v2 =	vadd.f32 v3, v2;
	v3 =	vld.idx.msk [tilespmem:v33+s14+$0x0], $0xffff  }
0x1cf: {  	v10 =	vmul.f32 v10, v10;
	v33 =	vld.idx.msk [tilespmem:v62+s14+$0x0], $0xffff;
	v62 =	vor.u32 $0x31, v58  }
0x1d0: {  	v43 =	vor.u32 $0x2A, v58;
	v31 =	vld.idx.msk [tilespmem:v59+s15+$0x0], $0xffff  }
0x1d1: {  	v7 =	vsub.f32 v7, v26;
	v37 =	vor.u32 $0x2E, v58;
	v42 =	vld.idx.msk [tilespmem:v35+s14+$0x0], $0xffff;
	v2 =	vadd.f32 v10, v2  }
0x1d2: {  	v27 =	vor.u32 $0x837, v0;
	v10 =	vld.idx.msk [tilespmem:v39+s15+$0x0], $0xffff;
	v39 =	vor.u32 $0x82F, v0  }
0x1d3: {  	v7 =	vmul.f32 v7, v7;
	v4 =	vadd.f32 v4, v15;
	v15 =	vld.idx.msk [tilespmem:v32+s13+$0x0], $0xffff;
	v2 =	vadd.f32 v41, v2  }
0x1d4: {  	v30 =	vld.idx.msk [tilespmem:v62+s13+$0x0], $0xffff  }
0x1d5: {  	v60 =	vmul.f32 v44, v44;
	v61 =	vor.u32 $0x2B, v58;
	v2 =	vadd.f32 v7, v2;
	v7 =	vld.idx.msk [tilespmem:v43+s13+$0x0], $0xffff  }
0x1d6: {  	v14 =	vmul.f32 v14, v14;
	v44 =	vor.u32 $0x830, v0;
	v21 =	vadd.f32 v23, v21;
	v43 =	vld.idx.msk [tilespmem:v37+s13+$0x0], $0xffff  }
0x1d7: {  	v3 =	vadd.f32 v17, v3;
	v37 =	vor.u32 $0x834, v0;
	v17 =	vld.idx.msk [tilespmem:v39+s15+$0x0], $0xffff;
	v2 =	vadd.f32 v60, v2  }
0x1d8: {  	v28 =	vor.u32 $0x32, v58;
	v6 =	vsub.f32 v11, v6;
	v10 =	vsub.f32 v21, v10;
	v21 =	vld.idx.msk [tilespmem:v27+s15+$0x0], $0xffff  }
0x1d9: {  	v63 =	vor.u32 $0x832, v0;
	v8 =	vmul.f32 v8, v8;
	v60 =	vld.idx.msk [tilespmem:v39+s14+$0x0], $0xffff;
	v2 =	vadd.f32 v14, v2  }
0x1da: {  	v6 =	vmul.f32 v6, v6;
	v4 =	vsub.f32 v4, v9;
	v14 =	vld.idx.msk [tilespmem:v61+s13+$0x0], $0xffff;
	v7 =	vadd.f32 v7, v19  }
0x1db: {  	v61 =	vor.u32 $0x831, v0;
	v19 =	vld.idx.msk [tilespmem:v44+s14+$0x0], $0xffff;
	v2 =	vadd.f32 v8, v2;
	v8 =	vadd.f32 v34, v33  }
0x1dc: {  	v13 =	vadd.f32 v24, v13;
	v5 =	vsub.f32 v5, v22;
	v4 =	vmul.f32 v4, v4;
	v16 =	vld.idx.msk [tilespmem:v37+s15+$0x0], $0xffff  }
0x1dd: {  	v39 =	vor.u32 $0x34, v58;
	v2 =	vadd.f32 v6, v2;
	v8 =	vsub.f32 v8, v36;
	v36 =	vld.idx.msk [tilespmem:v28+s13+$0x0], $0xffff  }
0x1de: {  	v3 =	vsub.f32 v3, v18;
	v6 =	vadd.f32 v15, v38;
	v38 =	vld.idx.msk [tilespmem:v63+s15+$0x0], $0xffff  }
0x1df: {  	v41 =	vmul.f32 v5, v5;
	v12 =	vadd.f32 v14, v12;
	v14 =	vld.idx.msk [tilespmem:v44+s15+$0x0], $0xffff;
	v2 =	vadd.f32 v4, v2  }
0x1e0: {  	v13 =	vsub.f32 v13, v29;
	v5 =	vadd.f32 v43, v42;
	v43 =	vor.u32 $0x835, v0;
	v29 =	vld.idx.msk [tilespmem:v61+s14+$0x0], $0xffff  }
0x1e1: {  	v3 =	vmul.f32 v3, v3;
	v33 =	vor.u32 $0x33, v58;
	v32 =	vld.idx.msk [tilespmem:v61+s15+$0x0], $0xffff;
	v2 =	vadd.f32 v41, v2  }
0x1e2: {  	v40 =	vor.u32 $0x2F, v58;
	v61 =	vld.idx.msk [tilespmem:v39+s13+$0x0], $0xffff  }
0x1e3: {  	v13 =	vmul.f32 v13, v13;
	v4 =	vld.idx.msk [tilespmem:v35+s15+$0x0], $0xffff;
	v2 =	vadd.f32 v3, v2  }
0x1e4: {  	v59 =	vor.u32 $0x30, v58;
	v10 =	vmul.f32 v10, v10;
	v7 =	vsub.f32 v7, v25;
	v35 =	vld.idx.msk [tilespmem:v63+s14+$0x0], $0xffff  }
0x1e5: {  	v25 =	vld.idx.msk [tilespmem:v43+s14+$0x0], $0xffff;
	v11 =	vsub.f32 v12, v31;
	v31 =	vor.u32 $0x833, v0;
	v2 =	vadd.f32 v13, v2  }
0x1e6: {  	v42 =	vld.idx.msk [tilespmem:v33+s13+$0x0], $0xffff  }
0x1e7: {  	v7 =	vmul.f32 v7, v7;
	v33 =	vor.u32 $0x38, v58;
	v3 =	vld.idx.msk [tilespmem:v40+s13+$0x0], $0xffff;
	v2 =	vadd.f32 v10, v2  }
0x1e8: {  	v6 =	vsub.f32 v6, v20;
	v63 =	vor.u32 $0x36, v58;
	v28 =	vld.idx.msk [tilespmem:v43+s15+$0x0], $0xffff  }
0x1e9: {  	v34 =	vmul.f32 v11, v11;
	v13 =	vld.idx.msk [tilespmem:v59+s13+$0x0], $0xffff;
	v2 =	vadd.f32 v7, v2  }
0x1ea: {  	v62 =	vor.u32 $0x836, v0;
	v6 =	vmul.f32 v6, v6;
	v40 =	vmul.f32 v8, v8;
	v41 =	vld.idx.msk [tilespmem:v31+s14+$0x0], $0xffff  }
0x1eb: {  	v11 =	vadd.f32 v36, v35;
	v35 =	vor.u32 $0x839, v0;
	v44 =	vld.idx.msk [tilespmem:v31+s15+$0x0], $0xffff;
	v2 =	vadd.f32 v34, v2  }
0x1ec: {  	v59 =	vor.u32 $0x35, v58;
	v39 =	vld.idx.msk [tilespmem:v33+s13+$0x0], $0xffff;
	v10 =	vadd.f32 v30, v29;
	v3 =	vadd.f32 v3, v60  }
0x1ed: {  	v4 =	vsub.f32 v5, v4;
	v31 =	vor.u32 $0x838, v0;
	v30 =	vld.idx.msk [tilespmem:v63+s13+$0x0], $0xffff;
	v2 =	vadd.f32 v40, v2  }
0x1ee: {  	v60 =	vld.idx.msk [tilespmem:v37+s14+$0x0], $0xffff;
	v9 =	vsub.f32 v10, v32;
	v3 =	vsub.f32 v3, v17  }
0x1ef: {  	v4 =	vmul.f32 v4, v4;
	v32 =	vld.idx.msk [tilespmem:v62+s15+$0x0], $0xffff;
	v13 =	vadd.f32 v13, v19;
	v2 =	vadd.f32 v6, v2  }
0x1f0: {  	v29 =	vor.u32 $0x37, v58;
	v43 =	vld.idx.msk [tilespmem:v35+s14+$0x0], $0xffff  }
0x1f1: {  	v26 =	vld.idx.msk [tilespmem:v59+s13+$0x0], $0xffff;
	v3 =	vmul.f32 v3, v3;
	v13 =	vsub.f32 v13, v14;
	v2 =	vadd.f32 v4, v2  }
0x1f2: {  	v22 =	vor.u32 $0x83C, v0;
	v36 =	vor.u32 $0x39, v58;
	v11 =	vsub.f32 v11, v38;
	v38 =	vld.idx.msk [tilespmem:v31+s14+$0x0], $0xffff  }
0x1f3: {  	v8 =	vadd.f32 v42, v41;
	v41 =	vld.idx.msk [tilespmem:v31+s15+$0x0], $0xffff;
	v13 =	vmul.f32 v13, v13;
	v2 =	vadd.f32 v3, v2  }
0x1f4: {  	v34 =	vld.idx.msk [tilespmem:v27+s14+$0x0], $0xffff  }
0x1f5: {  	v42 =	vor.u32 $0x3A, v58;
	v9 =	vmul.f32 v9, v9;
	v14 =	vld.idx.msk [tilespmem:v29+s13+$0x0], $0xffff;
	v2 =	vadd.f32 v13, v2  }
0x1f6: {  	v59 =	vor.u32 $0x83B, v0;
	v7 =	vsub.f32 v8, v44;
	v3 =	vld.idx.msk [tilespmem:v62+s14+$0x0], $0xffff  }
0x1f7: {  	v37 =	vmul.f32 v11, v11;
	v44 =	vld.idx.msk [tilespmem:v36+s13+$0x0], $0xffff;
	v5 =	vadd.f32 v61, v60;
	v2 =	vadd.f32 v9, v2  }
0x1f8: {  	v29 =	vld.idx.msk [tilespmem:v22+s14+$0x0], $0xffff;
	v40 =	vor.u32 $0x83A, v0;
	v61 =	vor.u32 $0x3B, v58;
	v4 =	vadd.f32 v26, v25  }
0x1f9: {  	v60 =	vld.idx.msk [tilespmem:v35+s15+$0x0], $0xffff;
	v7 =	vmul.f32 v7, v7;
	v5 =	vsub.f32 v5, v16;
	v2 =	vadd.f32 v37, v2  }
0x1fa: {  	v31 =	vor.u32 $0x83E, v0;
	v63 =	vld.idx.msk [tilespmem:v42+s13+$0x0], $0xffff;
	v6 =	vadd.f32 v39, v38;
	v4 =	vsub.f32 v4, v28  }
0x1fb: {  	v24 =	vld.idx.msk [tilespmem:v59+s14+$0x0], $0xffff;
	v5 =	vmul.f32 v5, v5;
	v3 =	vadd.f32 v30, v3;
	v2 =	vadd.f32 v7, v2  }
0x1fc: {  	v27 =	vld.idx.msk [tilespmem:v59+s15+$0x0], $0xffff;
	v39 =	vor.u32 $0x3F, v58;
	v26 =	vor.u32 $0x83D, v0;
	v13 =	vadd.f32 v14, v34  }
0x1fd: {  	v11 =	vld.idx.msk [tilespmem:v40+s15+$0x0], $0xffff;
	v4 =	vmul.f32 v4, v4;
	v3 =	vsub.f32 v3, v32;
	v2 =	vadd.f32 v5, v2  }
0x1fe: {  	v23 =	vor.u32 $0x3C, v58;
	v25 =	vld.idx.msk [tilespmem:v61+s13+$0x0], $0xffff;
	v28 =	vor.u32 $0x3D, v58  }
0x1ff: {  	v62 =	vld.idx.msk [tilespmem:v40+s14+$0x0], $0xffff;
	v13 =	vsub.f32 v13, v21;
	v3 =	vmul.f32 v3, v3;
	v2 =	vadd.f32 v4, v2  }
0x200: {  	v33 =	vor.u32 $0x3E, v58;
	v6 =	vsub.f32 v6, v41;
	v40 =	vld.idx.msk [tilespmem:v31+s14+$0x0], $0xffff  }
0x201: {  	v58 =	vld.idx.msk [tilespmem:v39+s13+$0x0], $0xffff;
	v7 =	vadd.f32 v44, v43;
	v2 =	vadd.f32 v3, v2;
	v3 =	vmul.f32 v13, v13  }
0x202: {  	v35 =	vld.idx.msk [tilespmem:v26+s14+$0x0], $0xffff;
	v37 =	vor.u32 $0x83F, v0  }
0x203: {  	v30 =	vld.idx.msk [tilespmem:v23+s13+$0x0], $0xffff;
	v34 =	vsub.f32 v7, v60;
	v2 =	vadd.f32 v3, v2;
	v3 =	vmul.f32 v6, v6  }
0x204: {  	v36 =	vld.idx.msk [tilespmem:v28+s13+$0x0], $0xffff;
	v5 =	vadd.f32 v63, v62  }
0x205: {  	v32 =	vld.idx.msk [tilespmem:v22+s15+$0x0], $0xffff;
	v2 =	vadd.f32 v3, v2;
	v3 =	vmul.f32 v34, v34  }
0x206: {  	v38 =	vld.idx.msk [tilespmem:v26+s15+$0x0], $0xffff;
	v5 =	vsub.f32 v5, v11;
	v4 =	vadd.f32 v25, v24  }
0x207: {  	v2 =	vadd.f32 v3, v2;
	v3 =	vld.idx.msk [tilespmem:v33+s13+$0x0], $0xffff  }
0x208: {  	v41 =	vadd.f32 v30, v29;
	v43 =	vld.idx.msk [tilespmem:v37+s14+$0x0], $0xffff;
	v4 =	vsub.f32 v4, v27;
	v5 =	vmul.f32 v5, v5  }
0x209: {  	v42 =	vld.idx.msk [tilespmem:v31+s15+$0x0], $0xffff;
	v7 =	vadd.f32 v36, v35  }
0x20a: {  	v44 =	vsub.f32 v41, v32;
	v4 =	vmul.f32 v4, v4;
	v2 =	vadd.f32 v5, v2  }
0x20b: {  	v60 =	vld.idx.msk [tilespmem:v37+s15+$0x0], $0xffff;
	v6 =	vsub.f32 v7, v38  }
0x20c: {  	v59 =	vmul.f32 v44, v44;
	v2 =	vadd.f32 v4, v2;
	v3 =	vadd.f32 v3, v40  }
0x20d: {  	v61 =	vadd.f32 v58, v43  }
0x20e: {  	v6 =	vmul.f32 v6, v6;
	v2 =	vadd.f32 v59, v2;
	v3 =	vsub.f32 v3, v42;
	_ =	sdelay $0x1  }
0x20f: {  	v4 =	vsub.f32 v61, v60;
	v2 =	vadd.f32 v6, v2;
	v3 =	vmul.f32 v3, v3;
	_ =	sdelay $0x1  }
0x210: {  	v2 =	vadd.f32 v3, v2;
	v3 =	vmul.f32 v4, v4;
	_ =	sdelay $0x1  }
0x211: {  	v2 =	vadd.f32 v3, v2;
	_ =	sdelay $0x1  }
0x212: {  	v3 =	vshrl.u32 v2, $0x1;
	v62 =	vmul.f32 $5.000000000e-01, v2  }
0x213: {  	v3 =	vsub.s32 $0x5F3759DF, v3  }
0x214: {  	v63 =	vmul.f32 v3, v62;
	_ =	sdelay $0x1  }
0x215: {  	v5 =	vmul.f32 v3, v63;
	_ =	sdelay $0x1  }
0x216: {  	v5 =	vsub.f32 $1.500000000e+00, v5;
	_ =	sdelay $0x1  }
0x217: {  	v3 =	vmul.f32 v3, v5;
	_ =	sdelay $0x1  }
0x218: {  	v5 =	vmul.f32 v3, v62;
	_ =	sdelay $0x1  }
0x219: {  	v5 =	vmul.f32 v5, v3;
	_ =	sdelay $0x1  }
0x21a: {  	v5 =	vsub.f32 $1.500000000e+00, v5;
	_ =	sdelay $0x1  }
0x21b: {  	v3 =	vmul.f32 v5, v3;
	_ =	sdelay $0x1  }
0x21c: {  	v4 =	vmul.f32 v3, v62;
	_ =	sdelay $0x1  }
0x21d: {  	v4 =	vmul.f32 v4, v3;
	_ =	sdelay $0x1  }
0x21e: {  	v4 =	vsub.f32 $1.500000000e+00, v4  }
0x21f: {  	s29 =	sadd.s32 $0x80, s29  }
0x220: {  	p0 =	sne.s32 s29, $0x800;
	v3 =	vmul.f32 v4, v3  }
.Ltmp4:
0x221: {  	_ = 	snop;
	(pc) =	sbr.rel @!p0 .LBB2_7-.Ltmp4, $4  }
0x222: {  	v3 =	vmul.f32 v3, v2  }
0x223: {  	vm0 =	vgt.f32 v2, $0.0e+00  }
0x224: {  	v2 =	vnsel vm0, $0x0, v3  }
0x225: {  	[tilespmem:s30+$0x12A10] =	vst v2  }
.LBB2_4:
0x226: {  	s30 =	sshra.s32 s29, $0x2  }
0x227: {  	v2 =	vld [tilespmem:s30+$0x610]  }
0x228: {  	v3 =	vld [tilespmem:s30+$0x810];
	_ =	sdelay $0x4  }
0x229: {  	v60 =	vshll.u32 v3, $0x7;
	v61 =	vmul.u32 $0x3D09000, v2  }
0x22a: {  	v2 =	vld [tilespmem:s30+$0xA10];
	(v2sf) =	vpush v60, $0x0  }
0x22b: {  	v3 =	vld [tilespmem:s30+$0xC10];
	(v2sf) =	vpush v61, $0x0;
	_ =	sdelay $0x4  }
0x22c: {  	v58 =	vshll.u32 v3, $0x7;
	v59 =	vmul.u32 $0x3D09000, v2  }
0x22d: {  	(v2sf) =	vpush v58, $0x0  }
0x22e: {  	(v2sf) =	vpush v59, $0x0;
	_ =	sdelay $0x5  }
0x22f: {  	(v2sf) =	vpush v60, $0x1  }
0x230: {  	s0 =	spop (v2sf);
	(v2sf) =	vpush v61, $0x1  }
0x231: {  	s31 =	sand.u32 $0xFFFFFC00, s0;
	s2 =	spop (v2sf)  }
0x232: {  	s0 =	sand.u32 $0x380, s0;
	s2 =	sadd.s32 s2, s31  }
0x233: {  	s0 =	sor.u32 s0, s2  }
0x234: {  	s0 =	sshrl.u32 s0, $0x3  }
0x235: {  	s1 =	simm.s32 $0x11200;
	s0 =	sadd.s32 s4, s0  }
0x236: {  	(v2sf) =	vpush v58, $0x1;
	[tilespmem:s1], [sflag:$0x2] =	stream.linear.gather [hbm4b:s0+s3], $0x80, $0x38;
	[tilespmem:$0x12C00] =	vst v63  }
0x237: {  	s0 =	spop (v2sf);
	(v2sf) =	vpush v59, $0x1  }
0x238: {  	s2 =	sand.u32 $0xFFFFFC00, s0;
	s1 =	spop (v2sf)  }
0x239: {  	s0 =	sand.u32 $0x380, s0;
	s2 =	sadd.s32 s1, s2  }
0x23a: {  	s0 =	sor.u32 s0, s2  }
0x23b: {  	s0 =	sshrl.u32 s0, $0x3  }
0x23c: {  	s31 =	simm.s32 $0x12200;
	s0 =	sadd.s32 s4, s0  }
0x23d: {  	(v2sf) =	vpush v60, $0x2;
	[tilespmem:s31], [sflag:$0x2] =	stream.linear.gather [hbm4b:s0+s3], $0x80, $0x38;
	[tilespmem:$0x12C00] =	vst v63  }
0x23e: {  	s0 =	spop (v2sf);
	(v2sf) =	vpush v61, $0x2  }
0x23f: {  	s2 =	sand.u32 $0xFFFFFC00, s0;
	s1 =	spop (v2sf)  }
0x240: {  	s0 =	sand.u32 $0x380, s0;
	s2 =	sadd.s32 s1, s2  }
0x241: {  	s0 =	sor.u32 s0, s2  }
0x242: {  	s0 =	sshrl.u32 s0, $0x3  }
0x243: {  	s31 =	simm.s32 $0x11280;
	s0 =	sadd.s32 s4, s0  }
0x244: {  	(v2sf) =	vpush v58, $0x2;
	[tilespmem:s31], [sflag:$0x2] =	stream.linear.gather [hbm4b:s0+s3], $0x80, $0x38;
	[tilespmem:$0x12C00] =	vst v63  }
0x245: {  	s0 =	spop (v2sf);
	(v2sf) =	vpush v59, $0x2  }
0x246: {  	s2 =	sand.u32 $0xFFFFFC00, s0;
	s1 =	spop (v2sf)  }
0x247: {  	s0 =	sand.u32 $0x380, s0;
	s2 =	sadd.s32 s1, s2  }
0x248: {  	s0 =	sor.u32 s0, s2  }
0x249: {  	s0 =	sshrl.u32 s0, $0x3  }
0x24a: {  	s31 =	simm.s32 $0x12280;
	s0 =	sadd.s32 s4, s0  }
0x24b: {  	(v2sf) =	vpush v60, $0x3;
	[tilespmem:s31], [sflag:$0x2] =	stream.linear.gather [hbm4b:s0+s3], $0x80, $0x38;
	[tilespmem:$0x12C00] =	vst v63  }
0x24c: {  	s0 =	spop (v2sf);
	(v2sf) =	vpush v61, $0x3  }
0x24d: {  	s2 =	sand.u32 $0xFFFFFC00, s0;
	s1 =	spop (v2sf)  }
0x24e: {  	s0 =	sand.u32 $0x380, s0;
	s2 =	sadd.s32 s1, s2  }
0x24f: {  	s0 =	sor.u32 s0, s2  }
0x250: {  	s0 =	sshrl.u32 s0, $0x3  }
0x251: {  	s31 =	simm.s32 $0x11300;
	s0 =	sadd.s32 s4, s0  }
0x252: {  	(v2sf) =	vpush v58, $0x3;
	[tilespmem:s31], [sflag:$0x2] =	stream.linear.gather [hbm4b:s0+s3], $0x80, $0x38;
	[tilespmem:$0x12C00] =	vst v63  }
0x253: {  	s0 =	spop (v2sf);
	(v2sf) =	vpush v59, $0x3  }
0x254: {  	s2 =	sand.u32 $0xFFFFFC00, s0;
	s1 =	spop (v2sf)  }
0x255: {  	s0 =	sand.u32 $0x380, s0;
	s2 =	sadd.s32 s1, s2  }
0x256: {  	s0 =	sor.u32 s0, s2  }
0x257: {  	s0 =	sshrl.u32 s0, $0x3  }
0x258: {  	s31 =	simm.s32 $0x12300;
	s0 =	sadd.s32 s4, s0  }
0x259: {  	(v2sf) =	vpush v60, $0x4;
	[tilespmem:s31], [sflag:$0x2] =	stream.linear.gather [hbm4b:s0+s3], $0x80, $0x38;
	[tilespmem:$0x12C00] =	vst v63  }
0x25a: {  	s0 =	spop (v2sf);
	(v2sf) =	vpush v61, $0x4  }
0x25b: {  	s2 =	sand.u32 $0xFFFFFC00, s0;
	s1 =	spop (v2sf)  }
0x25c: {  	s0 =	sand.u32 $0x380, s0;
	s2 =	sadd.s32 s1, s2  }
0x25d: {  	s0 =	sor.u32 s0, s2  }
0x25e: {  	s0 =	sshrl.u32 s0, $0x3  }
0x25f: {  	s31 =	simm.s32 $0x11380;
	s0 =	sadd.s32 s4, s0  }
0x260: {  	(v2sf) =	vpush v58, $0x4;
	[tilespmem:s31], [sflag:$0x2] =	stream.linear.gather [hbm4b:s0+s3], $0x80, $0x38;
	[tilespmem:$0x12C00] =	vst v63  }
0x261: {  	s0 =	spop (v2sf);
	(v2sf) =	vpush v59, $0x4  }
0x262: {  	s2 =	sand.u32 $0xFFFFFC00, s0;
	s1 =	spop (v2sf)  }
0x263: {  	s0 =	sand.u32 $0x380, s0;
	s2 =	sadd.s32 s1, s2  }
0x264: {  	s0 =	sor.u32 s0, s2  }
0x265: {  	s0 =	sshrl.u32 s0, $0x3  }
0x266: {  	s31 =	simm.s32 $0x12380;
	s0 =	sadd.s32 s4, s0  }
0x267: {  	(v2sf) =	vpush v60, $0x5;
	[tilespmem:s31], [sflag:$0x2] =	stream.linear.gather [hbm4b:s0+s3], $0x80, $0x38;
	[tilespmem:$0x12C00] =	vst v63  }
0x268: {  	s0 =	spop (v2sf);
	(v2sf) =	vpush v61, $0x5  }
0x269: {  	s2 =	sand.u32 $0xFFFFFC00, s0;
	s1 =	spop (v2sf)  }
0x26a: {  	s0 =	sand.u32 $0x380, s0;
	s2 =	sadd.s32 s1, s2  }
0x26b: {  	s0 =	sor.u32 s0, s2  }
0x26c: {  	s0 =	sshrl.u32 s0, $0x3  }
0x26d: {  	s31 =	simm.s32 $0x11400;
	s0 =	sadd.s32 s4, s0  }
0x26e: {  	(v2sf) =	vpush v58, $0x5;
	[tilespmem:s31], [sflag:$0x2] =	stream.linear.gather [hbm4b:s0+s3], $0x80, $0x38;
	[tilespmem:$0x12C00] =	vst v63  }
0x26f: {  	s0 =	spop (v2sf);
	(v2sf) =	vpush v59, $0x5  }
0x270: {  	s2 =	sand.u32 $0xFFFFFC00, s0;
	s1 =	spop (v2sf)  }
0x271: {  	s0 =	sand.u32 $0x380, s0;
	s2 =	sadd.s32 s1, s2  }
0x272: {  	s0 =	sor.u32 s0, s2  }
0x273: {  	s0 =	sshrl.u32 s0, $0x3  }
0x274: {  	s31 =	simm.s32 $0x12400;
	s0 =	sadd.s32 s4, s0  }
0x275: {  	(v2sf) =	vpush v60, $0x6;
	[tilespmem:s31], [sflag:$0x2] =	stream.linear.gather [hbm4b:s0+s3], $0x80, $0x38;
	[tilespmem:$0x12C00] =	vst v63  }
0x276: {  	s0 =	spop (v2sf);
	(v2sf) =	vpush v61, $0x6  }
0x277: {  	s2 =	sand.u32 $0xFFFFFC00, s0;
	s1 =	spop (v2sf)  }
0x278: {  	s0 =	sand.u32 $0x380, s0;
	s2 =	sadd.s32 s1, s2  }
0x279: {  	s0 =	sor.u32 s0, s2  }
0x27a: {  	s0 =	sshrl.u32 s0, $0x3  }
0x27b: {  	s31 =	simm.s32 $0x11480;
	s0 =	sadd.s32 s4, s0  }
0x27c: {  	(v2sf) =	vpush v58, $0x6;
	[tilespmem:s31], [sflag:$0x2] =	stream.linear.gather [hbm4b:s0+s3], $0x80, $0x38;
	[tilespmem:$0x12C00] =	vst v63  }
0x27d: {  	s0 =	spop (v2sf);
	(v2sf) =	vpush v59, $0x6  }
0x27e: {  	s2 =	sand.u32 $0xFFFFFC00, s0;
	s1 =	spop (v2sf)  }
0x27f: {  	s0 =	sand.u32 $0x380, s0;
	s2 =	sadd.s32 s1, s2  }
0x280: {  	s0 =	sor.u32 s0, s2  }
0x281: {  	s0 =	sshrl.u32 s0, $0x3  }
0x282: {  	s31 =	simm.s32 $0x12480;
	s0 =	sadd.s32 s4, s0  }
0x283: {  	(v2sf) =	vpush v60, $0x7;
	[tilespmem:s31], [sflag:$0x2] =	stream.linear.gather [hbm4b:s0+s3], $0x80, $0x38;
	[tilespmem:$0x12C00] =	vst v63  }
0x284: {  	s0 =	spop (v2sf);
	(v2sf) =	vpush v61, $0x7  }
0x285: {  	s2 =	sand.u32 $0xFFFFFC00, s0;
	s1 =	spop (v2sf)  }
0x286: {  	s0 =	sand.u32 $0x380, s0;
	s2 =	sadd.s32 s1, s2  }
0x287: {  	s0 =	sor.u32 s0, s2  }
0x288: {  	s0 =	sshrl.u32 s0, $0x3  }
0x289: {  	s31 =	simm.s32 $0x11500;
	s0 =	sadd.s32 s4, s0  }
0x28a: {  	(v2sf) =	vpush v58, $0x7;
	[tilespmem:s31], [sflag:$0x2] =	stream.linear.gather [hbm4b:s0+s3], $0x80, $0x38;
	[tilespmem:$0x12C00] =	vst v63  }
0x28b: {  	s0 =	spop (v2sf);
	(v2sf) =	vpush v59, $0x7  }
0x28c: {  	s2 =	sand.u32 $0xFFFFFC00, s0;
	s1 =	spop (v2sf)  }
0x28d: {  	s0 =	sand.u32 $0x380, s0;
	s2 =	sadd.s32 s1, s2  }
0x28e: {  	s0 =	sor.u32 s0, s2  }
0x28f: {  	s0 =	sshrl.u32 s0, $0x3  }
0x290: {  	s31 =	simm.s32 $0x12500;
	s0 =	sadd.s32 s4, s0  }
0x291: {  	(v2sf) =	vpush v60, $0x8;
	[tilespmem:s31], [sflag:$0x2] =	stream.linear.gather [hbm4b:s0+s3], $0x80, $0x38;
	[tilespmem:$0x12C00] =	vst v63  }
0x292: {  	s0 =	spop (v2sf);
	(v2sf) =	vpush v61, $0x8  }
0x293: {  	s2 =	sand.u32 $0xFFFFFC00, s0;
	s1 =	spop (v2sf)  }
0x294: {  	s0 =	sand.u32 $0x380, s0;
	s2 =	sadd.s32 s1, s2  }
0x295: {  	s0 =	sor.u32 s0, s2  }
0x296: {  	s0 =	sshrl.u32 s0, $0x3  }
0x297: {  	s0 =	sadd.s32 s4, s0  }
0x298: {  	(v2sf) =	vpush v58, $0x8;
	[tilespmem:s11], [sflag:$0x2] =	stream.linear.gather [hbm4b:s0+s3], $0x80, $0x38;
	[tilespmem:$0x12C00] =	vst v63  }
0x299: {  	s0 =	spop (v2sf);
	(v2sf) =	vpush v59, $0x8  }
0x29a: {  	s2 =	sand.u32 $0xFFFFFC00, s0;
	s1 =	spop (v2sf)  }
0x29b: {  	s0 =	sand.u32 $0x380, s0;
	s2 =	sadd.s32 s1, s2  }
0x29c: {  	s0 =	sor.u32 s0, s2  }
0x29d: {  	s0 =	sshrl.u32 s0, $0x3  }
0x29e: {  	s0 =	sadd.s32 s4, s0  }
0x29f: {  	(v2sf) =	vpush v60, $0x9;
	[tilespmem:s12], [sflag:$0x2] =	stream.linear.gather [hbm4b:s0+s3], $0x80, $0x38;
	[tilespmem:$0x12C00] =	vst v63  }
0x2a0: {  	s0 =	spop (v2sf);
	(v2sf) =	vpush v61, $0x9  }
0x2a1: {  	s2 =	sand.u32 $0xFFFFFC00, s0;
	s1 =	spop (v2sf)  }
0x2a2: {  	s0 =	sand.u32 $0x380, s0;
	s2 =	sadd.s32 s1, s2  }
0x2a3: {  	s0 =	sor.u32 s0, s2  }
0x2a4: {  	s0 =	sshrl.u32 s0, $0x3  }
0x2a5: {  	s0 =	sadd.s32 s4, s0  }
0x2a6: {  	(v2sf) =	vpush v58, $0x9;
	[tilespmem:s5], [sflag:$0x2] =	stream.linear.gather [hbm4b:s0+s3], $0x80, $0x38;
	[tilespmem:$0x12C00] =	vst v63  }
0x2a7: {  	s0 =	spop (v2sf);
	(v2sf) =	vpush v59, $0x9  }
0x2a8: {  	s2 =	sand.u32 $0xFFFFFC00, s0;
	s1 =	spop (v2sf)  }
0x2a9: {  	s0 =	sand.u32 $0x380, s0;
	s2 =	sadd.s32 s1, s2  }
0x2aa: {  	s0 =	sor.u32 s0, s2  }
0x2ab: {  	s0 =	sshrl.u32 s0, $0x3  }
0x2ac: {  	s0 =	sadd.s32 s4, s0  }
0x2ad: {  	(v2sf) =	vpush v60, $0xA;
	[tilespmem:s6], [sflag:$0x2] =	stream.linear.gather [hbm4b:s0+s3], $0x80, $0x38;
	[tilespmem:$0x12C00] =	vst v63  }
0x2ae: {  	s0 =	spop (v2sf);
	(v2sf) =	vpush v61, $0xA  }
0x2af: {  	s2 =	sand.u32 $0xFFFFFC00, s0;
	s1 =	spop (v2sf)  }
0x2b0: {  	s0 =	sand.u32 $0x380, s0;
	s2 =	sadd.s32 s1, s2  }
0x2b1: {  	s0 =	sor.u32 s0, s2  }
0x2b2: {  	s0 =	sshrl.u32 s0, $0x3  }
0x2b3: {  	s0 =	sadd.s32 s4, s0  }
0x2b4: {  	(v2sf) =	vpush v58, $0xA;
	[tilespmem:s7], [sflag:$0x2] =	stream.linear.gather [hbm4b:s0+s3], $0x80, $0x38;
	[tilespmem:$0x12C00] =	vst v63  }
0x2b5: {  	s0 =	spop (v2sf);
	(v2sf) =	vpush v59, $0xA  }
0x2b6: {  	s2 =	sand.u32 $0xFFFFFC00, s0;
	s1 =	spop (v2sf)  }
0x2b7: {  	s0 =	sand.u32 $0x380, s0;
	s2 =	sadd.s32 s1, s2  }
0x2b8: {  	s0 =	sor.u32 s0, s2  }
0x2b9: {  	s0 =	sshrl.u32 s0, $0x3  }
0x2ba: {  	s0 =	sadd.s32 s4, s0  }
0x2bb: {  	(v2sf) =	vpush v60, $0xB;
	[tilespmem:s8], [sflag:$0x2] =	stream.linear.gather [hbm4b:s0+s3], $0x80, $0x38;
	[tilespmem:$0x12C00] =	vst v63  }
0x2bc: {  	s0 =	spop (v2sf);
	(v2sf) =	vpush v61, $0xB  }
0x2bd: {  	s2 =	sand.u32 $0xFFFFFC00, s0;
	s1 =	spop (v2sf)  }
0x2be: {  	s0 =	sand.u32 $0x380, s0;
	s2 =	sadd.s32 s1, s2  }
0x2bf: {  	s0 =	sor.u32 s0, s2  }
0x2c0: {  	s0 =	sshrl.u32 s0, $0x3  }
0x2c1: {  	s0 =	sadd.s32 s4, s0  }
0x2c2: {  	(v2sf) =	vpush v58, $0xB;
	[tilespmem:s9], [sflag:$0x2] =	stream.linear.gather [hbm4b:s0+s3], $0x80, $0x38;
	[tilespmem:$0x12C00] =	vst v63  }
0x2c3: {  	s0 =	spop (v2sf);
	(v2sf) =	vpush v59, $0xB  }
0x2c4: {  	s2 =	sand.u32 $0xFFFFFC00, s0;
	s1 =	spop (v2sf)  }
0x2c5: {  	s0 =	sand.u32 $0x380, s0;
	s2 =	sadd.s32 s1, s2  }
0x2c6: {  	s0 =	sor.u32 s0, s2  }
0x2c7: {  	s0 =	sshrl.u32 s0, $0x3  }
0x2c8: {  	s0 =	sadd.s32 s4, s0  }
0x2c9: {  	(v2sf) =	vpush v60, $0xC;
	[tilespmem:s10], [sflag:$0x2] =	stream.linear.gather [hbm4b:s0+s3], $0x80, $0x38;
	[tilespmem:$0x12C00] =	vst v63  }
0x2ca: {  	s0 =	spop (v2sf);
	(v2sf) =	vpush v61, $0xC  }
0x2cb: {  	s2 =	sand.u32 $0xFFFFFC00, s0;
	s1 =	spop (v2sf)  }
0x2cc: {  	s0 =	sand.u32 $0x380, s0;
	s2 =	sadd.s32 s1, s2  }
0x2cd: {  	s0 =	sor.u32 s0, s2  }
0x2ce: {  	s0 =	sshrl.u32 s0, $0x3  }
0x2cf: {  	s0 =	sadd.s32 s4, s0  }
0x2d0: {  	(v2sf) =	vpush v58, $0xC;
	[tilespmem:s16], [sflag:$0x2] =	stream.linear.gather [hbm4b:s0+s3], $0x80, $0x38;
	[tilespmem:$0x12C00] =	vst v63  }
0x2d1: {  	s0 =	spop (v2sf);
	(v2sf) =	vpush v59, $0xC  }
0x2d2: {  	s2 =	sand.u32 $0xFFFFFC00, s0;
	s1 =	spop (v2sf)  }
0x2d3: {  	s0 =	sand.u32 $0x380, s0;
	s2 =	sadd.s32 s1, s2  }
0x2d4: {  	s0 =	sor.u32 s0, s2  }
0x2d5: {  	s0 =	sshrl.u32 s0, $0x3  }
0x2d6: {  	s0 =	sadd.s32 s4, s0  }
0x2d7: {  	(v2sf) =	vpush v60, $0xD;
	[tilespmem:s17], [sflag:$0x2] =	stream.linear.gather [hbm4b:s0+s3], $0x80, $0x38;
	[tilespmem:$0x12C00] =	vst v63  }
0x2d8: {  	s0 =	spop (v2sf);
	(v2sf) =	vpush v61, $0xD  }
0x2d9: {  	s2 =	sand.u32 $0xFFFFFC00, s0;
	s1 =	spop (v2sf)  }
0x2da: {  	s0 =	sand.u32 $0x380, s0;
	s2 =	sadd.s32 s1, s2  }
0x2db: {  	s0 =	sor.u32 s0, s2  }
0x2dc: {  	s0 =	sshrl.u32 s0, $0x3  }
0x2dd: {  	s0 =	sadd.s32 s4, s0  }
0x2de: {  	(v2sf) =	vpush v58, $0xD;
	[tilespmem:s18], [sflag:$0x2] =	stream.linear.gather [hbm4b:s0+s3], $0x80, $0x38;
	[tilespmem:$0x12C00] =	vst v63  }
0x2df: {  	s0 =	spop (v2sf);
	(v2sf) =	vpush v59, $0xD  }
0x2e0: {  	s2 =	sand.u32 $0xFFFFFC00, s0;
	s1 =	spop (v2sf)  }
0x2e1: {  	s0 =	sand.u32 $0x380, s0;
	s2 =	sadd.s32 s1, s2  }
0x2e2: {  	s0 =	sor.u32 s0, s2  }
0x2e3: {  	s0 =	sshrl.u32 s0, $0x3  }
0x2e4: {  	s0 =	sadd.s32 s4, s0  }
0x2e5: {  	(v2sf) =	vpush v60, $0xE;
	[tilespmem:s19], [sflag:$0x2] =	stream.linear.gather [hbm4b:s0+s3], $0x80, $0x38;
	[tilespmem:$0x12C00] =	vst v63  }
0x2e6: {  	s0 =	spop (v2sf);
	(v2sf) =	vpush v61, $0xE  }
0x2e7: {  	s2 =	sand.u32 $0xFFFFFC00, s0;
	s1 =	spop (v2sf)  }
0x2e8: {  	s0 =	sand.u32 $0x380, s0;
	s2 =	sadd.s32 s1, s2  }
0x2e9: {  	s0 =	sor.u32 s0, s2  }
0x2ea: {  	(v2sf) =	vpush v58, $0xE;
	s0 =	sshrl.u32 s0, $0x3  }
0x2eb: {  	s0 =	sadd.s32 s4, s0  }
0x2ec: {  	(v2sf) =	vpush v59, $0xE;
	[tilespmem:s20], [sflag:$0x2] =	stream.linear.gather [hbm4b:s0+s3], $0x80, $0x38;
	[tilespmem:$0x12C00] =	vst v63  }
0x2ed: {  	s0 =	spop (v2sf)  }
0x2ee: {  	s2 =	sand.u32 $0xFFFFFC00, s0;
	s1 =	spop (v2sf)  }
0x2ef: {  	s0 =	sand.u32 $0x380, s0;
	(v2sf) =	vpush v61, $0xF;
	s2 =	sadd.s32 s1, s2  }
0x2f0: {  	(v2sf) =	vpush v60, $0xF;
	s0 =	sor.u32 s0, s2  }
0x2f1: {  	s0 =	sshrl.u32 s0, $0x3  }
0x2f2: {  	s0 =	sadd.s32 s4, s0  }
0x2f3: {  	[tilespmem:s21], [sflag:$0x2] =	stream.linear.gather [hbm4b:s0+s3], $0x80, $0x38;
	[tilespmem:$0x12C00] =	vst v63  }
0x2f4: {  	s0 =	spop (v2sf)  }
0x2f5: {  	s2 =	sand.u32 $0xFFFFFC00, s0;
	s1 =	spop (v2sf)  }
0x2f6: {  	(v2sf) =	vpush v59, $0xF;
	s0 =	sand.u32 $0x380, s0;
	s2 =	sadd.s32 s1, s2  }
0x2f7: {  	s0 =	sor.u32 s0, s2  }
0x2f8: {  	(v2sf) =	vpush v58, $0xF;
	s0 =	sshrl.u32 s0, $0x3  }
0x2f9: {  	s2 =	spop (v2sf);
	s0 =	sadd.s32 s4, s0  }
0x2fa: {  	[tilespmem:s22], [sflag:$0x2] =	stream.linear.gather [hbm4b:s0+s3], $0x80, $0x38;
	[tilespmem:$0x12C00] =	vst v63  }
0x2fb: {  	s1 =	sand.u32 $0xFFFFFC00, s2;
	s0 =	spop (v2sf)  }
0x2fc: {  	s2 =	sand.u32 $0x380, s2;
	s0 =	sadd.s32 s0, s1  }
0x2fd: {  	s0 =	sor.u32 s2, s0  }
0x2fe: {  	s0 =	sshrl.u32 s0, $0x3;
	s2 =	spop (v2sf)  }
0x2ff: {  	s0 =	sadd.s32 s4, s0;
	s31 =	spop (v2sf)  }
0x300: {  	[tilespmem:s23], [sflag:$0x2] =	stream.linear.gather [hbm4b:s0+s3], $0x80, $0x38;
	[tilespmem:$0x12C00] =	vst v63  }
0x301: {  	s1 =	sand.u32 $0xFFFFFC00, s31  }
0x302: {  	s31 =	sand.u32 $0x380, s31;
	s0 =	sadd.s32 s2, s1  }
0x303: {  	s0 =	sor.u32 s31, s0  }
0x304: {  	s0 =	sshrl.u32 s0, $0x3  }
0x305: {  	s2 =	spop (v2sf);
	s0 =	sadd.s32 s4, s0  }
0x306: {  	[tilespmem:s24], [sflag:$0x2] =	stream.linear.gather [hbm4b:s0+s3], $0x80, $0x38;
	[tilespmem:$0x12C00] =	vst v63  }
0x307: {  	s0 =	spop (v2sf)  }
0x308: {  	s1 =	sand.u32 $0xFFFFFC00, s0  }
0x309: {  	s0 =	sand.u32 $0x380, s0;
	s2 =	sadd.s32 s2, s1  }
0x30a: {  	s0 =	sor.u32 s0, s2  }
0x30b: {  	s0 =	sshrl.u32 s0, $0x3  }
0x30c: {  	s0 =	sadd.s32 s4, s0  }
0x30d: {  	[tilespmem:s25], [sflag:$0x2] =	stream.linear.gather [hbm4b:s0+s3], $0x80, $0x38;
	[tilespmem:$0x12C00] =	vst v63  }
0x30e: {  	_ =	swait.ge [sflag:s26], $0x800  }
0x30f: {  	[sflag:s26] =	ssyncset.done $0x0  }
0x310: {  	[sflag:s26] =	ssyncadd.s32 $0xFFFFF800  }
0x311: {  	_ =	swait.ge [sflag:s26], $0x800  }
0x312: {  	v4 =	vld [tilespmem:$0x1FD50]  }
0x313: {  	v6 =	vld [tilespmem:$0x1FD60]  }
0x314: {  	v9 =	vld [tilespmem:$0x1FD70]  }
0x315: {  	v12 =	vld [tilespmem:$0x1FD80]  }
0x316: {  	v15 =	vld [tilespmem:$0x1FD90]  }
0x317: {  	v18 =	vld [tilespmem:$0x1FDA0]  }
0x318: {  	v21 =	vld [tilespmem:$0x1FDB0]  }
0x319: {  	v24 =	vld [tilespmem:$0x1FDC0]  }
0x31a: {  	v27 =	vld [tilespmem:$0x1FDD0]  }
0x31b: {  	v30 =	vld [tilespmem:$0x1FDE0]  }
0x31c: {  	v33 =	vld [tilespmem:$0x1FDF0]  }
0x31d: {  	v36 =	vld [tilespmem:$0x1FE00]  }
0x31e: {  	[sflag:s26] =	ssyncset.done $0x0;
	v39 =	vld [tilespmem:$0x1FE10]  }
0x31f: {  	v42 =	vld [tilespmem:$0x1FE20];
	[sflag:s26] =	ssyncadd.s32 $0xFFFFF800  }
0x320: {  	v2 =	vld [tilespmem:s30+$0x200]  }
0x321: {  	v3 =	vld.idx.msk [tilespmem:v0+s14+$0x0], $0xffff  }
0x322: {  	v60 =	vld.idx.msk [tilespmem:v0+s15+$0x0], $0xffff  }
0x323: {  	v62 =	vld.idx.msk [tilespmem:v4+s14+$0x0], $0xffff  }
0x324: {  	v63 =	vld.idx.msk [tilespmem:v4+s15+$0x0], $0xffff  }
0x325: {  	v5 =	vld.idx.msk [tilespmem:v6+s14+$0x0], $0xffff  }
0x326: {  	v6 =	vld.idx.msk [tilespmem:v6+s15+$0x0], $0xffff  }
0x327: {  	v8 =	vld.idx.msk [tilespmem:v9+s14+$0x0], $0xffff  }
0x328: {  	v9 =	vld.idx.msk [tilespmem:v9+s15+$0x0], $0xffff  }
0x329: {  	v11 =	vld.idx.msk [tilespmem:v12+s14+$0x0], $0xffff  }
0x32a: {  	v12 =	vld.idx.msk [tilespmem:v12+s15+$0x0], $0xffff  }
0x32b: {  	v14 =	vld.idx.msk [tilespmem:v15+s14+$0x0], $0xffff  }
0x32c: {  	v15 =	vld.idx.msk [tilespmem:v15+s15+$0x0], $0xffff  }
0x32d: {  	v17 =	vld.idx.msk [tilespmem:v18+s14+$0x0], $0xffff  }
0x32e: {  	v18 =	vld.idx.msk [tilespmem:v18+s15+$0x0], $0xffff  }
0x32f: {  	v20 =	vld.idx.msk [tilespmem:v21+s14+$0x0], $0xffff  }
0x330: {  	v21 =	vld.idx.msk [tilespmem:v21+s15+$0x0], $0xffff  }
0x331: {  	v23 =	vld.idx.msk [tilespmem:v24+s14+$0x0], $0xffff  }
0x332: {  	v24 =	vld.idx.msk [tilespmem:v24+s15+$0x0], $0xffff  }
0x333: {  	v26 =	vld.idx.msk [tilespmem:v27+s14+$0x0], $0xffff  }
0x334: {  	v27 =	vld.idx.msk [tilespmem:v27+s15+$0x0], $0xffff  }
0x335: {  	v29 =	vld.idx.msk [tilespmem:v30+s14+$0x0], $0xffff  }
0x336: {  	v30 =	vld.idx.msk [tilespmem:v30+s15+$0x0], $0xffff  }
0x337: {  	v58 =	vshll.u32 v2, $0x6;
	v32 =	vld.idx.msk [tilespmem:v33+s14+$0x0], $0xffff  }
0x338: {  	v44 =	vor.u32 $0x3, v58;
	v33 =	vld.idx.msk [tilespmem:v33+s15+$0x0], $0xffff  }
0x339: {  	v35 =	vld.idx.msk [tilespmem:v36+s14+$0x0], $0xffff  }
0x33a: {  	v36 =	vld.idx.msk [tilespmem:v36+s15+$0x0], $0xffff  }
0x33b: {  	v38 =	vld.idx.msk [tilespmem:v39+s14+$0x0], $0xffff  }
0x33c: {  	v2 =	vor.u32 $0x1, v58;
	v39 =	vld.idx.msk [tilespmem:v39+s15+$0x0], $0xffff  }
0x33d: {  	v4 =	vld.idx.msk [tilespmem:v44+s13+$0x0], $0xffff  }
0x33e: {  	v43 =	vor.u32 $0x2, v58;
	v44 =	vld [tilespmem:$0x1FE30]  }
0x33f: {  	v7 =	vor.u32 $0x4, v58;
	v41 =	vld.idx.msk [tilespmem:v42+s14+$0x0], $0xffff  }
0x340: {  	v10 =	vor.u32 $0x5, v58;
	v59 =	vld.idx.msk [tilespmem:v58+s13+$0x0], $0xffff  }
0x341: {  	v2 =	vld.idx.msk [tilespmem:v2+s13+$0x0], $0xffff  }
0x342: {  	v42 =	vld.idx.msk [tilespmem:v42+s15+$0x0], $0xffff  }
0x343: {  	v61 =	vld.idx.msk [tilespmem:v43+s13+$0x0], $0xffff  }
0x344: {  	v13 =	vor.u32 $0x6, v58;
	v7 =	vld.idx.msk [tilespmem:v7+s13+$0x0], $0xffff  }
0x345: {  	v16 =	vor.u32 $0x7, v58;
	v10 =	vld.idx.msk [tilespmem:v10+s13+$0x0], $0xffff;
	v3 =	vadd.f32 v59, v3  }
0x346: {  	v19 =	vor.u32 $0x8, v58;
	v2 =	vadd.f32 v2, v62;
	v59 =	vld.idx.msk [tilespmem:v44+s14+$0x0], $0xffff  }
0x347: {  	v62 =	vor.u32 $0x11, v58;
	v3 =	vsub.f32 v3, v60;
	v60 =	vld.idx.msk [tilespmem:v44+s15+$0x0], $0xffff  }
0x348: {  	v5 =	vadd.f32 v61, v5;
	v2 =	vsub.f32 v2, v63;
	v44 =	vld [tilespmem:$0x1FE40]  }
0x349: {  	v13 =	vld.idx.msk [tilespmem:v13+s13+$0x0], $0xffff;
	v63 =	vor.u32 $0x12, v58  }
0x34a: {  	v16 =	vld.idx.msk [tilespmem:v16+s13+$0x0], $0xffff;
	v5 =	vsub.f32 v5, v6;
	v3 =	vmul.f32 v3, v3;
	v2 =	vmul.f32 v2, v2  }
0x34b: {  	v19 =	vld.idx.msk [tilespmem:v19+s13+$0x0], $0xffff  }
0x34c: {  	v7 =	vadd.f32 v7, v11;
	v2 =	vadd.f32 v2, v3;
	v3 =	vmul.f32 v5, v5;
	v5 =	vld.idx.msk [tilespmem:v62+s13+$0x0], $0xffff  }
0x34d: {  	v62 =	vld [tilespmem:$0x1FE60]  }
0x34e: {  	v22 =	vor.u32 $0x9, v58;
	v7 =	vsub.f32 v7, v12;
	v12 =	vld.idx.msk [tilespmem:v63+s13+$0x0], $0xffff  }
0x34f: {  	v25 =	vor.u32 $0xA, v58;
	v63 =	vld [tilespmem:$0x1FE70]  }
0x350: {  	v28 =	vor.u32 $0xB, v58;
	v61 =	vld.idx.msk [tilespmem:v44+s14+$0x0], $0xffff  }
0x351: {  	v31 =	vor.u32 $0xC, v58;
	v6 =	vld.idx.msk [tilespmem:v44+s15+$0x0], $0xffff  }
0x352: {  	v34 =	vor.u32 $0xD, v58;
	v44 =	vld [tilespmem:$0x1FE50]  }
0x353: {  	v22 =	vld.idx.msk [tilespmem:v22+s13+$0x0], $0xffff;
	v4 =	vadd.f32 v4, v8  }
0x354: {  	v25 =	vld.idx.msk [tilespmem:v25+s13+$0x0], $0xffff  }
0x355: {  	v28 =	vld.idx.msk [tilespmem:v28+s13+$0x0], $0xffff;
	v4 =	vsub.f32 v4, v9  }
0x356: {  	v31 =	vld.idx.msk [tilespmem:v31+s13+$0x0], $0xffff  }
0x357: {  	v34 =	vld.idx.msk [tilespmem:v34+s13+$0x0], $0xffff;
	v4 =	vmul.f32 v4, v4;
	v2 =	vadd.f32 v3, v2  }
0x358: {  	v3 =	vld.idx.msk [tilespmem:v62+s14+$0x0], $0xffff  }
0x359: {  	v2 =	vadd.f32 v4, v2;
	v4 =	vmul.f32 v7, v7;
	v7 =	vld.idx.msk [tilespmem:v63+s15+$0x0], $0xffff  }
0x35a: {  	v37 =	vor.u32 $0xE, v58;
	v10 =	vadd.f32 v10, v14;
	v8 =	vld.idx.msk [tilespmem:v44+s14+$0x0], $0xffff  }
0x35b: {  	v40 =	vor.u32 $0xF, v58;
	v13 =	vadd.f32 v13, v17;
	v9 =	vld.idx.msk [tilespmem:v44+s15+$0x0], $0xffff  }
0x35c: {  	v44 =	vsub.f32 v10, v15;
	v10 =	vld.idx.msk [tilespmem:v63+s14+$0x0], $0xffff  }
0x35d: {  	v43 =	vor.u32 $0x10, v58;
	v16 =	vadd.f32 v16, v20;
	v13 =	vsub.f32 v13, v18;
	v63 =	vld [tilespmem:$0x1FE80]  }
0x35e: {  	v2 =	vadd.f32 v4, v2;
	v14 =	vld.idx.msk [tilespmem:v62+s15+$0x0], $0xffff;
	v62 =	vor.u32 $0x14, v58;
	v44 =	vmul.f32 v44, v44  }
0x35f: {  	v37 =	vld.idx.msk [tilespmem:v37+s13+$0x0], $0xffff  }
0x360: {  	v40 =	vld.idx.msk [tilespmem:v40+s13+$0x0], $0xffff;
	v16 =	vsub.f32 v16, v21;
	v13 =	vmul.f32 v13, v13;
	v2 =	vadd.f32 v44, v2  }
0x361: {  	v19 =	vadd.f32 v19, v23;
	v23 =	vld [tilespmem:$0x1FE90]  }
0x362: {  	v43 =	vld.idx.msk [tilespmem:v43+s13+$0x0], $0xffff;
	v11 =	vor.u32 $0x13, v58;
	v44 =	vmul.f32 v16, v16;
	v2 =	vadd.f32 v13, v2  }
0x363: {  	v20 =	vor.u32 $0x16, v58;
	v4 =	vld.idx.msk [tilespmem:v62+s13+$0x0], $0xffff  }
0x364: {  	v2 =	vadd.f32 v44, v2;
	v44 =	vld [tilespmem:$0x1FEA0]  }
0x365: {  	v62 =	vsub.f32 v19, v24;
	v17 =	vld.idx.msk [tilespmem:v63+s14+$0x0], $0xffff  }
0x366: {  	v18 =	vld.idx.msk [tilespmem:v63+s15+$0x0], $0xffff;
	v63 =	vadd.f32 v22, v26  }
0x367: {  	v11 =	vld.idx.msk [tilespmem:v11+s13+$0x0], $0xffff;
	v16 =	vmul.f32 v62, v62;
	v62 =	vadd.f32 v25, v29  }
0x368: {  	v20 =	vld.idx.msk [tilespmem:v20+s13+$0x0], $0xffff;
	v19 =	vsub.f32 v63, v27  }
0x369: {  	v21 =	vld.idx.msk [tilespmem:v23+s14+$0x0], $0xffff;
	v63 =	vsub.f32 v62, v30;
	v62 =	vadd.f32 v28, v32  }
0x36a: {  	v15 =	vor.u32 $0x15, v58;
	v22 =	vld.idx.msk [tilespmem:v23+s15+$0x0], $0xffff  }
0x36b: {  	v41 =	vadd.f32 v37, v41;
	v23 =	vor.u32 $0x17, v58;
	v27 =	vsub.f32 v62, v33;
	v62 =	vld [tilespmem:$0x1FEC0]  }
0x36c: {  	v26 =	vor.u32 $0x18, v58;
	v2 =	vadd.f32 v16, v2;
	v13 =	vld.idx.msk [tilespmem:v44+s14+$0x0], $0xffff  }
0x36d: {  	v32 =	vsub.f32 v41, v42;
	v42 =	vor.u32 $0x1E, v58;
	v16 =	vmul.f32 v19, v19;
	v25 =	vld.idx.msk [tilespmem:v44+s15+$0x0], $0xffff  }
0x36e: {  	v28 =	vor.u32 $0x19, v58;
	v44 =	vld [tilespmem:$0x1FEB0]  }
0x36f: {  	v15 =	vld.idx.msk [tilespmem:v15+s13+$0x0], $0xffff;
	v63 =	vmul.f32 v63, v63;
	v2 =	vadd.f32 v16, v2  }
0x370: {  	v10 =	vadd.f32 v11, v10;
	v23 =	vld.idx.msk [tilespmem:v23+s13+$0x0], $0xffff  }
0x371: {  	v38 =	vadd.f32 v34, v38;
	v16 =	vld.idx.msk [tilespmem:v26+s13+$0x0], $0xffff;
	v2 =	vadd.f32 v63, v2;
	v63 =	vmul.f32 v27, v27  }
0x372: {  	v7 =	vsub.f32 v10, v7;
	v10 =	vld.idx.msk [tilespmem:v42+s13+$0x0], $0xffff  }
0x373: {  	v27 =	vld.idx.msk [tilespmem:v28+s13+$0x0], $0xffff;
	v2 =	vadd.f32 v63, v2;
	v63 =	vsub.f32 v38, v39;
	v39 =	vor.u32 $0x22, v58  }
0x374: {  	v30 =	vld.idx.msk [tilespmem:v62+s14+$0x0], $0xffff  }
0x375: {  	v29 =	vld.idx.msk [tilespmem:v62+s15+$0x0], $0xffff  }
0x376: {  	v15 =	vadd.f32 v15, v21;
	v24 =	vld.idx.msk [tilespmem:v44+s14+$0x0], $0xffff  }
0x377: {  	v19 =	vld.idx.msk [tilespmem:v44+s15+$0x0], $0xffff;
	v44 =	vadd.f32 v31, v35;
	v31 =	vor.u32 $0x1A, v58  }
0x378: {  	v15 =	vsub.f32 v15, v22;
	v22 =	vld.idx.msk [tilespmem:v39+s13+$0x0], $0xffff;
	v35 =	vor.u32 $0x1B, v58  }
0x379: {  	v16 =	vadd.f32 v16, v30;
	v30 =	vld [tilespmem:$0x1FFD0]  }
0x37a: {  	v36 =	vsub.f32 v44, v36;
	v44 =	vld [tilespmem:$0x1FED0]  }
0x37b: {  	v42 =	vor.u32 $0x23, v58;
	v16 =	vsub.f32 v16, v29;
	v29 =	vld.idx.msk [tilespmem:v47+s14+$0x0], $0xffff  }
0x37c: {  	v38 =	vor.u32 $0x1C, v58;
	v62 =	vmul.f32 v36, v36;
	v31 =	vld.idx.msk [tilespmem:v31+s13+$0x0], $0xffff  }
0x37d: {  	v35 =	vld.idx.msk [tilespmem:v35+s13+$0x0], $0xffff;
	v23 =	vadd.f32 v23, v24  }
0x37e: {  	v2 =	vadd.f32 v62, v2;
	v62 =	vadd.f32 v40, v59;
	v59 =	vld [tilespmem:$0x1FEF0]  }
0x37f: {  	v28 =	vmul.f32 v63, v63;
	v40 =	vld [tilespmem:$0x1FF50]  }
0x380: {  	v41 =	vsub.f32 v23, v19;
	v23 =	vld.idx.msk [tilespmem:v42+s13+$0x0], $0xffff  }
0x381: {  	v2 =	vadd.f32 v28, v2;
	v28 =	vld.idx.msk [tilespmem:v38+s13+$0x0], $0xffff  }
0x382: {  	v33 =	vld.idx.msk [tilespmem:v44+s14+$0x0], $0xffff  }
0x383: {  	v63 =	vmul.f32 v32, v32;
	v34 =	vld.idx.msk [tilespmem:v44+s15+$0x0], $0xffff  }
0x384: {  	v44 =	vld [tilespmem:$0x1FEE0]  }
0x385: {  	v2 =	vadd.f32 v63, v2;
	v63 =	vld [tilespmem:$0x1FF00]  }
0x386: {  	v36 =	vld.idx.msk [tilespmem:v59+s14+$0x0], $0xffff  }
0x387: {  	v32 =	vld.idx.msk [tilespmem:v59+s15+$0x0], $0xffff  }
0x388: {  	v59 =	vld [tilespmem:$0x1FF20]  }
0x389: {  	v24 =	vld.idx.msk [tilespmem:v40+s14+$0x0], $0xffff  }
0x38a: {  	v19 =	vld.idx.msk [tilespmem:v40+s15+$0x0], $0xffff  }
0x38b: {  	v40 =	vld [tilespmem:$0x1FF90]  }
0x38c: {  	v26 =	vld.idx.msk [tilespmem:v44+s14+$0x0], $0xffff  }
0x38d: {  	v5 =	vadd.f32 v5, v8;
	v37 =	vld.idx.msk [tilespmem:v44+s15+$0x0], $0xffff  }
0x38e: {  	v8 =	vld.idx.msk [tilespmem:v63+s14+$0x0], $0xffff  }
0x38f: {  	v5 =	vsub.f32 v5, v9;
	v9 =	vld.idx.msk [tilespmem:v63+s15+$0x0], $0xffff  }
0x390: {  	v44 =	vsub.f32 v62, v60;
	v60 =	vadd.f32 v43, v61;
	v43 =	vld [tilespmem:$0x1FF10]  }
0x391: {  	v62 =	vor.u32 $0x1D, v58;
	v63 =	vld [tilespmem:$0x1FF40];
	v36 =	vadd.f32 v35, v36  }
0x392: {  	v35 =	vld [tilespmem:$0x1FFE0];
	v61 =	vmul.f32 v44, v44;
	v6 =	vsub.f32 v60, v6;
	v44 =	vor.u32 $0x1F, v58  }
0x393: {  	v4 =	vadd.f32 v4, v17;
	v17 =	vld.idx.msk [tilespmem:v59+s15+$0x0], $0xffff  }
0x394: {  	v2 =	vadd.f32 v61, v2;
	v6 =	vmul.f32 v6, v6;
	v61 =	vld [tilespmem:$0x1FF30]  }
0x395: {  	v3 =	vadd.f32 v12, v3;
	v8 =	vadd.f32 v28, v8;
	v28 =	vld.idx.msk [tilespmem:v40+s14+$0x0], $0xffff  }
0x396: {  	v26 =	vadd.f32 v31, v26;
	v2 =	vadd.f32 v6, v2;
	v6 =	vld.idx.msk [tilespmem:v62+s13+$0x0], $0xffff  }
0x397: {  	v3 =	vsub.f32 v3, v14;
	v14 =	vld.idx.msk [tilespmem:v44+s13+$0x0], $0xffff  }
0x398: {  	v26 =	vsub.f32 v26, v37;
	v37 =	vld [tilespmem:$0x1FF80]  }
0x399: {  	v8 =	vsub.f32 v8, v9;
	v9 =	vld.idx.msk [tilespmem:v40+s15+$0x0], $0xffff  }
0x39a: {  	v5 =	vmul.f32 v5, v5;
	v12 =	vld.idx.msk [tilespmem:v43+s14+$0x0], $0xffff  }
0x39b: {  	v11 =	vld.idx.msk [tilespmem:v43+s15+$0x0], $0xffff  }
0x39c: {  	v2 =	vadd.f32 v5, v2;
	v5 =	vld.idx.msk [tilespmem:v59+s14+$0x0], $0xffff  }
0x39d: {  	v3 =	vmul.f32 v3, v3;
	v13 =	vadd.f32 v20, v13;
	v20 =	vld.idx.msk [tilespmem:v63+s14+$0x0], $0xffff  }
0x39e: {  	v4 =	vsub.f32 v4, v18;
	v21 =	vld.idx.msk [tilespmem:v63+s15+$0x0], $0xffff;
	v63 =	vor.u32 $0x25, v58  }
0x39f: {  	v39 =	vor.u32 $0x26, v58;
	v43 =	vld [tilespmem:$0x1FF60];
	v2 =	vadd.f32 v3, v2;
	v3 =	vmul.f32 v7, v7  }
0x3a0: {  	v7 =	vld.idx.msk [tilespmem:v61+s14+$0x0], $0xffff  }
0x3a1: {  	v60 =	vor.u32 $0x20, v58;
	v2 =	vadd.f32 v3, v2;
	v3 =	vmul.f32 v4, v4;
	v4 =	vld.idx.msk [tilespmem:v61+s15+$0x0], $0xffff  }
0x3a2: {  	v61 =	vld [tilespmem:$0x1FF70]  }
0x3a3: {  	v42 =	vld.idx.msk [tilespmem:v63+s13+$0x0], $0xffff  }
0x3a4: {  	v5 =	vadd.f32 v10, v5;
	v10 =	vld.idx.msk [tilespmem:v39+s13+$0x0], $0xffff  }
0x3a5: {  	v62 =	vor.u32 $0x21, v58;
	v44 =	vadd.f32 v27, v33;
	v39 =	vld [tilespmem:$0x1FFF0]  }
0x3a6: {  	v2 =	vadd.f32 v3, v2;
	v3 =	vld.idx.msk [tilespmem:v60+s13+$0x0], $0xffff  }
0x3a7: {  	v60 =	vsub.f32 v44, v34;
	v44 =	vld [tilespmem:$0x1FFA0]  }
0x3a8: {  	v15 =	vmul.f32 v15, v15;
	v33 =	vld.idx.msk [tilespmem:v37+s14+$0x0], $0xffff  }
0x3a9: {  	v13 =	vsub.f32 v13, v25;
	v63 =	vor.u32 $0x2A, v58;
	v31 =	vld.idx.msk [tilespmem:v37+s15+$0x0], $0xffff  }
0x3aa: {  	v2 =	vadd.f32 v15, v2;
	v15 =	vld.idx.msk [tilespmem:v62+s13+$0x0], $0xffff  }
0x3ab: {  	v13 =	vmul.f32 v13, v13;
	v27 =	vld.idx.msk [tilespmem:v43+s15+$0x0], $0xffff  }
0x3ac: {  	v62 =	vmul.f32 v60, v60;
	v60 =	vld [tilespmem:$0x1FFB0]  }
0x3ad: {  	v2 =	vadd.f32 v13, v2;
	v13 =	vld.idx.msk [tilespmem:v43+s14+$0x0], $0xffff  }
0x3ae: {  	v3 =	vadd.f32 v3, v20;
	v20 =	vld.idx.msk [tilespmem:v63+s13+$0x0], $0xffff  }
0x3af: {  	v18 =	vmul.f32 v41, v41;
	v59 =	vor.u32 $0x24, v58;
	v63 =	vld.idx.msk [tilespmem:v46+s15+$0x0], $0xffff  }
0x3b0: {  	v42 =	vadd.f32 v42, v28;
	v25 =	vld.idx.msk [tilespmem:v61+s14+$0x0], $0xffff  }
0x3b1: {  	v43 =	vor.u32 $0x27, v58;
	v2 =	vadd.f32 v18, v2;
	v18 =	vld.idx.msk [tilespmem:v61+s15+$0x0], $0xffff  }
0x3b2: {  	v16 =	vmul.f32 v16, v16;
	v9 =	vsub.f32 v42, v9;
	v42 =	vld.idx.msk [tilespmem:v50+s15+$0x0], $0xffff  }
0x3b3: {  	v6 =	vadd.f32 v6, v12;
	v34 =	vor.u32 $0x2B, v58;
	v3 =	vsub.f32 v3, v21;
	v21 =	vld.idx.msk [tilespmem:v30+s14+$0x0], $0xffff  }
0x3b4: {  	v2 =	vadd.f32 v16, v2;
	v16 =	vld.idx.msk [tilespmem:v59+s13+$0x0], $0xffff  }
0x3b5: {  	v6 =	vsub.f32 v6, v11;
	v15 =	vadd.f32 v15, v24;
	v11 =	vld.idx.msk [tilespmem:v44+s15+$0x0], $0xffff  }
0x3b6: {  	v12 =	vld.idx.msk [tilespmem:v43+s13+$0x0], $0xffff  }
0x3b7: {  	v38 =	vsub.f32 v36, v32;
	v32 =	vsub.f32 v15, v19;
	v15 =	vld.idx.msk [tilespmem:v30+s15+$0x0], $0xffff  }
0x3b8: {  	v19 =	vld.idx.msk [tilespmem:v34+s13+$0x0], $0xffff  }
0x3b9: {  	v43 =	vld.idx.msk [tilespmem:v45+s14+$0x0], $0xffff  }
0x3ba: {  	v26 =	vmul.f32 v26, v26;
	v34 =	vld.idx.msk [tilespmem:v48+s15+$0x0], $0xffff;
	v2 =	vadd.f32 v62, v2  }
0x3bb: {  	v37 =	vor.u32 $0x2C, v58;
	v13 =	vadd.f32 v22, v13;
	v62 =	vld [tilespmem:$0x1FFC0]  }
0x3bc: {  	v41 =	vmul.f32 v38, v38;
	v36 =	vadd.f32 v23, v25;
	v23 =	vld.idx.msk [tilespmem:v35+s15+$0x0], $0xffff;
	v2 =	vadd.f32 v26, v2  }
0x3bd: {  	v5 =	vsub.f32 v5, v17;
	v25 =	vld.idx.msk [tilespmem:v53+s14+$0x0], $0xffff  }
0x3be: {  	v8 =	vmul.f32 v8, v8;
	v13 =	vsub.f32 v13, v27;
	v27 =	vld.idx.msk [tilespmem:v53+s15+$0x0], $0xffff;
	v2 =	vadd.f32 v41, v2  }
0x3bf: {  	v7 =	vadd.f32 v14, v7;
	v26 =	vld.idx.msk [tilespmem:v44+s14+$0x0], $0xffff  }
0x3c0: {  	v6 =	vmul.f32 v6, v6;
	v5 =	vmul.f32 v5, v5;
	v44 =	vld.idx.msk [tilespmem:v37+s13+$0x0], $0xffff;
	v2 =	vadd.f32 v8, v2  }
0x3c1: {  	v4 =	vsub.f32 v7, v4;
	v14 =	vmul.f32 v32, v32;
	v38 =	vsub.f32 v36, v18;
	v18 =	vld.idx.msk [tilespmem:v39+s14+$0x0], $0xffff  }
0x3c2: {  	v32 =	vor.u32 $0x30, v58;
	v16 =	vadd.f32 v16, v33;
	v33 =	vld.idx.msk [tilespmem:v48+s14+$0x0], $0xffff;
	v2 =	vadd.f32 v6, v2  }
0x3c3: {  	v36 =	vld.idx.msk [tilespmem:v49+s14+$0x0], $0xffff  }
0x3c4: {  	v4 =	vmul.f32 v4, v4;
	v16 =	vsub.f32 v16, v31;
	v31 =	vld.idx.msk [tilespmem:v47+s15+$0x0], $0xffff;
	v2 =	vadd.f32 v5, v2  }
0x3c5: {  	v40 =	vmul.f32 v38, v38;
	v38 =	vld.idx.msk [tilespmem:v49+s15+$0x0], $0xffff  }
0x3c6: {  	v3 =	vmul.f32 v3, v3;
	v41 =	vor.u32 $0x2D, v58;
	v8 =	vld.idx.msk [tilespmem:v60+s14+$0x0], $0xffff;
	v2 =	vadd.f32 v4, v2  }
0x3c7: {  	v59 =	vor.u32 $0x28, v58;
	v37 =	vld.idx.msk [tilespmem:v32+s13+$0x0], $0xffff  }
0x3c8: {  	v28 =	vor.u32 $0x2F, v58;
	v6 =	vld.idx.msk [tilespmem:v60+s15+$0x0], $0xffff;
	v2 =	vadd.f32 v3, v2  }
0x3c9: {  	v61 =	vor.u32 $0x29, v58;
	v7 =	vld.idx.msk [tilespmem:v62+s14+$0x0], $0xffff  }
0x3ca: {  	v13 =	vmul.f32 v13, v13;
	v17 =	vld.idx.msk [tilespmem:v62+s15+$0x0], $0xffff;
	v2 =	vadd.f32 v14, v2  }
0x3cb: {  	v62 =	vld.idx.msk [tilespmem:v41+s13+$0x0], $0xffff  }
0x3cc: {  	v5 =	vld.idx.msk [tilespmem:v59+s13+$0x0], $0xffff;
	v2 =	vadd.f32 v13, v2  }
0x3cd: {  	v60 =	vor.u32 $0x2E, v58;
	v8 =	vadd.f32 v12, v8;
	v12 =	vld.idx.msk [tilespmem:v28+s13+$0x0], $0xffff  }
0x3ce: {  	v16 =	vmul.f32 v16, v16;
	v10 =	vadd.f32 v10, v26;
	v4 =	vld.idx.msk [tilespmem:v61+s13+$0x0], $0xffff;
	v2 =	vadd.f32 v40, v2  }
0x3cf: {  	v59 =	vld.idx.msk [tilespmem:v45+s15+$0x0], $0xffff  }
0x3d0: {  	v9 =	vmul.f32 v9, v9;
	v10 =	vsub.f32 v10, v11;
	v61 =	vld.idx.msk [tilespmem:v46+s14+$0x0], $0xffff;
	v2 =	vadd.f32 v16, v2  }
0x3d1: {  	v6 =	vsub.f32 v8, v6;
	v3 =	vld.idx.msk [tilespmem:v35+s14+$0x0], $0xffff  }
0x3d2: {  	v10 =	vmul.f32 v10, v10;
	v30 =	vld.idx.msk [tilespmem:v60+s13+$0x0], $0xffff;
	v5 =	vadd.f32 v5, v7;
	v2 =	vadd.f32 v9, v2  }
0x3d3: {  	v60 =	vld.idx.msk [tilespmem:v52+s14+$0x0], $0xffff;
	v35 =	vor.u32 $0x31, v58;
	v24 =	vadd.f32 v12, v33;
	v4 =	vadd.f32 v4, v21  }
0x3d4: {  	v6 =	vmul.f32 v6, v6;
	v14 =	vld.idx.msk [tilespmem:v39+s15+$0x0], $0xffff;
	v5 =	vsub.f32 v5, v17;
	v2 =	vadd.f32 v10, v2  }
0x3d5: {  	v33 =	vld.idx.msk [tilespmem:v55+s14+$0x0], $0xffff;
	v13 =	vadd.f32 v44, v43;
	v4 =	vsub.f32 v4, v15  }
0x3d6: {  	v44 =	vld.idx.msk [tilespmem:v51+s15+$0x0], $0xffff;
	v5 =	vmul.f32 v5, v5;
	v3 =	vadd.f32 v20, v3;
	v2 =	vadd.f32 v6, v2  }
0x3d7: {  	v18 =	vadd.f32 v19, v18;
	v39 =	vor.u32 $0x32, v58;
	v7 =	vadd.f32 v30, v29;
	v29 =	vld.idx.msk [tilespmem:v54+s14+$0x0], $0xffff  }
0x3d8: {  	v41 =	vld.idx.msk [tilespmem:v35+s13+$0x0], $0xffff;
	v4 =	vmul.f32 v4, v4;
	v3 =	vsub.f32 v3, v23;
	v2 =	vadd.f32 v5, v2  }
0x3d9: {  	v43 =	vor.u32 $0x33, v58;
	v35 =	vld.idx.msk [tilespmem:v55+s15+$0x0], $0xffff  }
0x3da: {  	v40 =	vld.idx.msk [tilespmem:v50+s14+$0x0], $0xffff;
	v14 =	vsub.f32 v18, v14;
	v3 =	vmul.f32 v3, v3;
	v2 =	vadd.f32 v4, v2  }
0x3db: {  	v13 =	vsub.f32 v13, v59;
	v59 =	vor.u32 $0x34, v58;
	v7 =	vsub.f32 v7, v31;
	v31 =	vld.idx.msk [tilespmem:v54+s15+$0x0], $0xffff  }
0x3dc: {  	v21 =	vld.idx.msk [tilespmem:v39+s13+$0x0], $0xffff;
	v16 =	vadd.f32 v62, v61;
	v14 =	vmul.f32 v14, v14;
	v2 =	vadd.f32 v3, v2  }
0x3dd: {  	v28 =	vor.u32 $0x36, v58;
	v62 =	vld.idx.msk [tilespmem:v52+s15+$0x0], $0xffff  }
0x3de: {  	v13 =	vmul.f32 v13, v13;
	v61 =	vld.idx.msk [tilespmem:v43+s13+$0x0], $0xffff;
	v11 =	vsub.f32 v16, v63;
	v2 =	vadd.f32 v14, v2  }
0x3df: {  	v43 =	vld.idx.msk [tilespmem:v57+s14+$0x0], $0xffff;
	v63 =	vor.u32 $0x35, v58  }
0x3e0: {  	v26 =	vld.idx.msk [tilespmem:v59+s13+$0x0], $0xffff;
	v11 =	vmul.f32 v11, v11;
	v2 =	vadd.f32 v13, v2  }
0x3e1: {  	v59 =	vor.u32 $0x3A, v0;
	v6 =	vsub.f32 v24, v34;
	v3 =	vld.idx.msk [tilespmem:v51+s14+$0x0], $0xffff  }
0x3e2: {  	v7 =	vmul.f32 v7, v7;
	v34 =	vld.idx.msk [tilespmem:v28+s13+$0x0], $0xffff;
	v5 =	vadd.f32 v37, v36;
	v2 =	vadd.f32 v11, v2  }
0x3e3: {  	v32 =	vor.u32 $0x37, v58;
	v9 =	vadd.f32 v61, v60;
	v60 =	vld.idx.msk [tilespmem:v57+s15+$0x0], $0xffff;
	v4 =	vadd.f32 v41, v40  }
0x3e4: {  	v30 =	vld.idx.msk [tilespmem:v63+s13+$0x0], $0xffff;
	v6 =	vmul.f32 v6, v6;
	v5 =	vsub.f32 v5, v38;
	v2 =	vadd.f32 v7, v2  }
0x3e5: {  	v39 =	vor.u32 $0x39, v0;
	v61 =	vor.u32 $0x3A, v58;
	v37 =	vld.idx.msk [tilespmem:v56+s14+$0x0], $0xffff;
	v4 =	vsub.f32 v4, v42  }
0x3e6: {  	v23 =	vld.idx.msk [tilespmem:v59+s14+$0x0], $0xffff;
	v5 =	vmul.f32 v5, v5;
	v3 =	vadd.f32 v21, v3;
	v2 =	vadd.f32 v6, v2  }
0x3e7: {  	v63 =	vor.u32 $0x3B, v0;
	v36 =	vor.u32 $0x38, v58;
	v10 =	vadd.f32 v26, v25;
	v26 =	vld.idx.msk [tilespmem:v59+s15+$0x0], $0xffff  }
0x3e8: {  	v38 =	vld.idx.msk [tilespmem:v32+s13+$0x0], $0xffff;
	v4 =	vmul.f32 v4, v4;
	v3 =	vsub.f32 v3, v44;
	v2 =	vadd.f32 v5, v2  }
0x3e9: {  	v40 =	vld.idx.msk [tilespmem:v56+s15+$0x0], $0xffff;
	v41 =	vor.u32 $0x39, v58;
	v32 =	vor.u32 $0x3D, v58  }
0x3ea: {  	v24 =	vld.idx.msk [tilespmem:v61+s13+$0x0], $0xffff;
	v42 =	vsub.f32 v9, v62;
	v3 =	vmul.f32 v3, v3;
	v2 =	vadd.f32 v4, v2  }
0x3eb: {  	v25 =	vor.u32 $0x3C, v0;
	v8 =	vsub.f32 v10, v27;
	v62 =	vld.idx.msk [tilespmem:v39+s14+$0x0], $0xffff  }
0x3ec: {  	v44 =	vld.idx.msk [tilespmem:v36+s13+$0x0], $0xffff;
	v7 =	vadd.f32 v30, v29;
	v2 =	vadd.f32 v3, v2;
	v3 =	vmul.f32 v42, v42  }
0x3ed: {  	v22 =	vor.u32 $0x3B, v58;
	v28 =	vld.idx.msk [tilespmem:v63+s14+$0x0], $0xffff;
	v6 =	vadd.f32 v34, v33  }
0x3ee: {  	v8 =	vmul.f32 v8, v8;
	v15 =	vld.idx.msk [tilespmem:v32+s13+$0x0], $0xffff;
	v7 =	vsub.f32 v7, v31;
	v2 =	vadd.f32 v3, v2  }
0x3ef: {  	v27 =	vor.u32 $0x3C, v58;
	v6 =	vsub.f32 v6, v35;
	v3 =	vld.idx.msk [tilespmem:v41+s13+$0x0], $0xffff  }
0x3f0: {  	v21 =	vld.idx.msk [tilespmem:v39+s15+$0x0], $0xffff;
	v7 =	vmul.f32 v7, v7;
	v5 =	vadd.f32 v38, v37;
	v2 =	vadd.f32 v8, v2  }
0x3f1: {  	v39 =	vor.u32 $0x3F, v0;
	v36 =	vld.idx.msk [tilespmem:v25+s15+$0x0], $0xffff;
	v30 =	vor.u32 $0x3D, v0;
	v9 =	vadd.f32 v44, v43  }
0x3f2: {  	v29 =	vld.idx.msk [tilespmem:v22+s13+$0x0], $0xffff;
	v6 =	vmul.f32 v6, v6;
	v5 =	vsub.f32 v5, v40;
	v2 =	vadd.f32 v7, v2  }
0x3f3: {  	v31 =	vld.idx.msk [tilespmem:v63+s15+$0x0], $0xffff;
	v35 =	vor.u32 $0x3E, v0;
	v4 =	vsub.f32 v9, v60  }
0x3f4: {  	v33 =	vld.idx.msk [tilespmem:v25+s14+$0x0], $0xffff;
	v5 =	vmul.f32 v5, v5;
	v3 =	vadd.f32 v3, v62;
	v2 =	vadd.f32 v6, v2  }
0x3f5: {  	v34 =	vld.idx.msk [tilespmem:v27+s13+$0x0], $0xffff;
	v37 =	vor.u32 $0x3E, v58;
	v4 =	vmul.f32 v4, v4  }
0x3f6: {  	v44 =	vld.idx.msk [tilespmem:v39+s14+$0x0], $0xffff;
	v41 =	vor.u32 $0x3F, v58;
	v3 =	vsub.f32 v3, v21;
	v2 =	vadd.f32 v5, v2  }
0x3f7: {  	v38 =	vld.idx.msk [tilespmem:v30+s14+$0x0], $0xffff;
	v8 =	vadd.f32 v24, v23  }
0x3f8: {  	v40 =	vld.idx.msk [tilespmem:v30+s15+$0x0], $0xffff;
	v3 =	vmul.f32 v3, v3;
	v2 =	vadd.f32 v4, v2  }
0x3f9: {  	v42 =	vld.idx.msk [tilespmem:v35+s14+$0x0], $0xffff;
	v8 =	vsub.f32 v8, v26;
	v7 =	vadd.f32 v29, v28  }
0x3fa: {  	v2 =	vadd.f32 v3, v2;
	v3 =	vld.idx.msk [tilespmem:v37+s13+$0x0], $0xffff  }
0x3fb: {  	v58 =	vld.idx.msk [tilespmem:v41+s13+$0x0], $0xffff;
	v7 =	vsub.f32 v7, v31;
	v8 =	vmul.f32 v8, v8;
	v6 =	vadd.f32 v34, v33  }
0x3fc: {  	v43 =	vld.idx.msk [tilespmem:v35+s15+$0x0], $0xffff;
	v5 =	vadd.f32 v15, v38  }
0x3fd: {  	v6 =	vsub.f32 v6, v36;
	v7 =	vmul.f32 v7, v7;
	v2 =	vadd.f32 v8, v2  }
0x3fe: {  	v59 =	vld.idx.msk [tilespmem:v39+s15+$0x0], $0xffff;
	v4 =	vsub.f32 v5, v40  }
0x3ff: {  	v6 =	vmul.f32 v6, v6;
	v2 =	vadd.f32 v7, v2;
	v3 =	vadd.f32 v3, v42  }
0x400: {  	v60 =	vadd.f32 v58, v44  }
0x401: {  	v4 =	vmul.f32 v4, v4;
	v2 =	vadd.f32 v6, v2;
	v3 =	vsub.f32 v3, v43;
	_ =	sdelay $0x1  }
0x402: {  	v61 =	vsub.f32 v60, v59;
	v2 =	vadd.f32 v4, v2;
	v3 =	vmul.f32 v3, v3;
	_ =	sdelay $0x1  }
0x403: {  	v2 =	vadd.f32 v3, v2;
	v3 =	vmul.f32 v61, v61;
	_ =	sdelay $0x1  }
0x404: {  	v2 =	vadd.f32 v3, v2;
	_ =	sdelay $0x1  }
0x405: {  	v3 =	vshrl.u32 v2, $0x1;
	v62 =	vmul.f32 $5.000000000e-01, v2  }
0x406: {  	v3 =	vsub.s32 $0x5F3759DF, v3  }
0x407: {  	v63 =	vmul.f32 v3, v62;
	_ =	sdelay $0x1  }
0x408: {  	v5 =	vmul.f32 v3, v63;
	_ =	sdelay $0x1  }
0x409: {  	v5 =	vsub.f32 $1.500000000e+00, v5;
	_ =	sdelay $0x1  }
0x40a: {  	v3 =	vmul.f32 v3, v5;
	_ =	sdelay $0x1  }
0x40b: {  	v5 =	vmul.f32 v3, v62;
	_ =	sdelay $0x1  }
0x40c: {  	v5 =	vmul.f32 v5, v3;
	_ =	sdelay $0x1  }
0x40d: {  	v5 =	vsub.f32 $1.500000000e+00, v5;
	_ =	sdelay $0x1  }
0x40e: {  	v3 =	vmul.f32 v5, v3;
	_ =	sdelay $0x1  }
0x40f: {  	v4 =	vmul.f32 v3, v62;
	_ =	sdelay $0x1  }
0x410: {  	v4 =	vmul.f32 v4, v3;
	_ =	sdelay $0x1  }
0x411: {  	v4 =	vsub.f32 $1.500000000e+00, v4;
	_ =	sdelay $0x1  }
0x412: {  	p0 =	seq.s32 s29, $0x780;
	v3 =	vmul.f32 v4, v3  }
.Ltmp5:
0x413: {  	_ = 	snop;
	(pc) =	sbr.rel @p0 .LBB2_6-.Ltmp5, $4  }
0x414: {  	v3 =	vmul.f32 v3, v2  }
0x415: {  	vm0 =	vgt.f32 v2, $0.0e+00  }
0x416: {  	v2 =	vnsel vm0, $0x0, v3  }
0x417: {  	[tilespmem:s30+$0x12A00] =	vst v2  }
0x418: {  	v2 =	vld [tilespmem:s30+$0x620]  }
0x419: {  	v3 =	vld [tilespmem:s30+$0x820];
	_ =	sdelay $0x4  }
0x41a: {  	v60 =	vshll.u32 v3, $0x7;
	v61 =	vmul.u32 $0x3D09000, v2  }
0x41b: {  	v2 =	vld [tilespmem:s30+$0xA20];
	(v2sf) =	vpush v60, $0x0  }
0x41c: {  	v3 =	vld [tilespmem:s30+$0xC20];
	(v2sf) =	vpush v61, $0x0;
	_ =	sdelay $0x4  }
0x41d: {  	v58 =	vshll.u32 v3, $0x7;
	v59 =	vmul.u32 $0x3D09000, v2  }
0x41e: {  	(v2sf) =	vpush v58, $0x0  }
0x41f: {  	(v2sf) =	vpush v59, $0x0;
	_ =	sdelay $0x5  }
0x420: {  	(v2sf) =	vpush v60, $0x1  }
0x421: {  	s0 =	spop (v2sf);
	(v2sf) =	vpush v61, $0x1  }
0x422: {  	s2 =	sand.u32 $0xFFFFFC00, s0;
	s31 =	spop (v2sf)  }
0x423: {  	s0 =	sand.u32 $0x380, s0;
	s2 =	sadd.s32 s31, s2  }
0x424: {  	s0 =	sor.u32 s0, s2  }
0x425: {  	s0 =	sshrl.u32 s0, $0x3  }
0x426: {  	s0 =	sadd.s32 s4, s0  }
0x427: {  	(v2sf) =	vpush v58, $0x1;
	[tilespmem:s14], [sflag:$0x1] =	stream.linear.gather [hbm4b:s0+s3], $0x80, $0x38;
	[tilespmem:$0x12C00] =	vst v63  }
0x428: {  	s0 =	spop (v2sf);
	(v2sf) =	vpush v59, $0x1  }
0x429: {  	s2 =	sand.u32 $0xFFFFFC00, s0;
	s1 =	spop (v2sf)  }
0x42a: {  	s0 =	sand.u32 $0x380, s0;
	s2 =	sadd.s32 s1, s2  }
0x42b: {  	s0 =	sor.u32 s0, s2  }
0x42c: {  	s0 =	sshrl.u32 s0, $0x3  }
0x42d: {  	s0 =	sadd.s32 s4, s0  }
0x42e: {  	(v2sf) =	vpush v60, $0x2;
	[tilespmem:s15], [sflag:$0x1] =	stream.linear.gather [hbm4b:s0+s3], $0x80, $0x38;
	[tilespmem:$0x12C00] =	vst v63  }
0x42f: {  	s0 =	spop (v2sf);
	(v2sf) =	vpush v61, $0x2  }
0x430: {  	s2 =	sand.u32 $0xFFFFFC00, s0;
	s1 =	spop (v2sf)  }
0x431: {  	s0 =	sand.u32 $0x380, s0;
	s2 =	sadd.s32 s1, s2  }
0x432: {  	s0 =	sor.u32 s0, s2  }
0x433: {  	s0 =	sshrl.u32 s0, $0x3  }
0x434: {  	s31 =	simm.s32 $0x10A80;
	s0 =	sadd.s32 s4, s0  }
0x435: {  	(v2sf) =	vpush v58, $0x2;
	[tilespmem:s31], [sflag:$0x1] =	stream.linear.gather [hbm4b:s0+s3], $0x80, $0x38;
	[tilespmem:$0x12C00] =	vst v63  }
0x436: {  	s0 =	spop (v2sf);
	(v2sf) =	vpush v59, $0x2  }
0x437: {  	s2 =	sand.u32 $0xFFFFFC00, s0;
	s1 =	spop (v2sf)  }
0x438: {  	s0 =	sand.u32 $0x380, s0;
	s2 =	sadd.s32 s1, s2  }
0x439: {  	s0 =	sor.u32 s0, s2  }
0x43a: {  	s0 =	sshrl.u32 s0, $0x3  }
0x43b: {  	s31 =	simm.s32 $0x11A80;
	s0 =	sadd.s32 s4, s0  }
0x43c: {  	(v2sf) =	vpush v60, $0x3;
	[tilespmem:s31], [sflag:$0x1] =	stream.linear.gather [hbm4b:s0+s3], $0x80, $0x38;
	[tilespmem:$0x12C00] =	vst v63  }
0x43d: {  	s0 =	spop (v2sf);
	(v2sf) =	vpush v61, $0x3  }
0x43e: {  	s2 =	sand.u32 $0xFFFFFC00, s0;
	s1 =	spop (v2sf)  }
0x43f: {  	s0 =	sand.u32 $0x380, s0;
	s2 =	sadd.s32 s1, s2  }
0x440: {  	s0 =	sor.u32 s0, s2  }
0x441: {  	s0 =	sshrl.u32 s0, $0x3  }
0x442: {  	s31 =	simm.s32 $0x10B00;
	s0 =	sadd.s32 s4, s0  }
0x443: {  	(v2sf) =	vpush v58, $0x3;
	[tilespmem:s31], [sflag:$0x1] =	stream.linear.gather [hbm4b:s0+s3], $0x80, $0x38;
	[tilespmem:$0x12C00] =	vst v63  }
0x444: {  	s0 =	spop (v2sf);
	(v2sf) =	vpush v59, $0x3  }
0x445: {  	s2 =	sand.u32 $0xFFFFFC00, s0;
	s1 =	spop (v2sf)  }
0x446: {  	s0 =	sand.u32 $0x380, s0;
	s2 =	sadd.s32 s1, s2  }
0x447: {  	s0 =	sor.u32 s0, s2  }
0x448: {  	s0 =	sshrl.u32 s0, $0x3  }
0x449: {  	s31 =	simm.s32 $0x11B00;
	s0 =	sadd.s32 s4, s0  }
0x44a: {  	(v2sf) =	vpush v60, $0x4;
	[tilespmem:s31], [sflag:$0x1] =	stream.linear.gather [hbm4b:s0+s3], $0x80, $0x38;
	[tilespmem:$0x12C00] =	vst v63  }
0x44b: {  	s0 =	spop (v2sf);
	(v2sf) =	vpush v61, $0x4  }
0x44c: {  	s2 =	sand.u32 $0xFFFFFC00, s0;
	s1 =	spop (v2sf)  }
0x44d: {  	s0 =	sand.u32 $0x380, s0;
	s2 =	sadd.s32 s1, s2  }
0x44e: {  	s0 =	sor.u32 s0, s2  }
0x44f: {  	s0 =	sshrl.u32 s0, $0x3  }
0x450: {  	s31 =	simm.s32 $0x10B80;
	s0 =	sadd.s32 s4, s0  }
0x451: {  	(v2sf) =	vpush v58, $0x4;
	[tilespmem:s31], [sflag:$0x1] =	stream.linear.gather [hbm4b:s0+s3], $0x80, $0x38;
	[tilespmem:$0x12C00] =	vst v63  }
0x452: {  	s0 =	spop (v2sf);
	(v2sf) =	vpush v59, $0x4  }
0x453: {  	s2 =	sand.u32 $0xFFFFFC00, s0;
	s1 =	spop (v2sf)  }
0x454: {  	s0 =	sand.u32 $0x380, s0;
	s2 =	sadd.s32 s1, s2  }
0x455: {  	s0 =	sor.u32 s0, s2  }
0x456: {  	s0 =	sshrl.u32 s0, $0x3  }
0x457: {  	s31 =	simm.s32 $0x11B80;
	s0 =	sadd.s32 s4, s0  }
0x458: {  	(v2sf) =	vpush v60, $0x5;
	[tilespmem:s31], [sflag:$0x1] =	stream.linear.gather [hbm4b:s0+s3], $0x80, $0x38;
	[tilespmem:$0x12C00] =	vst v63  }
0x459: {  	s0 =	spop (v2sf);
	(v2sf) =	vpush v61, $0x5  }
0x45a: {  	s2 =	sand.u32 $0xFFFFFC00, s0;
	s1 =	spop (v2sf)  }
0x45b: {  	s0 =	sand.u32 $0x380, s0;
	s2 =	sadd.s32 s1, s2  }
0x45c: {  	s0 =	sor.u32 s0, s2  }
0x45d: {  	s0 =	sshrl.u32 s0, $0x3  }
0x45e: {  	s31 =	simm.s32 $0x10C00;
	s0 =	sadd.s32 s4, s0  }
0x45f: {  	(v2sf) =	vpush v58, $0x5;
	[tilespmem:s31], [sflag:$0x1] =	stream.linear.gather [hbm4b:s0+s3], $0x80, $0x38;
	[tilespmem:$0x12C00] =	vst v63  }
0x460: {  	s0 =	spop (v2sf);
	(v2sf) =	vpush v59, $0x5  }
0x461: {  	s2 =	sand.u32 $0xFFFFFC00, s0;
	s1 =	spop (v2sf)  }
0x462: {  	s0 =	sand.u32 $0x380, s0;
	s2 =	sadd.s32 s1, s2  }
0x463: {  	s0 =	sor.u32 s0, s2  }
0x464: {  	s0 =	sshrl.u32 s0, $0x3  }
0x465: {  	s31 =	simm.s32 $0x11C00;
	s0 =	sadd.s32 s4, s0  }
0x466: {  	(v2sf) =	vpush v60, $0x6;
	[tilespmem:s31], [sflag:$0x1] =	stream.linear.gather [hbm4b:s0+s3], $0x80, $0x38;
	[tilespmem:$0x12C00] =	vst v63  }
0x467: {  	s0 =	spop (v2sf);
	(v2sf) =	vpush v61, $0x6  }
0x468: {  	s2 =	sand.u32 $0xFFFFFC00, s0;
	s1 =	spop (v2sf)  }
0x469: {  	s0 =	sand.u32 $0x380, s0;
	s2 =	sadd.s32 s1, s2  }
0x46a: {  	s0 =	sor.u32 s0, s2  }
0x46b: {  	s0 =	sshrl.u32 s0, $0x3  }
0x46c: {  	s31 =	simm.s32 $0x10C80;
	s0 =	sadd.s32 s4, s0  }
0x46d: {  	(v2sf) =	vpush v58, $0x6;
	[tilespmem:s31], [sflag:$0x1] =	stream.linear.gather [hbm4b:s0+s3], $0x80, $0x38;
	[tilespmem:$0x12C00] =	vst v63  }
0x46e: {  	s0 =	spop (v2sf);
	(v2sf) =	vpush v59, $0x6  }
0x46f: {  	s2 =	sand.u32 $0xFFFFFC00, s0;
	s1 =	spop (v2sf)  }
0x470: {  	s0 =	sand.u32 $0x380, s0;
	s2 =	sadd.s32 s1, s2  }
0x471: {  	s0 =	sor.u32 s0, s2  }
0x472: {  	s0 =	sshrl.u32 s0, $0x3  }
0x473: {  	s31 =	simm.s32 $0x11C80;
	s0 =	sadd.s32 s4, s0  }
0x474: {  	(v2sf) =	vpush v60, $0x7;
	[tilespmem:s31], [sflag:$0x1] =	stream.linear.gather [hbm4b:s0+s3], $0x80, $0x38;
	[tilespmem:$0x12C00] =	vst v63  }
0x475: {  	s0 =	spop (v2sf);
	(v2sf) =	vpush v61, $0x7  }
0x476: {  	s2 =	sand.u32 $0xFFFFFC00, s0;
	s1 =	spop (v2sf)  }
0x477: {  	s0 =	sand.u32 $0x380, s0;
	s2 =	sadd.s32 s1, s2  }
0x478: {  	s0 =	sor.u32 s0, s2  }
0x479: {  	s0 =	sshrl.u32 s0, $0x3  }
0x47a: {  	s31 =	simm.s32 $0x10D00;
	s0 =	sadd.s32 s4, s0  }
0x47b: {  	(v2sf) =	vpush v58, $0x7;
	[tilespmem:s31], [sflag:$0x1] =	stream.linear.gather [hbm4b:s0+s3], $0x80, $0x38;
	[tilespmem:$0x12C00] =	vst v63  }
0x47c: {  	s0 =	spop (v2sf);
	(v2sf) =	vpush v59, $0x7  }
0x47d: {  	s2 =	sand.u32 $0xFFFFFC00, s0;
	s1 =	spop (v2sf)  }
0x47e: {  	s0 =	sand.u32 $0x380, s0;
	s2 =	sadd.s32 s1, s2  }
0x47f: {  	s0 =	sor.u32 s0, s2  }
0x480: {  	s0 =	sshrl.u32 s0, $0x3  }
0x481: {  	s31 =	simm.s32 $0x11D00;
	s0 =	sadd.s32 s4, s0  }
0x482: {  	(v2sf) =	vpush v60, $0x8;
	[tilespmem:s31], [sflag:$0x1] =	stream.linear.gather [hbm4b:s0+s3], $0x80, $0x38;
	[tilespmem:$0x12C00] =	vst v63  }
0x483: {  	s0 =	spop (v2sf);
	(v2sf) =	vpush v61, $0x8  }
0x484: {  	s2 =	sand.u32 $0xFFFFFC00, s0;
	s1 =	spop (v2sf)  }
0x485: {  	s0 =	sand.u32 $0x380, s0;
	s2 =	sadd.s32 s1, s2  }
0x486: {  	s0 =	sor.u32 s0, s2  }
0x487: {  	s0 =	sshrl.u32 s0, $0x3  }
0x488: {  	s31 =	simm.s32 $0x10D80;
	s0 =	sadd.s32 s4, s0  }
0x489: {  	(v2sf) =	vpush v58, $0x8;
	[tilespmem:s31], [sflag:$0x1] =	stream.linear.gather [hbm4b:s0+s3], $0x80, $0x38;
	[tilespmem:$0x12C00] =	vst v63  }
0x48a: {  	s0 =	spop (v2sf);
	(v2sf) =	vpush v59, $0x8  }
0x48b: {  	s2 =	sand.u32 $0xFFFFFC00, s0;
	s1 =	spop (v2sf)  }
0x48c: {  	s0 =	sand.u32 $0x380, s0;
	s2 =	sadd.s32 s1, s2  }
0x48d: {  	s0 =	sor.u32 s0, s2  }
0x48e: {  	s0 =	sshrl.u32 s0, $0x3  }
0x48f: {  	s31 =	simm.s32 $0x11D80;
	s0 =	sadd.s32 s4, s0  }
0x490: {  	(v2sf) =	vpush v60, $0x9;
	[tilespmem:s31], [sflag:$0x1] =	stream.linear.gather [hbm4b:s0+s3], $0x80, $0x38;
	[tilespmem:$0x12C00] =	vst v63  }
0x491: {  	s0 =	spop (v2sf);
	(v2sf) =	vpush v61, $0x9  }
0x492: {  	s2 =	sand.u32 $0xFFFFFC00, s0;
	s1 =	spop (v2sf)  }
0x493: {  	s0 =	sand.u32 $0x380, s0;
	s2 =	sadd.s32 s1, s2  }
0x494: {  	s0 =	sor.u32 s0, s2  }
0x495: {  	s0 =	sshrl.u32 s0, $0x3  }
0x496: {  	s31 =	simm.s32 $0x10E00;
	s0 =	sadd.s32 s4, s0  }
0x497: {  	(v2sf) =	vpush v58, $0x9;
	[tilespmem:s31], [sflag:$0x1] =	stream.linear.gather [hbm4b:s0+s3], $0x80, $0x38;
	[tilespmem:$0x12C00] =	vst v63  }
0x498: {  	s0 =	spop (v2sf);
	(v2sf) =	vpush v59, $0x9  }
0x499: {  	s2 =	sand.u32 $0xFFFFFC00, s0;
	s1 =	spop (v2sf)  }
0x49a: {  	s0 =	sand.u32 $0x380, s0;
	s2 =	sadd.s32 s1, s2  }
0x49b: {  	s0 =	sor.u32 s0, s2  }
0x49c: {  	s0 =	sshrl.u32 s0, $0x3  }
0x49d: {  	s31 =	simm.s32 $0x11E00;
	s0 =	sadd.s32 s4, s0  }
0x49e: {  	(v2sf) =	vpush v60, $0xA;
	[tilespmem:s31], [sflag:$0x1] =	stream.linear.gather [hbm4b:s0+s3], $0x80, $0x38;
	[tilespmem:$0x12C00] =	vst v63  }
0x49f: {  	s0 =	spop (v2sf);
	(v2sf) =	vpush v61, $0xA  }
0x4a0: {  	s2 =	sand.u32 $0xFFFFFC00, s0;
	s1 =	spop (v2sf)  }
0x4a1: {  	s0 =	sand.u32 $0x380, s0;
	s2 =	sadd.s32 s1, s2  }
0x4a2: {  	s0 =	sor.u32 s0, s2  }
0x4a3: {  	s0 =	sshrl.u32 s0, $0x3  }
0x4a4: {  	s31 =	simm.s32 $0x10E80;
	s0 =	sadd.s32 s4, s0  }
0x4a5: {  	(v2sf) =	vpush v58, $0xA;
	[tilespmem:s31], [sflag:$0x1] =	stream.linear.gather [hbm4b:s0+s3], $0x80, $0x38;
	[tilespmem:$0x12C00] =	vst v63  }
0x4a6: {  	s0 =	spop (v2sf);
	(v2sf) =	vpush v59, $0xA  }
0x4a7: {  	s2 =	sand.u32 $0xFFFFFC00, s0;
	s1 =	spop (v2sf)  }
0x4a8: {  	s0 =	sand.u32 $0x380, s0;
	s2 =	sadd.s32 s1, s2  }
0x4a9: {  	s0 =	sor.u32 s0, s2  }
0x4aa: {  	s0 =	sshrl.u32 s0, $0x3  }
0x4ab: {  	s31 =	simm.s32 $0x11E80;
	s0 =	sadd.s32 s4, s0  }
0x4ac: {  	(v2sf) =	vpush v60, $0xB;
	[tilespmem:s31], [sflag:$0x1] =	stream.linear.gather [hbm4b:s0+s3], $0x80, $0x38;
	[tilespmem:$0x12C00] =	vst v63  }
0x4ad: {  	s0 =	spop (v2sf);
	(v2sf) =	vpush v61, $0xB  }
0x4ae: {  	s2 =	sand.u32 $0xFFFFFC00, s0;
	s1 =	spop (v2sf)  }
0x4af: {  	s0 =	sand.u32 $0x380, s0;
	s2 =	sadd.s32 s1, s2  }
0x4b0: {  	s0 =	sor.u32 s0, s2  }
0x4b1: {  	s0 =	sshrl.u32 s0, $0x3  }
0x4b2: {  	s31 =	simm.s32 $0x10F00;
	s0 =	sadd.s32 s4, s0  }
0x4b3: {  	(v2sf) =	vpush v58, $0xB;
	[tilespmem:s31], [sflag:$0x1] =	stream.linear.gather [hbm4b:s0+s3], $0x80, $0x38;
	[tilespmem:$0x12C00] =	vst v63  }
0x4b4: {  	s0 =	spop (v2sf);
	(v2sf) =	vpush v59, $0xB  }
0x4b5: {  	s2 =	sand.u32 $0xFFFFFC00, s0;
	s1 =	spop (v2sf)  }
0x4b6: {  	s0 =	sand.u32 $0x380, s0;
	s2 =	sadd.s32 s1, s2  }
0x4b7: {  	s0 =	sor.u32 s0, s2  }
0x4b8: {  	s0 =	sshrl.u32 s0, $0x3  }
0x4b9: {  	s31 =	simm.s32 $0x11F00;
	s0 =	sadd.s32 s4, s0  }
0x4ba: {  	(v2sf) =	vpush v60, $0xC;
	[tilespmem:s31], [sflag:$0x1] =	stream.linear.gather [hbm4b:s0+s3], $0x80, $0x38;
	[tilespmem:$0x12C00] =	vst v63  }
0x4bb: {  	s0 =	spop (v2sf);
	(v2sf) =	vpush v61, $0xC  }
0x4bc: {  	s2 =	sand.u32 $0xFFFFFC00, s0;
	s1 =	spop (v2sf)  }
0x4bd: {  	s0 =	sand.u32 $0x380, s0;
	s2 =	sadd.s32 s1, s2  }
0x4be: {  	s0 =	sor.u32 s0, s2  }
0x4bf: {  	s0 =	sshrl.u32 s0, $0x3  }
0x4c0: {  	s31 =	simm.s32 $0x10F80;
	s0 =	sadd.s32 s4, s0  }
0x4c1: {  	(v2sf) =	vpush v58, $0xC;
	[tilespmem:s31], [sflag:$0x1] =	stream.linear.gather [hbm4b:s0+s3], $0x80, $0x38;
	[tilespmem:$0x12C00] =	vst v63  }
0x4c2: {  	s0 =	spop (v2sf);
	(v2sf) =	vpush v59, $0xC  }
0x4c3: {  	s2 =	sand.u32 $0xFFFFFC00, s0;
	s1 =	spop (v2sf)  }
0x4c4: {  	s0 =	sand.u32 $0x380, s0;
	s2 =	sadd.s32 s1, s2  }
0x4c5: {  	s0 =	sor.u32 s0, s2  }
0x4c6: {  	s0 =	sshrl.u32 s0, $0x3  }
0x4c7: {  	s31 =	simm.s32 $0x11F80;
	s0 =	sadd.s32 s4, s0  }
0x4c8: {  	(v2sf) =	vpush v60, $0xD;
	[tilespmem:s31], [sflag:$0x1] =	stream.linear.gather [hbm4b:s0+s3], $0x80, $0x38;
	[tilespmem:$0x12C00] =	vst v63  }
0x4c9: {  	s0 =	spop (v2sf);
	(v2sf) =	vpush v61, $0xD  }
0x4ca: {  	s2 =	sand.u32 $0xFFFFFC00, s0;
	s1 =	spop (v2sf)  }
0x4cb: {  	s0 =	sand.u32 $0x380, s0;
	s2 =	sadd.s32 s1, s2  }
0x4cc: {  	s0 =	sor.u32 s0, s2  }
0x4cd: {  	s0 =	sshrl.u32 s0, $0x3  }
0x4ce: {  	s31 =	simm.s32 $0x11000;
	s0 =	sadd.s32 s4, s0  }
0x4cf: {  	(v2sf) =	vpush v58, $0xD;
	[tilespmem:s31], [sflag:$0x1] =	stream.linear.gather [hbm4b:s0+s3], $0x80, $0x38;
	[tilespmem:$0x12C00] =	vst v63  }
0x4d0: {  	s0 =	spop (v2sf);
	(v2sf) =	vpush v59, $0xD  }
0x4d1: {  	s2 =	sand.u32 $0xFFFFFC00, s0;
	s1 =	spop (v2sf)  }
0x4d2: {  	s0 =	sand.u32 $0x380, s0;
	s2 =	sadd.s32 s1, s2  }
0x4d3: {  	s0 =	sor.u32 s0, s2  }
0x4d4: {  	s0 =	sshrl.u32 s0, $0x3  }
0x4d5: {  	s31 =	simm.s32 $0x12000;
	s0 =	sadd.s32 s4, s0  }
0x4d6: {  	(v2sf) =	vpush v60, $0xE;
	[tilespmem:s31], [sflag:$0x1] =	stream.linear.gather [hbm4b:s0+s3], $0x80, $0x38;
	[tilespmem:$0x12C00] =	vst v63  }
0x4d7: {  	s0 =	spop (v2sf);
	(v2sf) =	vpush v61, $0xE  }
0x4d8: {  	s2 =	sand.u32 $0xFFFFFC00, s0;
	s1 =	spop (v2sf)  }
0x4d9: {  	s0 =	sand.u32 $0x380, s0;
	s2 =	sadd.s32 s1, s2  }
0x4da: {  	s0 =	sor.u32 s0, s2  }
0x4db: {  	(v2sf) =	vpush v58, $0xE;
	s0 =	sshrl.u32 s0, $0x3  }
0x4dc: {  	s31 =	simm.s32 $0x11080;
	s0 =	sadd.s32 s4, s0  }
0x4dd: {  	(v2sf) =	vpush v59, $0xE;
	[tilespmem:s31], [sflag:$0x1] =	stream.linear.gather [hbm4b:s0+s3], $0x80, $0x38;
	[tilespmem:$0x12C00] =	vst v63  }
0x4de: {  	s0 =	spop (v2sf)  }
0x4df: {  	s2 =	sand.u32 $0xFFFFFC00, s0;
	s1 =	spop (v2sf)  }
0x4e0: {  	s0 =	sand.u32 $0x380, s0;
	(v2sf) =	vpush v61, $0xF;
	s2 =	sadd.s32 s1, s2  }
0x4e1: {  	(v2sf) =	vpush v60, $0xF;
	s0 =	sor.u32 s0, s2  }
0x4e2: {  	s0 =	sshrl.u32 s0, $0x3  }
0x4e3: {  	s31 =	simm.s32 $0x12080;
	s0 =	sadd.s32 s4, s0  }
0x4e4: {  	[tilespmem:s31], [sflag:$0x1] =	stream.linear.gather [hbm4b:s0+s3], $0x80, $0x38;
	[tilespmem:$0x12C00] =	vst v63  }
0x4e5: {  	s0 =	spop (v2sf)  }
0x4e6: {  	s2 =	sand.u32 $0xFFFFFC00, s0;
	s1 =	spop (v2sf)  }
0x4e7: {  	(v2sf) =	vpush v59, $0xF;
	s0 =	sand.u32 $0x380, s0;
	s2 =	sadd.s32 s1, s2  }
0x4e8: {  	s0 =	sor.u32 s0, s2  }
0x4e9: {  	(v2sf) =	vpush v58, $0xF;
	s0 =	sshrl.u32 s0, $0x3  }
0x4ea: {  	s1 =	simm.s32 $0x11100;
	s2 =	spop (v2sf);
	s0 =	sadd.s32 s4, s0  }
0x4eb: {  	[tilespmem:s1], [sflag:$0x1] =	stream.linear.gather [hbm4b:s0+s3], $0x80, $0x38;
	[tilespmem:$0x12C00] =	vst v63  }
0x4ec: {  	s0 =	spop (v2sf);
	s1 =	sand.u32 $0xFFFFFC00, s2  }
0x4ed: {  	s2 =	sand.u32 $0x380, s2;
	s0 =	sadd.s32 s0, s1  }
0x4ee: {  	s0 =	sor.u32 s2, s0  }
0x4ef: {  	s0 =	sshrl.u32 s0, $0x3;
	s2 =	spop (v2sf)  }
0x4f0: {  	s1 =	simm.s32 $0x12100;
	s0 =	sadd.s32 s4, s0;
	s31 =	spop (v2sf)  }
0x4f1: {  	[tilespmem:s1], [sflag:$0x1] =	stream.linear.gather [hbm4b:s0+s3], $0x80, $0x38;
	[tilespmem:$0x12C00] =	vst v63  }
0x4f2: {  	s1 =	sand.u32 $0xFFFFFC00, s31  }
0x4f3: {  	s0 =	sadd.s32 s2, s1;
	s1 =	sand.u32 $0x380, s31  }
0x4f4: {  	s0 =	sor.u32 s1, s0  }
0x4f5: {  	s0 =	sshrl.u32 s0, $0x3  }
0x4f6: {  	s31 =	simm.s32 $0x11180;
	s2 =	spop (v2sf);
	s0 =	sadd.s32 s4, s0  }
0x4f7: {  	[tilespmem:s31], [sflag:$0x1] =	stream.linear.gather [hbm4b:s0+s3], $0x80, $0x38;
	[tilespmem:$0x12C00] =	vst v63  }
0x4f8: {  	s0 =	spop (v2sf)  }
0x4f9: {  	s1 =	sand.u32 $0xFFFFFC00, s0  }
.Ltmp6:
0x4fa: {  	s0 =	sand.u32 $0x380, s0;
	s2 =	sadd.s32 s2, s1;
	(pc) =	sbr.rel .LBB2_6-.Ltmp6, $4  }
0x4fb: {  	s0 =	sor.u32 s0, s2  }
0x4fc: {  	s0 =	sshrl.u32 s0, $0x3  }
0x4fd: {  	s31 =	simm.s32 $0x12180;
	s0 =	sadd.s32 s4, s0  }
0x4fe: {  	[tilespmem:s31], [sflag:$0x1] =	stream.linear.gather [hbm4b:s0+s3], $0x80, $0x38;
	[tilespmem:$0x12C00] =	vst v63  }
.LBB2_8:
0x4ff: {  	_ =	sfence.sel $0x180000  }
0x500: {  	[bflag:$0x0] =	sbarrier.arrive $0xFFFF  }
0x501: {  	_ =	strace $0x90000047  }
0x502: {  	s0 =	stileid.u32;
	[bflag:$0x2] =	sbarrier.arrive $0xFFFF  }
0x503: {  	p0 =	sne.s32 s0, $0x0;
	s0 =	rddreg [dreg:$0x6]  }
0x504: {  	s0 =	sadd.s32 @!p0 $0x100000, s0  }
0x505: {  	[sflag:s0] =	ssyncadd.tile.s32 @!p0 $0x1;
	_ =	shalt  }
.Lfunc_end2:
_tile_overlayer_lowered:
.L_overlay_start_2:
0x506: {  	(tag) =	ssettag $0x2  }
0x507: {  	s0 =	rddreg [dreg:$0x0];
	s2 =	stileid.u32  }
0x508: {  	s1 =	rddreg [dreg:$0x1];
	p0 =	sne.s32 s2, $0x0  }
0x509: {  	s3 =	rddreg [dreg:$0x2];
	[bflag:$0x3] =	sbarrier.arrive $0xFFFF;
	s2 =	simm.s32 @!p0 $0x1C03  }
0x50a: {  	[timem:s3], [sflag:s2] =	dma.local @!p0 [hbm:s0], s1  }
0x50b: {  	s0 =	simm.s32 @!p0 $0x3  }
0x50c: {  	_ =	swait.ge @!p0 [sflag:s0], s1  }
0x50d: {  	s1 =	ssub.s32 @!p0 $0x0, s1;
	[sflag:s0] =	ssyncset.done @!p0 $0x0  }
0x50e: {  	[sflag:s0] =	ssyncadd.s32 @!p0 s1  }
0x50f: {  	[bflag:$0x3] =	sbarrier.arrive $0xFFFF  }
0x510: {  	_ =	shalt  }

</sc_bundles>
